<compile_context>
chip_gen: v7x
topology: tpu7x:2x2x1
jax: 0.10.2.dev20260603
libtpu: 0.0.44.dev20260713+nightly
codegen_flags: <defaults>
</compile_context>

<pallas_src>
import functools

import jax
import jax.numpy as jnp
from jax import lax
from jax.experimental import pallas as pl
from jax.experimental.pallas import tpu as pltpu
from jax.experimental.pallas import tpu_sc as plsc

B, C, D = 512, 1000, 2048
DA = D + 128
INT_MIN = -2147483648


_TOPS_CH = 32


def _tops_body(out_ref, outf_ref, top_ref, topf_ref, h0_scr):
    def one(x):
        m = jnp.max(x, axis=1, keepdims=True)
        s = jnp.sum(jnp.exp(x - m), axis=1, keepdims=True)
        h0 = jnp.exp(x[:, 0:1] - m) / s
        h0r = h0.reshape(1, B)
        ch = _TOPS_CH
        iota_j = lax.broadcasted_iota(jnp.int32, (ch, B), 1)
        iota_c = lax.broadcasted_iota(jnp.int32, (ch, B), 0)

        h0_scr[...] = h0

        def chunk(ci, acc):
            hc = h0_scr[pl.ds(ci * ch, ch), :]
            ii = iota_c + ci * ch
            gt = h0r > hc
            eq = h0r == hc
            before = jnp.logical_or(gt, jnp.logical_and(eq, iota_j < ii))
            rank = jnp.sum(before.astype(jnp.int32), axis=1, keepdims=True)
            sel = rank == iota_j
            return acc + jnp.sum(jnp.where(sel, ii, 0), axis=0, keepdims=True)

        top = lax.fori_loop(0, B // ch, chunk,
                            jnp.zeros((1, B), jnp.int32))
        return top

    top_ref[...] = one(out_ref[...])
    topf_ref[...] = one(outf_ref[...])


def _compute_tops(output, output_f):
    top2, topf2 = pl.pallas_call(
        _tops_body,
        out_shape=[jax.ShapeDtypeStruct((1, B), jnp.int32),
                   jax.ShapeDtypeStruct((1, B), jnp.int32)],
        scratch_shapes=[pltpu.VMEM((B, 1), jnp.float32)],
    )(output, output_f)
    return top2.reshape(B), topf2.reshape(B)


_SORT_BR = 64
_STAGES = [(p, s) for p in range(11) for s in range(p, -1, -1)]


def _sort_body(w_ref, b16_ref, skey_ref, waug_ref):
    x = w_ref[...]
    s = lax.bitcast_convert_type(x, jnp.int32)
    key_asc = jnp.where(s < 0, INT_MIN - s, s)
    key = (-key_asc & ~0x7FF) | lax.broadcasted_iota(jnp.int32, x.shape, 1)
    c1 = lax.broadcasted_iota(jnp.int32, (1, D), 1)

    for (p, sft) in _STAGES:
        d = 1 << sft
        bitm = (c1 >> sft) & 1
        fs = -(bitm ^ ((c1 >> (p + 1)) & 1))
        kl = pltpu.roll(key, D - d, axis=1)
        kr = pltpu.roll(key, d, axis=1)
        pk = kl + (kr - kl) * bitm
        take = (pk ^ fs) < (key ^ fs)
        key = jnp.where(take, pk, key)

    skey_ref[...] = key
    waug_ref[:, :D] = x
    waug_ref[:, D:D + 16] = b16_ref[...]
    waug_ref[:, D + 16:DA] = jnp.zeros((x.shape[0], DA - D - 16), jnp.float32)


def _sort_rows(wb, b16):
    nblk = B // _SORT_BR
    return pl.pallas_call(
        _sort_body,
        grid=(nblk,),
        in_specs=[pl.BlockSpec((_SORT_BR, D), lambda i: (i, 0)),
                  pl.BlockSpec((_SORT_BR, 16), lambda i: (i, 0))],
        out_specs=[pl.BlockSpec((_SORT_BR, D), lambda i: (i, 0)),
                   pl.BlockSpec((_SORT_BR, DA), lambda i: (i, 0))],
        out_shape=[jax.ShapeDtypeStruct((B, D), jnp.int32),
                   jax.ShapeDtypeStruct((B, DA), jnp.float32)],
    )(wb, b16)


_SC_PAIRS = 16
_SC_CHUNK = 8


def _mix_body(waug_hbm, skey_hbm, top_hbm, topf_hbm, hk_hbm, out_hbm,
              ia0, ib0, ia1, ib1, hk_v, rowbuf, wrowb, kabuf, kbbuf,
              sem, sem2):
    nc = 2
    wid = lax.axis_index("s") * nc + lax.axis_index("c")
    pltpu.sync_copy(hk_hbm, hk_v)
    hk = hk_v[...]
    lanes = lax.iota(jnp.int32, 16)

    def compute(chunk_base_unused):
        for p in range(_SC_CHUNK):
            rowbuf[p, pl.ds(D, 16)] = wrowb[p, pl.ds(D, 16)]
            rowp = jnp.full((16,), p, jnp.int32)

            def inner(j, _):
                ca = kabuf[p, pl.ds(j * 16, 16)] & 0x7FF
                cb = kbbuf[p, pl.ds(j * 16, 16)] & 0x7FF
                v = plsc.load_gather(wrowb, [rowp, cb])
                m = (j * 16 + lanes) < hk
                plsc.store_scatter(rowbuf, [rowp, ca], v, mask=m)
                return 0

            lax.fori_loop(0, D // 16, inner, 0)

    base = wid * _SC_PAIRS
    pltpu.sync_copy(top_hbm.at[pl.ds(base, _SC_CHUNK)], ia0)
    pltpu.sync_copy(topf_hbm.at[pl.ds(base, _SC_CHUNK)], ib0)
    pltpu.sync_copy(top_hbm.at[pl.ds(base + _SC_CHUNK, _SC_CHUNK)], ia1)
    pltpu.sync_copy(topf_hbm.at[pl.ds(base + _SC_CHUNK, _SC_CHUNK)], ib1)
    g1 = pltpu.async_copy(waug_hbm.at[ia0], rowbuf, sem)
    g2 = pltpu.async_copy(waug_hbm.at[ib0], wrowb, sem)
    g3 = pltpu.async_copy(skey_hbm.at[ia0], kabuf, sem)
    g4 = pltpu.async_copy(skey_hbm.at[ib0], kbbuf, sem)
    g1.wait(); g2.wait(); g3.wait(); g4.wait()
    compute(0)
    out0 = pltpu.async_copy(rowbuf, out_hbm.at[ia0], sem2)
    g2 = pltpu.async_copy(waug_hbm.at[ib1], wrowb, sem)
    g3 = pltpu.async_copy(skey_hbm.at[ia1], kabuf, sem)
    g4 = pltpu.async_copy(skey_hbm.at[ib1], kbbuf, sem)
    out0.wait()
    g1 = pltpu.async_copy(waug_hbm.at[ia1], rowbuf, sem)
    g2.wait(); g3.wait(); g4.wait(); g1.wait()
    compute(1)
    pltpu.async_copy(rowbuf, out_hbm.at[ia1], sem2).wait()


def _sc_mix(waug, skey, top, top_f, hk16):
    mesh = plsc.VectorSubcoreMesh(core_axis_name="c", subcore_axis_name="s")
    kern = functools.partial(
        pl.kernel, mesh=mesh,
        compiler_params=pltpu.CompilerParams(needs_layout_passes=False),
        out_type=jax.ShapeDtypeStruct((B, DA), jnp.float32),
        scratch_types=[
            pltpu.VMEM((_SC_CHUNK,), jnp.int32),
            pltpu.VMEM((_SC_CHUNK,), jnp.int32),
            pltpu.VMEM((_SC_CHUNK,), jnp.int32),
            pltpu.VMEM((_SC_CHUNK,), jnp.int32),
            pltpu.VMEM((16,), jnp.int32),
            pltpu.VMEM((_SC_CHUNK, DA), jnp.float32),
            pltpu.VMEM((_SC_CHUNK, DA), jnp.float32),
            pltpu.VMEM((_SC_CHUNK, D), jnp.int32),
            pltpu.VMEM((_SC_CHUNK, D), jnp.int32),
            pltpu.SemaphoreType.DMA,
            pltpu.SemaphoreType.DMA,
        ],
    )(_mix_body)
    return kern(waug, skey, top, top_f, hk16)


def _gemm_body(f_ref, rows_ref, w2_ref, b2_ref, out_ref):
    f = f_ref[...]
    wmix = rows_ref[:, :D]
    bias1 = rows_ref[:, D:D + 1].reshape(1, B)
    acc1 = lax.dot_general(f, wmix, (((1,), (1,)), ((), ())),
                           preferred_element_type=jnp.float32,
                           precision=lax.Precision.HIGHEST)
    acc2 = lax.dot_general(f, w2_ref[...], (((1,), (1,)), ((), ())),
                           preferred_element_type=jnp.float32,
                           precision=lax.Precision.HIGHEST)
    out_ref[:, :B] = acc1 + bias1
    out_ref[:, B:] = acc2 + b2_ref[...]


def _gemm(features, rowsaug, w2, b2):
    return pl.pallas_call(
        _gemm_body,
        out_shape=jax.ShapeDtypeStruct((B, C), jnp.float32),
    )(features, rowsaug, w2, b2)


def kernel(features, features_f, output, output_f, W, b):
    wb = W[:B]
    cam_mean = jnp.mean(wb, axis=1)
    madv = jnp.sum(jnp.abs(wb - cam_mean[:, None]), axis=1) / D
    cam_thrs = cam_mean + madv
    cnt = jnp.sum(wb > cam_thrs[:, None], axis=1).astype(jnp.float32)
    mix_ratio = jnp.max(cnt) / D
    high_k = jnp.floor(D * mix_ratio).astype(jnp.int32)
    hk16 = jnp.full((16,), high_k, jnp.int32)

    top, top_f = _compute_tops(output, output_f)

    b16 = jnp.broadcast_to(b[:B, None], (B, 16))
    skey, waug = _sort_rows(wb, b16)

    rowsaug = _sc_mix(waug, skey, top, top_f, hk16)

    out = _gemm(features, rowsaug, W[B:], b[None, B:])
    return out, mix_ratio

# --- scband reference (transcript-rebuilt; emitter-appended) ---
"""Pipeline reference for scband-detection-mix-80831284511097 (READ-ONLY COPY).

The authoritative reference and input builder live on the scoring server;
editing this copy changes nothing except your own understanding.
"""

import jax, jax.numpy as jnp
import numpy as np

B, C, D = 512, 1000, 2048


def setup_inputs(seed: int = 0) -> dict:
    key = jax.random.key(seed)
    k1, k2, k3, k4, k5, k6 = jax.random.split(key, 6)
    return {
        "features": jax.random.normal(k1, (B, D), dtype=jnp.float32),
        "features_f": jax.random.normal(k2, (B, D), dtype=jnp.float32),
        "output": jax.random.normal(k3, (B, C), dtype=jnp.float32),
        "output_f": jax.random.normal(k4, (B, C), dtype=jnp.float32),
        "W": jax.random.normal(k5, (C, D), dtype=jnp.float32) * 0.02,
        "b": jax.random.normal(k6, (C,), dtype=jnp.float32) * 0.02,
    }


def _discriminative_idx(output, W, rate=None):
    # h_x = softmax(outputs, dim=1); sort along dim 0 descending
    h_x = jax.nn.softmax(output, axis=1)
    idx_full = jnp.argsort(-h_x, axis=0)  # [B, C], values in [0, B)
    top = idx_full[:, 0]  # [B]
    cam_weight = W[top]  # [B, D]
    Dsz = W.shape[1]
    if rate is None:
        cam_mean = jnp.mean(cam_weight, axis=1)
        MADv = jnp.sum(jnp.abs(cam_weight - cam_mean[:, None]), axis=1) / Dsz
        cam_thrs = cam_mean + MADv
        # np.unique(ix[0], return_counts=True)[1] -> per-row counts of entries above thr
        cnt = jnp.sum(cam_weight > cam_thrs[:, None], axis=1).astype(jnp.float32)
        ratio = jnp.max(cnt) / Dsz
    else:
        ratio = rate
    high_k = jnp.floor(Dsz * ratio).astype(jnp.int32)
    topk_idx_full = jax.lax.top_k(cam_weight, Dsz)[1]  # [B, Dsz]
    valid = jnp.arange(Dsz)[None, :] < high_k
    topk_idx = jnp.where(valid, topk_idx_full, Dsz)  # [B, Dsz]
    if rate is None:
        return top.reshape((topk_idx.shape[0], 1)), topk_idx, ratio
    return top.reshape((topk_idx.shape[0], 1)), topk_idx


def reference(features, features_f, output, output_f, W, b):
    idx, topk_idx, mix_ratio = _discriminative_idx(output, W, None)
    idx_f, topk_idx_f = _discriminative_idx(output_f, W, mix_ratio)
    # mask = weight.clone().detach(); mask_b = bias.clone().detach()
    mask = W
    mask_b = b
    rhs = mask[idx_f, topk_idx_f]           # read before write (torch semantics)
    mask = mask.at[idx, topk_idx].set(rhs)  # broadcasted scatter-overwrite
    rhs_b = mask_b[idx_f[:, 0]]
    mask_b = mask_b.at[idx[:, 0]].set(rhs_b)
    out = features @ mask.T + mask_b  # F.linear(features, mask, mask_b)
    return out, mix_ratio

if __name__ == "__main__":
    import jax
    _d = setup_inputs()
    print(jax.jit(kernel)(*tuple(_d.values())))

</pallas_src>

<mosaic_0001>
#map = affine_map<(d0, d1) -> (0, 0)>
#map1 = affine_map<(d0, d1) -> (0)>
module attributes {stable_mosaic.version = 14 : i64} {
  func.func @_mix_body(%arg0: i32, %arg1: i32, %arg2: memref<512x2176xf32, #tpu.memory_space<hbm>>, %arg3: memref<512x2048xi32, #tpu.memory_space<hbm>>, %arg4: memref<512xi32, #tpu.memory_space<hbm>>, %arg5: memref<512xi32, #tpu.memory_space<hbm>>, %arg6: memref<16xi32, #tpu.memory_space<hbm>>, %arg7: memref<512x2176xf32, #tpu.memory_space<hbm>>, %arg8: memref<8xi32, #tpu.memory_space<vmem>>, %arg9: memref<8xi32, #tpu.memory_space<vmem>>, %arg10: memref<8xi32, #tpu.memory_space<vmem>>, %arg11: memref<8xi32, #tpu.memory_space<vmem>>, %arg12: memref<16xi32, #tpu.memory_space<vmem>>, %arg13: memref<8x2176xf32, #tpu.memory_space<vmem>>, %arg14: memref<8x2176xf32, #tpu.memory_space<vmem>>, %arg15: memref<8x2048xi32, #tpu.memory_space<vmem>>, %arg16: memref<8x2048xi32, #tpu.memory_space<vmem>>, %arg17: memref<!tpu.dma_semaphore, #tpu.memory_space<semaphore_mem>>, %arg18: memref<!tpu.dma_semaphore, #tpu.memory_space<semaphore_mem>>) attributes {dimension_semantics = [#tpu.dimension_semantics<core_parallel>, #tpu.dimension_semantics<subcore_parallel>], iteration_bounds = array<i64: 2, 16>, scalar_prefetch = 0 : i64, scratch_operands = 11 : i64, tpu.core_type = #tpu.core_type<sc_vector_subcore>, window_params = [{transform_indices = #map}, {transform_indices = #map}, {transform_indices = #map1}, {transform_indices = #map1}, {transform_indices = #map1}, {transform_indices = #map}]} {
    %mul3A = arith.constant 2 : i32
    %mul3A_0 = arith.muli %arg1, %mul3A : i32
    %add3A = arith.addi %mul3A_0, %arg0 : i32
    "tpu.region"() ({
      %run_scoped3A = tpu.sem_alloc : memref<!tpu.dma_semaphore, #tpu.memory_space<semaphore_mem>>
      tpu.enqueue_dma source(%arg6 : memref<16xi32, #tpu.memory_space<hbm>>) target(%arg12 : memref<16xi32, #tpu.memory_space<vmem>>) target_semaphore(%run_scoped3A : memref<!tpu.dma_semaphore, #tpu.memory_space<semaphore_mem>>)
      tpu.wait_dma2 semaphore(%run_scoped3A : memref<!tpu.dma_semaphore, #tpu.memory_space<semaphore_mem>>) src(%arg6 : memref<16xi32, #tpu.memory_space<hbm>>) dst(%arg12 : memref<16xi32, #tpu.memory_space<vmem>>)
      tpu.yield
    }) : () -> ()
    %get3A = arith.constant 0 : index
    %get3A_1 = tpu.vector_load %arg12[%get3A] {strides = array<i32>} : memref<16xi32, #tpu.memory_space<vmem>>, vector<16xi32>,
    %iota3A = tpu.iota {dimensions = array<i32: 0>} : vector<16xi32>
    %mul3A_2 = arith.constant 16 : i32
    %mul3A_3 = arith.muli %add3A, %mul3A_2 : i32
    "tpu.region"() ({
      %run_scoped3A = tpu.sem_alloc : memref<!tpu.dma_semaphore, #tpu.memory_space<semaphore_mem>>
      %dma_start3A_335 = tpu.memref_slice %arg4[%mul3A_3] : memref<512xi32, #tpu.memory_space<hbm>> -> memref<8xi32, #tpu.memory_space<hbm>>
      %dma_start3A_336 = tpu.memref_slice %arg4[%mul3A_3] : memref<512xi32, #tpu.memory_space<hbm>> -> memref<8xi32, #tpu.memory_space<hbm>>
      tpu.enqueue_dma source(%dma_start3A_336 : memref<8xi32, #tpu.memory_space<hbm>>) target(%arg8 : memref<8xi32, #tpu.memory_space<vmem>>) target_semaphore(%run_scoped3A : memref<!tpu.dma_semaphore, #tpu.memory_space<semaphore_mem>>)
      %dma_wait3A_337 = tpu.memref_slice %arg4[%mul3A_3] : memref<512xi32, #tpu.memory_space<hbm>> -> memref<8xi32, #tpu.memory_space<hbm>>
      %dma_wait3A_338 = tpu.memref_slice %arg4[%mul3A_3] : memref<512xi32, #tpu.memory_space<hbm>> -> memref<8xi32, #tpu.memory_space<hbm>>
      tpu.wait_dma2 semaphore(%run_scoped3A : memref<!tpu.dma_semaphore, #tpu.memory_space<semaphore_mem>>) src(%dma_wait3A_338 : memref<8xi32, #tpu.memory_space<hbm>>) dst(%arg8 : memref<8xi32, #tpu.memory_space<vmem>>)
      tpu.yield
    }) : () -> ()
    "tpu.region"() ({
      %run_scoped3A = tpu.sem_alloc : memref<!tpu.dma_semaphore, #tpu.memory_space<semaphore_mem>>
      %dma_start3A_335 = tpu.memref_slice %arg5[%mul3A_3] : memref<512xi32, #tpu.memory_space<hbm>> -> memref<8xi32, #tpu.memory_space<hbm>>
      %dma_start3A_336 = tpu.memref_slice %arg5[%mul3A_3] : memref<512xi32, #tpu.memory_space<hbm>> -> memref<8xi32, #tpu.memory_space<hbm>>
      tpu.enqueue_dma source(%dma_start3A_336 : memref<8xi32, #tpu.memory_space<hbm>>) target(%arg9 : memref<8xi32, #tpu.memory_space<vmem>>) target_semaphore(%run_scoped3A : memref<!tpu.dma_semaphore, #tpu.memory_space<semaphore_mem>>)
      %dma_wait3A_337 = tpu.memref_slice %arg5[%mul3A_3] : memref<512xi32, #tpu.memory_space<hbm>> -> memref<8xi32, #tpu.memory_space<hbm>>
      %dma_wait3A_338 = tpu.memref_slice %arg5[%mul3A_3] : memref<512xi32, #tpu.memory_space<hbm>> -> memref<8xi32, #tpu.memory_space<hbm>>
      tpu.wait_dma2 semaphore(%run_scoped3A : memref<!tpu.dma_semaphore, #tpu.memory_space<semaphore_mem>>) src(%dma_wait3A_338 : memref<8xi32, #tpu.memory_space<hbm>>) dst(%arg9 : memref<8xi32, #tpu.memory_space<vmem>>)
      tpu.yield
    }) : () -> ()
    %add3A_4 = arith.constant 8 : i32
    %add3A_5 = arith.addi %mul3A_3, %add3A_4 : i32
    "tpu.region"() ({
      %run_scoped3A = tpu.sem_alloc : memref<!tpu.dma_semaphore, #tpu.memory_space<semaphore_mem>>
      %dma_start3A_335 = tpu.memref_slice %arg4[%add3A_5] : memref<512xi32, #tpu.memory_space<hbm>> -> memref<8xi32, #tpu.memory_space<hbm>>
      %dma_start3A_336 = tpu.memref_slice %arg4[%add3A_5] : memref<512xi32, #tpu.memory_space<hbm>> -> memref<8xi32, #tpu.memory_space<hbm>>
      tpu.enqueue_dma source(%dma_start3A_336 : memref<8xi32, #tpu.memory_space<hbm>>) target(%arg10 : memref<8xi32, #tpu.memory_space<vmem>>) target_semaphore(%run_scoped3A : memref<!tpu.dma_semaphore, #tpu.memory_space<semaphore_mem>>)
      %dma_wait3A_337 = tpu.memref_slice %arg4[%add3A_5] : memref<512xi32, #tpu.memory_space<hbm>> -> memref<8xi32, #tpu.memory_space<hbm>>
      %dma_wait3A_338 = tpu.memref_slice %arg4[%add3A_5] : memref<512xi32, #tpu.memory_space<hbm>> -> memref<8xi32, #tpu.memory_space<hbm>>
      tpu.wait_dma2 semaphore(%run_scoped3A : memref<!tpu.dma_semaphore, #tpu.memory_space<semaphore_mem>>) src(%dma_wait3A_338 : memref<8xi32, #tpu.memory_space<hbm>>) dst(%arg10 : memref<8xi32, #tpu.memory_space<vmem>>)
      tpu.yield
    }) : () -> ()
    %add3A_6 = arith.constant 8 : i32
    %add3A_7 = arith.addi %mul3A_3, %add3A_6 : i32
    "tpu.region"() ({
      %run_scoped3A = tpu.sem_alloc : memref<!tpu.dma_semaphore, #tpu.memory_space<semaphore_mem>>
      %dma_start3A_335 = tpu.memref_slice %arg5[%add3A_7] : memref<512xi32, #tpu.memory_space<hbm>> -> memref<8xi32, #tpu.memory_space<hbm>>
      %dma_start3A_336 = tpu.memref_slice %arg5[%add3A_7] : memref<512xi32, #tpu.memory_space<hbm>> -> memref<8xi32, #tpu.memory_space<hbm>>
      tpu.enqueue_dma source(%dma_start3A_336 : memref<8xi32, #tpu.memory_space<hbm>>) target(%arg11 : memref<8xi32, #tpu.memory_space<vmem>>) target_semaphore(%run_scoped3A : memref<!tpu.dma_semaphore, #tpu.memory_space<semaphore_mem>>)
      %dma_wait3A_337 = tpu.memref_slice %arg5[%add3A_7] : memref<512xi32, #tpu.memory_space<hbm>> -> memref<8xi32, #tpu.memory_space<hbm>>
      %dma_wait3A_338 = tpu.memref_slice %arg5[%add3A_7] : memref<512xi32, #tpu.memory_space<hbm>> -> memref<8xi32, #tpu.memory_space<hbm>>
      tpu.wait_dma2 semaphore(%run_scoped3A : memref<!tpu.dma_semaphore, #tpu.memory_space<semaphore_mem>>) src(%dma_wait3A_338 : memref<8xi32, #tpu.memory_space<hbm>>) dst(%arg11 : memref<8xi32, #tpu.memory_space<vmem>>)
      tpu.yield
    }) : () -> ()
    %dma_start3A = arith.constant 0 : i32
    %dma_start3A_8 = arith.constant 0 : i32
    %dma_start3A_9 = tpu.memref_slice %arg2[%dma_start3A, %dma_start3A_8] : memref<512x2176xf32, #tpu.memory_space<hbm>> -> memref<512x2176xf32, #tpu.memory_space<hbm>>
    tpu.enqueue_indirect_dma source(%dma_start3A_9 : memref<512x2176xf32, #tpu.memory_space<hbm>>) target(%arg13 : memref<8x2176xf32, #tpu.memory_space<vmem>>) offsets(%arg8 : memref<8xi32, #tpu.memory_space<vmem>>) semaphore(%arg17 : memref<!tpu.dma_semaphore, #tpu.memory_space<semaphore_mem>>)
    %dma_start3A_10 = arith.constant 0 : i32
    %dma_start3A_11 = arith.constant 0 : i32
    %dma_start3A_12 = tpu.memref_slice %arg2[%dma_start3A_10, %dma_start3A_11] : memref<512x2176xf32, #tpu.memory_space<hbm>> -> memref<512x2176xf32, #tpu.memory_space<hbm>>
    tpu.enqueue_indirect_dma source(%dma_start3A_12 : memref<512x2176xf32, #tpu.memory_space<hbm>>) target(%arg14 : memref<8x2176xf32, #tpu.memory_space<vmem>>) offsets(%arg9 : memref<8xi32, #tpu.memory_space<vmem>>) semaphore(%arg17 : memref<!tpu.dma_semaphore, #tpu.memory_space<semaphore_mem>>)
    %dma_start3A_13 = arith.constant 0 : i32
    %dma_start3A_14 = arith.constant 0 : i32
    %dma_start3A_15 = tpu.memref_slice %arg3[%dma_start3A_13, %dma_start3A_14] : memref<512x2048xi32, #tpu.memory_space<hbm>> -> memref<512x2048xi32, #tpu.memory_space<hbm>>
    tpu.enqueue_indirect_dma source(%dma_start3A_15 : memref<512x2048xi32, #tpu.memory_space<hbm>>) target(%arg15 : memref<8x2048xi32, #tpu.memory_space<vmem>>) offsets(%arg8 : memref<8xi32, #tpu.memory_space<vmem>>) semaphore(%arg17 : memref<!tpu.dma_semaphore, #tpu.memory_space<semaphore_mem>>)
    %dma_start3A_16 = arith.constant 0 : i32
    %dma_start3A_17 = arith.constant 0 : i32
    %dma_start3A_18 = tpu.memref_slice %arg3[%dma_start3A_16, %dma_start3A_17] : memref<512x2048xi32, #tpu.memory_space<hbm>> -> memref<512x2048xi32, #tpu.memory_space<hbm>>
    tpu.enqueue_indirect_dma source(%dma_start3A_18 : memref<512x2048xi32, #tpu.memory_space<hbm>>) target(%arg16 : memref<8x2048xi32, #tpu.memory_space<vmem>>) offsets(%arg9 : memref<8xi32, #tpu.memory_space<vmem>>) semaphore(%arg17 : memref<!tpu.dma_semaphore, #tpu.memory_space<semaphore_mem>>)
    %dma_wait3A = arith.constant 0 : i32
    %dma_wait3A_19 = arith.constant 0 : i32
    %dma_wait3A_20 = tpu.memref_slice %arg2[%dma_wait3A, %dma_wait3A_19] : memref<512x2176xf32, #tpu.memory_space<hbm>> -> memref<512x2176xf32, #tpu.memory_space<hbm>>
    tpu.wait_indirect_dma semaphore(%arg17 : memref<!tpu.dma_semaphore, #tpu.memory_space<semaphore_mem>>) src(%dma_wait3A_20 : memref<512x2176xf32, #tpu.memory_space<hbm>>) dst(%arg13 : memref<8x2176xf32, #tpu.memory_space<vmem>>)
    %dma_wait3A_21 = arith.constant 0 : i32
    %dma_wait3A_22 = arith.constant 0 : i32
    %dma_wait3A_23 = tpu.memref_slice %arg2[%dma_wait3A_21, %dma_wait3A_22] : memref<512x2176xf32, #tpu.memory_space<hbm>> -> memref<512x2176xf32, #tpu.memory_space<hbm>>
    tpu.wait_indirect_dma semaphore(%arg17 : memref<!tpu.dma_semaphore, #tpu.memory_space<semaphore_mem>>) src(%dma_wait3A_23 : memref<512x2176xf32, #tpu.memory_space<hbm>>) dst(%arg14 : memref<8x2176xf32, #tpu.memory_space<vmem>>)
    %dma_wait3A_24 = arith.constant 0 : i32
    %dma_wait3A_25 = arith.constant 0 : i32
    %dma_wait3A_26 = tpu.memref_slice %arg3[%dma_wait3A_24, %dma_wait3A_25] : memref<512x2048xi32, #tpu.memory_space<hbm>> -> memref<512x2048xi32, #tpu.memory_space<hbm>>
    tpu.wait_indirect_dma semaphore(%arg17 : memref<!tpu.dma_semaphore, #tpu.memory_space<semaphore_mem>>) src(%dma_wait3A_26 : memref<512x2048xi32, #tpu.memory_space<hbm>>) dst(%arg15 : memref<8x2048xi32, #tpu.memory_space<vmem>>)
    %dma_wait3A_27 = arith.constant 0 : i32
    %dma_wait3A_28 = arith.constant 0 : i32
    %dma_wait3A_29 = tpu.memref_slice %arg3[%dma_wait3A_27, %dma_wait3A_28] : memref<512x2048xi32, #tpu.memory_space<hbm>> -> memref<512x2048xi32, #tpu.memory_space<hbm>>
    tpu.wait_indirect_dma semaphore(%arg17 : memref<!tpu.dma_semaphore, #tpu.memory_space<semaphore_mem>>) src(%dma_wait3A_29 : memref<512x2048xi32, #tpu.memory_space<hbm>>) dst(%arg16 : memref<8x2048xi32, #tpu.memory_space<vmem>>)
    %get3A_30 = arith.constant 0 : i32
    %get3A_31 = arith.index_cast %get3A_30 : i32 to index
    %get3A_32 = arith.constant 2048 : index
    %get3A_33 = tpu.vector_load %arg14[%get3A_31, %get3A_32] {strides = array<i32>} : memref<8x2176xf32, #tpu.memory_space<vmem>>, vector<16xf32>,
    %swap3A = arith.constant 0 : i32
    %swap3A_34 = arith.index_cast %swap3A : i32 to index
    %swap3A_35 = arith.constant 2048 : index
    %swap3A_36 = tpu.vector_load %arg13[%swap3A_34, %swap3A_35] {strides = array<i32>} : memref<8x2176xf32, #tpu.memory_space<vmem>>, vector<16xf32>,
    tpu.vector_store %arg13[%swap3A_34, %swap3A_35], %get3A_33 {strides = array<i32>} : memref<8x2176xf32, #tpu.memory_space<vmem>>, vector<16xf32>,
    %broadcast_in_dim3A = arith.constant 0 : i32
    %broadcast_in_dim3A_37 = vector.broadcast %broadcast_in_dim3A : i32 to vector<16xi32>
    %scan3A = arith.constant 0 : i32
    %scan3A_38 = arith.constant 0 : i32
    %scan3A_39 = arith.constant 128 : i32
    %scan3A_40 = arith.addi %scan3A_38, %scan3A_39 : i32
    %scan3A_41 = arith.constant 1 : i32
    %scan3A_42 = scf.for %scan3A_335 = %scan3A_38 to %scan3A_40 step %scan3A_41 iter_args(%scan3A_336 = %scan3A) -> (i32)  : i32 {
      %mul3A_337 = arith.constant 16 : i32
      %mul3A_338 = arith.muli %scan3A_335, %mul3A_337 : i32
      %get3A_339 = arith.constant 0 : i32
      %get3A_340 = arith.index_cast %get3A_339 : i32 to index
      %get3A_341 = arith.index_cast %mul3A_338 : i32 to index
      %get3A_342 = tpu.vector_load %arg15[%get3A_340, %get3A_341] {strides = array<i32>} : memref<8x2048xi32, #tpu.memory_space<vmem>>, vector<16xi32>,
      %and3A = arith.constant 2047 : i32
      %and3A_343 = vector.broadcast %and3A : i32 to vector<16xi32>
      %and3A_344 = arith.andi %get3A_342, %and3A_343 : vector<16xi32>
      %mul3A_345 = arith.constant 16 : i32
      %mul3A_346 = arith.muli %scan3A_335, %mul3A_345 : i32
      %get3A_347 = arith.constant 0 : i32
      %get3A_348 = arith.index_cast %get3A_347 : i32 to index
      %get3A_349 = arith.index_cast %mul3A_346 : i32 to index
      %get3A_350 = tpu.vector_load %arg16[%get3A_348, %get3A_349] {strides = array<i32>} : memref<8x2048xi32, #tpu.memory_space<vmem>>, vector<16xi32>,
      %and3A_351 = arith.constant 2047 : i32
      %and3A_352 = vector.broadcast %and3A_351 : i32 to vector<16xi32>
      %and3A_353 = arith.andi %get3A_350, %and3A_352 : vector<16xi32>
      %gather3A = tpu.vector_load_idx %arg14[%broadcast_in_dim3A_37, %and3A_353] : memref<8x2176xf32, #tpu.memory_space<vmem>>[vector<16xi32>, vector<16xi32>], vector<16xf32>,
      %mul3A_354 = arith.constant 16 : i32
      %mul3A_355 = arith.muli %scan3A_335, %mul3A_354 : i32
      %add3A_356 = vector.broadcast %mul3A_355 : i32 to vector<16xi32>
      %add3A_357 = arith.addi %add3A_356, %iota3A : vector<16xi32>
      %lt3A = arith.cmpi slt, %add3A_357, %get3A_1 : vector<16xi32>
      tpu.vector_store_idx %arg13[%broadcast_in_dim3A_37, %and3A_344], %gather3A masked %lt3A : memref<8x2176xf32, #tpu.memory_space<vmem>>[vector<16xi32>, vector<16xi32>], vector<16xf32>, vector<16xi1>
      %scan3A_358 = arith.constant 0 : i32
      scf.yield %scan3A_358 : i32
    }
    %scan3A_43 = arith.constant 128 : i32
    %get3A_44 = arith.constant 1 : i32
    %get3A_45 = arith.index_cast %get3A_44 : i32 to index
    %get3A_46 = arith.constant 2048 : index
    %get3A_47 = tpu.vector_load %arg14[%get3A_45, %get3A_46] {strides = array<i32>} : memref<8x2176xf32, #tpu.memory_space<vmem>>, vector<16xf32>,
    %swap3A_48 = arith.constant 1 : i32
    %swap3A_49 = arith.index_cast %swap3A_48 : i32 to index
    %swap3A_50 = arith.constant 2048 : index
    %swap3A_51 = tpu.vector_load %arg13[%swap3A_49, %swap3A_50] {strides = array<i32>} : memref<8x2176xf32, #tpu.memory_space<vmem>>, vector<16xf32>,
    tpu.vector_store %arg13[%swap3A_49, %swap3A_50], %get3A_47 {strides = array<i32>} : memref<8x2176xf32, #tpu.memory_space<vmem>>, vector<16xf32>,
    %broadcast_in_dim3A_52 = arith.constant 1 : i32
    %broadcast_in_dim3A_53 = vector.broadcast %broadcast_in_dim3A_52 : i32 to vector<16xi32>
    %scan3A_54 = arith.constant 0 : i32
    %scan3A_55 = arith.constant 0 : i32
    %scan3A_56 = arith.constant 128 : i32
    %scan3A_57 = arith.addi %scan3A_55, %scan3A_56 : i32
    %scan3A_58 = arith.constant 1 : i32
    %scan3A_59 = scf.for %scan3A_335 = %scan3A_55 to %scan3A_57 step %scan3A_58 iter_args(%scan3A_336 = %scan3A_54) -> (i32)  : i32 {
      %mul3A_337 = arith.constant 16 : i32
      %mul3A_338 = arith.muli %scan3A_335, %mul3A_337 : i32
      %get3A_339 = arith.constant 1 : i32
      %get3A_340 = arith.index_cast %get3A_339 : i32 to index
      %get3A_341 = arith.index_cast %mul3A_338 : i32 to index
      %get3A_342 = tpu.vector_load %arg15[%get3A_340, %get3A_341] {strides = array<i32>} : memref<8x2048xi32, #tpu.memory_space<vmem>>, vector<16xi32>,
      %and3A = arith.constant 2047 : i32
      %and3A_343 = vector.broadcast %and3A : i32 to vector<16xi32>
      %and3A_344 = arith.andi %get3A_342, %and3A_343 : vector<16xi32>
      %mul3A_345 = arith.constant 16 : i32
      %mul3A_346 = arith.muli %scan3A_335, %mul3A_345 : i32
      %get3A_347 = arith.constant 1 : i32
      %get3A_348 = arith.index_cast %get3A_347 : i32 to index
      %get3A_349 = arith.index_cast %mul3A_346 : i32 to index
      %get3A_350 = tpu.vector_load %arg16[%get3A_348, %get3A_349] {strides = array<i32>} : memref<8x2048xi32, #tpu.memory_space<vmem>>, vector<16xi32>,
      %and3A_351 = arith.constant 2047 : i32
      %and3A_352 = vector.broadcast %and3A_351 : i32 to vector<16xi32>
      %and3A_353 = arith.andi %get3A_350, %and3A_352 : vector<16xi32>
      %gather3A = tpu.vector_load_idx %arg14[%broadcast_in_dim3A_53, %and3A_353] : memref<8x2176xf32, #tpu.memory_space<vmem>>[vector<16xi32>, vector<16xi32>], vector<16xf32>,
      %mul3A_354 = arith.constant 16 : i32
      %mul3A_355 = arith.muli %scan3A_335, %mul3A_354 : i32
      %add3A_356 = vector.broadcast %mul3A_355 : i32 to vector<16xi32>
      %add3A_357 = arith.addi %add3A_356, %iota3A : vector<16xi32>
      %lt3A = arith.cmpi slt, %add3A_357, %get3A_1 : vector<16xi32>
      tpu.vector_store_idx %arg13[%broadcast_in_dim3A_53, %and3A_344], %gather3A masked %lt3A : memref<8x2176xf32, #tpu.memory_space<vmem>>[vector<16xi32>, vector<16xi32>], vector<16xf32>, vector<16xi1>
      %scan3A_358 = arith.constant 0 : i32
      scf.yield %scan3A_358 : i32
    }
    %scan3A_60 = arith.constant 128 : i32
    %get3A_61 = arith.constant 2 : i32
    %get3A_62 = arith.index_cast %get3A_61 : i32 to index
    %get3A_63 = arith.constant 2048 : index
    %get3A_64 = tpu.vector_load %arg14[%get3A_62, %get3A_63] {strides = array<i32>} : memref<8x2176xf32, #tpu.memory_space<vmem>>, vector<16xf32>,
    %swap3A_65 = arith.constant 2 : i32
    %swap3A_66 = arith.index_cast %swap3A_65 : i32 to index
    %swap3A_67 = arith.constant 2048 : index
    %swap3A_68 = tpu.vector_load %arg13[%swap3A_66, %swap3A_67] {strides = array<i32>} : memref<8x2176xf32, #tpu.memory_space<vmem>>, vector<16xf32>,
    tpu.vector_store %arg13[%swap3A_66, %swap3A_67], %get3A_64 {strides = array<i32>} : memref<8x2176xf32, #tpu.memory_space<vmem>>, vector<16xf32>,
    %broadcast_in_dim3A_69 = arith.constant 2 : i32
    %broadcast_in_dim3A_70 = vector.broadcast %broadcast_in_dim3A_69 : i32 to vector<16xi32>
    %scan3A_71 = arith.constant 0 : i32
    %scan3A_72 = arith.constant 0 : i32
    %scan3A_73 = arith.constant 128 : i32
    %scan3A_74 = arith.addi %scan3A_72, %scan3A_73 : i32
    %scan3A_75 = arith.constant 1 : i32
    %scan3A_76 = scf.for %scan3A_335 = %scan3A_72 to %scan3A_74 step %scan3A_75 iter_args(%scan3A_336 = %scan3A_71) -> (i32)  : i32 {
      %mul3A_337 = arith.constant 16 : i32
      %mul3A_338 = arith.muli %scan3A_335, %mul3A_337 : i32
      %get3A_339 = arith.constant 2 : i32
      %get3A_340 = arith.index_cast %get3A_339 : i32 to index
      %get3A_341 = arith.index_cast %mul3A_338 : i32 to index
      %get3A_342 = tpu.vector_load %arg15[%get3A_340, %get3A_341] {strides = array<i32>} : memref<8x2048xi32, #tpu.memory_space<vmem>>, vector<16xi32>,
      %and3A = arith.constant 2047 : i32
      %and3A_343 = vector.broadcast %and3A : i32 to vector<16xi32>
      %and3A_344 = arith.andi %get3A_342, %and3A_343 : vector<16xi32>
      %mul3A_345 = arith.constant 16 : i32
      %mul3A_346 = arith.muli %scan3A_335, %mul3A_345 : i32
      %get3A_347 = arith.constant 2 : i32
      %get3A_348 = arith.index_cast %get3A_347 : i32 to index
      %get3A_349 = arith.index_cast %mul3A_346 : i32 to index
      %get3A_350 = tpu.vector_load %arg16[%get3A_348, %get3A_349] {strides = array<i32>} : memref<8x2048xi32, #tpu.memory_space<vmem>>, vector<16xi32>,
      %and3A_351 = arith.constant 2047 : i32
      %and3A_352 = vector.broadcast %and3A_351 : i32 to vector<16xi32>
      %and3A_353 = arith.andi %get3A_350, %and3A_352 : vector<16xi32>
      %gather3A = tpu.vector_load_idx %arg14[%broadcast_in_dim3A_70, %and3A_353] : memref<8x2176xf32, #tpu.memory_space<vmem>>[vector<16xi32>, vector<16xi32>], vector<16xf32>,
      %mul3A_354 = arith.constant 16 : i32
      %mul3A_355 = arith.muli %scan3A_335, %mul3A_354 : i32
      %add3A_356 = vector.broadcast %mul3A_355 : i32 to vector<16xi32>
      %add3A_357 = arith.addi %add3A_356, %iota3A : vector<16xi32>
      %lt3A = arith.cmpi slt, %add3A_357, %get3A_1 : vector<16xi32>
      tpu.vector_store_idx %arg13[%broadcast_in_dim3A_70, %and3A_344], %gather3A masked %lt3A : memref<8x2176xf32, #tpu.memory_space<vmem>>[vector<16xi32>, vector<16xi32>], vector<16xf32>, vector<16xi1>
      %scan3A_358 = arith.constant 0 : i32
      scf.yield %scan3A_358 : i32
    }
    %scan3A_77 = arith.constant 128 : i32
    %get3A_78 = arith.constant 3 : i32
    %get3A_79 = arith.index_cast %get3A_78 : i32 to index
    %get3A_80 = arith.constant 2048 : index
    %get3A_81 = tpu.vector_load %arg14[%get3A_79, %get3A_80] {strides = array<i32>} : memref<8x2176xf32, #tpu.memory_space<vmem>>, vector<16xf32>,
    %swap3A_82 = arith.constant 3 : i32
    %swap3A_83 = arith.index_cast %swap3A_82 : i32 to index
    %swap3A_84 = arith.constant 2048 : index
    %swap3A_85 = tpu.vector_load %arg13[%swap3A_83, %swap3A_84] {strides = array<i32>} : memref<8x2176xf32, #tpu.memory_space<vmem>>, vector<16xf32>,
    tpu.vector_store %arg13[%swap3A_83, %swap3A_84], %get3A_81 {strides = array<i32>} : memref<8x2176xf32, #tpu.memory_space<vmem>>, vector<16xf32>,
    %broadcast_in_dim3A_86 = arith.constant 3 : i32
    %broadcast_in_dim3A_87 = vector.broadcast %broadcast_in_dim3A_86 : i32 to vector<16xi32>
    %scan3A_88 = arith.constant 0 : i32
    %scan3A_89 = arith.constant 0 : i32
    %scan3A_90 = arith.constant 128 : i32
    %scan3A_91 = arith.addi %scan3A_89, %scan3A_90 : i32
    %scan3A_92 = arith.constant 1 : i32
    %scan3A_93 = scf.for %scan3A_335 = %scan3A_89 to %scan3A_91 step %scan3A_92 iter_args(%scan3A_336 = %scan3A_88) -> (i32)  : i32 {
      %mul3A_337 = arith.constant 16 : i32
      %mul3A_338 = arith.muli %scan3A_335, %mul3A_337 : i32
      %get3A_339 = arith.constant 3 : i32
      %get3A_340 = arith.index_cast %get3A_339 : i32 to index
      %get3A_341 = arith.index_cast %mul3A_338 : i32 to index
      %get3A_342 = tpu.vector_load %arg15[%get3A_340, %get3A_341] {strides = array<i32>} : memref<8x2048xi32, #tpu.memory_space<vmem>>, vector<16xi32>,
      %and3A = arith.constant 2047 : i32
      %and3A_343 = vector.broadcast %and3A : i32 to vector<16xi32>
      %and3A_344 = arith.andi %get3A_342, %and3A_343 : vector<16xi32>
      %mul3A_345 = arith.constant 16 : i32
      %mul3A_346 = arith.muli %scan3A_335, %mul3A_345 : i32
      %get3A_347 = arith.constant 3 : i32
      %get3A_348 = arith.index_cast %get3A_347 : i32 to index
      %get3A_349 = arith.index_cast %mul3A_346 : i32 to index
      %get3A_350 = tpu.vector_load %arg16[%get3A_348, %get3A_349] {strides = array<i32>} : memref<8x2048xi32, #tpu.memory_space<vmem>>, vector<16xi32>,
      %and3A_351 = arith.constant 2047 : i32
      %and3A_352 = vector.broadcast %and3A_351 : i32 to vector<16xi32>
      %and3A_353 = arith.andi %get3A_350, %and3A_352 : vector<16xi32>
      %gather3A = tpu.vector_load_idx %arg14[%broadcast_in_dim3A_87, %and3A_353] : memref<8x2176xf32, #tpu.memory_space<vmem>>[vector<16xi32>, vector<16xi32>], vector<16xf32>,
      %mul3A_354 = arith.constant 16 : i32
      %mul3A_355 = arith.muli %scan3A_335, %mul3A_354 : i32
      %add3A_356 = vector.broadcast %mul3A_355 : i32 to vector<16xi32>
      %add3A_357 = arith.addi %add3A_356, %iota3A : vector<16xi32>
      %lt3A = arith.cmpi slt, %add3A_357, %get3A_1 : vector<16xi32>
      tpu.vector_store_idx %arg13[%broadcast_in_dim3A_87, %and3A_344], %gather3A masked %lt3A : memref<8x2176xf32, #tpu.memory_space<vmem>>[vector<16xi32>, vector<16xi32>], vector<16xf32>, vector<16xi1>
      %scan3A_358 = arith.constant 0 : i32
      scf.yield %scan3A_358 : i32
    }
    %scan3A_94 = arith.constant 128 : i32
    %get3A_95 = arith.constant 4 : i32
    %get3A_96 = arith.index_cast %get3A_95 : i32 to index
    %get3A_97 = arith.constant 2048 : index
    %get3A_98 = tpu.vector_load %arg14[%get3A_96, %get3A_97] {strides = array<i32>} : memref<8x2176xf32, #tpu.memory_space<vmem>>, vector<16xf32>,
    %swap3A_99 = arith.constant 4 : i32
    %swap3A_100 = arith.index_cast %swap3A_99 : i32 to index
    %swap3A_101 = arith.constant 2048 : index
    %swap3A_102 = tpu.vector_load %arg13[%swap3A_100, %swap3A_101] {strides = array<i32>} : memref<8x2176xf32, #tpu.memory_space<vmem>>, vector<16xf32>,
    tpu.vector_store %arg13[%swap3A_100, %swap3A_101], %get3A_98 {strides = array<i32>} : memref<8x2176xf32, #tpu.memory_space<vmem>>, vector<16xf32>,
    %broadcast_in_dim3A_103 = arith.constant 4 : i32
    %broadcast_in_dim3A_104 = vector.broadcast %broadcast_in_dim3A_103 : i32 to vector<16xi32>
    %scan3A_105 = arith.constant 0 : i32
    %scan3A_106 = arith.constant 0 : i32
    %scan3A_107 = arith.constant 128 : i32
    %scan3A_108 = arith.addi %scan3A_106, %scan3A_107 : i32
    %scan3A_109 = arith.constant 1 : i32
    %scan3A_110 = scf.for %scan3A_335 = %scan3A_106 to %scan3A_108 step %scan3A_109 iter_args(%scan3A_336 = %scan3A_105) -> (i32)  : i32 {
      %mul3A_337 = arith.constant 16 : i32
      %mul3A_338 = arith.muli %scan3A_335, %mul3A_337 : i32
      %get3A_339 = arith.constant 4 : i32
      %get3A_340 = arith.index_cast %get3A_339 : i32 to index
      %get3A_341 = arith.index_cast %mul3A_338 : i32 to index
      %get3A_342 = tpu.vector_load %arg15[%get3A_340, %get3A_341] {strides = array<i32>} : memref<8x2048xi32, #tpu.memory_space<vmem>>, vector<16xi32>,
      %and3A = arith.constant 2047 : i32
      %and3A_343 = vector.broadcast %and3A : i32 to vector<16xi32>
      %and3A_344 = arith.andi %get3A_342, %and3A_343 : vector<16xi32>
      %mul3A_345 = arith.constant 16 : i32
      %mul3A_346 = arith.muli %scan3A_335, %mul3A_345 : i32
      %get3A_347 = arith.constant 4 : i32
      %get3A_348 = arith.index_cast %get3A_347 : i32 to index
      %get3A_349 = arith.index_cast %mul3A_346 : i32 to index
      %get3A_350 = tpu.vector_load %arg16[%get3A_348, %get3A_349] {strides = array<i32>} : memref<8x2048xi32, #tpu.memory_space<vmem>>, vector<16xi32>,
      %and3A_351 = arith.constant 2047 : i32
      %and3A_352 = vector.broadcast %and3A_351 : i32 to vector<16xi32>
      %and3A_353 = arith.andi %get3A_350, %and3A_352 : vector<16xi32>
      %gather3A = tpu.vector_load_idx %arg14[%broadcast_in_dim3A_104, %and3A_353] : memref<8x2176xf32, #tpu.memory_space<vmem>>[vector<16xi32>, vector<16xi32>], vector<16xf32>,
      %mul3A_354 = arith.constant 16 : i32
      %mul3A_355 = arith.muli %scan3A_335, %mul3A_354 : i32
      %add3A_356 = vector.broadcast %mul3A_355 : i32 to vector<16xi32>
      %add3A_357 = arith.addi %add3A_356, %iota3A : vector<16xi32>
      %lt3A = arith.cmpi slt, %add3A_357, %get3A_1 : vector<16xi32>
      tpu.vector_store_idx %arg13[%broadcast_in_dim3A_104, %and3A_344], %gather3A masked %lt3A : memref<8x2176xf32, #tpu.memory_space<vmem>>[vector<16xi32>, vector<16xi32>], vector<16xf32>, vector<16xi1>
      %scan3A_358 = arith.constant 0 : i32
      scf.yield %scan3A_358 : i32
    }
    %scan3A_111 = arith.constant 128 : i32
    %get3A_112 = arith.constant 5 : i32
    %get3A_113 = arith.index_cast %get3A_112 : i32 to index
    %get3A_114 = arith.constant 2048 : index
    %get3A_115 = tpu.vector_load %arg14[%get3A_113, %get3A_114] {strides = array<i32>} : memref<8x2176xf32, #tpu.memory_space<vmem>>, vector<16xf32>,
    %swap3A_116 = arith.constant 5 : i32
    %swap3A_117 = arith.index_cast %swap3A_116 : i32 to index
    %swap3A_118 = arith.constant 2048 : index
    %swap3A_119 = tpu.vector_load %arg13[%swap3A_117, %swap3A_118] {strides = array<i32>} : memref<8x2176xf32, #tpu.memory_space<vmem>>, vector<16xf32>,
    tpu.vector_store %arg13[%swap3A_117, %swap3A_118], %get3A_115 {strides = array<i32>} : memref<8x2176xf32, #tpu.memory_space<vmem>>, vector<16xf32>,
    %broadcast_in_dim3A_120 = arith.constant 5 : i32
    %broadcast_in_dim3A_121 = vector.broadcast %broadcast_in_dim3A_120 : i32 to vector<16xi32>
    %scan3A_122 = arith.constant 0 : i32
    %scan3A_123 = arith.constant 0 : i32
    %scan3A_124 = arith.constant 128 : i32
    %scan3A_125 = arith.addi %scan3A_123, %scan3A_124 : i32
    %scan3A_126 = arith.constant 1 : i32
    %scan3A_127 = scf.for %scan3A_335 = %scan3A_123 to %scan3A_125 step %scan3A_126 iter_args(%scan3A_336 = %scan3A_122) -> (i32)  : i32 {
      %mul3A_337 = arith.constant 16 : i32
      %mul3A_338 = arith.muli %scan3A_335, %mul3A_337 : i32
      %get3A_339 = arith.constant 5 : i32
      %get3A_340 = arith.index_cast %get3A_339 : i32 to index
      %get3A_341 = arith.index_cast %mul3A_338 : i32 to index
      %get3A_342 = tpu.vector_load %arg15[%get3A_340, %get3A_341] {strides = array<i32>} : memref<8x2048xi32, #tpu.memory_space<vmem>>, vector<16xi32>,
      %and3A = arith.constant 2047 : i32
      %and3A_343 = vector.broadcast %and3A : i32 to vector<16xi32>
      %and3A_344 = arith.andi %get3A_342, %and3A_343 : vector<16xi32>
      %mul3A_345 = arith.constant 16 : i32
      %mul3A_346 = arith.muli %scan3A_335, %mul3A_345 : i32
      %get3A_347 = arith.constant 5 : i32
      %get3A_348 = arith.index_cast %get3A_347 : i32 to index
      %get3A_349 = arith.index_cast %mul3A_346 : i32 to index
      %get3A_350 = tpu.vector_load %arg16[%get3A_348, %get3A_349] {strides = array<i32>} : memref<8x2048xi32, #tpu.memory_space<vmem>>, vector<16xi32>,
      %and3A_351 = arith.constant 2047 : i32
      %and3A_352 = vector.broadcast %and3A_351 : i32 to vector<16xi32>
      %and3A_353 = arith.andi %get3A_350, %and3A_352 : vector<16xi32>
      %gather3A = tpu.vector_load_idx %arg14[%broadcast_in_dim3A_121, %and3A_353] : memref<8x2176xf32, #tpu.memory_space<vmem>>[vector<16xi32>, vector<16xi32>], vector<16xf32>,
      %mul3A_354 = arith.constant 16 : i32
      %mul3A_355 = arith.muli %scan3A_335, %mul3A_354 : i32
      %add3A_356 = vector.broadcast %mul3A_355 : i32 to vector<16xi32>
      %add3A_357 = arith.addi %add3A_356, %iota3A : vector<16xi32>
      %lt3A = arith.cmpi slt, %add3A_357, %get3A_1 : vector<16xi32>
      tpu.vector_store_idx %arg13[%broadcast_in_dim3A_121, %and3A_344], %gather3A masked %lt3A : memref<8x2176xf32, #tpu.memory_space<vmem>>[vector<16xi32>, vector<16xi32>], vector<16xf32>, vector<16xi1>
      %scan3A_358 = arith.constant 0 : i32
      scf.yield %scan3A_358 : i32
    }
    %scan3A_128 = arith.constant 128 : i32
    %get3A_129 = arith.constant 6 : i32
    %get3A_130 = arith.index_cast %get3A_129 : i32 to index
    %get3A_131 = arith.constant 2048 : index
    %get3A_132 = tpu.vector_load %arg14[%get3A_130, %get3A_131] {strides = array<i32>} : memref<8x2176xf32, #tpu.memory_space<vmem>>, vector<16xf32>,
    %swap3A_133 = arith.constant 6 : i32
    %swap3A_134 = arith.index_cast %swap3A_133 : i32 to index
    %swap3A_135 = arith.constant 2048 : index
    %swap3A_136 = tpu.vector_load %arg13[%swap3A_134, %swap3A_135] {strides = array<i32>} : memref<8x2176xf32, #tpu.memory_space<vmem>>, vector<16xf32>,
    tpu.vector_store %arg13[%swap3A_134, %swap3A_135], %get3A_132 {strides = array<i32>} : memref<8x2176xf32, #tpu.memory_space<vmem>>, vector<16xf32>,
    %broadcast_in_dim3A_137 = arith.constant 6 : i32
    %broadcast_in_dim3A_138 = vector.broadcast %broadcast_in_dim3A_137 : i32 to vector<16xi32>
    %scan3A_139 = arith.constant 0 : i32
    %scan3A_140 = arith.constant 0 : i32
    %scan3A_141 = arith.constant 128 : i32
    %scan3A_142 = arith.addi %scan3A_140, %scan3A_141 : i32
    %scan3A_143 = arith.constant 1 : i32
    %scan3A_144 = scf.for %scan3A_335 = %scan3A_140 to %scan3A_142 step %scan3A_143 iter_args(%scan3A_336 = %scan3A_139) -> (i32)  : i32 {
      %mul3A_337 = arith.constant 16 : i32
      %mul3A_338 = arith.muli %scan3A_335, %mul3A_337 : i32
      %get3A_339 = arith.constant 6 : i32
      %get3A_340 = arith.index_cast %get3A_339 : i32 to index
      %get3A_341 = arith.index_cast %mul3A_338 : i32 to index
      %get3A_342 = tpu.vector_load %arg15[%get3A_340, %get3A_341] {strides = array<i32>} : memref<8x2048xi32, #tpu.memory_space<vmem>>, vector<16xi32>,
      %and3A = arith.constant 2047 : i32
      %and3A_343 = vector.broadcast %and3A : i32 to vector<16xi32>
      %and3A_344 = arith.andi %get3A_342, %and3A_343 : vector<16xi32>
      %mul3A_345 = arith.constant 16 : i32
      %mul3A_346 = arith.muli %scan3A_335, %mul3A_345 : i32
      %get3A_347 = arith.constant 6 : i32
      %get3A_348 = arith.index_cast %get3A_347 : i32 to index
      %get3A_349 = arith.index_cast %mul3A_346 : i32 to index
      %get3A_350 = tpu.vector_load %arg16[%get3A_348, %get3A_349] {strides = array<i32>} : memref<8x2048xi32, #tpu.memory_space<vmem>>, vector<16xi32>,
      %and3A_351 = arith.constant 2047 : i32
      %and3A_352 = vector.broadcast %and3A_351 : i32 to vector<16xi32>
      %and3A_353 = arith.andi %get3A_350, %and3A_352 : vector<16xi32>
      %gather3A = tpu.vector_load_idx %arg14[%broadcast_in_dim3A_138, %and3A_353] : memref<8x2176xf32, #tpu.memory_space<vmem>>[vector<16xi32>, vector<16xi32>], vector<16xf32>,
      %mul3A_354 = arith.constant 16 : i32
      %mul3A_355 = arith.muli %scan3A_335, %mul3A_354 : i32
      %add3A_356 = vector.broadcast %mul3A_355 : i32 to vector<16xi32>
      %add3A_357 = arith.addi %add3A_356, %iota3A : vector<16xi32>
      %lt3A = arith.cmpi slt, %add3A_357, %get3A_1 : vector<16xi32>
      tpu.vector_store_idx %arg13[%broadcast_in_dim3A_138, %and3A_344], %gather3A masked %lt3A : memref<8x2176xf32, #tpu.memory_space<vmem>>[vector<16xi32>, vector<16xi32>], vector<16xf32>, vector<16xi1>
      %scan3A_358 = arith.constant 0 : i32
      scf.yield %scan3A_358 : i32
    }
    %scan3A_145 = arith.constant 128 : i32
    %get3A_146 = arith.constant 7 : i32
    %get3A_147 = arith.index_cast %get3A_146 : i32 to index
    %get3A_148 = arith.constant 2048 : index
    %get3A_149 = tpu.vector_load %arg14[%get3A_147, %get3A_148] {strides = array<i32>} : memref<8x2176xf32, #tpu.memory_space<vmem>>, vector<16xf32>,
    %swap3A_150 = arith.constant 7 : i32
    %swap3A_151 = arith.index_cast %swap3A_150 : i32 to index
    %swap3A_152 = arith.constant 2048 : index
    %swap3A_153 = tpu.vector_load %arg13[%swap3A_151, %swap3A_152] {strides = array<i32>} : memref<8x2176xf32, #tpu.memory_space<vmem>>, vector<16xf32>,
    tpu.vector_store %arg13[%swap3A_151, %swap3A_152], %get3A_149 {strides = array<i32>} : memref<8x2176xf32, #tpu.memory_space<vmem>>, vector<16xf32>,
    %broadcast_in_dim3A_154 = arith.constant 7 : i32
    %broadcast_in_dim3A_155 = vector.broadcast %broadcast_in_dim3A_154 : i32 to vector<16xi32>
    %scan3A_156 = arith.constant 0 : i32
    %scan3A_157 = arith.constant 0 : i32
    %scan3A_158 = arith.constant 128 : i32
    %scan3A_159 = arith.addi %scan3A_157, %scan3A_158 : i32
    %scan3A_160 = arith.constant 1 : i32
    %scan3A_161 = scf.for %scan3A_335 = %scan3A_157 to %scan3A_159 step %scan3A_160 iter_args(%scan3A_336 = %scan3A_156) -> (i32)  : i32 {
      %mul3A_337 = arith.constant 16 : i32
      %mul3A_338 = arith.muli %scan3A_335, %mul3A_337 : i32
      %get3A_339 = arith.constant 7 : i32
      %get3A_340 = arith.index_cast %get3A_339 : i32 to index
      %get3A_341 = arith.index_cast %mul3A_338 : i32 to index
      %get3A_342 = tpu.vector_load %arg15[%get3A_340, %get3A_341] {strides = array<i32>} : memref<8x2048xi32, #tpu.memory_space<vmem>>, vector<16xi32>,
      %and3A = arith.constant 2047 : i32
      %and3A_343 = vector.broadcast %and3A : i32 to vector<16xi32>
      %and3A_344 = arith.andi %get3A_342, %and3A_343 : vector<16xi32>
      %mul3A_345 = arith.constant 16 : i32
      %mul3A_346 = arith.muli %scan3A_335, %mul3A_345 : i32
      %get3A_347 = arith.constant 7 : i32
      %get3A_348 = arith.index_cast %get3A_347 : i32 to index
      %get3A_349 = arith.index_cast %mul3A_346 : i32 to index
      %get3A_350 = tpu.vector_load %arg16[%get3A_348, %get3A_349] {strides = array<i32>} : memref<8x2048xi32, #tpu.memory_space<vmem>>, vector<16xi32>,
      %and3A_351 = arith.constant 2047 : i32
      %and3A_352 = vector.broadcast %and3A_351 : i32 to vector<16xi32>
      %and3A_353 = arith.andi %get3A_350, %and3A_352 : vector<16xi32>
      %gather3A = tpu.vector_load_idx %arg14[%broadcast_in_dim3A_155, %and3A_353] : memref<8x2176xf32, #tpu.memory_space<vmem>>[vector<16xi32>, vector<16xi32>], vector<16xf32>,
      %mul3A_354 = arith.constant 16 : i32
      %mul3A_355 = arith.muli %scan3A_335, %mul3A_354 : i32
      %add3A_356 = vector.broadcast %mul3A_355 : i32 to vector<16xi32>
      %add3A_357 = arith.addi %add3A_356, %iota3A : vector<16xi32>
      %lt3A = arith.cmpi slt, %add3A_357, %get3A_1 : vector<16xi32>
      tpu.vector_store_idx %arg13[%broadcast_in_dim3A_155, %and3A_344], %gather3A masked %lt3A : memref<8x2176xf32, #tpu.memory_space<vmem>>[vector<16xi32>, vector<16xi32>], vector<16xf32>, vector<16xi1>
      %scan3A_358 = arith.constant 0 : i32
      scf.yield %scan3A_358 : i32
    }
    %scan3A_162 = arith.constant 128 : i32
    %dma_start3A_163 = arith.constant 0 : i32
    %dma_start3A_164 = arith.constant 0 : i32
    %dma_start3A_165 = tpu.memref_slice %arg7[%dma_start3A_163, %dma_start3A_164] : memref<512x2176xf32, #tpu.memory_space<hbm>> -> memref<512x2176xf32, #tpu.memory_space<hbm>>
    tpu.enqueue_indirect_dma source(%arg13 : memref<8x2176xf32, #tpu.memory_space<vmem>>) target(%dma_start3A_165 : memref<512x2176xf32, #tpu.memory_space<hbm>>) offsets(%arg8 : memref<8xi32, #tpu.memory_space<vmem>>) semaphore(%arg18 : memref<!tpu.dma_semaphore, #tpu.memory_space<semaphore_mem>>)
    %dma_start3A_166 = arith.constant 0 : i32
    %dma_start3A_167 = arith.constant 0 : i32
    %dma_start3A_168 = tpu.memref_slice %arg2[%dma_start3A_166, %dma_start3A_167] : memref<512x2176xf32, #tpu.memory_space<hbm>> -> memref<512x2176xf32, #tpu.memory_space<hbm>>
    tpu.enqueue_indirect_dma source(%dma_start3A_168 : memref<512x2176xf32, #tpu.memory_space<hbm>>) target(%arg14 : memref<8x2176xf32, #tpu.memory_space<vmem>>) offsets(%arg11 : memref<8xi32, #tpu.memory_space<vmem>>) semaphore(%arg17 : memref<!tpu.dma_semaphore, #tpu.memory_space<semaphore_mem>>)
    %dma_start3A_169 = arith.constant 0 : i32
    %dma_start3A_170 = arith.constant 0 : i32
    %dma_start3A_171 = tpu.memref_slice %arg3[%dma_start3A_169, %dma_start3A_170] : memref<512x2048xi32, #tpu.memory_space<hbm>> -> memref<512x2048xi32, #tpu.memory_space<hbm>>
    tpu.enqueue_indirect_dma source(%dma_start3A_171 : memref<512x2048xi32, #tpu.memory_space<hbm>>) target(%arg15 : memref<8x2048xi32, #tpu.memory_space<vmem>>) offsets(%arg10 : memref<8xi32, #tpu.memory_space<vmem>>) semaphore(%arg17 : memref<!tpu.dma_semaphore, #tpu.memory_space<semaphore_mem>>)
    %dma_start3A_172 = arith.constant 0 : i32
    %dma_start3A_173 = arith.constant 0 : i32
    %dma_start3A_174 = tpu.memref_slice %arg3[%dma_start3A_172, %dma_start3A_173] : memref<512x2048xi32, #tpu.memory_space<hbm>> -> memref<512x2048xi32, #tpu.memory_space<hbm>>
    tpu.enqueue_indirect_dma source(%dma_start3A_174 : memref<512x2048xi32, #tpu.memory_space<hbm>>) target(%arg16 : memref<8x2048xi32, #tpu.memory_space<vmem>>) offsets(%arg11 : memref<8xi32, #tpu.memory_space<vmem>>) semaphore(%arg17 : memref<!tpu.dma_semaphore, #tpu.memory_space<semaphore_mem>>)
    %dma_wait3A_175 = arith.constant 0 : i32
    %dma_wait3A_176 = arith.constant 0 : i32
    %dma_wait3A_177 = tpu.memref_slice %arg7[%dma_wait3A_175, %dma_wait3A_176] : memref<512x2176xf32, #tpu.memory_space<hbm>> -> memref<512x2176xf32, #tpu.memory_space<hbm>>
    tpu.wait_indirect_dma semaphore(%arg18 : memref<!tpu.dma_semaphore, #tpu.memory_space<semaphore_mem>>) src(%arg13 : memref<8x2176xf32, #tpu.memory_space<vmem>>) dst(%dma_wait3A_177 : memref<512x2176xf32, #tpu.memory_space<hbm>>)
    %dma_start3A_178 = arith.constant 0 : i32
    %dma_start3A_179 = arith.constant 0 : i32
    %dma_start3A_180 = tpu.memref_slice %arg2[%dma_start3A_178, %dma_start3A_179] : memref<512x2176xf32, #tpu.memory_space<hbm>> -> memref<512x2176xf32, #tpu.memory_space<hbm>>
    tpu.enqueue_indirect_dma source(%dma_start3A_180 : memref<512x2176xf32, #tpu.memory_space<hbm>>) target(%arg13 : memref<8x2176xf32, #tpu.memory_space<vmem>>) offsets(%arg10 : memref<8xi32, #tpu.memory_space<vmem>>) semaphore(%arg17 : memref<!tpu.dma_semaphore, #tpu.memory_space<semaphore_mem>>)
    %dma_wait3A_181 = arith.constant 0 : i32
    %dma_wait3A_182 = arith.constant 0 : i32
    %dma_wait3A_183 = tpu.memref_slice %arg2[%dma_wait3A_181, %dma_wait3A_182] : memref<512x2176xf32, #tpu.memory_space<hbm>> -> memref<512x2176xf32, #tpu.memory_space<hbm>>
    tpu.wait_indirect_dma semaphore(%arg17 : memref<!tpu.dma_semaphore, #tpu.memory_space<semaphore_mem>>) src(%dma_wait3A_183 : memref<512x2176xf32, #tpu.memory_space<hbm>>) dst(%arg14 : memref<8x2176xf32, #tpu.memory_space<vmem>>)
    %dma_wait3A_184 = arith.constant 0 : i32
    %dma_wait3A_185 = arith.constant 0 : i32
    %dma_wait3A_186 = tpu.memref_slice %arg3[%dma_wait3A_184, %dma_wait3A_185] : memref<512x2048xi32, #tpu.memory_space<hbm>> -> memref<512x2048xi32, #tpu.memory_space<hbm>>
    tpu.wait_indirect_dma semaphore(%arg17 : memref<!tpu.dma_semaphore, #tpu.memory_space<semaphore_mem>>) src(%dma_wait3A_186 : memref<512x2048xi32, #tpu.memory_space<hbm>>) dst(%arg15 : memref<8x2048xi32, #tpu.memory_space<vmem>>)
    %dma_wait3A_187 = arith.constant 0 : i32
    %dma_wait3A_188 = arith.constant 0 : i32
    %dma_wait3A_189 = tpu.memref_slice %arg3[%dma_wait3A_187, %dma_wait3A_188] : memref<512x2048xi32, #tpu.memory_space<hbm>> -> memref<512x2048xi32, #tpu.memory_space<hbm>>
    tpu.wait_indirect_dma semaphore(%arg17 : memref<!tpu.dma_semaphore, #tpu.memory_space<semaphore_mem>>) src(%dma_wait3A_189 : memref<512x2048xi32, #tpu.memory_space<hbm>>) dst(%arg16 : memref<8x2048xi32, #tpu.memory_space<vmem>>)
    %dma_wait3A_190 = arith.constant 0 : i32
    %dma_wait3A_191 = arith.constant 0 : i32
    %dma_wait3A_192 = tpu.memref_slice %arg2[%dma_wait3A_190, %dma_wait3A_191] : memref<512x2176xf32, #tpu.memory_space<hbm>> -> memref<512x2176xf32, #tpu.memory_space<hbm>>
    tpu.wait_indirect_dma semaphore(%arg17 : memref<!tpu.dma_semaphore, #tpu.memory_space<semaphore_mem>>) src(%dma_wait3A_192 : memref<512x2176xf32, #tpu.memory_space<hbm>>) dst(%arg13 : memref<8x2176xf32, #tpu.memory_space<vmem>>)
    %get3A_193 = arith.constant 0 : i32
    %get3A_194 = arith.index_cast %get3A_193 : i32 to index
    %get3A_195 = arith.constant 2048 : index
    %get3A_196 = tpu.vector_load %arg14[%get3A_194, %get3A_195] {strides = array<i32>} : memref<8x2176xf32, #tpu.memory_space<vmem>>, vector<16xf32>,
    %swap3A_197 = arith.constant 0 : i32
    %swap3A_198 = arith.index_cast %swap3A_197 : i32 to index
    %swap3A_199 = arith.constant 2048 : index
    %swap3A_200 = tpu.vector_load %arg13[%swap3A_198, %swap3A_199] {strides = array<i32>} : memref<8x2176xf32, #tpu.memory_space<vmem>>, vector<16xf32>,
    tpu.vector_store %arg13[%swap3A_198, %swap3A_199], %get3A_196 {strides = array<i32>} : memref<8x2176xf32, #tpu.memory_space<vmem>>, vector<16xf32>,
    %broadcast_in_dim3A_201 = arith.constant 0 : i32
    %broadcast_in_dim3A_202 = vector.broadcast %broadcast_in_dim3A_201 : i32 to vector<16xi32>
    %scan3A_203 = arith.constant 0 : i32
    %scan3A_204 = arith.constant 0 : i32
    %scan3A_205 = arith.constant 128 : i32
    %scan3A_206 = arith.addi %scan3A_204, %scan3A_205 : i32
    %scan3A_207 = arith.constant 1 : i32
    %scan3A_208 = scf.for %scan3A_335 = %scan3A_204 to %scan3A_206 step %scan3A_207 iter_args(%scan3A_336 = %scan3A_203) -> (i32)  : i32 {
      %mul3A_337 = arith.constant 16 : i32
      %mul3A_338 = arith.muli %scan3A_335, %mul3A_337 : i32
      %get3A_339 = arith.constant 0 : i32
      %get3A_340 = arith.index_cast %get3A_339 : i32 to index
      %get3A_341 = arith.index_cast %mul3A_338 : i32 to index
      %get3A_342 = tpu.vector_load %arg15[%get3A_340, %get3A_341] {strides = array<i32>} : memref<8x2048xi32, #tpu.memory_space<vmem>>, vector<16xi32>,
      %and3A = arith.constant 2047 : i32
      %and3A_343 = vector.broadcast %and3A : i32 to vector<16xi32>
      %and3A_344 = arith.andi %get3A_342, %and3A_343 : vector<16xi32>
      %mul3A_345 = arith.constant 16 : i32
      %mul3A_346 = arith.muli %scan3A_335, %mul3A_345 : i32
      %get3A_347 = arith.constant 0 : i32
      %get3A_348 = arith.index_cast %get3A_347 : i32 to index
      %get3A_349 = arith.index_cast %mul3A_346 : i32 to index
      %get3A_350 = tpu.vector_load %arg16[%get3A_348, %get3A_349] {strides = array<i32>} : memref<8x2048xi32, #tpu.memory_space<vmem>>, vector<16xi32>,
      %and3A_351 = arith.constant 2047 : i32
      %and3A_352 = vector.broadcast %and3A_351 : i32 to vector<16xi32>
      %and3A_353 = arith.andi %get3A_350, %and3A_352 : vector<16xi32>
      %gather3A = tpu.vector_load_idx %arg14[%broadcast_in_dim3A_202, %and3A_353] : memref<8x2176xf32, #tpu.memory_space<vmem>>[vector<16xi32>, vector<16xi32>], vector<16xf32>,
      %mul3A_354 = arith.constant 16 : i32
      %mul3A_355 = arith.muli %scan3A_335, %mul3A_354 : i32
      %add3A_356 = vector.broadcast %mul3A_355 : i32 to vector<16xi32>
      %add3A_357 = arith.addi %add3A_356, %iota3A : vector<16xi32>
      %lt3A = arith.cmpi slt, %add3A_357, %get3A_1 : vector<16xi32>
      tpu.vector_store_idx %arg13[%broadcast_in_dim3A_202, %and3A_344], %gather3A masked %lt3A : memref<8x2176xf32, #tpu.memory_space<vmem>>[vector<16xi32>, vector<16xi32>], vector<16xf32>, vector<16xi1>
      %scan3A_358 = arith.constant 0 : i32
      scf.yield %scan3A_358 : i32
    }
    %scan3A_209 = arith.constant 128 : i32
    %get3A_210 = arith.constant 1 : i32
    %get3A_211 = arith.index_cast %get3A_210 : i32 to index
    %get3A_212 = arith.constant 2048 : index
    %get3A_213 = tpu.vector_load %arg14[%get3A_211, %get3A_212] {strides = array<i32>} : memref<8x2176xf32, #tpu.memory_space<vmem>>, vector<16xf32>,
    %swap3A_214 = arith.constant 1 : i32
    %swap3A_215 = arith.index_cast %swap3A_214 : i32 to index
    %swap3A_216 = arith.constant 2048 : index
    %swap3A_217 = tpu.vector_load %arg13[%swap3A_215, %swap3A_216] {strides = array<i32>} : memref<8x2176xf32, #tpu.memory_space<vmem>>, vector<16xf32>,
    tpu.vector_store %arg13[%swap3A_215, %swap3A_216], %get3A_213 {strides = array<i32>} : memref<8x2176xf32, #tpu.memory_space<vmem>>, vector<16xf32>,
    %broadcast_in_dim3A_218 = arith.constant 1 : i32
    %broadcast_in_dim3A_219 = vector.broadcast %broadcast_in_dim3A_218 : i32 to vector<16xi32>
    %scan3A_220 = arith.constant 0 : i32
    %scan3A_221 = arith.constant 0 : i32
    %scan3A_222 = arith.constant 128 : i32
    %scan3A_223 = arith.addi %scan3A_221, %scan3A_222 : i32
    %scan3A_224 = arith.constant 1 : i32
    %scan3A_225 = scf.for %scan3A_335 = %scan3A_221 to %scan3A_223 step %scan3A_224 iter_args(%scan3A_336 = %scan3A_220) -> (i32)  : i32 {
      %mul3A_337 = arith.constant 16 : i32
      %mul3A_338 = arith.muli %scan3A_335, %mul3A_337 : i32
      %get3A_339 = arith.constant 1 : i32
      %get3A_340 = arith.index_cast %get3A_339 : i32 to index
      %get3A_341 = arith.index_cast %mul3A_338 : i32 to index
      %get3A_342 = tpu.vector_load %arg15[%get3A_340, %get3A_341] {strides = array<i32>} : memref<8x2048xi32, #tpu.memory_space<vmem>>, vector<16xi32>,
      %and3A = arith.constant 2047 : i32
      %and3A_343 = vector.broadcast %and3A : i32 to vector<16xi32>
      %and3A_344 = arith.andi %get3A_342, %and3A_343 : vector<16xi32>
      %mul3A_345 = arith.constant 16 : i32
      %mul3A_346 = arith.muli %scan3A_335, %mul3A_345 : i32
      %get3A_347 = arith.constant 1 : i32
      %get3A_348 = arith.index_cast %get3A_347 : i32 to index
      %get3A_349 = arith.index_cast %mul3A_346 : i32 to index
      %get3A_350 = tpu.vector_load %arg16[%get3A_348, %get3A_349] {strides = array<i32>} : memref<8x2048xi32, #tpu.memory_space<vmem>>, vector<16xi32>,
      %and3A_351 = arith.constant 2047 : i32
      %and3A_352 = vector.broadcast %and3A_351 : i32 to vector<16xi32>
      %and3A_353 = arith.andi %get3A_350, %and3A_352 : vector<16xi32>
      %gather3A = tpu.vector_load_idx %arg14[%broadcast_in_dim3A_219, %and3A_353] : memref<8x2176xf32, #tpu.memory_space<vmem>>[vector<16xi32>, vector<16xi32>], vector<16xf32>,
      %mul3A_354 = arith.constant 16 : i32
      %mul3A_355 = arith.muli %scan3A_335, %mul3A_354 : i32
      %add3A_356 = vector.broadcast %mul3A_355 : i32 to vector<16xi32>
      %add3A_357 = arith.addi %add3A_356, %iota3A : vector<16xi32>
      %lt3A = arith.cmpi slt, %add3A_357, %get3A_1 : vector<16xi32>
      tpu.vector_store_idx %arg13[%broadcast_in_dim3A_219, %and3A_344], %gather3A masked %lt3A : memref<8x2176xf32, #tpu.memory_space<vmem>>[vector<16xi32>, vector<16xi32>], vector<16xf32>, vector<16xi1>
      %scan3A_358 = arith.constant 0 : i32
      scf.yield %scan3A_358 : i32
    }
    %scan3A_226 = arith.constant 128 : i32
    %get3A_227 = arith.constant 2 : i32
    %get3A_228 = arith.index_cast %get3A_227 : i32 to index
    %get3A_229 = arith.constant 2048 : index
    %get3A_230 = tpu.vector_load %arg14[%get3A_228, %get3A_229] {strides = array<i32>} : memref<8x2176xf32, #tpu.memory_space<vmem>>, vector<16xf32>,
    %swap3A_231 = arith.constant 2 : i32
    %swap3A_232 = arith.index_cast %swap3A_231 : i32 to index
    %swap3A_233 = arith.constant 2048 : index
    %swap3A_234 = tpu.vector_load %arg13[%swap3A_232, %swap3A_233] {strides = array<i32>} : memref<8x2176xf32, #tpu.memory_space<vmem>>, vector<16xf32>,
    tpu.vector_store %arg13[%swap3A_232, %swap3A_233], %get3A_230 {strides = array<i32>} : memref<8x2176xf32, #tpu.memory_space<vmem>>, vector<16xf32>,
    %broadcast_in_dim3A_235 = arith.constant 2 : i32
    %broadcast_in_dim3A_236 = vector.broadcast %broadcast_in_dim3A_235 : i32 to vector<16xi32>
    %scan3A_237 = arith.constant 0 : i32
    %scan3A_238 = arith.constant 0 : i32
    %scan3A_239 = arith.constant 128 : i32
    %scan3A_240 = arith.addi %scan3A_238, %scan3A_239 : i32
    %scan3A_241 = arith.constant 1 : i32
    %scan3A_242 = scf.for %scan3A_335 = %scan3A_238 to %scan3A_240 step %scan3A_241 iter_args(%scan3A_336 = %scan3A_237) -> (i32)  : i32 {
      %mul3A_337 = arith.constant 16 : i32
      %mul3A_338 = arith.muli %scan3A_335, %mul3A_337 : i32
      %get3A_339 = arith.constant 2 : i32
      %get3A_340 = arith.index_cast %get3A_339 : i32 to index
      %get3A_341 = arith.index_cast %mul3A_338 : i32 to index
      %get3A_342 = tpu.vector_load %arg15[%get3A_340, %get3A_341] {strides = array<i32>} : memref<8x2048xi32, #tpu.memory_space<vmem>>, vector<16xi32>,
      %and3A = arith.constant 2047 : i32
      %and3A_343 = vector.broadcast %and3A : i32 to vector<16xi32>
      %and3A_344 = arith.andi %get3A_342, %and3A_343 : vector<16xi32>
      %mul3A_345 = arith.constant 16 : i32
      %mul3A_346 = arith.muli %scan3A_335, %mul3A_345 : i32
      %get3A_347 = arith.constant 2 : i32
      %get3A_348 = arith.index_cast %get3A_347 : i32 to index
      %get3A_349 = arith.index_cast %mul3A_346 : i32 to index
      %get3A_350 = tpu.vector_load %arg16[%get3A_348, %get3A_349] {strides = array<i32>} : memref<8x2048xi32, #tpu.memory_space<vmem>>, vector<16xi32>,
      %and3A_351 = arith.constant 2047 : i32
      %and3A_352 = vector.broadcast %and3A_351 : i32 to vector<16xi32>
      %and3A_353 = arith.andi %get3A_350, %and3A_352 : vector<16xi32>
      %gather3A = tpu.vector_load_idx %arg14[%broadcast_in_dim3A_236, %and3A_353] : memref<8x2176xf32, #tpu.memory_space<vmem>>[vector<16xi32>, vector<16xi32>], vector<16xf32>,
      %mul3A_354 = arith.constant 16 : i32
      %mul3A_355 = arith.muli %scan3A_335, %mul3A_354 : i32
      %add3A_356 = vector.broadcast %mul3A_355 : i32 to vector<16xi32>
      %add3A_357 = arith.addi %add3A_356, %iota3A : vector<16xi32>
      %lt3A = arith.cmpi slt, %add3A_357, %get3A_1 : vector<16xi32>
      tpu.vector_store_idx %arg13[%broadcast_in_dim3A_236, %and3A_344], %gather3A masked %lt3A : memref<8x2176xf32, #tpu.memory_space<vmem>>[vector<16xi32>, vector<16xi32>], vector<16xf32>, vector<16xi1>
      %scan3A_358 = arith.constant 0 : i32
      scf.yield %scan3A_358 : i32
    }
    %scan3A_243 = arith.constant 128 : i32
    %get3A_244 = arith.constant 3 : i32
    %get3A_245 = arith.index_cast %get3A_244 : i32 to index
    %get3A_246 = arith.constant 2048 : index
    %get3A_247 = tpu.vector_load %arg14[%get3A_245, %get3A_246] {strides = array<i32>} : memref<8x2176xf32, #tpu.memory_space<vmem>>, vector<16xf32>,
    %swap3A_248 = arith.constant 3 : i32
    %swap3A_249 = arith.index_cast %swap3A_248 : i32 to index
    %swap3A_250 = arith.constant 2048 : index
    %swap3A_251 = tpu.vector_load %arg13[%swap3A_249, %swap3A_250] {strides = array<i32>} : memref<8x2176xf32, #tpu.memory_space<vmem>>, vector<16xf32>,
    tpu.vector_store %arg13[%swap3A_249, %swap3A_250], %get3A_247 {strides = array<i32>} : memref<8x2176xf32, #tpu.memory_space<vmem>>, vector<16xf32>,
    %broadcast_in_dim3A_252 = arith.constant 3 : i32
    %broadcast_in_dim3A_253 = vector.broadcast %broadcast_in_dim3A_252 : i32 to vector<16xi32>
    %scan3A_254 = arith.constant 0 : i32
    %scan3A_255 = arith.constant 0 : i32
    %scan3A_256 = arith.constant 128 : i32
    %scan3A_257 = arith.addi %scan3A_255, %scan3A_256 : i32
    %scan3A_258 = arith.constant 1 : i32
    %scan3A_259 = scf.for %scan3A_335 = %scan3A_255 to %scan3A_257 step %scan3A_258 iter_args(%scan3A_336 = %scan3A_254) -> (i32)  : i32 {
      %mul3A_337 = arith.constant 16 : i32
      %mul3A_338 = arith.muli %scan3A_335, %mul3A_337 : i32
      %get3A_339 = arith.constant 3 : i32
      %get3A_340 = arith.index_cast %get3A_339 : i32 to index
      %get3A_341 = arith.index_cast %mul3A_338 : i32 to index
      %get3A_342 = tpu.vector_load %arg15[%get3A_340, %get3A_341] {strides = array<i32>} : memref<8x2048xi32, #tpu.memory_space<vmem>>, vector<16xi32>,
      %and3A = arith.constant 2047 : i32
      %and3A_343 = vector.broadcast %and3A : i32 to vector<16xi32>
      %and3A_344 = arith.andi %get3A_342, %and3A_343 : vector<16xi32>
      %mul3A_345 = arith.constant 16 : i32
      %mul3A_346 = arith.muli %scan3A_335, %mul3A_345 : i32
      %get3A_347 = arith.constant 3 : i32
      %get3A_348 = arith.index_cast %get3A_347 : i32 to index
      %get3A_349 = arith.index_cast %mul3A_346 : i32 to index
      %get3A_350 = tpu.vector_load %arg16[%get3A_348, %get3A_349] {strides = array<i32>} : memref<8x2048xi32, #tpu.memory_space<vmem>>, vector<16xi32>,
      %and3A_351 = arith.constant 2047 : i32
      %and3A_352 = vector.broadcast %and3A_351 : i32 to vector<16xi32>
      %and3A_353 = arith.andi %get3A_350, %and3A_352 : vector<16xi32>
      %gather3A = tpu.vector_load_idx %arg14[%broadcast_in_dim3A_253, %and3A_353] : memref<8x2176xf32, #tpu.memory_space<vmem>>[vector<16xi32>, vector<16xi32>], vector<16xf32>,
      %mul3A_354 = arith.constant 16 : i32
      %mul3A_355 = arith.muli %scan3A_335, %mul3A_354 : i32
      %add3A_356 = vector.broadcast %mul3A_355 : i32 to vector<16xi32>
      %add3A_357 = arith.addi %add3A_356, %iota3A : vector<16xi32>
      %lt3A = arith.cmpi slt, %add3A_357, %get3A_1 : vector<16xi32>
      tpu.vector_store_idx %arg13[%broadcast_in_dim3A_253, %and3A_344], %gather3A masked %lt3A : memref<8x2176xf32, #tpu.memory_space<vmem>>[vector<16xi32>, vector<16xi32>], vector<16xf32>, vector<16xi1>
      %scan3A_358 = arith.constant 0 : i32
      scf.yield %scan3A_358 : i32
    }
    %scan3A_260 = arith.constant 128 : i32
    %get3A_261 = arith.constant 4 : i32
    %get3A_262 = arith.index_cast %get3A_261 : i32 to index
    %get3A_263 = arith.constant 2048 : index
    %get3A_264 = tpu.vector_load %arg14[%get3A_262, %get3A_263] {strides = array<i32>} : memref<8x2176xf32, #tpu.memory_space<vmem>>, vector<16xf32>,
    %swap3A_265 = arith.constant 4 : i32
    %swap3A_266 = arith.index_cast %swap3A_265 : i32 to index
    %swap3A_267 = arith.constant 2048 : index
    %swap3A_268 = tpu.vector_load %arg13[%swap3A_266, %swap3A_267] {strides = array<i32>} : memref<8x2176xf32, #tpu.memory_space<vmem>>, vector<16xf32>,
    tpu.vector_store %arg13[%swap3A_266, %swap3A_267], %get3A_264 {strides = array<i32>} : memref<8x2176xf32, #tpu.memory_space<vmem>>, vector<16xf32>,
    %broadcast_in_dim3A_269 = arith.constant 4 : i32
    %broadcast_in_dim3A_270 = vector.broadcast %broadcast_in_dim3A_269 : i32 to vector<16xi32>
    %scan3A_271 = arith.constant 0 : i32
    %scan3A_272 = arith.constant 0 : i32
    %scan3A_273 = arith.constant 128 : i32
    %scan3A_274 = arith.addi %scan3A_272, %scan3A_273 : i32
    %scan3A_275 = arith.constant 1 : i32
    %scan3A_276 = scf.for %scan3A_335 = %scan3A_272 to %scan3A_274 step %scan3A_275 iter_args(%scan3A_336 = %scan3A_271) -> (i32)  : i32 {
      %mul3A_337 = arith.constant 16 : i32
      %mul3A_338 = arith.muli %scan3A_335, %mul3A_337 : i32
      %get3A_339 = arith.constant 4 : i32
      %get3A_340 = arith.index_cast %get3A_339 : i32 to index
      %get3A_341 = arith.index_cast %mul3A_338 : i32 to index
      %get3A_342 = tpu.vector_load %arg15[%get3A_340, %get3A_341] {strides = array<i32>} : memref<8x2048xi32, #tpu.memory_space<vmem>>, vector<16xi32>,
      %and3A = arith.constant 2047 : i32
      %and3A_343 = vector.broadcast %and3A : i32 to vector<16xi32>
      %and3A_344 = arith.andi %get3A_342, %and3A_343 : vector<16xi32>
      %mul3A_345 = arith.constant 16 : i32
      %mul3A_346 = arith.muli %scan3A_335, %mul3A_345 : i32
      %get3A_347 = arith.constant 4 : i32
      %get3A_348 = arith.index_cast %get3A_347 : i32 to index
      %get3A_349 = arith.index_cast %mul3A_346 : i32 to index
      %get3A_350 = tpu.vector_load %arg16[%get3A_348, %get3A_349] {strides = array<i32>} : memref<8x2048xi32, #tpu.memory_space<vmem>>, vector<16xi32>,
      %and3A_351 = arith.constant 2047 : i32
      %and3A_352 = vector.broadcast %and3A_351 : i32 to vector<16xi32>
      %and3A_353 = arith.andi %get3A_350, %and3A_352 : vector<16xi32>
      %gather3A = tpu.vector_load_idx %arg14[%broadcast_in_dim3A_270, %and3A_353] : memref<8x2176xf32, #tpu.memory_space<vmem>>[vector<16xi32>, vector<16xi32>], vector<16xf32>,
      %mul3A_354 = arith.constant 16 : i32
      %mul3A_355 = arith.muli %scan3A_335, %mul3A_354 : i32
      %add3A_356 = vector.broadcast %mul3A_355 : i32 to vector<16xi32>
      %add3A_357 = arith.addi %add3A_356, %iota3A : vector<16xi32>
      %lt3A = arith.cmpi slt, %add3A_357, %get3A_1 : vector<16xi32>
      tpu.vector_store_idx %arg13[%broadcast_in_dim3A_270, %and3A_344], %gather3A masked %lt3A : memref<8x2176xf32, #tpu.memory_space<vmem>>[vector<16xi32>, vector<16xi32>], vector<16xf32>, vector<16xi1>
      %scan3A_358 = arith.constant 0 : i32
      scf.yield %scan3A_358 : i32
    }
    %scan3A_277 = arith.constant 128 : i32
    %get3A_278 = arith.constant 5 : i32
    %get3A_279 = arith.index_cast %get3A_278 : i32 to index
    %get3A_280 = arith.constant 2048 : index
    %get3A_281 = tpu.vector_load %arg14[%get3A_279, %get3A_280] {strides = array<i32>} : memref<8x2176xf32, #tpu.memory_space<vmem>>, vector<16xf32>,
    %swap3A_282 = arith.constant 5 : i32
    %swap3A_283 = arith.index_cast %swap3A_282 : i32 to index
    %swap3A_284 = arith.constant 2048 : index
    %swap3A_285 = tpu.vector_load %arg13[%swap3A_283, %swap3A_284] {strides = array<i32>} : memref<8x2176xf32, #tpu.memory_space<vmem>>, vector<16xf32>,
    tpu.vector_store %arg13[%swap3A_283, %swap3A_284], %get3A_281 {strides = array<i32>} : memref<8x2176xf32, #tpu.memory_space<vmem>>, vector<16xf32>,
    %broadcast_in_dim3A_286 = arith.constant 5 : i32
    %broadcast_in_dim3A_287 = vector.broadcast %broadcast_in_dim3A_286 : i32 to vector<16xi32>
    %scan3A_288 = arith.constant 0 : i32
    %scan3A_289 = arith.constant 0 : i32
    %scan3A_290 = arith.constant 128 : i32
    %scan3A_291 = arith.addi %scan3A_289, %scan3A_290 : i32
    %scan3A_292 = arith.constant 1 : i32
    %scan3A_293 = scf.for %scan3A_335 = %scan3A_289 to %scan3A_291 step %scan3A_292 iter_args(%scan3A_336 = %scan3A_288) -> (i32)  : i32 {
      %mul3A_337 = arith.constant 16 : i32
      %mul3A_338 = arith.muli %scan3A_335, %mul3A_337 : i32
      %get3A_339 = arith.constant 5 : i32
      %get3A_340 = arith.index_cast %get3A_339 : i32 to index
      %get3A_341 = arith.index_cast %mul3A_338 : i32 to index
      %get3A_342 = tpu.vector_load %arg15[%get3A_340, %get3A_341] {strides = array<i32>} : memref<8x2048xi32, #tpu.memory_space<vmem>>, vector<16xi32>,
      %and3A = arith.constant 2047 : i32
      %and3A_343 = vector.broadcast %and3A : i32 to vector<16xi32>
      %and3A_344 = arith.andi %get3A_342, %and3A_343 : vector<16xi32>
      %mul3A_345 = arith.constant 16 : i32
      %mul3A_346 = arith.muli %scan3A_335, %mul3A_345 : i32
      %get3A_347 = arith.constant 5 : i32
      %get3A_348 = arith.index_cast %get3A_347 : i32 to index
      %get3A_349 = arith.index_cast %mul3A_346 : i32 to index
      %get3A_350 = tpu.vector_load %arg16[%get3A_348, %get3A_349] {strides = array<i32>} : memref<8x2048xi32, #tpu.memory_space<vmem>>, vector<16xi32>,
      %and3A_351 = arith.constant 2047 : i32
      %and3A_352 = vector.broadcast %and3A_351 : i32 to vector<16xi32>
      %and3A_353 = arith.andi %get3A_350, %and3A_352 : vector<16xi32>
      %gather3A = tpu.vector_load_idx %arg14[%broadcast_in_dim3A_287, %and3A_353] : memref<8x2176xf32, #tpu.memory_space<vmem>>[vector<16xi32>, vector<16xi32>], vector<16xf32>,
      %mul3A_354 = arith.constant 16 : i32
      %mul3A_355 = arith.muli %scan3A_335, %mul3A_354 : i32
      %add3A_356 = vector.broadcast %mul3A_355 : i32 to vector<16xi32>
      %add3A_357 = arith.addi %add3A_356, %iota3A : vector<16xi32>
      %lt3A = arith.cmpi slt, %add3A_357, %get3A_1 : vector<16xi32>
      tpu.vector_store_idx %arg13[%broadcast_in_dim3A_287, %and3A_344], %gather3A masked %lt3A : memref<8x2176xf32, #tpu.memory_space<vmem>>[vector<16xi32>, vector<16xi32>], vector<16xf32>, vector<16xi1>
      %scan3A_358 = arith.constant 0 : i32
      scf.yield %scan3A_358 : i32
    }
    %scan3A_294 = arith.constant 128 : i32
    %get3A_295 = arith.constant 6 : i32
    %get3A_296 = arith.index_cast %get3A_295 : i32 to index
    %get3A_297 = arith.constant 2048 : index
    %get3A_298 = tpu.vector_load %arg14[%get3A_296, %get3A_297] {strides = array<i32>} : memref<8x2176xf32, #tpu.memory_space<vmem>>, vector<16xf32>,
    %swap3A_299 = arith.constant 6 : i32
    %swap3A_300 = arith.index_cast %swap3A_299 : i32 to index
    %swap3A_301 = arith.constant 2048 : index
    %swap3A_302 = tpu.vector_load %arg13[%swap3A_300, %swap3A_301] {strides = array<i32>} : memref<8x2176xf32, #tpu.memory_space<vmem>>, vector<16xf32>,
    tpu.vector_store %arg13[%swap3A_300, %swap3A_301], %get3A_298 {strides = array<i32>} : memref<8x2176xf32, #tpu.memory_space<vmem>>, vector<16xf32>,
    %broadcast_in_dim3A_303 = arith.constant 6 : i32
    %broadcast_in_dim3A_304 = vector.broadcast %broadcast_in_dim3A_303 : i32 to vector<16xi32>
    %scan3A_305 = arith.constant 0 : i32
    %scan3A_306 = arith.constant 0 : i32
    %scan3A_307 = arith.constant 128 : i32
    %scan3A_308 = arith.addi %scan3A_306, %scan3A_307 : i32
    %scan3A_309 = arith.constant 1 : i32
    %scan3A_310 = scf.for %scan3A_335 = %scan3A_306 to %scan3A_308 step %scan3A_309 iter_args(%scan3A_336 = %scan3A_305) -> (i32)  : i32 {
      %mul3A_337 = arith.constant 16 : i32
      %mul3A_338 = arith.muli %scan3A_335, %mul3A_337 : i32
      %get3A_339 = arith.constant 6 : i32
      %get3A_340 = arith.index_cast %get3A_339 : i32 to index
      %get3A_341 = arith.index_cast %mul3A_338 : i32 to index
      %get3A_342 = tpu.vector_load %arg15[%get3A_340, %get3A_341] {strides = array<i32>} : memref<8x2048xi32, #tpu.memory_space<vmem>>, vector<16xi32>,
      %and3A = arith.constant 2047 : i32
      %and3A_343 = vector.broadcast %and3A : i32 to vector<16xi32>
      %and3A_344 = arith.andi %get3A_342, %and3A_343 : vector<16xi32>
      %mul3A_345 = arith.constant 16 : i32
      %mul3A_346 = arith.muli %scan3A_335, %mul3A_345 : i32
      %get3A_347 = arith.constant 6 : i32
      %get3A_348 = arith.index_cast %get3A_347 : i32 to index
      %get3A_349 = arith.index_cast %mul3A_346 : i32 to index
      %get3A_350 = tpu.vector_load %arg16[%get3A_348, %get3A_349] {strides = array<i32>} : memref<8x2048xi32, #tpu.memory_space<vmem>>, vector<16xi32>,
      %and3A_351 = arith.constant 2047 : i32
      %and3A_352 = vector.broadcast %and3A_351 : i32 to vector<16xi32>
      %and3A_353 = arith.andi %get3A_350, %and3A_352 : vector<16xi32>
      %gather3A = tpu.vector_load_idx %arg14[%broadcast_in_dim3A_304, %and3A_353] : memref<8x2176xf32, #tpu.memory_space<vmem>>[vector<16xi32>, vector<16xi32>], vector<16xf32>,
      %mul3A_354 = arith.constant 16 : i32
      %mul3A_355 = arith.muli %scan3A_335, %mul3A_354 : i32
      %add3A_356 = vector.broadcast %mul3A_355 : i32 to vector<16xi32>
      %add3A_357 = arith.addi %add3A_356, %iota3A : vector<16xi32>
      %lt3A = arith.cmpi slt, %add3A_357, %get3A_1 : vector<16xi32>
      tpu.vector_store_idx %arg13[%broadcast_in_dim3A_304, %and3A_344], %gather3A masked %lt3A : memref<8x2176xf32, #tpu.memory_space<vmem>>[vector<16xi32>, vector<16xi32>], vector<16xf32>, vector<16xi1>
      %scan3A_358 = arith.constant 0 : i32
      scf.yield %scan3A_358 : i32
    }
    %scan3A_311 = arith.constant 128 : i32
    %get3A_312 = arith.constant 7 : i32
    %get3A_313 = arith.index_cast %get3A_312 : i32 to index
    %get3A_314 = arith.constant 2048 : index
    %get3A_315 = tpu.vector_load %arg14[%get3A_313, %get3A_314] {strides = array<i32>} : memref<8x2176xf32, #tpu.memory_space<vmem>>, vector<16xf32>,
    %swap3A_316 = arith.constant 7 : i32
    %swap3A_317 = arith.index_cast %swap3A_316 : i32 to index
    %swap3A_318 = arith.constant 2048 : index
    %swap3A_319 = tpu.vector_load %arg13[%swap3A_317, %swap3A_318] {strides = array<i32>} : memref<8x2176xf32, #tpu.memory_space<vmem>>, vector<16xf32>,
    tpu.vector_store %arg13[%swap3A_317, %swap3A_318], %get3A_315 {strides = array<i32>} : memref<8x2176xf32, #tpu.memory_space<vmem>>, vector<16xf32>,
    %broadcast_in_dim3A_320 = arith.constant 7 : i32
    %broadcast_in_dim3A_321 = vector.broadcast %broadcast_in_dim3A_320 : i32 to vector<16xi32>
    %scan3A_322 = arith.constant 0 : i32
    %scan3A_323 = arith.constant 0 : i32
    %scan3A_324 = arith.constant 128 : i32
    %scan3A_325 = arith.addi %scan3A_323, %scan3A_324 : i32
    %scan3A_326 = arith.constant 1 : i32
    %scan3A_327 = scf.for %scan3A_335 = %scan3A_323 to %scan3A_325 step %scan3A_326 iter_args(%scan3A_336 = %scan3A_322) -> (i32)  : i32 {
      %mul3A_337 = arith.constant 16 : i32
      %mul3A_338 = arith.muli %scan3A_335, %mul3A_337 : i32
      %get3A_339 = arith.constant 7 : i32
      %get3A_340 = arith.index_cast %get3A_339 : i32 to index
      %get3A_341 = arith.index_cast %mul3A_338 : i32 to index
      %get3A_342 = tpu.vector_load %arg15[%get3A_340, %get3A_341] {strides = array<i32>} : memref<8x2048xi32, #tpu.memory_space<vmem>>, vector<16xi32>,
      %and3A = arith.constant 2047 : i32
      %and3A_343 = vector.broadcast %and3A : i32 to vector<16xi32>
      %and3A_344 = arith.andi %get3A_342, %and3A_343 : vector<16xi32>
      %mul3A_345 = arith.constant 16 : i32
      %mul3A_346 = arith.muli %scan3A_335, %mul3A_345 : i32
      %get3A_347 = arith.constant 7 : i32
      %get3A_348 = arith.index_cast %get3A_347 : i32 to index
      %get3A_349 = arith.index_cast %mul3A_346 : i32 to index
      %get3A_350 = tpu.vector_load %arg16[%get3A_348, %get3A_349] {strides = array<i32>} : memref<8x2048xi32, #tpu.memory_space<vmem>>, vector<16xi32>,
      %and3A_351 = arith.constant 2047 : i32
      %and3A_352 = vector.broadcast %and3A_351 : i32 to vector<16xi32>
      %and3A_353 = arith.andi %get3A_350, %and3A_352 : vector<16xi32>
      %gather3A = tpu.vector_load_idx %arg14[%broadcast_in_dim3A_321, %and3A_353] : memref<8x2176xf32, #tpu.memory_space<vmem>>[vector<16xi32>, vector<16xi32>], vector<16xf32>,
      %mul3A_354 = arith.constant 16 : i32
      %mul3A_355 = arith.muli %scan3A_335, %mul3A_354 : i32
      %add3A_356 = vector.broadcast %mul3A_355 : i32 to vector<16xi32>
      %add3A_357 = arith.addi %add3A_356, %iota3A : vector<16xi32>
      %lt3A = arith.cmpi slt, %add3A_357, %get3A_1 : vector<16xi32>
      tpu.vector_store_idx %arg13[%broadcast_in_dim3A_321, %and3A_344], %gather3A masked %lt3A : memref<8x2176xf32, #tpu.memory_space<vmem>>[vector<16xi32>, vector<16xi32>], vector<16xf32>, vector<16xi1>
      %scan3A_358 = arith.constant 0 : i32
      scf.yield %scan3A_358 : i32
    }
    %scan3A_328 = arith.constant 128 : i32
    %dma_start3A_329 = arith.constant 0 : i32
    %dma_start3A_330 = arith.constant 0 : i32
    %dma_start3A_331 = tpu.memref_slice %arg7[%dma_start3A_329, %dma_start3A_330] : memref<512x2176xf32, #tpu.memory_space<hbm>> -> memref<512x2176xf32, #tpu.memory_space<hbm>>
    tpu.enqueue_indirect_dma source(%arg13 : memref<8x2176xf32, #tpu.memory_space<vmem>>) target(%dma_start3A_331 : memref<512x2176xf32, #tpu.memory_space<hbm>>) offsets(%arg10 : memref<8xi32, #tpu.memory_space<vmem>>) semaphore(%arg18 : memref<!tpu.dma_semaphore, #tpu.memory_space<semaphore_mem>>)
    %dma_wait3A_332 = arith.constant 0 : i32
    %dma_wait3A_333 = arith.constant 0 : i32
    %dma_wait3A_334 = tpu.memref_slice %arg7[%dma_wait3A_332, %dma_wait3A_333] : memref<512x2176xf32, #tpu.memory_space<hbm>> -> memref<512x2176xf32, #tpu.memory_space<hbm>>
    tpu.wait_indirect_dma semaphore(%arg18 : memref<!tpu.dma_semaphore, #tpu.memory_space<semaphore_mem>>) src(%arg13 : memref<8x2176xf32, #tpu.memory_space<vmem>>) dst(%dma_wait3A_334 : memref<512x2176xf32, #tpu.memory_space<hbm>>)
    return
  }
}

module attributes {stable_mosaic.version = 14 : i64} {
  func.func @_sort_body(%arg0: i32, %arg1: memref<64x2048xf32, #tpu.memory_space<vmem>>, %arg2: memref<64x16xf32, #tpu.memory_space<vmem>>, %arg3: memref<64x2048xi32, #tpu.memory_space<vmem>>, %arg4: memref<64x2176xf32, #tpu.memory_space<vmem>>) attributes {dimension_semantics = [#tpu.dimension_semantics<arbitrary>], iteration_bounds = array<i64: 8>, scalar_prefetch = 0 : i64, scratch_operands = 0 : i64, tpu.core_type = #tpu.core_type<tc>, window_params = [{transform_indices = @transform_0, window_bounds = array<i64: 64, 2048>}, {transform_indices = @transform_1, window_bounds = array<i64: 64, 16>}, {transform_indices = @transform_2, window_bounds = array<i64: 64, 2048>}, {transform_indices = @transform_3, window_bounds = array<i64: 64, 2176>}]} {
    %get3A = arith.constant 0 : index
    %get3A_0 = arith.constant 0 : index
    %get3A_1 = vector.load %arg1[%get3A, %get3A_0] : memref<64x2048xf32, #tpu.memory_space<vmem>>, vector<64x2048xf32>
    %bitcast_convert_type3A = tpu.bitcast %get3A_1 : vector<64x2048xf32> -> vector<64x2048xi32>
    %lt3A = arith.constant 0 : i32
    %lt3A_2 = vector.broadcast %lt3A : i32 to vector<64x2048xi32>
    %lt3A_3 = arith.cmpi slt, %bitcast_convert_type3A, %lt3A_2 : vector<64x2048xi32>
    %sub3A = arith.constant -2147483648 : i32
    %sub3A_4 = vector.broadcast %sub3A : i32 to vector<64x2048xi32>
    %sub3A_5 = arith.subi %sub3A_4, %bitcast_convert_type3A : vector<64x2048xi32>
    %select_n3A = arith.select %lt3A_3, %sub3A_5, %bitcast_convert_type3A : vector<64x2048xi1>, vector<64x2048xi32>
    %neg3A = arith.constant 0 : i32
    %neg3A_6 = vector.broadcast %neg3A : i32 to vector<64x2048xi32>
    %neg3A_7 = arith.subi %neg3A_6, %select_n3A : vector<64x2048xi32>
    %and3A = arith.constant -2048 : i32
    %and3A_8 = vector.broadcast %and3A : i32 to vector<64x2048xi32>
    %and3A_9 = arith.andi %neg3A_7, %and3A_8 : vector<64x2048xi32>
    %iota3A = tpu.iota {dimensions = array<i32: 1>} : vector<64x2048xi32>
    %or3A = arith.ori %and3A_9, %iota3A : vector<64x2048xi32>
    %iota3A_10 = tpu.iota {dimensions = array<i32: 1>} : vector<1x2048xi32>
    %shift_right_arithmetic3A = arith.constant 0 : i32
    %shift_right_arithmetic3A_11 = vector.broadcast %shift_right_arithmetic3A : i32 to vector<1x2048xi32>
    %shift_right_arithmetic3A_12 = arith.shrsi %iota3A_10, %shift_right_arithmetic3A_11 : vector<1x2048xi32>
    %and3A_13 = arith.constant 1 : i32
    %and3A_14 = vector.broadcast %and3A_13 : i32 to vector<1x2048xi32>
    %and3A_15 = arith.andi %shift_right_arithmetic3A_12, %and3A_14 : vector<1x2048xi32>
    %shift_right_arithmetic3A_16 = arith.constant 1 : i32
    %shift_right_arithmetic3A_17 = vector.broadcast %shift_right_arithmetic3A_16 : i32 to vector<1x2048xi32>
    %shift_right_arithmetic3A_18 = arith.shrsi %iota3A_10, %shift_right_arithmetic3A_17 : vector<1x2048xi32>
    %and3A_19 = arith.constant 1 : i32
    %and3A_20 = vector.broadcast %and3A_19 : i32 to vector<1x2048xi32>
    %and3A_21 = arith.andi %shift_right_arithmetic3A_18, %and3A_20 : vector<1x2048xi32>
    %xor3A = arith.xori %and3A_15, %and3A_21 : vector<1x2048xi32>
    %neg3A_22 = arith.constant 0 : i32
    %neg3A_23 = vector.broadcast %neg3A_22 : i32 to vector<1x2048xi32>
    %neg3A_24 = arith.subi %neg3A_23, %xor3A : vector<1x2048xi32>
    %roll3A = arith.constant 2047 : i32
    %roll3A_25 = tpu.dynamic_rotate %or3A by %roll3A dim 1 : vector<64x2048xi32>, i32 -> vector<64x2048xi32>
    %roll3A_26 = arith.constant 1 : i32
    %roll3A_27 = tpu.dynamic_rotate %or3A by %roll3A_26 dim 1 : vector<64x2048xi32>, i32 -> vector<64x2048xi32>
    %sub3A_28 = arith.subi %roll3A_27, %roll3A_25 : vector<64x2048xi32>
    %mul3A = vector.broadcast %and3A_15 : vector<1x2048xi32> to vector<64x2048xi32>
    %mul3A_29 = arith.muli %sub3A_28, %mul3A : vector<64x2048xi32>
    %add3A = arith.addi %roll3A_25, %mul3A_29 : vector<64x2048xi32>
    %xor3A_30 = vector.broadcast %neg3A_24 : vector<1x2048xi32> to vector<64x2048xi32>
    %xor3A_31 = arith.xori %add3A, %xor3A_30 : vector<64x2048xi32>
    %xor3A_32 = vector.broadcast %neg3A_24 : vector<1x2048xi32> to vector<64x2048xi32>
    %xor3A_33 = arith.xori %or3A, %xor3A_32 : vector<64x2048xi32>
    %lt3A_34 = arith.cmpi slt, %xor3A_31, %xor3A_33 : vector<64x2048xi32>
    %select_n3A_35 = arith.select %lt3A_34, %add3A, %or3A : vector<64x2048xi1>, vector<64x2048xi32>
    %shift_right_arithmetic3A_36 = arith.constant 1 : i32
    %shift_right_arithmetic3A_37 = vector.broadcast %shift_right_arithmetic3A_36 : i32 to vector<1x2048xi32>
    %shift_right_arithmetic3A_38 = arith.shrsi %iota3A_10, %shift_right_arithmetic3A_37 : vector<1x2048xi32>
    %and3A_39 = arith.constant 1 : i32
    %and3A_40 = vector.broadcast %and3A_39 : i32 to vector<1x2048xi32>
    %and3A_41 = arith.andi %shift_right_arithmetic3A_38, %and3A_40 : vector<1x2048xi32>
    %shift_right_arithmetic3A_42 = arith.constant 2 : i32
    %shift_right_arithmetic3A_43 = vector.broadcast %shift_right_arithmetic3A_42 : i32 to vector<1x2048xi32>
    %shift_right_arithmetic3A_44 = arith.shrsi %iota3A_10, %shift_right_arithmetic3A_43 : vector<1x2048xi32>
    %and3A_45 = arith.constant 1 : i32
    %and3A_46 = vector.broadcast %and3A_45 : i32 to vector<1x2048xi32>
    %and3A_47 = arith.andi %shift_right_arithmetic3A_44, %and3A_46 : vector<1x2048xi32>
    %xor3A_48 = arith.xori %and3A_41, %and3A_47 : vector<1x2048xi32>
    %neg3A_49 = arith.constant 0 : i32
    %neg3A_50 = vector.broadcast %neg3A_49 : i32 to vector<1x2048xi32>
    %neg3A_51 = arith.subi %neg3A_50, %xor3A_48 : vector<1x2048xi32>
    %roll3A_52 = arith.constant 2046 : i32
    %roll3A_53 = tpu.dynamic_rotate %select_n3A_35 by %roll3A_52 dim 1 : vector<64x2048xi32>, i32 -> vector<64x2048xi32>
    %roll3A_54 = arith.constant 2 : i32
    %roll3A_55 = tpu.dynamic_rotate %select_n3A_35 by %roll3A_54 dim 1 : vector<64x2048xi32>, i32 -> vector<64x2048xi32>
    %sub3A_56 = arith.subi %roll3A_55, %roll3A_53 : vector<64x2048xi32>
    %mul3A_57 = vector.broadcast %and3A_41 : vector<1x2048xi32> to vector<64x2048xi32>
    %mul3A_58 = arith.muli %sub3A_56, %mul3A_57 : vector<64x2048xi32>
    %add3A_59 = arith.addi %roll3A_53, %mul3A_58 : vector<64x2048xi32>
    %xor3A_60 = vector.broadcast %neg3A_51 : vector<1x2048xi32> to vector<64x2048xi32>
    %xor3A_61 = arith.xori %add3A_59, %xor3A_60 : vector<64x2048xi32>
    %xor3A_62 = vector.broadcast %neg3A_51 : vector<1x2048xi32> to vector<64x2048xi32>
    %xor3A_63 = arith.xori %select_n3A_35, %xor3A_62 : vector<64x2048xi32>
    %lt3A_64 = arith.cmpi slt, %xor3A_61, %xor3A_63 : vector<64x2048xi32>
    %select_n3A_65 = arith.select %lt3A_64, %add3A_59, %select_n3A_35 : vector<64x2048xi1>, vector<64x2048xi32>
    %shift_right_arithmetic3A_66 = arith.constant 0 : i32
    %shift_right_arithmetic3A_67 = vector.broadcast %shift_right_arithmetic3A_66 : i32 to vector<1x2048xi32>
    %shift_right_arithmetic3A_68 = arith.shrsi %iota3A_10, %shift_right_arithmetic3A_67 : vector<1x2048xi32>
    %and3A_69 = arith.constant 1 : i32
    %and3A_70 = vector.broadcast %and3A_69 : i32 to vector<1x2048xi32>
    %and3A_71 = arith.andi %shift_right_arithmetic3A_68, %and3A_70 : vector<1x2048xi32>
    %shift_right_arithmetic3A_72 = arith.constant 2 : i32
    %shift_right_arithmetic3A_73 = vector.broadcast %shift_right_arithmetic3A_72 : i32 to vector<1x2048xi32>
    %shift_right_arithmetic3A_74 = arith.shrsi %iota3A_10, %shift_right_arithmetic3A_73 : vector<1x2048xi32>
    %and3A_75 = arith.constant 1 : i32
    %and3A_76 = vector.broadcast %and3A_75 : i32 to vector<1x2048xi32>
    %and3A_77 = arith.andi %shift_right_arithmetic3A_74, %and3A_76 : vector<1x2048xi32>
    %xor3A_78 = arith.xori %and3A_71, %and3A_77 : vector<1x2048xi32>
    %neg3A_79 = arith.constant 0 : i32
    %neg3A_80 = vector.broadcast %neg3A_79 : i32 to vector<1x2048xi32>
    %neg3A_81 = arith.subi %neg3A_80, %xor3A_78 : vector<1x2048xi32>
    %roll3A_82 = arith.constant 2047 : i32
    %roll3A_83 = tpu.dynamic_rotate %select_n3A_65 by %roll3A_82 dim 1 : vector<64x2048xi32>, i32 -> vector<64x2048xi32>
    %roll3A_84 = arith.constant 1 : i32
    %roll3A_85 = tpu.dynamic_rotate %select_n3A_65 by %roll3A_84 dim 1 : vector<64x2048xi32>, i32 -> vector<64x2048xi32>
    %sub3A_86 = arith.subi %roll3A_85, %roll3A_83 : vector<64x2048xi32>
    %mul3A_87 = vector.broadcast %and3A_71 : vector<1x2048xi32> to vector<64x2048xi32>
    %mul3A_88 = arith.muli %sub3A_86, %mul3A_87 : vector<64x2048xi32>
    %add3A_89 = arith.addi %roll3A_83, %mul3A_88 : vector<64x2048xi32>
    %xor3A_90 = vector.broadcast %neg3A_81 : vector<1x2048xi32> to vector<64x2048xi32>
    %xor3A_91 = arith.xori %add3A_89, %xor3A_90 : vector<64x2048xi32>
    %xor3A_92 = vector.broadcast %neg3A_81 : vector<1x2048xi32> to vector<64x2048xi32>
    %xor3A_93 = arith.xori %select_n3A_65, %xor3A_92 : vector<64x2048xi32>
    %lt3A_94 = arith.cmpi slt, %xor3A_91, %xor3A_93 : vector<64x2048xi32>
    %select_n3A_95 = arith.select %lt3A_94, %add3A_89, %select_n3A_65 : vector<64x2048xi1>, vector<64x2048xi32>
    %shift_right_arithmetic3A_96 = arith.constant 2 : i32
    %shift_right_arithmetic3A_97 = vector.broadcast %shift_right_arithmetic3A_96 : i32 to vector<1x2048xi32>
    %shift_right_arithmetic3A_98 = arith.shrsi %iota3A_10, %shift_right_arithmetic3A_97 : vector<1x2048xi32>
    %and3A_99 = arith.constant 1 : i32
    %and3A_100 = vector.broadcast %and3A_99 : i32 to vector<1x2048xi32>
    %and3A_101 = arith.andi %shift_right_arithmetic3A_98, %and3A_100 : vector<1x2048xi32>
    %shift_right_arithmetic3A_102 = arith.constant 3 : i32
    %shift_right_arithmetic3A_103 = vector.broadcast %shift_right_arithmetic3A_102 : i32 to vector<1x2048xi32>
    %shift_right_arithmetic3A_104 = arith.shrsi %iota3A_10, %shift_right_arithmetic3A_103 : vector<1x2048xi32>
    %and3A_105 = arith.constant 1 : i32
    %and3A_106 = vector.broadcast %and3A_105 : i32 to vector<1x2048xi32>
    %and3A_107 = arith.andi %shift_right_arithmetic3A_104, %and3A_106 : vector<1x2048xi32>
    %xor3A_108 = arith.xori %and3A_101, %and3A_107 : vector<1x2048xi32>
    %neg3A_109 = arith.constant 0 : i32
    %neg3A_110 = vector.broadcast %neg3A_109 : i32 to vector<1x2048xi32>
    %neg3A_111 = arith.subi %neg3A_110, %xor3A_108 : vector<1x2048xi32>
    %roll3A_112 = arith.constant 2044 : i32
    %roll3A_113 = tpu.dynamic_rotate %select_n3A_95 by %roll3A_112 dim 1 : vector<64x2048xi32>, i32 -> vector<64x2048xi32>
    %roll3A_114 = arith.constant 4 : i32
    %roll3A_115 = tpu.dynamic_rotate %select_n3A_95 by %roll3A_114 dim 1 : vector<64x2048xi32>, i32 -> vector<64x2048xi32>
    %sub3A_116 = arith.subi %roll3A_115, %roll3A_113 : vector<64x2048xi32>
    %mul3A_117 = vector.broadcast %and3A_101 : vector<1x2048xi32> to vector<64x2048xi32>
    %mul3A_118 = arith.muli %sub3A_116, %mul3A_117 : vector<64x2048xi32>
    %add3A_119 = arith.addi %roll3A_113, %mul3A_118 : vector<64x2048xi32>
    %xor3A_120 = vector.broadcast %neg3A_111 : vector<1x2048xi32> to vector<64x2048xi32>
    %xor3A_121 = arith.xori %add3A_119, %xor3A_120 : vector<64x2048xi32>
    %xor3A_122 = vector.broadcast %neg3A_111 : vector<1x2048xi32> to vector<64x2048xi32>
    %xor3A_123 = arith.xori %select_n3A_95, %xor3A_122 : vector<64x2048xi32>
    %lt3A_124 = arith.cmpi slt, %xor3A_121, %xor3A_123 : vector<64x2048xi32>
    %select_n3A_125 = arith.select %lt3A_124, %add3A_119, %select_n3A_95 : vector<64x2048xi1>, vector<64x2048xi32>
    %shift_right_arithmetic3A_126 = arith.constant 1 : i32
    %shift_right_arithmetic3A_127 = vector.broadcast %shift_right_arithmetic3A_126 : i32 to vector<1x2048xi32>
    %shift_right_arithmetic3A_128 = arith.shrsi %iota3A_10, %shift_right_arithmetic3A_127 : vector<1x2048xi32>
    %and3A_129 = arith.constant 1 : i32
    %and3A_130 = vector.broadcast %and3A_129 : i32 to vector<1x2048xi32>
    %and3A_131 = arith.andi %shift_right_arithmetic3A_128, %and3A_130 : vector<1x2048xi32>
    %shift_right_arithmetic3A_132 = arith.constant 3 : i32
    %shift_right_arithmetic3A_133 = vector.broadcast %shift_right_arithmetic3A_132 : i32 to vector<1x2048xi32>
    %shift_right_arithmetic3A_134 = arith.shrsi %iota3A_10, %shift_right_arithmetic3A_133 : vector<1x2048xi32>
    %and3A_135 = arith.constant 1 : i32
    %and3A_136 = vector.broadcast %and3A_135 : i32 to vector<1x2048xi32>
    %and3A_137 = arith.andi %shift_right_arithmetic3A_134, %and3A_136 : vector<1x2048xi32>
    %xor3A_138 = arith.xori %and3A_131, %and3A_137 : vector<1x2048xi32>
    %neg3A_139 = arith.constant 0 : i32
    %neg3A_140 = vector.broadcast %neg3A_139 : i32 to vector<1x2048xi32>
    %neg3A_141 = arith.subi %neg3A_140, %xor3A_138 : vector<1x2048xi32>
    %roll3A_142 = arith.constant 2046 : i32
    %roll3A_143 = tpu.dynamic_rotate %select_n3A_125 by %roll3A_142 dim 1 : vector<64x2048xi32>, i32 -> vector<64x2048xi32>
    %roll3A_144 = arith.constant 2 : i32
    %roll3A_145 = tpu.dynamic_rotate %select_n3A_125 by %roll3A_144 dim 1 : vector<64x2048xi32>, i32 -> vector<64x2048xi32>
    %sub3A_146 = arith.subi %roll3A_145, %roll3A_143 : vector<64x2048xi32>
    %mul3A_147 = vector.broadcast %and3A_131 : vector<1x2048xi32> to vector<64x2048xi32>
    %mul3A_148 = arith.muli %sub3A_146, %mul3A_147 : vector<64x2048xi32>
    %add3A_149 = arith.addi %roll3A_143, %mul3A_148 : vector<64x2048xi32>
    %xor3A_150 = vector.broadcast %neg3A_141 : vector<1x2048xi32> to vector<64x2048xi32>
    %xor3A_151 = arith.xori %add3A_149, %xor3A_150 : vector<64x2048xi32>
    %xor3A_152 = vector.broadcast %neg3A_141 : vector<1x2048xi32> to vector<64x2048xi32>
    %xor3A_153 = arith.xori %select_n3A_125, %xor3A_152 : vector<64x2048xi32>
    %lt3A_154 = arith.cmpi slt, %xor3A_151, %xor3A_153 : vector<64x2048xi32>
    %select_n3A_155 = arith.select %lt3A_154, %add3A_149, %select_n3A_125 : vector<64x2048xi1>, vector<64x2048xi32>
    %shift_right_arithmetic3A_156 = arith.constant 0 : i32
    %shift_right_arithmetic3A_157 = vector.broadcast %shift_right_arithmetic3A_156 : i32 to vector<1x2048xi32>
    %shift_right_arithmetic3A_158 = arith.shrsi %iota3A_10, %shift_right_arithmetic3A_157 : vector<1x2048xi32>
    %and3A_159 = arith.constant 1 : i32
    %and3A_160 = vector.broadcast %and3A_159 : i32 to vector<1x2048xi32>
    %and3A_161 = arith.andi %shift_right_arithmetic3A_158, %and3A_160 : vector<1x2048xi32>
    %shift_right_arithmetic3A_162 = arith.constant 3 : i32
    %shift_right_arithmetic3A_163 = vector.broadcast %shift_right_arithmetic3A_162 : i32 to vector<1x2048xi32>
    %shift_right_arithmetic3A_164 = arith.shrsi %iota3A_10, %shift_right_arithmetic3A_163 : vector<1x2048xi32>
    %and3A_165 = arith.constant 1 : i32
    %and3A_166 = vector.broadcast %and3A_165 : i32 to vector<1x2048xi32>
    %and3A_167 = arith.andi %shift_right_arithmetic3A_164, %and3A_166 : vector<1x2048xi32>
    %xor3A_168 = arith.xori %and3A_161, %and3A_167 : vector<1x2048xi32>
    %neg3A_169 = arith.constant 0 : i32
    %neg3A_170 = vector.broadcast %neg3A_169 : i32 to vector<1x2048xi32>
    %neg3A_171 = arith.subi %neg3A_170, %xor3A_168 : vector<1x2048xi32>
    %roll3A_172 = arith.constant 2047 : i32
    %roll3A_173 = tpu.dynamic_rotate %select_n3A_155 by %roll3A_172 dim 1 : vector<64x2048xi32>, i32 -> vector<64x2048xi32>
    %roll3A_174 = arith.constant 1 : i32
    %roll3A_175 = tpu.dynamic_rotate %select_n3A_155 by %roll3A_174 dim 1 : vector<64x2048xi32>, i32 -> vector<64x2048xi32>
    %sub3A_176 = arith.subi %roll3A_175, %roll3A_173 : vector<64x2048xi32>
    %mul3A_177 = vector.broadcast %and3A_161 : vector<1x2048xi32> to vector<64x2048xi32>
    %mul3A_178 = arith.muli %sub3A_176, %mul3A_177 : vector<64x2048xi32>
    %add3A_179 = arith.addi %roll3A_173, %mul3A_178 : vector<64x2048xi32>
    %xor3A_180 = vector.broadcast %neg3A_171 : vector<1x2048xi32> to vector<64x2048xi32>
    %xor3A_181 = arith.xori %add3A_179, %xor3A_180 : vector<64x2048xi32>
    %xor3A_182 = vector.broadcast %neg3A_171 : vector<1x2048xi32> to vector<64x2048xi32>
    %xor3A_183 = arith.xori %select_n3A_155, %xor3A_182 : vector<64x2048xi32>
    %lt3A_184 = arith.cmpi slt, %xor3A_181, %xor3A_183 : vector<64x2048xi32>
    %select_n3A_185 = arith.select %lt3A_184, %add3A_179, %select_n3A_155 : vector<64x2048xi1>, vector<64x2048xi32>
    %shift_right_arithmetic3A_186 = arith.constant 3 : i32
    %shift_right_arithmetic3A_187 = vector.broadcast %shift_right_arithmetic3A_186 : i32 to vector<1x2048xi32>
    %shift_right_arithmetic3A_188 = arith.shrsi %iota3A_10, %shift_right_arithmetic3A_187 : vector<1x2048xi32>
    %and3A_189 = arith.constant 1 : i32
    %and3A_190 = vector.broadcast %and3A_189 : i32 to vector<1x2048xi32>
    %and3A_191 = arith.andi %shift_right_arithmetic3A_188, %and3A_190 : vector<1x2048xi32>
    %shift_right_arithmetic3A_192 = arith.constant 4 : i32
    %shift_right_arithmetic3A_193 = vector.broadcast %shift_right_arithmetic3A_192 : i32 to vector<1x2048xi32>
    %shift_right_arithmetic3A_194 = arith.shrsi %iota3A_10, %shift_right_arithmetic3A_193 : vector<1x2048xi32>
    %and3A_195 = arith.constant 1 : i32
    %and3A_196 = vector.broadcast %and3A_195 : i32 to vector<1x2048xi32>
    %and3A_197 = arith.andi %shift_right_arithmetic3A_194, %and3A_196 : vector<1x2048xi32>
    %xor3A_198 = arith.xori %and3A_191, %and3A_197 : vector<1x2048xi32>
    %neg3A_199 = arith.constant 0 : i32
    %neg3A_200 = vector.broadcast %neg3A_199 : i32 to vector<1x2048xi32>
    %neg3A_201 = arith.subi %neg3A_200, %xor3A_198 : vector<1x2048xi32>
    %roll3A_202 = arith.constant 2040 : i32
    %roll3A_203 = tpu.dynamic_rotate %select_n3A_185 by %roll3A_202 dim 1 : vector<64x2048xi32>, i32 -> vector<64x2048xi32>
    %roll3A_204 = arith.constant 8 : i32
    %roll3A_205 = tpu.dynamic_rotate %select_n3A_185 by %roll3A_204 dim 1 : vector<64x2048xi32>, i32 -> vector<64x2048xi32>
    %sub3A_206 = arith.subi %roll3A_205, %roll3A_203 : vector<64x2048xi32>
    %mul3A_207 = vector.broadcast %and3A_191 : vector<1x2048xi32> to vector<64x2048xi32>
    %mul3A_208 = arith.muli %sub3A_206, %mul3A_207 : vector<64x2048xi32>
    %add3A_209 = arith.addi %roll3A_203, %mul3A_208 : vector<64x2048xi32>
    %xor3A_210 = vector.broadcast %neg3A_201 : vector<1x2048xi32> to vector<64x2048xi32>
    %xor3A_211 = arith.xori %add3A_209, %xor3A_210 : vector<64x2048xi32>
    %xor3A_212 = vector.broadcast %neg3A_201 : vector<1x2048xi32> to vector<64x2048xi32>
    %xor3A_213 = arith.xori %select_n3A_185, %xor3A_212 : vector<64x2048xi32>
    %lt3A_214 = arith.cmpi slt, %xor3A_211, %xor3A_213 : vector<64x2048xi32>
    %select_n3A_215 = arith.select %lt3A_214, %add3A_209, %select_n3A_185 : vector<64x2048xi1>, vector<64x2048xi32>
    %shift_right_arithmetic3A_216 = arith.constant 2 : i32
    %shift_right_arithmetic3A_217 = vector.broadcast %shift_right_arithmetic3A_216 : i32 to vector<1x2048xi32>
    %shift_right_arithmetic3A_218 = arith.shrsi %iota3A_10, %shift_right_arithmetic3A_217 : vector<1x2048xi32>
    %and3A_219 = arith.constant 1 : i32
    %and3A_220 = vector.broadcast %and3A_219 : i32 to vector<1x2048xi32>
    %and3A_221 = arith.andi %shift_right_arithmetic3A_218, %and3A_220 : vector<1x2048xi32>
    %shift_right_arithmetic3A_222 = arith.constant 4 : i32
    %shift_right_arithmetic3A_223 = vector.broadcast %shift_right_arithmetic3A_222 : i32 to vector<1x2048xi32>
    %shift_right_arithmetic3A_224 = arith.shrsi %iota3A_10, %shift_right_arithmetic3A_223 : vector<1x2048xi32>
    %and3A_225 = arith.constant 1 : i32
    %and3A_226 = vector.broadcast %and3A_225 : i32 to vector<1x2048xi32>
    %and3A_227 = arith.andi %shift_right_arithmetic3A_224, %and3A_226 : vector<1x2048xi32>
    %xor3A_228 = arith.xori %and3A_221, %and3A_227 : vector<1x2048xi32>
    %neg3A_229 = arith.constant 0 : i32
    %neg3A_230 = vector.broadcast %neg3A_229 : i32 to vector<1x2048xi32>
    %neg3A_231 = arith.subi %neg3A_230, %xor3A_228 : vector<1x2048xi32>
    %roll3A_232 = arith.constant 2044 : i32
    %roll3A_233 = tpu.dynamic_rotate %select_n3A_215 by %roll3A_232 dim 1 : vector<64x2048xi32>, i32 -> vector<64x2048xi32>
    %roll3A_234 = arith.constant 4 : i32
    %roll3A_235 = tpu.dynamic_rotate %select_n3A_215 by %roll3A_234 dim 1 : vector<64x2048xi32>, i32 -> vector<64x2048xi32>
    %sub3A_236 = arith.subi %roll3A_235, %roll3A_233 : vector<64x2048xi32>
    %mul3A_237 = vector.broadcast %and3A_221 : vector<1x2048xi32> to vector<64x2048xi32>
    %mul3A_238 = arith.muli %sub3A_236, %mul3A_237 : vector<64x2048xi32>
    %add3A_239 = arith.addi %roll3A_233, %mul3A_238 : vector<64x2048xi32>
    %xor3A_240 = vector.broadcast %neg3A_231 : vector<1x2048xi32> to vector<64x2048xi32>
    %xor3A_241 = arith.xori %add3A_239, %xor3A_240 : vector<64x2048xi32>
    %xor3A_242 = vector.broadcast %neg3A_231 : vector<1x2048xi32> to vector<64x2048xi32>
    %xor3A_243 = arith.xori %select_n3A_215, %xor3A_242 : vector<64x2048xi32>
    %lt3A_244 = arith.cmpi slt, %xor3A_241, %xor3A_243 : vector<64x2048xi32>
    %select_n3A_245 = arith.select %lt3A_244, %add3A_239, %select_n3A_215 : vector<64x2048xi1>, vector<64x2048xi32>
    %shift_right_arithmetic3A_246 = arith.constant 1 : i32
    %shift_right_arithmetic3A_247 = vector.broadcast %shift_right_arithmetic3A_246 : i32 to vector<1x2048xi32>
    %shift_right_arithmetic3A_248 = arith.shrsi %iota3A_10, %shift_right_arithmetic3A_247 : vector<1x2048xi32>
    %and3A_249 = arith.constant 1 : i32
    %and3A_250 = vector.broadcast %and3A_249 : i32 to vector<1x2048xi32>
    %and3A_251 = arith.andi %shift_right_arithmetic3A_248, %and3A_250 : vector<1x2048xi32>
    %shift_right_arithmetic3A_252 = arith.constant 4 : i32
    %shift_right_arithmetic3A_253 = vector.broadcast %shift_right_arithmetic3A_252 : i32 to vector<1x2048xi32>
    %shift_right_arithmetic3A_254 = arith.shrsi %iota3A_10, %shift_right_arithmetic3A_253 : vector<1x2048xi32>
    %and3A_255 = arith.constant 1 : i32
    %and3A_256 = vector.broadcast %and3A_255 : i32 to vector<1x2048xi32>
    %and3A_257 = arith.andi %shift_right_arithmetic3A_254, %and3A_256 : vector<1x2048xi32>
    %xor3A_258 = arith.xori %and3A_251, %and3A_257 : vector<1x2048xi32>
    %neg3A_259 = arith.constant 0 : i32
    %neg3A_260 = vector.broadcast %neg3A_259 : i32 to vector<1x2048xi32>
    %neg3A_261 = arith.subi %neg3A_260, %xor3A_258 : vector<1x2048xi32>
    %roll3A_262 = arith.constant 2046 : i32
    %roll3A_263 = tpu.dynamic_rotate %select_n3A_245 by %roll3A_262 dim 1 : vector<64x2048xi32>, i32 -> vector<64x2048xi32>
    %roll3A_264 = arith.constant 2 : i32
    %roll3A_265 = tpu.dynamic_rotate %select_n3A_245 by %roll3A_264 dim 1 : vector<64x2048xi32>, i32 -> vector<64x2048xi32>
    %sub3A_266 = arith.subi %roll3A_265, %roll3A_263 : vector<64x2048xi32>
    %mul3A_267 = vector.broadcast %and3A_251 : vector<1x2048xi32> to vector<64x2048xi32>
    %mul3A_268 = arith.muli %sub3A_266, %mul3A_267 : vector<64x2048xi32>
    %add3A_269 = arith.addi %roll3A_263, %mul3A_268 : vector<64x2048xi32>
    %xor3A_270 = vector.broadcast %neg3A_261 : vector<1x2048xi32> to vector<64x2048xi32>
    %xor3A_271 = arith.xori %add3A_269, %xor3A_270 : vector<64x2048xi32>
    %xor3A_272 = vector.broadcast %neg3A_261 : vector<1x2048xi32> to vector<64x2048xi32>
    %xor3A_273 = arith.xori %select_n3A_245, %xor3A_272 : vector<64x2048xi32>
    %lt3A_274 = arith.cmpi slt, %xor3A_271, %xor3A_273 : vector<64x2048xi32>
    %select_n3A_275 = arith.select %lt3A_274, %add3A_269, %select_n3A_245 : vector<64x2048xi1>, vector<64x2048xi32>
    %shift_right_arithmetic3A_276 = arith.constant 0 : i32
    %shift_right_arithmetic3A_277 = vector.broadcast %shift_right_arithmetic3A_276 : i32 to vector<1x2048xi32>
    %shift_right_arithmetic3A_278 = arith.shrsi %iota3A_10, %shift_right_arithmetic3A_277 : vector<1x2048xi32>
    %and3A_279 = arith.constant 1 : i32
    %and3A_280 = vector.broadcast %and3A_279 : i32 to vector<1x2048xi32>
    %and3A_281 = arith.andi %shift_right_arithmetic3A_278, %and3A_280 : vector<1x2048xi32>
    %shift_right_arithmetic3A_282 = arith.constant 4 : i32
    %shift_right_arithmetic3A_283 = vector.broadcast %shift_right_arithmetic3A_282 : i32 to vector<1x2048xi32>
    %shift_right_arithmetic3A_284 = arith.shrsi %iota3A_10, %shift_right_arithmetic3A_283 : vector<1x2048xi32>
    %and3A_285 = arith.constant 1 : i32
    %and3A_286 = vector.broadcast %and3A_285 : i32 to vector<1x2048xi32>
    %and3A_287 = arith.andi %shift_right_arithmetic3A_284, %and3A_286 : vector<1x2048xi32>
    %xor3A_288 = arith.xori %and3A_281, %and3A_287 : vector<1x2048xi32>
    %neg3A_289 = arith.constant 0 : i32
    %neg3A_290 = vector.broadcast %neg3A_289 : i32 to vector<1x2048xi32>
    %neg3A_291 = arith.subi %neg3A_290, %xor3A_288 : vector<1x2048xi32>
    %roll3A_292 = arith.constant 2047 : i32
    %roll3A_293 = tpu.dynamic_rotate %select_n3A_275 by %roll3A_292 dim 1 : vector<64x2048xi32>, i32 -> vector<64x2048xi32>
    %roll3A_294 = arith.constant 1 : i32
    %roll3A_295 = tpu.dynamic_rotate %select_n3A_275 by %roll3A_294 dim 1 : vector<64x2048xi32>, i32 -> vector<64x2048xi32>
    %sub3A_296 = arith.subi %roll3A_295, %roll3A_293 : vector<64x2048xi32>
    %mul3A_297 = vector.broadcast %and3A_281 : vector<1x2048xi32> to vector<64x2048xi32>
    %mul3A_298 = arith.muli %sub3A_296, %mul3A_297 : vector<64x2048xi32>
    %add3A_299 = arith.addi %roll3A_293, %mul3A_298 : vector<64x2048xi32>
    %xor3A_300 = vector.broadcast %neg3A_291 : vector<1x2048xi32> to vector<64x2048xi32>
    %xor3A_301 = arith.xori %add3A_299, %xor3A_300 : vector<64x2048xi32>
    %xor3A_302 = vector.broadcast %neg3A_291 : vector<1x2048xi32> to vector<64x2048xi32>
    %xor3A_303 = arith.xori %select_n3A_275, %xor3A_302 : vector<64x2048xi32>
    %lt3A_304 = arith.cmpi slt, %xor3A_301, %xor3A_303 : vector<64x2048xi32>
    %select_n3A_305 = arith.select %lt3A_304, %add3A_299, %select_n3A_275 : vector<64x2048xi1>, vector<64x2048xi32>
    %shift_right_arithmetic3A_306 = arith.constant 4 : i32
    %shift_right_arithmetic3A_307 = vector.broadcast %shift_right_arithmetic3A_306 : i32 to vector<1x2048xi32>
    %shift_right_arithmetic3A_308 = arith.shrsi %iota3A_10, %shift_right_arithmetic3A_307 : vector<1x2048xi32>
    %and3A_309 = arith.constant 1 : i32
    %and3A_310 = vector.broadcast %and3A_309 : i32 to vector<1x2048xi32>
    %and3A_311 = arith.andi %shift_right_arithmetic3A_308, %and3A_310 : vector<1x2048xi32>
    %shift_right_arithmetic3A_312 = arith.constant 5 : i32
    %shift_right_arithmetic3A_313 = vector.broadcast %shift_right_arithmetic3A_312 : i32 to vector<1x2048xi32>
    %shift_right_arithmetic3A_314 = arith.shrsi %iota3A_10, %shift_right_arithmetic3A_313 : vector<1x2048xi32>
    %and3A_315 = arith.constant 1 : i32
    %and3A_316 = vector.broadcast %and3A_315 : i32 to vector<1x2048xi32>
    %and3A_317 = arith.andi %shift_right_arithmetic3A_314, %and3A_316 : vector<1x2048xi32>
    %xor3A_318 = arith.xori %and3A_311, %and3A_317 : vector<1x2048xi32>
    %neg3A_319 = arith.constant 0 : i32
    %neg3A_320 = vector.broadcast %neg3A_319 : i32 to vector<1x2048xi32>
    %neg3A_321 = arith.subi %neg3A_320, %xor3A_318 : vector<1x2048xi32>
    %roll3A_322 = arith.constant 2032 : i32
    %roll3A_323 = tpu.dynamic_rotate %select_n3A_305 by %roll3A_322 dim 1 : vector<64x2048xi32>, i32 -> vector<64x2048xi32>
    %roll3A_324 = arith.constant 16 : i32
    %roll3A_325 = tpu.dynamic_rotate %select_n3A_305 by %roll3A_324 dim 1 : vector<64x2048xi32>, i32 -> vector<64x2048xi32>
    %sub3A_326 = arith.subi %roll3A_325, %roll3A_323 : vector<64x2048xi32>
    %mul3A_327 = vector.broadcast %and3A_311 : vector<1x2048xi32> to vector<64x2048xi32>
    %mul3A_328 = arith.muli %sub3A_326, %mul3A_327 : vector<64x2048xi32>
    %add3A_329 = arith.addi %roll3A_323, %mul3A_328 : vector<64x2048xi32>
    %xor3A_330 = vector.broadcast %neg3A_321 : vector<1x2048xi32> to vector<64x2048xi32>
    %xor3A_331 = arith.xori %add3A_329, %xor3A_330 : vector<64x2048xi32>
    %xor3A_332 = vector.broadcast %neg3A_321 : vector<1x2048xi32> to vector<64x2048xi32>
    %xor3A_333 = arith.xori %select_n3A_305, %xor3A_332 : vector<64x2048xi32>
    %lt3A_334 = arith.cmpi slt, %xor3A_331, %xor3A_333 : vector<64x2048xi32>
    %select_n3A_335 = arith.select %lt3A_334, %add3A_329, %select_n3A_305 : vector<64x2048xi1>, vector<64x2048xi32>
    %shift_right_arithmetic3A_336 = arith.constant 3 : i32
    %shift_right_arithmetic3A_337 = vector.broadcast %shift_right_arithmetic3A_336 : i32 to vector<1x2048xi32>
    %shift_right_arithmetic3A_338 = arith.shrsi %iota3A_10, %shift_right_arithmetic3A_337 : vector<1x2048xi32>
    %and3A_339 = arith.constant 1 : i32
    %and3A_340 = vector.broadcast %and3A_339 : i32 to vector<1x2048xi32>
    %and3A_341 = arith.andi %shift_right_arithmetic3A_338, %and3A_340 : vector<1x2048xi32>
    %shift_right_arithmetic3A_342 = arith.constant 5 : i32
    %shift_right_arithmetic3A_343 = vector.broadcast %shift_right_arithmetic3A_342 : i32 to vector<1x2048xi32>
    %shift_right_arithmetic3A_344 = arith.shrsi %iota3A_10, %shift_right_arithmetic3A_343 : vector<1x2048xi32>
    %and3A_345 = arith.constant 1 : i32
    %and3A_346 = vector.broadcast %and3A_345 : i32 to vector<1x2048xi32>
    %and3A_347 = arith.andi %shift_right_arithmetic3A_344, %and3A_346 : vector<1x2048xi32>
    %xor3A_348 = arith.xori %and3A_341, %and3A_347 : vector<1x2048xi32>
    %neg3A_349 = arith.constant 0 : i32
    %neg3A_350 = vector.broadcast %neg3A_349 : i32 to vector<1x2048xi32>
    %neg3A_351 = arith.subi %neg3A_350, %xor3A_348 : vector<1x2048xi32>
    %roll3A_352 = arith.constant 2040 : i32
    %roll3A_353 = tpu.dynamic_rotate %select_n3A_335 by %roll3A_352 dim 1 : vector<64x2048xi32>, i32 -> vector<64x2048xi32>
    %roll3A_354 = arith.constant 8 : i32
    %roll3A_355 = tpu.dynamic_rotate %select_n3A_335 by %roll3A_354 dim 1 : vector<64x2048xi32>, i32 -> vector<64x2048xi32>
    %sub3A_356 = arith.subi %roll3A_355, %roll3A_353 : vector<64x2048xi32>
    %mul3A_357 = vector.broadcast %and3A_341 : vector<1x2048xi32> to vector<64x2048xi32>
    %mul3A_358 = arith.muli %sub3A_356, %mul3A_357 : vector<64x2048xi32>
    %add3A_359 = arith.addi %roll3A_353, %mul3A_358 : vector<64x2048xi32>
    %xor3A_360 = vector.broadcast %neg3A_351 : vector<1x2048xi32> to vector<64x2048xi32>
    %xor3A_361 = arith.xori %add3A_359, %xor3A_360 : vector<64x2048xi32>
    %xor3A_362 = vector.broadcast %neg3A_351 : vector<1x2048xi32> to vector<64x2048xi32>
    %xor3A_363 = arith.xori %select_n3A_335, %xor3A_362 : vector<64x2048xi32>
    %lt3A_364 = arith.cmpi slt, %xor3A_361, %xor3A_363 : vector<64x2048xi32>
    %select_n3A_365 = arith.select %lt3A_364, %add3A_359, %select_n3A_335 : vector<64x2048xi1>, vector<64x2048xi32>
    %shift_right_arithmetic3A_366 = arith.constant 2 : i32
    %shift_right_arithmetic3A_367 = vector.broadcast %shift_right_arithmetic3A_366 : i32 to vector<1x2048xi32>
    %shift_right_arithmetic3A_368 = arith.shrsi %iota3A_10, %shift_right_arithmetic3A_367 : vector<1x2048xi32>
    %and3A_369 = arith.constant 1 : i32
    %and3A_370 = vector.broadcast %and3A_369 : i32 to vector<1x2048xi32>
    %and3A_371 = arith.andi %shift_right_arithmetic3A_368, %and3A_370 : vector<1x2048xi32>
    %shift_right_arithmetic3A_372 = arith.constant 5 : i32
    %shift_right_arithmetic3A_373 = vector.broadcast %shift_right_arithmetic3A_372 : i32 to vector<1x2048xi32>
    %shift_right_arithmetic3A_374 = arith.shrsi %iota3A_10, %shift_right_arithmetic3A_373 : vector<1x2048xi32>
    %and3A_375 = arith.constant 1 : i32
    %and3A_376 = vector.broadcast %and3A_375 : i32 to vector<1x2048xi32>
    %and3A_377 = arith.andi %shift_right_arithmetic3A_374, %and3A_376 : vector<1x2048xi32>
    %xor3A_378 = arith.xori %and3A_371, %and3A_377 : vector<1x2048xi32>
    %neg3A_379 = arith.constant 0 : i32
    %neg3A_380 = vector.broadcast %neg3A_379 : i32 to vector<1x2048xi32>
    %neg3A_381 = arith.subi %neg3A_380, %xor3A_378 : vector<1x2048xi32>
    %roll3A_382 = arith.constant 2044 : i32
    %roll3A_383 = tpu.dynamic_rotate %select_n3A_365 by %roll3A_382 dim 1 : vector<64x2048xi32>, i32 -> vector<64x2048xi32>
    %roll3A_384 = arith.constant 4 : i32
    %roll3A_385 = tpu.dynamic_rotate %select_n3A_365 by %roll3A_384 dim 1 : vector<64x2048xi32>, i32 -> vector<64x2048xi32>
    %sub3A_386 = arith.subi %roll3A_385, %roll3A_383 : vector<64x2048xi32>
    %mul3A_387 = vector.broadcast %and3A_371 : vector<1x2048xi32> to vector<64x2048xi32>
    %mul3A_388 = arith.muli %sub3A_386, %mul3A_387 : vector<64x2048xi32>
    %add3A_389 = arith.addi %roll3A_383, %mul3A_388 : vector<64x2048xi32>
    %xor3A_390 = vector.broadcast %neg3A_381 : vector<1x2048xi32> to vector<64x2048xi32>
    %xor3A_391 = arith.xori %add3A_389, %xor3A_390 : vector<64x2048xi32>
    %xor3A_392 = vector.broadcast %neg3A_381 : vector<1x2048xi32> to vector<64x2048xi32>
    %xor3A_393 = arith.xori %select_n3A_365, %xor3A_392 : vector<64x2048xi32>
    %lt3A_394 = arith.cmpi slt, %xor3A_391, %xor3A_393 : vector<64x2048xi32>
    %select_n3A_395 = arith.select %lt3A_394, %add3A_389, %select_n3A_365 : vector<64x2048xi1>, vector<64x2048xi32>
    %shift_right_arithmetic3A_396 = arith.constant 1 : i32
    %shift_right_arithmetic3A_397 = vector.broadcast %shift_right_arithmetic3A_396 : i32 to vector<1x2048xi32>
    %shift_right_arithmetic3A_398 = arith.shrsi %iota3A_10, %shift_right_arithmetic3A_397 : vector<1x2048xi32>
    %and3A_399 = arith.constant 1 : i32
    %and3A_400 = vector.broadcast %and3A_399 : i32 to vector<1x2048xi32>
    %and3A_401 = arith.andi %shift_right_arithmetic3A_398, %and3A_400 : vector<1x2048xi32>
    %shift_right_arithmetic3A_402 = arith.constant 5 : i32
    %shift_right_arithmetic3A_403 = vector.broadcast %shift_right_arithmetic3A_402 : i32 to vector<1x2048xi32>
    %shift_right_arithmetic3A_404 = arith.shrsi %iota3A_10, %shift_right_arithmetic3A_403 : vector<1x2048xi32>
    %and3A_405 = arith.constant 1 : i32
    %and3A_406 = vector.broadcast %and3A_405 : i32 to vector<1x2048xi32>
    %and3A_407 = arith.andi %shift_right_arithmetic3A_404, %and3A_406 : vector<1x2048xi32>
    %xor3A_408 = arith.xori %and3A_401, %and3A_407 : vector<1x2048xi32>
    %neg3A_409 = arith.constant 0 : i32
    %neg3A_410 = vector.broadcast %neg3A_409 : i32 to vector<1x2048xi32>
    %neg3A_411 = arith.subi %neg3A_410, %xor3A_408 : vector<1x2048xi32>
    %roll3A_412 = arith.constant 2046 : i32
    %roll3A_413 = tpu.dynamic_rotate %select_n3A_395 by %roll3A_412 dim 1 : vector<64x2048xi32>, i32 -> vector<64x2048xi32>
    %roll3A_414 = arith.constant 2 : i32
    %roll3A_415 = tpu.dynamic_rotate %select_n3A_395 by %roll3A_414 dim 1 : vector<64x2048xi32>, i32 -> vector<64x2048xi32>
    %sub3A_416 = arith.subi %roll3A_415, %roll3A_413 : vector<64x2048xi32>
    %mul3A_417 = vector.broadcast %and3A_401 : vector<1x2048xi32> to vector<64x2048xi32>
    %mul3A_418 = arith.muli %sub3A_416, %mul3A_417 : vector<64x2048xi32>
    %add3A_419 = arith.addi %roll3A_413, %mul3A_418 : vector<64x2048xi32>
    %xor3A_420 = vector.broadcast %neg3A_411 : vector<1x2048xi32> to vector<64x2048xi32>
    %xor3A_421 = arith.xori %add3A_419, %xor3A_420 : vector<64x2048xi32>
    %xor3A_422 = vector.broadcast %neg3A_411 : vector<1x2048xi32> to vector<64x2048xi32>
    %xor3A_423 = arith.xori %select_n3A_395, %xor3A_422 : vector<64x2048xi32>
    %lt3A_424 = arith.cmpi slt, %xor3A_421, %xor3A_423 : vector<64x2048xi32>
    %select_n3A_425 = arith.select %lt3A_424, %add3A_419, %select_n3A_395 : vector<64x2048xi1>, vector<64x2048xi32>
    %shift_right_arithmetic3A_426 = arith.constant 0 : i32
    %shift_right_arithmetic3A_427 = vector.broadcast %shift_right_arithmetic3A_426 : i32 to vector<1x2048xi32>
    %shift_right_arithmetic3A_428 = arith.shrsi %iota3A_10, %shift_right_arithmetic3A_427 : vector<1x2048xi32>
    %and3A_429 = arith.constant 1 : i32
    %and3A_430 = vector.broadcast %and3A_429 : i32 to vector<1x2048xi32>
    %and3A_431 = arith.andi %shift_right_arithmetic3A_428, %and3A_430 : vector<1x2048xi32>
    %shift_right_arithmetic3A_432 = arith.constant 5 : i32
    %shift_right_arithmetic3A_433 = vector.broadcast %shift_right_arithmetic3A_432 : i32 to vector<1x2048xi32>
    %shift_right_arithmetic3A_434 = arith.shrsi %iota3A_10, %shift_right_arithmetic3A_433 : vector<1x2048xi32>
    %and3A_435 = arith.constant 1 : i32
    %and3A_436 = vector.broadcast %and3A_435 : i32 to vector<1x2048xi32>
    %and3A_437 = arith.andi %shift_right_arithmetic3A_434, %and3A_436 : vector<1x2048xi32>
    %xor3A_438 = arith.xori %and3A_431, %and3A_437 : vector<1x2048xi32>
    %neg3A_439 = arith.constant 0 : i32
    %neg3A_440 = vector.broadcast %neg3A_439 : i32 to vector<1x2048xi32>
    %neg3A_441 = arith.subi %neg3A_440, %xor3A_438 : vector<1x2048xi32>
    %roll3A_442 = arith.constant 2047 : i32
    %roll3A_443 = tpu.dynamic_rotate %select_n3A_425 by %roll3A_442 dim 1 : vector<64x2048xi32>, i32 -> vector<64x2048xi32>
    %roll3A_444 = arith.constant 1 : i32
    %roll3A_445 = tpu.dynamic_rotate %select_n3A_425 by %roll3A_444 dim 1 : vector<64x2048xi32>, i32 -> vector<64x2048xi32>
    %sub3A_446 = arith.subi %roll3A_445, %roll3A_443 : vector<64x2048xi32>
    %mul3A_447 = vector.broadcast %and3A_431 : vector<1x2048xi32> to vector<64x2048xi32>
    %mul3A_448 = arith.muli %sub3A_446, %mul3A_447 : vector<64x2048xi32>
    %add3A_449 = arith.addi %roll3A_443, %mul3A_448 : vector<64x2048xi32>
    %xor3A_450 = vector.broadcast %neg3A_441 : vector<1x2048xi32> to vector<64x2048xi32>
    %xor3A_451 = arith.xori %add3A_449, %xor3A_450 : vector<64x2048xi32>
    %xor3A_452 = vector.broadcast %neg3A_441 : vector<1x2048xi32> to vector<64x2048xi32>
    %xor3A_453 = arith.xori %select_n3A_425, %xor3A_452 : vector<64x2048xi32>
    %lt3A_454 = arith.cmpi slt, %xor3A_451, %xor3A_453 : vector<64x2048xi32>
    %select_n3A_455 = arith.select %lt3A_454, %add3A_449, %select_n3A_425 : vector<64x2048xi1>, vector<64x2048xi32>
    %shift_right_arithmetic3A_456 = arith.constant 5 : i32
    %shift_right_arithmetic3A_457 = vector.broadcast %shift_right_arithmetic3A_456 : i32 to vector<1x2048xi32>
    %shift_right_arithmetic3A_458 = arith.shrsi %iota3A_10, %shift_right_arithmetic3A_457 : vector<1x2048xi32>
    %and3A_459 = arith.constant 1 : i32
    %and3A_460 = vector.broadcast %and3A_459 : i32 to vector<1x2048xi32>
    %and3A_461 = arith.andi %shift_right_arithmetic3A_458, %and3A_460 : vector<1x2048xi32>
    %shift_right_arithmetic3A_462 = arith.constant 6 : i32
    %shift_right_arithmetic3A_463 = vector.broadcast %shift_right_arithmetic3A_462 : i32 to vector<1x2048xi32>
    %shift_right_arithmetic3A_464 = arith.shrsi %iota3A_10, %shift_right_arithmetic3A_463 : vector<1x2048xi32>
    %and3A_465 = arith.constant 1 : i32
    %and3A_466 = vector.broadcast %and3A_465 : i32 to vector<1x2048xi32>
    %and3A_467 = arith.andi %shift_right_arithmetic3A_464, %and3A_466 : vector<1x2048xi32>
    %xor3A_468 = arith.xori %and3A_461, %and3A_467 : vector<1x2048xi32>
    %neg3A_469 = arith.constant 0 : i32
    %neg3A_470 = vector.broadcast %neg3A_469 : i32 to vector<1x2048xi32>
    %neg3A_471 = arith.subi %neg3A_470, %xor3A_468 : vector<1x2048xi32>
    %roll3A_472 = arith.constant 2016 : i32
    %roll3A_473 = tpu.dynamic_rotate %select_n3A_455 by %roll3A_472 dim 1 : vector<64x2048xi32>, i32 -> vector<64x2048xi32>
    %roll3A_474 = arith.constant 32 : i32
    %roll3A_475 = tpu.dynamic_rotate %select_n3A_455 by %roll3A_474 dim 1 : vector<64x2048xi32>, i32 -> vector<64x2048xi32>
    %sub3A_476 = arith.subi %roll3A_475, %roll3A_473 : vector<64x2048xi32>
    %mul3A_477 = vector.broadcast %and3A_461 : vector<1x2048xi32> to vector<64x2048xi32>
    %mul3A_478 = arith.muli %sub3A_476, %mul3A_477 : vector<64x2048xi32>
    %add3A_479 = arith.addi %roll3A_473, %mul3A_478 : vector<64x2048xi32>
    %xor3A_480 = vector.broadcast %neg3A_471 : vector<1x2048xi32> to vector<64x2048xi32>
    %xor3A_481 = arith.xori %add3A_479, %xor3A_480 : vector<64x2048xi32>
    %xor3A_482 = vector.broadcast %neg3A_471 : vector<1x2048xi32> to vector<64x2048xi32>
    %xor3A_483 = arith.xori %select_n3A_455, %xor3A_482 : vector<64x2048xi32>
    %lt3A_484 = arith.cmpi slt, %xor3A_481, %xor3A_483 : vector<64x2048xi32>
    %select_n3A_485 = arith.select %lt3A_484, %add3A_479, %select_n3A_455 : vector<64x2048xi1>, vector<64x2048xi32>
    %shift_right_arithmetic3A_486 = arith.constant 4 : i32
    %shift_right_arithmetic3A_487 = vector.broadcast %shift_right_arithmetic3A_486 : i32 to vector<1x2048xi32>
    %shift_right_arithmetic3A_488 = arith.shrsi %iota3A_10, %shift_right_arithmetic3A_487 : vector<1x2048xi32>
    %and3A_489 = arith.constant 1 : i32
    %and3A_490 = vector.broadcast %and3A_489 : i32 to vector<1x2048xi32>
    %and3A_491 = arith.andi %shift_right_arithmetic3A_488, %and3A_490 : vector<1x2048xi32>
    %shift_right_arithmetic3A_492 = arith.constant 6 : i32
    %shift_right_arithmetic3A_493 = vector.broadcast %shift_right_arithmetic3A_492 : i32 to vector<1x2048xi32>
    %shift_right_arithmetic3A_494 = arith.shrsi %iota3A_10, %shift_right_arithmetic3A_493 : vector<1x2048xi32>
    %and3A_495 = arith.constant 1 : i32
    %and3A_496 = vector.broadcast %and3A_495 : i32 to vector<1x2048xi32>
    %and3A_497 = arith.andi %shift_right_arithmetic3A_494, %and3A_496 : vector<1x2048xi32>
    %xor3A_498 = arith.xori %and3A_491, %and3A_497 : vector<1x2048xi32>
    %neg3A_499 = arith.constant 0 : i32
    %neg3A_500 = vector.broadcast %neg3A_499 : i32 to vector<1x2048xi32>
    %neg3A_501 = arith.subi %neg3A_500, %xor3A_498 : vector<1x2048xi32>
    %roll3A_502 = arith.constant 2032 : i32
    %roll3A_503 = tpu.dynamic_rotate %select_n3A_485 by %roll3A_502 dim 1 : vector<64x2048xi32>, i32 -> vector<64x2048xi32>
    %roll3A_504 = arith.constant 16 : i32
    %roll3A_505 = tpu.dynamic_rotate %select_n3A_485 by %roll3A_504 dim 1 : vector<64x2048xi32>, i32 -> vector<64x2048xi32>
    %sub3A_506 = arith.subi %roll3A_505, %roll3A_503 : vector<64x2048xi32>
    %mul3A_507 = vector.broadcast %and3A_491 : vector<1x2048xi32> to vector<64x2048xi32>
    %mul3A_508 = arith.muli %sub3A_506, %mul3A_507 : vector<64x2048xi32>
    %add3A_509 = arith.addi %roll3A_503, %mul3A_508 : vector<64x2048xi32>
    %xor3A_510 = vector.broadcast %neg3A_501 : vector<1x2048xi32> to vector<64x2048xi32>
    %xor3A_511 = arith.xori %add3A_509, %xor3A_510 : vector<64x2048xi32>
    %xor3A_512 = vector.broadcast %neg3A_501 : vector<1x2048xi32> to vector<64x2048xi32>
    %xor3A_513 = arith.xori %select_n3A_485, %xor3A_512 : vector<64x2048xi32>
    %lt3A_514 = arith.cmpi slt, %xor3A_511, %xor3A_513 : vector<64x2048xi32>
    %select_n3A_515 = arith.select %lt3A_514, %add3A_509, %select_n3A_485 : vector<64x2048xi1>, vector<64x2048xi32>
    %shift_right_arithmetic3A_516 = arith.constant 3 : i32
    %shift_right_arithmetic3A_517 = vector.broadcast %shift_right_arithmetic3A_516 : i32 to vector<1x2048xi32>
    %shift_right_arithmetic3A_518 = arith.shrsi %iota3A_10, %shift_right_arithmetic3A_517 : vector<1x2048xi32>
    %and3A_519 = arith.constant 1 : i32
    %and3A_520 = vector.broadcast %and3A_519 : i32 to vector<1x2048xi32>
    %and3A_521 = arith.andi %shift_right_arithmetic3A_518, %and3A_520 : vector<1x2048xi32>
    %shift_right_arithmetic3A_522 = arith.constant 6 : i32
    %shift_right_arithmetic3A_523 = vector.broadcast %shift_right_arithmetic3A_522 : i32 to vector<1x2048xi32>
    %shift_right_arithmetic3A_524 = arith.shrsi %iota3A_10, %shift_right_arithmetic3A_523 : vector<1x2048xi32>
    %and3A_525 = arith.constant 1 : i32
    %and3A_526 = vector.broadcast %and3A_525 : i32 to vector<1x2048xi32>
    %and3A_527 = arith.andi %shift_right_arithmetic3A_524, %and3A_526 : vector<1x2048xi32>
    %xor3A_528 = arith.xori %and3A_521, %and3A_527 : vector<1x2048xi32>
    %neg3A_529 = arith.constant 0 : i32
    %neg3A_530 = vector.broadcast %neg3A_529 : i32 to vector<1x2048xi32>
    %neg3A_531 = arith.subi %neg3A_530, %xor3A_528 : vector<1x2048xi32>
    %roll3A_532 = arith.constant 2040 : i32
    %roll3A_533 = tpu.dynamic_rotate %select_n3A_515 by %roll3A_532 dim 1 : vector<64x2048xi32>, i32 -> vector<64x2048xi32>
    %roll3A_534 = arith.constant 8 : i32
    %roll3A_535 = tpu.dynamic_rotate %select_n3A_515 by %roll3A_534 dim 1 : vector<64x2048xi32>, i32 -> vector<64x2048xi32>
    %sub3A_536 = arith.subi %roll3A_535, %roll3A_533 : vector<64x2048xi32>
    %mul3A_537 = vector.broadcast %and3A_521 : vector<1x2048xi32> to vector<64x2048xi32>
    %mul3A_538 = arith.muli %sub3A_536, %mul3A_537 : vector<64x2048xi32>
    %add3A_539 = arith.addi %roll3A_533, %mul3A_538 : vector<64x2048xi32>
    %xor3A_540 = vector.broadcast %neg3A_531 : vector<1x2048xi32> to vector<64x2048xi32>
    %xor3A_541 = arith.xori %add3A_539, %xor3A_540 : vector<64x2048xi32>
    %xor3A_542 = vector.broadcast %neg3A_531 : vector<1x2048xi32> to vector<64x2048xi32>
    %xor3A_543 = arith.xori %select_n3A_515, %xor3A_542 : vector<64x2048xi32>
    %lt3A_544 = arith.cmpi slt, %xor3A_541, %xor3A_543 : vector<64x2048xi32>
    %select_n3A_545 = arith.select %lt3A_544, %add3A_539, %select_n3A_515 : vector<64x2048xi1>, vector<64x2048xi32>
    %shift_right_arithmetic3A_546 = arith.constant 2 : i32
    %shift_right_arithmetic3A_547 = vector.broadcast %shift_right_arithmetic3A_546 : i32 to vector<1x2048xi32>
    %shift_right_arithmetic3A_548 = arith.shrsi %iota3A_10, %shift_right_arithmetic3A_547 : vector<1x2048xi32>
    %and3A_549 = arith.constant 1 : i32
    %and3A_550 = vector.broadcast %and3A_549 : i32 to vector<1x2048xi32>
    %and3A_551 = arith.andi %shift_right_arithmetic3A_548, %and3A_550 : vector<1x2048xi32>
    %shift_right_arithmetic3A_552 = arith.constant 6 : i32
    %shift_right_arithmetic3A_553 = vector.broadcast %shift_right_arithmetic3A_552 : i32 to vector<1x2048xi32>
    %shift_right_arithmetic3A_554 = arith.shrsi %iota3A_10, %shift_right_arithmetic3A_553 : vector<1x2048xi32>
    %and3A_555 = arith.constant 1 : i32
    %and3A_556 = vector.broadcast %and3A_555 : i32 to vector<1x2048xi32>
    %and3A_557 = arith.andi %shift_right_arithmetic3A_554, %and3A_556 : vector<1x2048xi32>
    %xor3A_558 = arith.xori %and3A_551, %and3A_557 : vector<1x2048xi32>
    %neg3A_559 = arith.constant 0 : i32
    %neg3A_560 = vector.broadcast %neg3A_559 : i32 to vector<1x2048xi32>
    %neg3A_561 = arith.subi %neg3A_560, %xor3A_558 : vector<1x2048xi32>
    %roll3A_562 = arith.constant 2044 : i32
    %roll3A_563 = tpu.dynamic_rotate %select_n3A_545 by %roll3A_562 dim 1 : vector<64x2048xi32>, i32 -> vector<64x2048xi32>
    %roll3A_564 = arith.constant 4 : i32
    %roll3A_565 = tpu.dynamic_rotate %select_n3A_545 by %roll3A_564 dim 1 : vector<64x2048xi32>, i32 -> vector<64x2048xi32>
    %sub3A_566 = arith.subi %roll3A_565, %roll3A_563 : vector<64x2048xi32>
    %mul3A_567 = vector.broadcast %and3A_551 : vector<1x2048xi32> to vector<64x2048xi32>
    %mul3A_568 = arith.muli %sub3A_566, %mul3A_567 : vector<64x2048xi32>
    %add3A_569 = arith.addi %roll3A_563, %mul3A_568 : vector<64x2048xi32>
    %xor3A_570 = vector.broadcast %neg3A_561 : vector<1x2048xi32> to vector<64x2048xi32>
    %xor3A_571 = arith.xori %add3A_569, %xor3A_570 : vector<64x2048xi32>
    %xor3A_572 = vector.broadcast %neg3A_561 : vector<1x2048xi32> to vector<64x2048xi32>
    %xor3A_573 = arith.xori %select_n3A_545, %xor3A_572 : vector<64x2048xi32>
    %lt3A_574 = arith.cmpi slt, %xor3A_571, %xor3A_573 : vector<64x2048xi32>
    %select_n3A_575 = arith.select %lt3A_574, %add3A_569, %select_n3A_545 : vector<64x2048xi1>, vector<64x2048xi32>
    %shift_right_arithmetic3A_576 = arith.constant 1 : i32
    %shift_right_arithmetic3A_577 = vector.broadcast %shift_right_arithmetic3A_576 : i32 to vector<1x2048xi32>
    %shift_right_arithmetic3A_578 = arith.shrsi %iota3A_10, %shift_right_arithmetic3A_577 : vector<1x2048xi32>
    %and3A_579 = arith.constant 1 : i32
    %and3A_580 = vector.broadcast %and3A_579 : i32 to vector<1x2048xi32>
    %and3A_581 = arith.andi %shift_right_arithmetic3A_578, %and3A_580 : vector<1x2048xi32>
    %shift_right_arithmetic3A_582 = arith.constant 6 : i32
    %shift_right_arithmetic3A_583 = vector.broadcast %shift_right_arithmetic3A_582 : i32 to vector<1x2048xi32>
    %shift_right_arithmetic3A_584 = arith.shrsi %iota3A_10, %shift_right_arithmetic3A_583 : vector<1x2048xi32>
    %and3A_585 = arith.constant 1 : i32
    %and3A_586 = vector.broadcast %and3A_585 : i32 to vector<1x2048xi32>
    %and3A_587 = arith.andi %shift_right_arithmetic3A_584, %and3A_586 : vector<1x2048xi32>
    %xor3A_588 = arith.xori %and3A_581, %and3A_587 : vector<1x2048xi32>
    %neg3A_589 = arith.constant 0 : i32
    %neg3A_590 = vector.broadcast %neg3A_589 : i32 to vector<1x2048xi32>
    %neg3A_591 = arith.subi %neg3A_590, %xor3A_588 : vector<1x2048xi32>
    %roll3A_592 = arith.constant 2046 : i32
    %roll3A_593 = tpu.dynamic_rotate %select_n3A_575 by %roll3A_592 dim 1 : vector<64x2048xi32>, i32 -> vector<64x2048xi32>
    %roll3A_594 = arith.constant 2 : i32
    %roll3A_595 = tpu.dynamic_rotate %select_n3A_575 by %roll3A_594 dim 1 : vector<64x2048xi32>, i32 -> vector<64x2048xi32>
    %sub3A_596 = arith.subi %roll3A_595, %roll3A_593 : vector<64x2048xi32>
    %mul3A_597 = vector.broadcast %and3A_581 : vector<1x2048xi32> to vector<64x2048xi32>
    %mul3A_598 = arith.muli %sub3A_596, %mul3A_597 : vector<64x2048xi32>
    %add3A_599 = arith.addi %roll3A_593, %mul3A_598 : vector<64x2048xi32>
    %xor3A_600 = vector.broadcast %neg3A_591 : vector<1x2048xi32> to vector<64x2048xi32>
    %xor3A_601 = arith.xori %add3A_599, %xor3A_600 : vector<64x2048xi32>
    %xor3A_602 = vector.broadcast %neg3A_591 : vector<1x2048xi32> to vector<64x2048xi32>
    %xor3A_603 = arith.xori %select_n3A_575, %xor3A_602 : vector<64x2048xi32>
    %lt3A_604 = arith.cmpi slt, %xor3A_601, %xor3A_603 : vector<64x2048xi32>
    %select_n3A_605 = arith.select %lt3A_604, %add3A_599, %select_n3A_575 : vector<64x2048xi1>, vector<64x2048xi32>
    %shift_right_arithmetic3A_606 = arith.constant 0 : i32
    %shift_right_arithmetic3A_607 = vector.broadcast %shift_right_arithmetic3A_606 : i32 to vector<1x2048xi32>
    %shift_right_arithmetic3A_608 = arith.shrsi %iota3A_10, %shift_right_arithmetic3A_607 : vector<1x2048xi32>
    %and3A_609 = arith.constant 1 : i32
    %and3A_610 = vector.broadcast %and3A_609 : i32 to vector<1x2048xi32>
    %and3A_611 = arith.andi %shift_right_arithmetic3A_608, %and3A_610 : vector<1x2048xi32>
    %shift_right_arithmetic3A_612 = arith.constant 6 : i32
    %shift_right_arithmetic3A_613 = vector.broadcast %shift_right_arithmetic3A_612 : i32 to vector<1x2048xi32>
    %shift_right_arithmetic3A_614 = arith.shrsi %iota3A_10, %shift_right_arithmetic3A_613 : vector<1x2048xi32>
    %and3A_615 = arith.constant 1 : i32
    %and3A_616 = vector.broadcast %and3A_615 : i32 to vector<1x2048xi32>
    %and3A_617 = arith.andi %shift_right_arithmetic3A_614, %and3A_616 : vector<1x2048xi32>
    %xor3A_618 = arith.xori %and3A_611, %and3A_617 : vector<1x2048xi32>
    %neg3A_619 = arith.constant 0 : i32
    %neg3A_620 = vector.broadcast %neg3A_619 : i32 to vector<1x2048xi32>
    %neg3A_621 = arith.subi %neg3A_620, %xor3A_618 : vector<1x2048xi32>
    %roll3A_622 = arith.constant 2047 : i32
    %roll3A_623 = tpu.dynamic_rotate %select_n3A_605 by %roll3A_622 dim 1 : vector<64x2048xi32>, i32 -> vector<64x2048xi32>
    %roll3A_624 = arith.constant 1 : i32
    %roll3A_625 = tpu.dynamic_rotate %select_n3A_605 by %roll3A_624 dim 1 : vector<64x2048xi32>, i32 -> vector<64x2048xi32>
    %sub3A_626 = arith.subi %roll3A_625, %roll3A_623 : vector<64x2048xi32>
    %mul3A_627 = vector.broadcast %and3A_611 : vector<1x2048xi32> to vector<64x2048xi32>
    %mul3A_628 = arith.muli %sub3A_626, %mul3A_627 : vector<64x2048xi32>
    %add3A_629 = arith.addi %roll3A_623, %mul3A_628 : vector<64x2048xi32>
    %xor3A_630 = vector.broadcast %neg3A_621 : vector<1x2048xi32> to vector<64x2048xi32>
    %xor3A_631 = arith.xori %add3A_629, %xor3A_630 : vector<64x2048xi32>
    %xor3A_632 = vector.broadcast %neg3A_621 : vector<1x2048xi32> to vector<64x2048xi32>
    %xor3A_633 = arith.xori %select_n3A_605, %xor3A_632 : vector<64x2048xi32>
    %lt3A_634 = arith.cmpi slt, %xor3A_631, %xor3A_633 : vector<64x2048xi32>
    %select_n3A_635 = arith.select %lt3A_634, %add3A_629, %select_n3A_605 : vector<64x2048xi1>, vector<64x2048xi32>
    %shift_right_arithmetic3A_636 = arith.constant 6 : i32
    %shift_right_arithmetic3A_637 = vector.broadcast %shift_right_arithmetic3A_636 : i32 to vector<1x2048xi32>
    %shift_right_arithmetic3A_638 = arith.shrsi %iota3A_10, %shift_right_arithmetic3A_637 : vector<1x2048xi32>
    %and3A_639 = arith.constant 1 : i32
    %and3A_640 = vector.broadcast %and3A_639 : i32 to vector<1x2048xi32>
    %and3A_641 = arith.andi %shift_right_arithmetic3A_638, %and3A_640 : vector<1x2048xi32>
    %shift_right_arithmetic3A_642 = arith.constant 7 : i32
    %shift_right_arithmetic3A_643 = vector.broadcast %shift_right_arithmetic3A_642 : i32 to vector<1x2048xi32>
    %shift_right_arithmetic3A_644 = arith.shrsi %iota3A_10, %shift_right_arithmetic3A_643 : vector<1x2048xi32>
    %and3A_645 = arith.constant 1 : i32
    %and3A_646 = vector.broadcast %and3A_645 : i32 to vector<1x2048xi32>
    %and3A_647 = arith.andi %shift_right_arithmetic3A_644, %and3A_646 : vector<1x2048xi32>
    %xor3A_648 = arith.xori %and3A_641, %and3A_647 : vector<1x2048xi32>
    %neg3A_649 = arith.constant 0 : i32
    %neg3A_650 = vector.broadcast %neg3A_649 : i32 to vector<1x2048xi32>
    %neg3A_651 = arith.subi %neg3A_650, %xor3A_648 : vector<1x2048xi32>
    %roll3A_652 = arith.constant 1984 : i32
    %roll3A_653 = tpu.dynamic_rotate %select_n3A_635 by %roll3A_652 dim 1 : vector<64x2048xi32>, i32 -> vector<64x2048xi32>
    %roll3A_654 = arith.constant 64 : i32
    %roll3A_655 = tpu.dynamic_rotate %select_n3A_635 by %roll3A_654 dim 1 : vector<64x2048xi32>, i32 -> vector<64x2048xi32>
    %sub3A_656 = arith.subi %roll3A_655, %roll3A_653 : vector<64x2048xi32>
    %mul3A_657 = vector.broadcast %and3A_641 : vector<1x2048xi32> to vector<64x2048xi32>
    %mul3A_658 = arith.muli %sub3A_656, %mul3A_657 : vector<64x2048xi32>
    %add3A_659 = arith.addi %roll3A_653, %mul3A_658 : vector<64x2048xi32>
    %xor3A_660 = vector.broadcast %neg3A_651 : vector<1x2048xi32> to vector<64x2048xi32>
    %xor3A_661 = arith.xori %add3A_659, %xor3A_660 : vector<64x2048xi32>
    %xor3A_662 = vector.broadcast %neg3A_651 : vector<1x2048xi32> to vector<64x2048xi32>
    %xor3A_663 = arith.xori %select_n3A_635, %xor3A_662 : vector<64x2048xi32>
    %lt3A_664 = arith.cmpi slt, %xor3A_661, %xor3A_663 : vector<64x2048xi32>
    %select_n3A_665 = arith.select %lt3A_664, %add3A_659, %select_n3A_635 : vector<64x2048xi1>, vector<64x2048xi32>
    %shift_right_arithmetic3A_666 = arith.constant 5 : i32
    %shift_right_arithmetic3A_667 = vector.broadcast %shift_right_arithmetic3A_666 : i32 to vector<1x2048xi32>
    %shift_right_arithmetic3A_668 = arith.shrsi %iota3A_10, %shift_right_arithmetic3A_667 : vector<1x2048xi32>
    %and3A_669 = arith.constant 1 : i32
    %and3A_670 = vector.broadcast %and3A_669 : i32 to vector<1x2048xi32>
    %and3A_671 = arith.andi %shift_right_arithmetic3A_668, %and3A_670 : vector<1x2048xi32>
    %shift_right_arithmetic3A_672 = arith.constant 7 : i32
    %shift_right_arithmetic3A_673 = vector.broadcast %shift_right_arithmetic3A_672 : i32 to vector<1x2048xi32>
    %shift_right_arithmetic3A_674 = arith.shrsi %iota3A_10, %shift_right_arithmetic3A_673 : vector<1x2048xi32>
    %and3A_675 = arith.constant 1 : i32
    %and3A_676 = vector.broadcast %and3A_675 : i32 to vector<1x2048xi32>
    %and3A_677 = arith.andi %shift_right_arithmetic3A_674, %and3A_676 : vector<1x2048xi32>
    %xor3A_678 = arith.xori %and3A_671, %and3A_677 : vector<1x2048xi32>
    %neg3A_679 = arith.constant 0 : i32
    %neg3A_680 = vector.broadcast %neg3A_679 : i32 to vector<1x2048xi32>
    %neg3A_681 = arith.subi %neg3A_680, %xor3A_678 : vector<1x2048xi32>
    %roll3A_682 = arith.constant 2016 : i32
    %roll3A_683 = tpu.dynamic_rotate %select_n3A_665 by %roll3A_682 dim 1 : vector<64x2048xi32>, i32 -> vector<64x2048xi32>
    %roll3A_684 = arith.constant 32 : i32
    %roll3A_685 = tpu.dynamic_rotate %select_n3A_665 by %roll3A_684 dim 1 : vector<64x2048xi32>, i32 -> vector<64x2048xi32>
    %sub3A_686 = arith.subi %roll3A_685, %roll3A_683 : vector<64x2048xi32>
    %mul3A_687 = vector.broadcast %and3A_671 : vector<1x2048xi32> to vector<64x2048xi32>
    %mul3A_688 = arith.muli %sub3A_686, %mul3A_687 : vector<64x2048xi32>
    %add3A_689 = arith.addi %roll3A_683, %mul3A_688 : vector<64x2048xi32>
    %xor3A_690 = vector.broadcast %neg3A_681 : vector<1x2048xi32> to vector<64x2048xi32>
    %xor3A_691 = arith.xori %add3A_689, %xor3A_690 : vector<64x2048xi32>
    %xor3A_692 = vector.broadcast %neg3A_681 : vector<1x2048xi32> to vector<64x2048xi32>
    %xor3A_693 = arith.xori %select_n3A_665, %xor3A_692 : vector<64x2048xi32>
    %lt3A_694 = arith.cmpi slt, %xor3A_691, %xor3A_693 : vector<64x2048xi32>
    %select_n3A_695 = arith.select %lt3A_694, %add3A_689, %select_n3A_665 : vector<64x2048xi1>, vector<64x2048xi32>
    %shift_right_arithmetic3A_696 = arith.constant 4 : i32
    %shift_right_arithmetic3A_697 = vector.broadcast %shift_right_arithmetic3A_696 : i32 to vector<1x2048xi32>
    %shift_right_arithmetic3A_698 = arith.shrsi %iota3A_10, %shift_right_arithmetic3A_697 : vector<1x2048xi32>
    %and3A_699 = arith.constant 1 : i32
    %and3A_700 = vector.broadcast %and3A_699 : i32 to vector<1x2048xi32>
    %and3A_701 = arith.andi %shift_right_arithmetic3A_698, %and3A_700 : vector<1x2048xi32>
    %shift_right_arithmetic3A_702 = arith.constant 7 : i32
    %shift_right_arithmetic3A_703 = vector.broadcast %shift_right_arithmetic3A_702 : i32 to vector<1x2048xi32>
    %shift_right_arithmetic3A_704 = arith.shrsi %iota3A_10, %shift_right_arithmetic3A_703 : vector<1x2048xi32>
    %and3A_705 = arith.constant 1 : i32
    %and3A_706 = vector.broadcast %and3A_705 : i32 to vector<1x2048xi32>
    %and3A_707 = arith.andi %shift_right_arithmetic3A_704, %and3A_706 : vector<1x2048xi32>
    %xor3A_708 = arith.xori %and3A_701, %and3A_707 : vector<1x2048xi32>
    %neg3A_709 = arith.constant 0 : i32
    %neg3A_710 = vector.broadcast %neg3A_709 : i32 to vector<1x2048xi32>
    %neg3A_711 = arith.subi %neg3A_710, %xor3A_708 : vector<1x2048xi32>
    %roll3A_712 = arith.constant 2032 : i32
    %roll3A_713 = tpu.dynamic_rotate %select_n3A_695 by %roll3A_712 dim 1 : vector<64x2048xi32>, i32 -> vector<64x2048xi32>
    %roll3A_714 = arith.constant 16 : i32
    %roll3A_715 = tpu.dynamic_rotate %select_n3A_695 by %roll3A_714 dim 1 : vector<64x2048xi32>, i32 -> vector<64x2048xi32>
    %sub3A_716 = arith.subi %roll3A_715, %roll3A_713 : vector<64x2048xi32>
    %mul3A_717 = vector.broadcast %and3A_701 : vector<1x2048xi32> to vector<64x2048xi32>
    %mul3A_718 = arith.muli %sub3A_716, %mul3A_717 : vector<64x2048xi32>
    %add3A_719 = arith.addi %roll3A_713, %mul3A_718 : vector<64x2048xi32>
    %xor3A_720 = vector.broadcast %neg3A_711 : vector<1x2048xi32> to vector<64x2048xi32>
    %xor3A_721 = arith.xori %add3A_719, %xor3A_720 : vector<64x2048xi32>
    %xor3A_722 = vector.broadcast %neg3A_711 : vector<1x2048xi32> to vector<64x2048xi32>
    %xor3A_723 = arith.xori %select_n3A_695, %xor3A_722 : vector<64x2048xi32>
    %lt3A_724 = arith.cmpi slt, %xor3A_721, %xor3A_723 : vector<64x2048xi32>
    %select_n3A_725 = arith.select %lt3A_724, %add3A_719, %select_n3A_695 : vector<64x2048xi1>, vector<64x2048xi32>
    %shift_right_arithmetic3A_726 = arith.constant 3 : i32
    %shift_right_arithmetic3A_727 = vector.broadcast %shift_right_arithmetic3A_726 : i32 to vector<1x2048xi32>
    %shift_right_arithmetic3A_728 = arith.shrsi %iota3A_10, %shift_right_arithmetic3A_727 : vector<1x2048xi32>
    %and3A_729 = arith.constant 1 : i32
    %and3A_730 = vector.broadcast %and3A_729 : i32 to vector<1x2048xi32>
    %and3A_731 = arith.andi %shift_right_arithmetic3A_728, %and3A_730 : vector<1x2048xi32>
    %shift_right_arithmetic3A_732 = arith.constant 7 : i32
    %shift_right_arithmetic3A_733 = vector.broadcast %shift_right_arithmetic3A_732 : i32 to vector<1x2048xi32>
    %shift_right_arithmetic3A_734 = arith.shrsi %iota3A_10, %shift_right_arithmetic3A_733 : vector<1x2048xi32>
    %and3A_735 = arith.constant 1 : i32
    %and3A_736 = vector.broadcast %and3A_735 : i32 to vector<1x2048xi32>
    %and3A_737 = arith.andi %shift_right_arithmetic3A_734, %and3A_736 : vector<1x2048xi32>
    %xor3A_738 = arith.xori %and3A_731, %and3A_737 : vector<1x2048xi32>
    %neg3A_739 = arith.constant 0 : i32
    %neg3A_740 = vector.broadcast %neg3A_739 : i32 to vector<1x2048xi32>
    %neg3A_741 = arith.subi %neg3A_740, %xor3A_738 : vector<1x2048xi32>
    %roll3A_742 = arith.constant 2040 : i32
    %roll3A_743 = tpu.dynamic_rotate %select_n3A_725 by %roll3A_742 dim 1 : vector<64x2048xi32>, i32 -> vector<64x2048xi32>
    %roll3A_744 = arith.constant 8 : i32
    %roll3A_745 = tpu.dynamic_rotate %select_n3A_725 by %roll3A_744 dim 1 : vector<64x2048xi32>, i32 -> vector<64x2048xi32>
    %sub3A_746 = arith.subi %roll3A_745, %roll3A_743 : vector<64x2048xi32>
    %mul3A_747 = vector.broadcast %and3A_731 : vector<1x2048xi32> to vector<64x2048xi32>
    %mul3A_748 = arith.muli %sub3A_746, %mul3A_747 : vector<64x2048xi32>
    %add3A_749 = arith.addi %roll3A_743, %mul3A_748 : vector<64x2048xi32>
    %xor3A_750 = vector.broadcast %neg3A_741 : vector<1x2048xi32> to vector<64x2048xi32>
    %xor3A_751 = arith.xori %add3A_749, %xor3A_750 : vector<64x2048xi32>
    %xor3A_752 = vector.broadcast %neg3A_741 : vector<1x2048xi32> to vector<64x2048xi32>
    %xor3A_753 = arith.xori %select_n3A_725, %xor3A_752 : vector<64x2048xi32>
    %lt3A_754 = arith.cmpi slt, %xor3A_751, %xor3A_753 : vector<64x2048xi32>
    %select_n3A_755 = arith.select %lt3A_754, %add3A_749, %select_n3A_725 : vector<64x2048xi1>, vector<64x2048xi32>
    %shift_right_arithmetic3A_756 = arith.constant 2 : i32
    %shift_right_arithmetic3A_757 = vector.broadcast %shift_right_arithmetic3A_756 : i32 to vector<1x2048xi32>
    %shift_right_arithmetic3A_758 = arith.shrsi %iota3A_10, %shift_right_arithmetic3A_757 : vector<1x2048xi32>
    %and3A_759 = arith.constant 1 : i32
    %and3A_760 = vector.broadcast %and3A_759 : i32 to vector<1x2048xi32>
    %and3A_761 = arith.andi %shift_right_arithmetic3A_758, %and3A_760 : vector<1x2048xi32>
    %shift_right_arithmetic3A_762 = arith.constant 7 : i32
    %shift_right_arithmetic3A_763 = vector.broadcast %shift_right_arithmetic3A_762 : i32 to vector<1x2048xi32>
    %shift_right_arithmetic3A_764 = arith.shrsi %iota3A_10, %shift_right_arithmetic3A_763 : vector<1x2048xi32>
    %and3A_765 = arith.constant 1 : i32
    %and3A_766 = vector.broadcast %and3A_765 : i32 to vector<1x2048xi32>
    %and3A_767 = arith.andi %shift_right_arithmetic3A_764, %and3A_766 : vector<1x2048xi32>
    %xor3A_768 = arith.xori %and3A_761, %and3A_767 : vector<1x2048xi32>
    %neg3A_769 = arith.constant 0 : i32
    %neg3A_770 = vector.broadcast %neg3A_769 : i32 to vector<1x2048xi32>
    %neg3A_771 = arith.subi %neg3A_770, %xor3A_768 : vector<1x2048xi32>
    %roll3A_772 = arith.constant 2044 : i32
    %roll3A_773 = tpu.dynamic_rotate %select_n3A_755 by %roll3A_772 dim 1 : vector<64x2048xi32>, i32 -> vector<64x2048xi32>
    %roll3A_774 = arith.constant 4 : i32
    %roll3A_775 = tpu.dynamic_rotate %select_n3A_755 by %roll3A_774 dim 1 : vector<64x2048xi32>, i32 -> vector<64x2048xi32>
    %sub3A_776 = arith.subi %roll3A_775, %roll3A_773 : vector<64x2048xi32>
    %mul3A_777 = vector.broadcast %and3A_761 : vector<1x2048xi32> to vector<64x2048xi32>
    %mul3A_778 = arith.muli %sub3A_776, %mul3A_777 : vector<64x2048xi32>
    %add3A_779 = arith.addi %roll3A_773, %mul3A_778 : vector<64x2048xi32>
    %xor3A_780 = vector.broadcast %neg3A_771 : vector<1x2048xi32> to vector<64x2048xi32>
    %xor3A_781 = arith.xori %add3A_779, %xor3A_780 : vector<64x2048xi32>
    %xor3A_782 = vector.broadcast %neg3A_771 : vector<1x2048xi32> to vector<64x2048xi32>
    %xor3A_783 = arith.xori %select_n3A_755, %xor3A_782 : vector<64x2048xi32>
    %lt3A_784 = arith.cmpi slt, %xor3A_781, %xor3A_783 : vector<64x2048xi32>
    %select_n3A_785 = arith.select %lt3A_784, %add3A_779, %select_n3A_755 : vector<64x2048xi1>, vector<64x2048xi32>
    %shift_right_arithmetic3A_786 = arith.constant 1 : i32
    %shift_right_arithmetic3A_787 = vector.broadcast %shift_right_arithmetic3A_786 : i32 to vector<1x2048xi32>
    %shift_right_arithmetic3A_788 = arith.shrsi %iota3A_10, %shift_right_arithmetic3A_787 : vector<1x2048xi32>
    %and3A_789 = arith.constant 1 : i32
    %and3A_790 = vector.broadcast %and3A_789 : i32 to vector<1x2048xi32>
    %and3A_791 = arith.andi %shift_right_arithmetic3A_788, %and3A_790 : vector<1x2048xi32>
    %shift_right_arithmetic3A_792 = arith.constant 7 : i32
    %shift_right_arithmetic3A_793 = vector.broadcast %shift_right_arithmetic3A_792 : i32 to vector<1x2048xi32>
    %shift_right_arithmetic3A_794 = arith.shrsi %iota3A_10, %shift_right_arithmetic3A_793 : vector<1x2048xi32>
    %and3A_795 = arith.constant 1 : i32
    %and3A_796 = vector.broadcast %and3A_795 : i32 to vector<1x2048xi32>
    %and3A_797 = arith.andi %shift_right_arithmetic3A_794, %and3A_796 : vector<1x2048xi32>
    %xor3A_798 = arith.xori %and3A_791, %and3A_797 : vector<1x2048xi32>
    %neg3A_799 = arith.constant 0 : i32
    %neg3A_800 = vector.broadcast %neg3A_799 : i32 to vector<1x2048xi32>
    %neg3A_801 = arith.subi %neg3A_800, %xor3A_798 : vector<1x2048xi32>
    %roll3A_802 = arith.constant 2046 : i32
    %roll3A_803 = tpu.dynamic_rotate %select_n3A_785 by %roll3A_802 dim 1 : vector<64x2048xi32>, i32 -> vector<64x2048xi32>
    %roll3A_804 = arith.constant 2 : i32
    %roll3A_805 = tpu.dynamic_rotate %select_n3A_785 by %roll3A_804 dim 1 : vector<64x2048xi32>, i32 -> vector<64x2048xi32>
    %sub3A_806 = arith.subi %roll3A_805, %roll3A_803 : vector<64x2048xi32>
    %mul3A_807 = vector.broadcast %and3A_791 : vector<1x2048xi32> to vector<64x2048xi32>
    %mul3A_808 = arith.muli %sub3A_806, %mul3A_807 : vector<64x2048xi32>
    %add3A_809 = arith.addi %roll3A_803, %mul3A_808 : vector<64x2048xi32>
    %xor3A_810 = vector.broadcast %neg3A_801 : vector<1x2048xi32> to vector<64x2048xi32>
    %xor3A_811 = arith.xori %add3A_809, %xor3A_810 : vector<64x2048xi32>
    %xor3A_812 = vector.broadcast %neg3A_801 : vector<1x2048xi32> to vector<64x2048xi32>
    %xor3A_813 = arith.xori %select_n3A_785, %xor3A_812 : vector<64x2048xi32>
    %lt3A_814 = arith.cmpi slt, %xor3A_811, %xor3A_813 : vector<64x2048xi32>
    %select_n3A_815 = arith.select %lt3A_814, %add3A_809, %select_n3A_785 : vector<64x2048xi1>, vector<64x2048xi32>
    %shift_right_arithmetic3A_816 = arith.constant 0 : i32
    %shift_right_arithmetic3A_817 = vector.broadcast %shift_right_arithmetic3A_816 : i32 to vector<1x2048xi32>
    %shift_right_arithmetic3A_818 = arith.shrsi %iota3A_10, %shift_right_arithmetic3A_817 : vector<1x2048xi32>
    %and3A_819 = arith.constant 1 : i32
    %and3A_820 = vector.broadcast %and3A_819 : i32 to vector<1x2048xi32>
    %and3A_821 = arith.andi %shift_right_arithmetic3A_818, %and3A_820 : vector<1x2048xi32>
    %shift_right_arithmetic3A_822 = arith.constant 7 : i32
    %shift_right_arithmetic3A_823 = vector.broadcast %shift_right_arithmetic3A_822 : i32 to vector<1x2048xi32>
    %shift_right_arithmetic3A_824 = arith.shrsi %iota3A_10, %shift_right_arithmetic3A_823 : vector<1x2048xi32>
    %and3A_825 = arith.constant 1 : i32
    %and3A_826 = vector.broadcast %and3A_825 : i32 to vector<1x2048xi32>
    %and3A_827 = arith.andi %shift_right_arithmetic3A_824, %and3A_826 : vector<1x2048xi32>
    %xor3A_828 = arith.xori %and3A_821, %and3A_827 : vector<1x2048xi32>
    %neg3A_829 = arith.constant 0 : i32
    %neg3A_830 = vector.broadcast %neg3A_829 : i32 to vector<1x2048xi32>
    %neg3A_831 = arith.subi %neg3A_830, %xor3A_828 : vector<1x2048xi32>
    %roll3A_832 = arith.constant 2047 : i32
    %roll3A_833 = tpu.dynamic_rotate %select_n3A_815 by %roll3A_832 dim 1 : vector<64x2048xi32>, i32 -> vector<64x2048xi32>
    %roll3A_834 = arith.constant 1 : i32
    %roll3A_835 = tpu.dynamic_rotate %select_n3A_815 by %roll3A_834 dim 1 : vector<64x2048xi32>, i32 -> vector<64x2048xi32>
    %sub3A_836 = arith.subi %roll3A_835, %roll3A_833 : vector<64x2048xi32>
    %mul3A_837 = vector.broadcast %and3A_821 : vector<1x2048xi32> to vector<64x2048xi32>
    %mul3A_838 = arith.muli %sub3A_836, %mul3A_837 : vector<64x2048xi32>
    %add3A_839 = arith.addi %roll3A_833, %mul3A_838 : vector<64x2048xi32>
    %xor3A_840 = vector.broadcast %neg3A_831 : vector<1x2048xi32> to vector<64x2048xi32>
    %xor3A_841 = arith.xori %add3A_839, %xor3A_840 : vector<64x2048xi32>
    %xor3A_842 = vector.broadcast %neg3A_831 : vector<1x2048xi32> to vector<64x2048xi32>
    %xor3A_843 = arith.xori %select_n3A_815, %xor3A_842 : vector<64x2048xi32>
    %lt3A_844 = arith.cmpi slt, %xor3A_841, %xor3A_843 : vector<64x2048xi32>
    %select_n3A_845 = arith.select %lt3A_844, %add3A_839, %select_n3A_815 : vector<64x2048xi1>, vector<64x2048xi32>
    %shift_right_arithmetic3A_846 = arith.constant 7 : i32
    %shift_right_arithmetic3A_847 = vector.broadcast %shift_right_arithmetic3A_846 : i32 to vector<1x2048xi32>
    %shift_right_arithmetic3A_848 = arith.shrsi %iota3A_10, %shift_right_arithmetic3A_847 : vector<1x2048xi32>
    %and3A_849 = arith.constant 1 : i32
    %and3A_850 = vector.broadcast %and3A_849 : i32 to vector<1x2048xi32>
    %and3A_851 = arith.andi %shift_right_arithmetic3A_848, %and3A_850 : vector<1x2048xi32>
    %shift_right_arithmetic3A_852 = arith.constant 8 : i32
    %shift_right_arithmetic3A_853 = vector.broadcast %shift_right_arithmetic3A_852 : i32 to vector<1x2048xi32>
    %shift_right_arithmetic3A_854 = arith.shrsi %iota3A_10, %shift_right_arithmetic3A_853 : vector<1x2048xi32>
    %and3A_855 = arith.constant 1 : i32
    %and3A_856 = vector.broadcast %and3A_855 : i32 to vector<1x2048xi32>
    %and3A_857 = arith.andi %shift_right_arithmetic3A_854, %and3A_856 : vector<1x2048xi32>
    %xor3A_858 = arith.xori %and3A_851, %and3A_857 : vector<1x2048xi32>
    %neg3A_859 = arith.constant 0 : i32
    %neg3A_860 = vector.broadcast %neg3A_859 : i32 to vector<1x2048xi32>
    %neg3A_861 = arith.subi %neg3A_860, %xor3A_858 : vector<1x2048xi32>
    %roll3A_862 = arith.constant 1920 : i32
    %roll3A_863 = tpu.dynamic_rotate %select_n3A_845 by %roll3A_862 dim 1 : vector<64x2048xi32>, i32 -> vector<64x2048xi32>
    %roll3A_864 = arith.constant 128 : i32
    %roll3A_865 = tpu.dynamic_rotate %select_n3A_845 by %roll3A_864 dim 1 : vector<64x2048xi32>, i32 -> vector<64x2048xi32>
    %sub3A_866 = arith.subi %roll3A_865, %roll3A_863 : vector<64x2048xi32>
    %mul3A_867 = vector.broadcast %and3A_851 : vector<1x2048xi32> to vector<64x2048xi32>
    %mul3A_868 = arith.muli %sub3A_866, %mul3A_867 : vector<64x2048xi32>
    %add3A_869 = arith.addi %roll3A_863, %mul3A_868 : vector<64x2048xi32>
    %xor3A_870 = vector.broadcast %neg3A_861 : vector<1x2048xi32> to vector<64x2048xi32>
    %xor3A_871 = arith.xori %add3A_869, %xor3A_870 : vector<64x2048xi32>
    %xor3A_872 = vector.broadcast %neg3A_861 : vector<1x2048xi32> to vector<64x2048xi32>
    %xor3A_873 = arith.xori %select_n3A_845, %xor3A_872 : vector<64x2048xi32>
    %lt3A_874 = arith.cmpi slt, %xor3A_871, %xor3A_873 : vector<64x2048xi32>
    %select_n3A_875 = arith.select %lt3A_874, %add3A_869, %select_n3A_845 : vector<64x2048xi1>, vector<64x2048xi32>
    %shift_right_arithmetic3A_876 = arith.constant 6 : i32
    %shift_right_arithmetic3A_877 = vector.broadcast %shift_right_arithmetic3A_876 : i32 to vector<1x2048xi32>
    %shift_right_arithmetic3A_878 = arith.shrsi %iota3A_10, %shift_right_arithmetic3A_877 : vector<1x2048xi32>
    %and3A_879 = arith.constant 1 : i32
    %and3A_880 = vector.broadcast %and3A_879 : i32 to vector<1x2048xi32>
    %and3A_881 = arith.andi %shift_right_arithmetic3A_878, %and3A_880 : vector<1x2048xi32>
    %shift_right_arithmetic3A_882 = arith.constant 8 : i32
    %shift_right_arithmetic3A_883 = vector.broadcast %shift_right_arithmetic3A_882 : i32 to vector<1x2048xi32>
    %shift_right_arithmetic3A_884 = arith.shrsi %iota3A_10, %shift_right_arithmetic3A_883 : vector<1x2048xi32>
    %and3A_885 = arith.constant 1 : i32
    %and3A_886 = vector.broadcast %and3A_885 : i32 to vector<1x2048xi32>
    %and3A_887 = arith.andi %shift_right_arithmetic3A_884, %and3A_886 : vector<1x2048xi32>
    %xor3A_888 = arith.xori %and3A_881, %and3A_887 : vector<1x2048xi32>
    %neg3A_889 = arith.constant 0 : i32
    %neg3A_890 = vector.broadcast %neg3A_889 : i32 to vector<1x2048xi32>
    %neg3A_891 = arith.subi %neg3A_890, %xor3A_888 : vector<1x2048xi32>
    %roll3A_892 = arith.constant 1984 : i32
    %roll3A_893 = tpu.dynamic_rotate %select_n3A_875 by %roll3A_892 dim 1 : vector<64x2048xi32>, i32 -> vector<64x2048xi32>
    %roll3A_894 = arith.constant 64 : i32
    %roll3A_895 = tpu.dynamic_rotate %select_n3A_875 by %roll3A_894 dim 1 : vector<64x2048xi32>, i32 -> vector<64x2048xi32>
    %sub3A_896 = arith.subi %roll3A_895, %roll3A_893 : vector<64x2048xi32>
    %mul3A_897 = vector.broadcast %and3A_881 : vector<1x2048xi32> to vector<64x2048xi32>
    %mul3A_898 = arith.muli %sub3A_896, %mul3A_897 : vector<64x2048xi32>
    %add3A_899 = arith.addi %roll3A_893, %mul3A_898 : vector<64x2048xi32>
    %xor3A_900 = vector.broadcast %neg3A_891 : vector<1x2048xi32> to vector<64x2048xi32>
    %xor3A_901 = arith.xori %add3A_899, %xor3A_900 : vector<64x2048xi32>
    %xor3A_902 = vector.broadcast %neg3A_891 : vector<1x2048xi32> to vector<64x2048xi32>
    %xor3A_903 = arith.xori %select_n3A_875, %xor3A_902 : vector<64x2048xi32>
    %lt3A_904 = arith.cmpi slt, %xor3A_901, %xor3A_903 : vector<64x2048xi32>
    %select_n3A_905 = arith.select %lt3A_904, %add3A_899, %select_n3A_875 : vector<64x2048xi1>, vector<64x2048xi32>
    %shift_right_arithmetic3A_906 = arith.constant 5 : i32
    %shift_right_arithmetic3A_907 = vector.broadcast %shift_right_arithmetic3A_906 : i32 to vector<1x2048xi32>
    %shift_right_arithmetic3A_908 = arith.shrsi %iota3A_10, %shift_right_arithmetic3A_907 : vector<1x2048xi32>
    %and3A_909 = arith.constant 1 : i32
    %and3A_910 = vector.broadcast %and3A_909 : i32 to vector<1x2048xi32>
    %and3A_911 = arith.andi %shift_right_arithmetic3A_908, %and3A_910 : vector<1x2048xi32>
    %shift_right_arithmetic3A_912 = arith.constant 8 : i32
    %shift_right_arithmetic3A_913 = vector.broadcast %shift_right_arithmetic3A_912 : i32 to vector<1x2048xi32>
    %shift_right_arithmetic3A_914 = arith.shrsi %iota3A_10, %shift_right_arithmetic3A_913 : vector<1x2048xi32>
    %and3A_915 = arith.constant 1 : i32
    %and3A_916 = vector.broadcast %and3A_915 : i32 to vector<1x2048xi32>
    %and3A_917 = arith.andi %shift_right_arithmetic3A_914, %and3A_916 : vector<1x2048xi32>
    %xor3A_918 = arith.xori %and3A_911, %and3A_917 : vector<1x2048xi32>
    %neg3A_919 = arith.constant 0 : i32
    %neg3A_920 = vector.broadcast %neg3A_919 : i32 to vector<1x2048xi32>
    %neg3A_921 = arith.subi %neg3A_920, %xor3A_918 : vector<1x2048xi32>
    %roll3A_922 = arith.constant 2016 : i32
    %roll3A_923 = tpu.dynamic_rotate %select_n3A_905 by %roll3A_922 dim 1 : vector<64x2048xi32>, i32 -> vector<64x2048xi32>
    %roll3A_924 = arith.constant 32 : i32
    %roll3A_925 = tpu.dynamic_rotate %select_n3A_905 by %roll3A_924 dim 1 : vector<64x2048xi32>, i32 -> vector<64x2048xi32>
    %sub3A_926 = arith.subi %roll3A_925, %roll3A_923 : vector<64x2048xi32>
    %mul3A_927 = vector.broadcast %and3A_911 : vector<1x2048xi32> to vector<64x2048xi32>
    %mul3A_928 = arith.muli %sub3A_926, %mul3A_927 : vector<64x2048xi32>
    %add3A_929 = arith.addi %roll3A_923, %mul3A_928 : vector<64x2048xi32>
    %xor3A_930 = vector.broadcast %neg3A_921 : vector<1x2048xi32> to vector<64x2048xi32>
    %xor3A_931 = arith.xori %add3A_929, %xor3A_930 : vector<64x2048xi32>
    %xor3A_932 = vector.broadcast %neg3A_921 : vector<1x2048xi32> to vector<64x2048xi32>
    %xor3A_933 = arith.xori %select_n3A_905, %xor3A_932 : vector<64x2048xi32>
    %lt3A_934 = arith.cmpi slt, %xor3A_931, %xor3A_933 : vector<64x2048xi32>
    %select_n3A_935 = arith.select %lt3A_934, %add3A_929, %select_n3A_905 : vector<64x2048xi1>, vector<64x2048xi32>
    %shift_right_arithmetic3A_936 = arith.constant 4 : i32
    %shift_right_arithmetic3A_937 = vector.broadcast %shift_right_arithmetic3A_936 : i32 to vector<1x2048xi32>
    %shift_right_arithmetic3A_938 = arith.shrsi %iota3A_10, %shift_right_arithmetic3A_937 : vector<1x2048xi32>
    %and3A_939 = arith.constant 1 : i32
    %and3A_940 = vector.broadcast %and3A_939 : i32 to vector<1x2048xi32>
    %and3A_941 = arith.andi %shift_right_arithmetic3A_938, %and3A_940 : vector<1x2048xi32>
    %shift_right_arithmetic3A_942 = arith.constant 8 : i32
    %shift_right_arithmetic3A_943 = vector.broadcast %shift_right_arithmetic3A_942 : i32 to vector<1x2048xi32>
    %shift_right_arithmetic3A_944 = arith.shrsi %iota3A_10, %shift_right_arithmetic3A_943 : vector<1x2048xi32>
    %and3A_945 = arith.constant 1 : i32
    %and3A_946 = vector.broadcast %and3A_945 : i32 to vector<1x2048xi32>
    %and3A_947 = arith.andi %shift_right_arithmetic3A_944, %and3A_946 : vector<1x2048xi32>
    %xor3A_948 = arith.xori %and3A_941, %and3A_947 : vector<1x2048xi32>
    %neg3A_949 = arith.constant 0 : i32
    %neg3A_950 = vector.broadcast %neg3A_949 : i32 to vector<1x2048xi32>
    %neg3A_951 = arith.subi %neg3A_950, %xor3A_948 : vector<1x2048xi32>
    %roll3A_952 = arith.constant 2032 : i32
    %roll3A_953 = tpu.dynamic_rotate %select_n3A_935 by %roll3A_952 dim 1 : vector<64x2048xi32>, i32 -> vector<64x2048xi32>
    %roll3A_954 = arith.constant 16 : i32
    %roll3A_955 = tpu.dynamic_rotate %select_n3A_935 by %roll3A_954 dim 1 : vector<64x2048xi32>, i32 -> vector<64x2048xi32>
    %sub3A_956 = arith.subi %roll3A_955, %roll3A_953 : vector<64x2048xi32>
    %mul3A_957 = vector.broadcast %and3A_941 : vector<1x2048xi32> to vector<64x2048xi32>
    %mul3A_958 = arith.muli %sub3A_956, %mul3A_957 : vector<64x2048xi32>
    %add3A_959 = arith.addi %roll3A_953, %mul3A_958 : vector<64x2048xi32>
    %xor3A_960 = vector.broadcast %neg3A_951 : vector<1x2048xi32> to vector<64x2048xi32>
    %xor3A_961 = arith.xori %add3A_959, %xor3A_960 : vector<64x2048xi32>
    %xor3A_962 = vector.broadcast %neg3A_951 : vector<1x2048xi32> to vector<64x2048xi32>
    %xor3A_963 = arith.xori %select_n3A_935, %xor3A_962 : vector<64x2048xi32>
    %lt3A_964 = arith.cmpi slt, %xor3A_961, %xor3A_963 : vector<64x2048xi32>
    %select_n3A_965 = arith.select %lt3A_964, %add3A_959, %select_n3A_935 : vector<64x2048xi1>, vector<64x2048xi32>
    %shift_right_arithmetic3A_966 = arith.constant 3 : i32
    %shift_right_arithmetic3A_967 = vector.broadcast %shift_right_arithmetic3A_966 : i32 to vector<1x2048xi32>
    %shift_right_arithmetic3A_968 = arith.shrsi %iota3A_10, %shift_right_arithmetic3A_967 : vector<1x2048xi32>
    %and3A_969 = arith.constant 1 : i32
    %and3A_970 = vector.broadcast %and3A_969 : i32 to vector<1x2048xi32>
    %and3A_971 = arith.andi %shift_right_arithmetic3A_968, %and3A_970 : vector<1x2048xi32>
    %shift_right_arithmetic3A_972 = arith.constant 8 : i32
    %shift_right_arithmetic3A_973 = vector.broadcast %shift_right_arithmetic3A_972 : i32 to vector<1x2048xi32>
    %shift_right_arithmetic3A_974 = arith.shrsi %iota3A_10, %shift_right_arithmetic3A_973 : vector<1x2048xi32>
    %and3A_975 = arith.constant 1 : i32
    %and3A_976 = vector.broadcast %and3A_975 : i32 to vector<1x2048xi32>
    %and3A_977 = arith.andi %shift_right_arithmetic3A_974, %and3A_976 : vector<1x2048xi32>
    %xor3A_978 = arith.xori %and3A_971, %and3A_977 : vector<1x2048xi32>
    %neg3A_979 = arith.constant 0 : i32
    %neg3A_980 = vector.broadcast %neg3A_979 : i32 to vector<1x2048xi32>
    %neg3A_981 = arith.subi %neg3A_980, %xor3A_978 : vector<1x2048xi32>
    %roll3A_982 = arith.constant 2040 : i32
    %roll3A_983 = tpu.dynamic_rotate %select_n3A_965 by %roll3A_982 dim 1 : vector<64x2048xi32>, i32 -> vector<64x2048xi32>
    %roll3A_984 = arith.constant 8 : i32
    %roll3A_985 = tpu.dynamic_rotate %select_n3A_965 by %roll3A_984 dim 1 : vector<64x2048xi32>, i32 -> vector<64x2048xi32>
    %sub3A_986 = arith.subi %roll3A_985, %roll3A_983 : vector<64x2048xi32>
    %mul3A_987 = vector.broadcast %and3A_971 : vector<1x2048xi32> to vector<64x2048xi32>
    %mul3A_988 = arith.muli %sub3A_986, %mul3A_987 : vector<64x2048xi32>
    %add3A_989 = arith.addi %roll3A_983, %mul3A_988 : vector<64x2048xi32>
    %xor3A_990 = vector.broadcast %neg3A_981 : vector<1x2048xi32> to vector<64x2048xi32>
    %xor3A_991 = arith.xori %add3A_989, %xor3A_990 : vector<64x2048xi32>
    %xor3A_992 = vector.broadcast %neg3A_981 : vector<1x2048xi32> to vector<64x2048xi32>
    %xor3A_993 = arith.xori %select_n3A_965, %xor3A_992 : vector<64x2048xi32>
    %lt3A_994 = arith.cmpi slt, %xor3A_991, %xor3A_993 : vector<64x2048xi32>
    %select_n3A_995 = arith.select %lt3A_994, %add3A_989, %select_n3A_965 : vector<64x2048xi1>, vector<64x2048xi32>
    %shift_right_arithmetic3A_996 = arith.constant 2 : i32
    %shift_right_arithmetic3A_997 = vector.broadcast %shift_right_arithmetic3A_996 : i32 to vector<1x2048xi32>
    %shift_right_arithmetic3A_998 = arith.shrsi %iota3A_10, %shift_right_arithmetic3A_997 : vector<1x2048xi32>
    %and3A_999 = arith.constant 1 : i32
    %and3A_1000 = vector.broadcast %and3A_999 : i32 to vector<1x2048xi32>
    %and3A_1001 = arith.andi %shift_right_arithmetic3A_998, %and3A_1000 : vector<1x2048xi32>
    %shift_right_arithmetic3A_1002 = arith.constant 8 : i32
    %shift_right_arithmetic3A_1003 = vector.broadcast %shift_right_arithmetic3A_1002 : i32 to vector<1x2048xi32>
    %shift_right_arithmetic3A_1004 = arith.shrsi %iota3A_10, %shift_right_arithmetic3A_1003 : vector<1x2048xi32>
    %and3A_1005 = arith.constant 1 : i32
    %and3A_1006 = vector.broadcast %and3A_1005 : i32 to vector<1x2048xi32>
    %and3A_1007 = arith.andi %shift_right_arithmetic3A_1004, %and3A_1006 : vector<1x2048xi32>
    %xor3A_1008 = arith.xori %and3A_1001, %and3A_1007 : vector<1x2048xi32>
    %neg3A_1009 = arith.constant 0 : i32
    %neg3A_1010 = vector.broadcast %neg3A_1009 : i32 to vector<1x2048xi32>
    %neg3A_1011 = arith.subi %neg3A_1010, %xor3A_1008 : vector<1x2048xi32>
    %roll3A_1012 = arith.constant 2044 : i32
    %roll3A_1013 = tpu.dynamic_rotate %select_n3A_995 by %roll3A_1012 dim 1 : vector<64x2048xi32>, i32 -> vector<64x2048xi32>
    %roll3A_1014 = arith.constant 4 : i32
    %roll3A_1015 = tpu.dynamic_rotate %select_n3A_995 by %roll3A_1014 dim 1 : vector<64x2048xi32>, i32 -> vector<64x2048xi32>
    %sub3A_1016 = arith.subi %roll3A_1015, %roll3A_1013 : vector<64x2048xi32>
    %mul3A_1017 = vector.broadcast %and3A_1001 : vector<1x2048xi32> to vector<64x2048xi32>
    %mul3A_1018 = arith.muli %sub3A_1016, %mul3A_1017 : vector<64x2048xi32>
    %add3A_1019 = arith.addi %roll3A_1013, %mul3A_1018 : vector<64x2048xi32>
    %xor3A_1020 = vector.broadcast %neg3A_1011 : vector<1x2048xi32> to vector<64x2048xi32>
    %xor3A_1021 = arith.xori %add3A_1019, %xor3A_1020 : vector<64x2048xi32>
    %xor3A_1022 = vector.broadcast %neg3A_1011 : vector<1x2048xi32> to vector<64x2048xi32>
    %xor3A_1023 = arith.xori %select_n3A_995, %xor3A_1022 : vector<64x2048xi32>
    %lt3A_1024 = arith.cmpi slt, %xor3A_1021, %xor3A_1023 : vector<64x2048xi32>
    %select_n3A_1025 = arith.select %lt3A_1024, %add3A_1019, %select_n3A_995 : vector<64x2048xi1>, vector<64x2048xi32>
    %shift_right_arithmetic3A_1026 = arith.constant 1 : i32
    %shift_right_arithmetic3A_1027 = vector.broadcast %shift_right_arithmetic3A_1026 : i32 to vector<1x2048xi32>
    %shift_right_arithmetic3A_1028 = arith.shrsi %iota3A_10, %shift_right_arithmetic3A_1027 : vector<1x2048xi32>
    %and3A_1029 = arith.constant 1 : i32
    %and3A_1030 = vector.broadcast %and3A_1029 : i32 to vector<1x2048xi32>
    %and3A_1031 = arith.andi %shift_right_arithmetic3A_1028, %and3A_1030 : vector<1x2048xi32>
    %shift_right_arithmetic3A_1032 = arith.constant 8 : i32
    %shift_right_arithmetic3A_1033 = vector.broadcast %shift_right_arithmetic3A_1032 : i32 to vector<1x2048xi32>
    %shift_right_arithmetic3A_1034 = arith.shrsi %iota3A_10, %shift_right_arithmetic3A_1033 : vector<1x2048xi32>
    %and3A_1035 = arith.constant 1 : i32
    %and3A_1036 = vector.broadcast %and3A_1035 : i32 to vector<1x2048xi32>
    %and3A_1037 = arith.andi %shift_right_arithmetic3A_1034, %and3A_1036 : vector<1x2048xi32>
    %xor3A_1038 = arith.xori %and3A_1031, %and3A_1037 : vector<1x2048xi32>
    %neg3A_1039 = arith.constant 0 : i32
    %neg3A_1040 = vector.broadcast %neg3A_1039 : i32 to vector<1x2048xi32>
    %neg3A_1041 = arith.subi %neg3A_1040, %xor3A_1038 : vector<1x2048xi32>
    %roll3A_1042 = arith.constant 2046 : i32
    %roll3A_1043 = tpu.dynamic_rotate %select_n3A_1025 by %roll3A_1042 dim 1 : vector<64x2048xi32>, i32 -> vector<64x2048xi32>
    %roll3A_1044 = arith.constant 2 : i32
    %roll3A_1045 = tpu.dynamic_rotate %select_n3A_1025 by %roll3A_1044 dim 1 : vector<64x2048xi32>, i32 -> vector<64x2048xi32>
    %sub3A_1046 = arith.subi %roll3A_1045, %roll3A_1043 : vector<64x2048xi32>
    %mul3A_1047 = vector.broadcast %and3A_1031 : vector<1x2048xi32> to vector<64x2048xi32>
    %mul3A_1048 = arith.muli %sub3A_1046, %mul3A_1047 : vector<64x2048xi32>
    %add3A_1049 = arith.addi %roll3A_1043, %mul3A_1048 : vector<64x2048xi32>
    %xor3A_1050 = vector.broadcast %neg3A_1041 : vector<1x2048xi32> to vector<64x2048xi32>
    %xor3A_1051 = arith.xori %add3A_1049, %xor3A_1050 : vector<64x2048xi32>
    %xor3A_1052 = vector.broadcast %neg3A_1041 : vector<1x2048xi32> to vector<64x2048xi32>
    %xor3A_1053 = arith.xori %select_n3A_1025, %xor3A_1052 : vector<64x2048xi32>
    %lt3A_1054 = arith.cmpi slt, %xor3A_1051, %xor3A_1053 : vector<64x2048xi32>
    %select_n3A_1055 = arith.select %lt3A_1054, %add3A_1049, %select_n3A_1025 : vector<64x2048xi1>, vector<64x2048xi32>
    %shift_right_arithmetic3A_1056 = arith.constant 0 : i32
    %shift_right_arithmetic3A_1057 = vector.broadcast %shift_right_arithmetic3A_1056 : i32 to vector<1x2048xi32>
    %shift_right_arithmetic3A_1058 = arith.shrsi %iota3A_10, %shift_right_arithmetic3A_1057 : vector<1x2048xi32>
    %and3A_1059 = arith.constant 1 : i32
    %and3A_1060 = vector.broadcast %and3A_1059 : i32 to vector<1x2048xi32>
    %and3A_1061 = arith.andi %shift_right_arithmetic3A_1058, %and3A_1060 : vector<1x2048xi32>
    %shift_right_arithmetic3A_1062 = arith.constant 8 : i32
    %shift_right_arithmetic3A_1063 = vector.broadcast %shift_right_arithmetic3A_1062 : i32 to vector<1x2048xi32>
    %shift_right_arithmetic3A_1064 = arith.shrsi %iota3A_10, %shift_right_arithmetic3A_1063 : vector<1x2048xi32>
    %and3A_1065 = arith.constant 1 : i32
    %and3A_1066 = vector.broadcast %and3A_1065 : i32 to vector<1x2048xi32>
    %and3A_1067 = arith.andi %shift_right_arithmetic3A_1064, %and3A_1066 : vector<1x2048xi32>
    %xor3A_1068 = arith.xori %and3A_1061, %and3A_1067 : vector<1x2048xi32>
    %neg3A_1069 = arith.constant 0 : i32
    %neg3A_1070 = vector.broadcast %neg3A_1069 : i32 to vector<1x2048xi32>
    %neg3A_1071 = arith.subi %neg3A_1070, %xor3A_1068 : vector<1x2048xi32>
    %roll3A_1072 = arith.constant 2047 : i32
    %roll3A_1073 = tpu.dynamic_rotate %select_n3A_1055 by %roll3A_1072 dim 1 : vector<64x2048xi32>, i32 -> vector<64x2048xi32>
    %roll3A_1074 = arith.constant 1 : i32
    %roll3A_1075 = tpu.dynamic_rotate %select_n3A_1055 by %roll3A_1074 dim 1 : vector<64x2048xi32>, i32 -> vector<64x2048xi32>
    %sub3A_1076 = arith.subi %roll3A_1075, %roll3A_1073 : vector<64x2048xi32>
    %mul3A_1077 = vector.broadcast %and3A_1061 : vector<1x2048xi32> to vector<64x2048xi32>
    %mul3A_1078 = arith.muli %sub3A_1076, %mul3A_1077 : vector<64x2048xi32>
    %add3A_1079 = arith.addi %roll3A_1073, %mul3A_1078 : vector<64x2048xi32>
    %xor3A_1080 = vector.broadcast %neg3A_1071 : vector<1x2048xi32> to vector<64x2048xi32>
    %xor3A_1081 = arith.xori %add3A_1079, %xor3A_1080 : vector<64x2048xi32>
    %xor3A_1082 = vector.broadcast %neg3A_1071 : vector<1x2048xi32> to vector<64x2048xi32>
    %xor3A_1083 = arith.xori %select_n3A_1055, %xor3A_1082 : vector<64x2048xi32>
    %lt3A_1084 = arith.cmpi slt, %xor3A_1081, %xor3A_1083 : vector<64x2048xi32>
    %select_n3A_1085 = arith.select %lt3A_1084, %add3A_1079, %select_n3A_1055 : vector<64x2048xi1>, vector<64x2048xi32>
    %shift_right_arithmetic3A_1086 = arith.constant 8 : i32
    %shift_right_arithmetic3A_1087 = vector.broadcast %shift_right_arithmetic3A_1086 : i32 to vector<1x2048xi32>
    %shift_right_arithmetic3A_1088 = arith.shrsi %iota3A_10, %shift_right_arithmetic3A_1087 : vector<1x2048xi32>
    %and3A_1089 = arith.constant 1 : i32
    %and3A_1090 = vector.broadcast %and3A_1089 : i32 to vector<1x2048xi32>
    %and3A_1091 = arith.andi %shift_right_arithmetic3A_1088, %and3A_1090 : vector<1x2048xi32>
    %shift_right_arithmetic3A_1092 = arith.constant 9 : i32
    %shift_right_arithmetic3A_1093 = vector.broadcast %shift_right_arithmetic3A_1092 : i32 to vector<1x2048xi32>
    %shift_right_arithmetic3A_1094 = arith.shrsi %iota3A_10, %shift_right_arithmetic3A_1093 : vector<1x2048xi32>
    %and3A_1095 = arith.constant 1 : i32
    %and3A_1096 = vector.broadcast %and3A_1095 : i32 to vector<1x2048xi32>
    %and3A_1097 = arith.andi %shift_right_arithmetic3A_1094, %and3A_1096 : vector<1x2048xi32>
    %xor3A_1098 = arith.xori %and3A_1091, %and3A_1097 : vector<1x2048xi32>
    %neg3A_1099 = arith.constant 0 : i32
    %neg3A_1100 = vector.broadcast %neg3A_1099 : i32 to vector<1x2048xi32>
    %neg3A_1101 = arith.subi %neg3A_1100, %xor3A_1098 : vector<1x2048xi32>
    %roll3A_1102 = arith.constant 1792 : i32
    %roll3A_1103 = tpu.dynamic_rotate %select_n3A_1085 by %roll3A_1102 dim 1 : vector<64x2048xi32>, i32 -> vector<64x2048xi32>
    %roll3A_1104 = arith.constant 256 : i32
    %roll3A_1105 = tpu.dynamic_rotate %select_n3A_1085 by %roll3A_1104 dim 1 : vector<64x2048xi32>, i32 -> vector<64x2048xi32>
    %sub3A_1106 = arith.subi %roll3A_1105, %roll3A_1103 : vector<64x2048xi32>
    %mul3A_1107 = vector.broadcast %and3A_1091 : vector<1x2048xi32> to vector<64x2048xi32>
    %mul3A_1108 = arith.muli %sub3A_1106, %mul3A_1107 : vector<64x2048xi32>
    %add3A_1109 = arith.addi %roll3A_1103, %mul3A_1108 : vector<64x2048xi32>
    %xor3A_1110 = vector.broadcast %neg3A_1101 : vector<1x2048xi32> to vector<64x2048xi32>
    %xor3A_1111 = arith.xori %add3A_1109, %xor3A_1110 : vector<64x2048xi32>
    %xor3A_1112 = vector.broadcast %neg3A_1101 : vector<1x2048xi32> to vector<64x2048xi32>
    %xor3A_1113 = arith.xori %select_n3A_1085, %xor3A_1112 : vector<64x2048xi32>
    %lt3A_1114 = arith.cmpi slt, %xor3A_1111, %xor3A_1113 : vector<64x2048xi32>
    %select_n3A_1115 = arith.select %lt3A_1114, %add3A_1109, %select_n3A_1085 : vector<64x2048xi1>, vector<64x2048xi32>
    %shift_right_arithmetic3A_1116 = arith.constant 7 : i32
    %shift_right_arithmetic3A_1117 = vector.broadcast %shift_right_arithmetic3A_1116 : i32 to vector<1x2048xi32>
    %shift_right_arithmetic3A_1118 = arith.shrsi %iota3A_10, %shift_right_arithmetic3A_1117 : vector<1x2048xi32>
    %and3A_1119 = arith.constant 1 : i32
    %and3A_1120 = vector.broadcast %and3A_1119 : i32 to vector<1x2048xi32>
    %and3A_1121 = arith.andi %shift_right_arithmetic3A_1118, %and3A_1120 : vector<1x2048xi32>
    %shift_right_arithmetic3A_1122 = arith.constant 9 : i32
    %shift_right_arithmetic3A_1123 = vector.broadcast %shift_right_arithmetic3A_1122 : i32 to vector<1x2048xi32>
    %shift_right_arithmetic3A_1124 = arith.shrsi %iota3A_10, %shift_right_arithmetic3A_1123 : vector<1x2048xi32>
    %and3A_1125 = arith.constant 1 : i32
    %and3A_1126 = vector.broadcast %and3A_1125 : i32 to vector<1x2048xi32>
    %and3A_1127 = arith.andi %shift_right_arithmetic3A_1124, %and3A_1126 : vector<1x2048xi32>
    %xor3A_1128 = arith.xori %and3A_1121, %and3A_1127 : vector<1x2048xi32>
    %neg3A_1129 = arith.constant 0 : i32
    %neg3A_1130 = vector.broadcast %neg3A_1129 : i32 to vector<1x2048xi32>
    %neg3A_1131 = arith.subi %neg3A_1130, %xor3A_1128 : vector<1x2048xi32>
    %roll3A_1132 = arith.constant 1920 : i32
    %roll3A_1133 = tpu.dynamic_rotate %select_n3A_1115 by %roll3A_1132 dim 1 : vector<64x2048xi32>, i32 -> vector<64x2048xi32>
    %roll3A_1134 = arith.constant 128 : i32
    %roll3A_1135 = tpu.dynamic_rotate %select_n3A_1115 by %roll3A_1134 dim 1 : vector<64x2048xi32>, i32 -> vector<64x2048xi32>
    %sub3A_1136 = arith.subi %roll3A_1135, %roll3A_1133 : vector<64x2048xi32>
    %mul3A_1137 = vector.broadcast %and3A_1121 : vector<1x2048xi32> to vector<64x2048xi32>
    %mul3A_1138 = arith.muli %sub3A_1136, %mul3A_1137 : vector<64x2048xi32>
    %add3A_1139 = arith.addi %roll3A_1133, %mul3A_1138 : vector<64x2048xi32>
    %xor3A_1140 = vector.broadcast %neg3A_1131 : vector<1x2048xi32> to vector<64x2048xi32>
    %xor3A_1141 = arith.xori %add3A_1139, %xor3A_1140 : vector<64x2048xi32>
    %xor3A_1142 = vector.broadcast %neg3A_1131 : vector<1x2048xi32> to vector<64x2048xi32>
    %xor3A_1143 = arith.xori %select_n3A_1115, %xor3A_1142 : vector<64x2048xi32>
    %lt3A_1144 = arith.cmpi slt, %xor3A_1141, %xor3A_1143 : vector<64x2048xi32>
    %select_n3A_1145 = arith.select %lt3A_1144, %add3A_1139, %select_n3A_1115 : vector<64x2048xi1>, vector<64x2048xi32>
    %shift_right_arithmetic3A_1146 = arith.constant 6 : i32
    %shift_right_arithmetic3A_1147 = vector.broadcast %shift_right_arithmetic3A_1146 : i32 to vector<1x2048xi32>
    %shift_right_arithmetic3A_1148 = arith.shrsi %iota3A_10, %shift_right_arithmetic3A_1147 : vector<1x2048xi32>
    %and3A_1149 = arith.constant 1 : i32
    %and3A_1150 = vector.broadcast %and3A_1149 : i32 to vector<1x2048xi32>
    %and3A_1151 = arith.andi %shift_right_arithmetic3A_1148, %and3A_1150 : vector<1x2048xi32>
    %shift_right_arithmetic3A_1152 = arith.constant 9 : i32
    %shift_right_arithmetic3A_1153 = vector.broadcast %shift_right_arithmetic3A_1152 : i32 to vector<1x2048xi32>
    %shift_right_arithmetic3A_1154 = arith.shrsi %iota3A_10, %shift_right_arithmetic3A_1153 : vector<1x2048xi32>
    %and3A_1155 = arith.constant 1 : i32
    %and3A_1156 = vector.broadcast %and3A_1155 : i32 to vector<1x2048xi32>
    %and3A_1157 = arith.andi %shift_right_arithmetic3A_1154, %and3A_1156 : vector<1x2048xi32>
    %xor3A_1158 = arith.xori %and3A_1151, %and3A_1157 : vector<1x2048xi32>
    %neg3A_1159 = arith.constant 0 : i32
    %neg3A_1160 = vector.broadcast %neg3A_1159 : i32 to vector<1x2048xi32>
    %neg3A_1161 = arith.subi %neg3A_1160, %xor3A_1158 : vector<1x2048xi32>
    %roll3A_1162 = arith.constant 1984 : i32
    %roll3A_1163 = tpu.dynamic_rotate %select_n3A_1145 by %roll3A_1162 dim 1 : vector<64x2048xi32>, i32 -> vector<64x2048xi32>
    %roll3A_1164 = arith.constant 64 : i32
    %roll3A_1165 = tpu.dynamic_rotate %select_n3A_1145 by %roll3A_1164 dim 1 : vector<64x2048xi32>, i32 -> vector<64x2048xi32>
    %sub3A_1166 = arith.subi %roll3A_1165, %roll3A_1163 : vector<64x2048xi32>
    %mul3A_1167 = vector.broadcast %and3A_1151 : vector<1x2048xi32> to vector<64x2048xi32>
    %mul3A_1168 = arith.muli %sub3A_1166, %mul3A_1167 : vector<64x2048xi32>
    %add3A_1169 = arith.addi %roll3A_1163, %mul3A_1168 : vector<64x2048xi32>
    %xor3A_1170 = vector.broadcast %neg3A_1161 : vector<1x2048xi32> to vector<64x2048xi32>
    %xor3A_1171 = arith.xori %add3A_1169, %xor3A_1170 : vector<64x2048xi32>
    %xor3A_1172 = vector.broadcast %neg3A_1161 : vector<1x2048xi32> to vector<64x2048xi32>
    %xor3A_1173 = arith.xori %select_n3A_1145, %xor3A_1172 : vector<64x2048xi32>
    %lt3A_1174 = arith.cmpi slt, %xor3A_1171, %xor3A_1173 : vector<64x2048xi32>
    %select_n3A_1175 = arith.select %lt3A_1174, %add3A_1169, %select_n3A_1145 : vector<64x2048xi1>, vector<64x2048xi32>
    %shift_right_arithmetic3A_1176 = arith.constant 5 : i32
    %shift_right_arithmetic3A_1177 = vector.broadcast %shift_right_arithmetic3A_1176 : i32 to vector<1x2048xi32>
    %shift_right_arithmetic3A_1178 = arith.shrsi %iota3A_10, %shift_right_arithmetic3A_1177 : vector<1x2048xi32>
    %and3A_1179 = arith.constant 1 : i32
    %and3A_1180 = vector.broadcast %and3A_1179 : i32 to vector<1x2048xi32>
    %and3A_1181 = arith.andi %shift_right_arithmetic3A_1178, %and3A_1180 : vector<1x2048xi32>
    %shift_right_arithmetic3A_1182 = arith.constant 9 : i32
    %shift_right_arithmetic3A_1183 = vector.broadcast %shift_right_arithmetic3A_1182 : i32 to vector<1x2048xi32>
    %shift_right_arithmetic3A_1184 = arith.shrsi %iota3A_10, %shift_right_arithmetic3A_1183 : vector<1x2048xi32>
    %and3A_1185 = arith.constant 1 : i32
    %and3A_1186 = vector.broadcast %and3A_1185 : i32 to vector<1x2048xi32>
    %and3A_1187 = arith.andi %shift_right_arithmetic3A_1184, %and3A_1186 : vector<1x2048xi32>
    %xor3A_1188 = arith.xori %and3A_1181, %and3A_1187 : vector<1x2048xi32>
    %neg3A_1189 = arith.constant 0 : i32
    %neg3A_1190 = vector.broadcast %neg3A_1189 : i32 to vector<1x2048xi32>
    %neg3A_1191 = arith.subi %neg3A_1190, %xor3A_1188 : vector<1x2048xi32>
    %roll3A_1192 = arith.constant 2016 : i32
    %roll3A_1193 = tpu.dynamic_rotate %select_n3A_1175 by %roll3A_1192 dim 1 : vector<64x2048xi32>, i32 -> vector<64x2048xi32>
    %roll3A_1194 = arith.constant 32 : i32
    %roll3A_1195 = tpu.dynamic_rotate %select_n3A_1175 by %roll3A_1194 dim 1 : vector<64x2048xi32>, i32 -> vector<64x2048xi32>
    %sub3A_1196 = arith.subi %roll3A_1195, %roll3A_1193 : vector<64x2048xi32>
    %mul3A_1197 = vector.broadcast %and3A_1181 : vector<1x2048xi32> to vector<64x2048xi32>
    %mul3A_1198 = arith.muli %sub3A_1196, %mul3A_1197 : vector<64x2048xi32>
    %add3A_1199 = arith.addi %roll3A_1193, %mul3A_1198 : vector<64x2048xi32>
    %xor3A_1200 = vector.broadcast %neg3A_1191 : vector<1x2048xi32> to vector<64x2048xi32>
    %xor3A_1201 = arith.xori %add3A_1199, %xor3A_1200 : vector<64x2048xi32>
    %xor3A_1202 = vector.broadcast %neg3A_1191 : vector<1x2048xi32> to vector<64x2048xi32>
    %xor3A_1203 = arith.xori %select_n3A_1175, %xor3A_1202 : vector<64x2048xi32>
    %lt3A_1204 = arith.cmpi slt, %xor3A_1201, %xor3A_1203 : vector<64x2048xi32>
    %select_n3A_1205 = arith.select %lt3A_1204, %add3A_1199, %select_n3A_1175 : vector<64x2048xi1>, vector<64x2048xi32>
    %shift_right_arithmetic3A_1206 = arith.constant 4 : i32
    %shift_right_arithmetic3A_1207 = vector.broadcast %shift_right_arithmetic3A_1206 : i32 to vector<1x2048xi32>
    %shift_right_arithmetic3A_1208 = arith.shrsi %iota3A_10, %shift_right_arithmetic3A_1207 : vector<1x2048xi32>
    %and3A_1209 = arith.constant 1 : i32
    %and3A_1210 = vector.broadcast %and3A_1209 : i32 to vector<1x2048xi32>
    %and3A_1211 = arith.andi %shift_right_arithmetic3A_1208, %and3A_1210 : vector<1x2048xi32>
    %shift_right_arithmetic3A_1212 = arith.constant 9 : i32
    %shift_right_arithmetic3A_1213 = vector.broadcast %shift_right_arithmetic3A_1212 : i32 to vector<1x2048xi32>
    %shift_right_arithmetic3A_1214 = arith.shrsi %iota3A_10, %shift_right_arithmetic3A_1213 : vector<1x2048xi32>
    %and3A_1215 = arith.constant 1 : i32
    %and3A_1216 = vector.broadcast %and3A_1215 : i32 to vector<1x2048xi32>
    %and3A_1217 = arith.andi %shift_right_arithmetic3A_1214, %and3A_1216 : vector<1x2048xi32>
    %xor3A_1218 = arith.xori %and3A_1211, %and3A_1217 : vector<1x2048xi32>
    %neg3A_1219 = arith.constant 0 : i32
    %neg3A_1220 = vector.broadcast %neg3A_1219 : i32 to vector<1x2048xi32>
    %neg3A_1221 = arith.subi %neg3A_1220, %xor3A_1218 : vector<1x2048xi32>
    %roll3A_1222 = arith.constant 2032 : i32
    %roll3A_1223 = tpu.dynamic_rotate %select_n3A_1205 by %roll3A_1222 dim 1 : vector<64x2048xi32>, i32 -> vector<64x2048xi32>
    %roll3A_1224 = arith.constant 16 : i32
    %roll3A_1225 = tpu.dynamic_rotate %select_n3A_1205 by %roll3A_1224 dim 1 : vector<64x2048xi32>, i32 -> vector<64x2048xi32>
    %sub3A_1226 = arith.subi %roll3A_1225, %roll3A_1223 : vector<64x2048xi32>
    %mul3A_1227 = vector.broadcast %and3A_1211 : vector<1x2048xi32> to vector<64x2048xi32>
    %mul3A_1228 = arith.muli %sub3A_1226, %mul3A_1227 : vector<64x2048xi32>
    %add3A_1229 = arith.addi %roll3A_1223, %mul3A_1228 : vector<64x2048xi32>
    %xor3A_1230 = vector.broadcast %neg3A_1221 : vector<1x2048xi32> to vector<64x2048xi32>
    %xor3A_1231 = arith.xori %add3A_1229, %xor3A_1230 : vector<64x2048xi32>
    %xor3A_1232 = vector.broadcast %neg3A_1221 : vector<1x2048xi32> to vector<64x2048xi32>
    %xor3A_1233 = arith.xori %select_n3A_1205, %xor3A_1232 : vector<64x2048xi32>
    %lt3A_1234 = arith.cmpi slt, %xor3A_1231, %xor3A_1233 : vector<64x2048xi32>
    %select_n3A_1235 = arith.select %lt3A_1234, %add3A_1229, %select_n3A_1205 : vector<64x2048xi1>, vector<64x2048xi32>
    %shift_right_arithmetic3A_1236 = arith.constant 3 : i32
    %shift_right_arithmetic3A_1237 = vector.broadcast %shift_right_arithmetic3A_1236 : i32 to vector<1x2048xi32>
    %shift_right_arithmetic3A_1238 = arith.shrsi %iota3A_10, %shift_right_arithmetic3A_1237 : vector<1x2048xi32>
    %and3A_1239 = arith.constant 1 : i32
    %and3A_1240 = vector.broadcast %and3A_1239 : i32 to vector<1x2048xi32>
    %and3A_1241 = arith.andi %shift_right_arithmetic3A_1238, %and3A_1240 : vector<1x2048xi32>
    %shift_right_arithmetic3A_1242 = arith.constant 9 : i32
    %shift_right_arithmetic3A_1243 = vector.broadcast %shift_right_arithmetic3A_1242 : i32 to vector<1x2048xi32>
    %shift_right_arithmetic3A_1244 = arith.shrsi %iota3A_10, %shift_right_arithmetic3A_1243 : vector<1x2048xi32>
    %and3A_1245 = arith.constant 1 : i32
    %and3A_1246 = vector.broadcast %and3A_1245 : i32 to vector<1x2048xi32>
    %and3A_1247 = arith.andi %shift_right_arithmetic3A_1244, %and3A_1246 : vector<1x2048xi32>
    %xor3A_1248 = arith.xori %and3A_1241, %and3A_1247 : vector<1x2048xi32>
    %neg3A_1249 = arith.constant 0 : i32
    %neg3A_1250 = vector.broadcast %neg3A_1249 : i32 to vector<1x2048xi32>
    %neg3A_1251 = arith.subi %neg3A_1250, %xor3A_1248 : vector<1x2048xi32>
    %roll3A_1252 = arith.constant 2040 : i32
    %roll3A_1253 = tpu.dynamic_rotate %select_n3A_1235 by %roll3A_1252 dim 1 : vector<64x2048xi32>, i32 -> vector<64x2048xi32>
    %roll3A_1254 = arith.constant 8 : i32
    %roll3A_1255 = tpu.dynamic_rotate %select_n3A_1235 by %roll3A_1254 dim 1 : vector<64x2048xi32>, i32 -> vector<64x2048xi32>
    %sub3A_1256 = arith.subi %roll3A_1255, %roll3A_1253 : vector<64x2048xi32>
    %mul3A_1257 = vector.broadcast %and3A_1241 : vector<1x2048xi32> to vector<64x2048xi32>
    %mul3A_1258 = arith.muli %sub3A_1256, %mul3A_1257 : vector<64x2048xi32>
    %add3A_1259 = arith.addi %roll3A_1253, %mul3A_1258 : vector<64x2048xi32>
    %xor3A_1260 = vector.broadcast %neg3A_1251 : vector<1x2048xi32> to vector<64x2048xi32>
    %xor3A_1261 = arith.xori %add3A_1259, %xor3A_1260 : vector<64x2048xi32>
    %xor3A_1262 = vector.broadcast %neg3A_1251 : vector<1x2048xi32> to vector<64x2048xi32>
    %xor3A_1263 = arith.xori %select_n3A_1235, %xor3A_1262 : vector<64x2048xi32>
    %lt3A_1264 = arith.cmpi slt, %xor3A_1261, %xor3A_1263 : vector<64x2048xi32>
    %select_n3A_1265 = arith.select %lt3A_1264, %add3A_1259, %select_n3A_1235 : vector<64x2048xi1>, vector<64x2048xi32>
    %shift_right_arithmetic3A_1266 = arith.constant 2 : i32
    %shift_right_arithmetic3A_1267 = vector.broadcast %shift_right_arithmetic3A_1266 : i32 to vector<1x2048xi32>
    %shift_right_arithmetic3A_1268 = arith.shrsi %iota3A_10, %shift_right_arithmetic3A_1267 : vector<1x2048xi32>
    %and3A_1269 = arith.constant 1 : i32
    %and3A_1270 = vector.broadcast %and3A_1269 : i32 to vector<1x2048xi32>
    %and3A_1271 = arith.andi %shift_right_arithmetic3A_1268, %and3A_1270 : vector<1x2048xi32>
    %shift_right_arithmetic3A_1272 = arith.constant 9 : i32
    %shift_right_arithmetic3A_1273 = vector.broadcast %shift_right_arithmetic3A_1272 : i32 to vector<1x2048xi32>
    %shift_right_arithmetic3A_1274 = arith.shrsi %iota3A_10, %shift_right_arithmetic3A_1273 : vector<1x2048xi32>
    %and3A_1275 = arith.constant 1 : i32
    %and3A_1276 = vector.broadcast %and3A_1275 : i32 to vector<1x2048xi32>
    %and3A_1277 = arith.andi %shift_right_arithmetic3A_1274, %and3A_1276 : vector<1x2048xi32>
    %xor3A_1278 = arith.xori %and3A_1271, %and3A_1277 : vector<1x2048xi32>
    %neg3A_1279 = arith.constant 0 : i32
    %neg3A_1280 = vector.broadcast %neg3A_1279 : i32 to vector<1x2048xi32>
    %neg3A_1281 = arith.subi %neg3A_1280, %xor3A_1278 : vector<1x2048xi32>
    %roll3A_1282 = arith.constant 2044 : i32
    %roll3A_1283 = tpu.dynamic_rotate %select_n3A_1265 by %roll3A_1282 dim 1 : vector<64x2048xi32>, i32 -> vector<64x2048xi32>
    %roll3A_1284 = arith.constant 4 : i32
    %roll3A_1285 = tpu.dynamic_rotate %select_n3A_1265 by %roll3A_1284 dim 1 : vector<64x2048xi32>, i32 -> vector<64x2048xi32>
    %sub3A_1286 = arith.subi %roll3A_1285, %roll3A_1283 : vector<64x2048xi32>
    %mul3A_1287 = vector.broadcast %and3A_1271 : vector<1x2048xi32> to vector<64x2048xi32>
    %mul3A_1288 = arith.muli %sub3A_1286, %mul3A_1287 : vector<64x2048xi32>
    %add3A_1289 = arith.addi %roll3A_1283, %mul3A_1288 : vector<64x2048xi32>
    %xor3A_1290 = vector.broadcast %neg3A_1281 : vector<1x2048xi32> to vector<64x2048xi32>
    %xor3A_1291 = arith.xori %add3A_1289, %xor3A_1290 : vector<64x2048xi32>
    %xor3A_1292 = vector.broadcast %neg3A_1281 : vector<1x2048xi32> to vector<64x2048xi32>
    %xor3A_1293 = arith.xori %select_n3A_1265, %xor3A_1292 : vector<64x2048xi32>
    %lt3A_1294 = arith.cmpi slt, %xor3A_1291, %xor3A_1293 : vector<64x2048xi32>
    %select_n3A_1295 = arith.select %lt3A_1294, %add3A_1289, %select_n3A_1265 : vector<64x2048xi1>, vector<64x2048xi32>
    %shift_right_arithmetic3A_1296 = arith.constant 1 : i32
    %shift_right_arithmetic3A_1297 = vector.broadcast %shift_right_arithmetic3A_1296 : i32 to vector<1x2048xi32>
    %shift_right_arithmetic3A_1298 = arith.shrsi %iota3A_10, %shift_right_arithmetic3A_1297 : vector<1x2048xi32>
    %and3A_1299 = arith.constant 1 : i32
    %and3A_1300 = vector.broadcast %and3A_1299 : i32 to vector<1x2048xi32>
    %and3A_1301 = arith.andi %shift_right_arithmetic3A_1298, %and3A_1300 : vector<1x2048xi32>
    %shift_right_arithmetic3A_1302 = arith.constant 9 : i32
    %shift_right_arithmetic3A_1303 = vector.broadcast %shift_right_arithmetic3A_1302 : i32 to vector<1x2048xi32>
    %shift_right_arithmetic3A_1304 = arith.shrsi %iota3A_10, %shift_right_arithmetic3A_1303 : vector<1x2048xi32>
    %and3A_1305 = arith.constant 1 : i32
    %and3A_1306 = vector.broadcast %and3A_1305 : i32 to vector<1x2048xi32>
    %and3A_1307 = arith.andi %shift_right_arithmetic3A_1304, %and3A_1306 : vector<1x2048xi32>
    %xor3A_1308 = arith.xori %and3A_1301, %and3A_1307 : vector<1x2048xi32>
    %neg3A_1309 = arith.constant 0 : i32
    %neg3A_1310 = vector.broadcast %neg3A_1309 : i32 to vector<1x2048xi32>
    %neg3A_1311 = arith.subi %neg3A_1310, %xor3A_1308 : vector<1x2048xi32>
    %roll3A_1312 = arith.constant 2046 : i32
    %roll3A_1313 = tpu.dynamic_rotate %select_n3A_1295 by %roll3A_1312 dim 1 : vector<64x2048xi32>, i32 -> vector<64x2048xi32>
    %roll3A_1314 = arith.constant 2 : i32
    %roll3A_1315 = tpu.dynamic_rotate %select_n3A_1295 by %roll3A_1314 dim 1 : vector<64x2048xi32>, i32 -> vector<64x2048xi32>
    %sub3A_1316 = arith.subi %roll3A_1315, %roll3A_1313 : vector<64x2048xi32>
    %mul3A_1317 = vector.broadcast %and3A_1301 : vector<1x2048xi32> to vector<64x2048xi32>
    %mul3A_1318 = arith.muli %sub3A_1316, %mul3A_1317 : vector<64x2048xi32>
    %add3A_1319 = arith.addi %roll3A_1313, %mul3A_1318 : vector<64x2048xi32>
    %xor3A_1320 = vector.broadcast %neg3A_1311 : vector<1x2048xi32> to vector<64x2048xi32>
    %xor3A_1321 = arith.xori %add3A_1319, %xor3A_1320 : vector<64x2048xi32>
    %xor3A_1322 = vector.broadcast %neg3A_1311 : vector<1x2048xi32> to vector<64x2048xi32>
    %xor3A_1323 = arith.xori %select_n3A_1295, %xor3A_1322 : vector<64x2048xi32>
    %lt3A_1324 = arith.cmpi slt, %xor3A_1321, %xor3A_1323 : vector<64x2048xi32>
    %select_n3A_1325 = arith.select %lt3A_1324, %add3A_1319, %select_n3A_1295 : vector<64x2048xi1>, vector<64x2048xi32>
    %shift_right_arithmetic3A_1326 = arith.constant 0 : i32
    %shift_right_arithmetic3A_1327 = vector.broadcast %shift_right_arithmetic3A_1326 : i32 to vector<1x2048xi32>
    %shift_right_arithmetic3A_1328 = arith.shrsi %iota3A_10, %shift_right_arithmetic3A_1327 : vector<1x2048xi32>
    %and3A_1329 = arith.constant 1 : i32
    %and3A_1330 = vector.broadcast %and3A_1329 : i32 to vector<1x2048xi32>
    %and3A_1331 = arith.andi %shift_right_arithmetic3A_1328, %and3A_1330 : vector<1x2048xi32>
    %shift_right_arithmetic3A_1332 = arith.constant 9 : i32
    %shift_right_arithmetic3A_1333 = vector.broadcast %shift_right_arithmetic3A_1332 : i32 to vector<1x2048xi32>
    %shift_right_arithmetic3A_1334 = arith.shrsi %iota3A_10, %shift_right_arithmetic3A_1333 : vector<1x2048xi32>
    %and3A_1335 = arith.constant 1 : i32
    %and3A_1336 = vector.broadcast %and3A_1335 : i32 to vector<1x2048xi32>
    %and3A_1337 = arith.andi %shift_right_arithmetic3A_1334, %and3A_1336 : vector<1x2048xi32>
    %xor3A_1338 = arith.xori %and3A_1331, %and3A_1337 : vector<1x2048xi32>
    %neg3A_1339 = arith.constant 0 : i32
    %neg3A_1340 = vector.broadcast %neg3A_1339 : i32 to vector<1x2048xi32>
    %neg3A_1341 = arith.subi %neg3A_1340, %xor3A_1338 : vector<1x2048xi32>
    %roll3A_1342 = arith.constant 2047 : i32
    %roll3A_1343 = tpu.dynamic_rotate %select_n3A_1325 by %roll3A_1342 dim 1 : vector<64x2048xi32>, i32 -> vector<64x2048xi32>
    %roll3A_1344 = arith.constant 1 : i32
    %roll3A_1345 = tpu.dynamic_rotate %select_n3A_1325 by %roll3A_1344 dim 1 : vector<64x2048xi32>, i32 -> vector<64x2048xi32>
    %sub3A_1346 = arith.subi %roll3A_1345, %roll3A_1343 : vector<64x2048xi32>
    %mul3A_1347 = vector.broadcast %and3A_1331 : vector<1x2048xi32> to vector<64x2048xi32>
    %mul3A_1348 = arith.muli %sub3A_1346, %mul3A_1347 : vector<64x2048xi32>
    %add3A_1349 = arith.addi %roll3A_1343, %mul3A_1348 : vector<64x2048xi32>
    %xor3A_1350 = vector.broadcast %neg3A_1341 : vector<1x2048xi32> to vector<64x2048xi32>
    %xor3A_1351 = arith.xori %add3A_1349, %xor3A_1350 : vector<64x2048xi32>
    %xor3A_1352 = vector.broadcast %neg3A_1341 : vector<1x2048xi32> to vector<64x2048xi32>
    %xor3A_1353 = arith.xori %select_n3A_1325, %xor3A_1352 : vector<64x2048xi32>
    %lt3A_1354 = arith.cmpi slt, %xor3A_1351, %xor3A_1353 : vector<64x2048xi32>
    %select_n3A_1355 = arith.select %lt3A_1354, %add3A_1349, %select_n3A_1325 : vector<64x2048xi1>, vector<64x2048xi32>
    %shift_right_arithmetic3A_1356 = arith.constant 9 : i32
    %shift_right_arithmetic3A_1357 = vector.broadcast %shift_right_arithmetic3A_1356 : i32 to vector<1x2048xi32>
    %shift_right_arithmetic3A_1358 = arith.shrsi %iota3A_10, %shift_right_arithmetic3A_1357 : vector<1x2048xi32>
    %and3A_1359 = arith.constant 1 : i32
    %and3A_1360 = vector.broadcast %and3A_1359 : i32 to vector<1x2048xi32>
    %and3A_1361 = arith.andi %shift_right_arithmetic3A_1358, %and3A_1360 : vector<1x2048xi32>
    %shift_right_arithmetic3A_1362 = arith.constant 10 : i32
    %shift_right_arithmetic3A_1363 = vector.broadcast %shift_right_arithmetic3A_1362 : i32 to vector<1x2048xi32>
    %shift_right_arithmetic3A_1364 = arith.shrsi %iota3A_10, %shift_right_arithmetic3A_1363 : vector<1x2048xi32>
    %and3A_1365 = arith.constant 1 : i32
    %and3A_1366 = vector.broadcast %and3A_1365 : i32 to vector<1x2048xi32>
    %and3A_1367 = arith.andi %shift_right_arithmetic3A_1364, %and3A_1366 : vector<1x2048xi32>
    %xor3A_1368 = arith.xori %and3A_1361, %and3A_1367 : vector<1x2048xi32>
    %neg3A_1369 = arith.constant 0 : i32
    %neg3A_1370 = vector.broadcast %neg3A_1369 : i32 to vector<1x2048xi32>
    %neg3A_1371 = arith.subi %neg3A_1370, %xor3A_1368 : vector<1x2048xi32>
    %roll3A_1372 = arith.constant 1536 : i32
    %roll3A_1373 = tpu.dynamic_rotate %select_n3A_1355 by %roll3A_1372 dim 1 : vector<64x2048xi32>, i32 -> vector<64x2048xi32>
    %roll3A_1374 = arith.constant 512 : i32
    %roll3A_1375 = tpu.dynamic_rotate %select_n3A_1355 by %roll3A_1374 dim 1 : vector<64x2048xi32>, i32 -> vector<64x2048xi32>
    %sub3A_1376 = arith.subi %roll3A_1375, %roll3A_1373 : vector<64x2048xi32>
    %mul3A_1377 = vector.broadcast %and3A_1361 : vector<1x2048xi32> to vector<64x2048xi32>
    %mul3A_1378 = arith.muli %sub3A_1376, %mul3A_1377 : vector<64x2048xi32>
    %add3A_1379 = arith.addi %roll3A_1373, %mul3A_1378 : vector<64x2048xi32>
    %xor3A_1380 = vector.broadcast %neg3A_1371 : vector<1x2048xi32> to vector<64x2048xi32>
    %xor3A_1381 = arith.xori %add3A_1379, %xor3A_1380 : vector<64x2048xi32>
    %xor3A_1382 = vector.broadcast %neg3A_1371 : vector<1x2048xi32> to vector<64x2048xi32>
    %xor3A_1383 = arith.xori %select_n3A_1355, %xor3A_1382 : vector<64x2048xi32>
    %lt3A_1384 = arith.cmpi slt, %xor3A_1381, %xor3A_1383 : vector<64x2048xi32>
    %select_n3A_1385 = arith.select %lt3A_1384, %add3A_1379, %select_n3A_1355 : vector<64x2048xi1>, vector<64x2048xi32>
    %shift_right_arithmetic3A_1386 = arith.constant 8 : i32
    %shift_right_arithmetic3A_1387 = vector.broadcast %shift_right_arithmetic3A_1386 : i32 to vector<1x2048xi32>
    %shift_right_arithmetic3A_1388 = arith.shrsi %iota3A_10, %shift_right_arithmetic3A_1387 : vector<1x2048xi32>
    %and3A_1389 = arith.constant 1 : i32
    %and3A_1390 = vector.broadcast %and3A_1389 : i32 to vector<1x2048xi32>
    %and3A_1391 = arith.andi %shift_right_arithmetic3A_1388, %and3A_1390 : vector<1x2048xi32>
    %shift_right_arithmetic3A_1392 = arith.constant 10 : i32
    %shift_right_arithmetic3A_1393 = vector.broadcast %shift_right_arithmetic3A_1392 : i32 to vector<1x2048xi32>
    %shift_right_arithmetic3A_1394 = arith.shrsi %iota3A_10, %shift_right_arithmetic3A_1393 : vector<1x2048xi32>
    %and3A_1395 = arith.constant 1 : i32
    %and3A_1396 = vector.broadcast %and3A_1395 : i32 to vector<1x2048xi32>
    %and3A_1397 = arith.andi %shift_right_arithmetic3A_1394, %and3A_1396 : vector<1x2048xi32>
    %xor3A_1398 = arith.xori %and3A_1391, %and3A_1397 : vector<1x2048xi32>
    %neg3A_1399 = arith.constant 0 : i32
    %neg3A_1400 = vector.broadcast %neg3A_1399 : i32 to vector<1x2048xi32>
    %neg3A_1401 = arith.subi %neg3A_1400, %xor3A_1398 : vector<1x2048xi32>
    %roll3A_1402 = arith.constant 1792 : i32
    %roll3A_1403 = tpu.dynamic_rotate %select_n3A_1385 by %roll3A_1402 dim 1 : vector<64x2048xi32>, i32 -> vector<64x2048xi32>
    %roll3A_1404 = arith.constant 256 : i32
    %roll3A_1405 = tpu.dynamic_rotate %select_n3A_1385 by %roll3A_1404 dim 1 : vector<64x2048xi32>, i32 -> vector<64x2048xi32>
    %sub3A_1406 = arith.subi %roll3A_1405, %roll3A_1403 : vector<64x2048xi32>
    %mul3A_1407 = vector.broadcast %and3A_1391 : vector<1x2048xi32> to vector<64x2048xi32>
    %mul3A_1408 = arith.muli %sub3A_1406, %mul3A_1407 : vector<64x2048xi32>
    %add3A_1409 = arith.addi %roll3A_1403, %mul3A_1408 : vector<64x2048xi32>
    %xor3A_1410 = vector.broadcast %neg3A_1401 : vector<1x2048xi32> to vector<64x2048xi32>
    %xor3A_1411 = arith.xori %add3A_1409, %xor3A_1410 : vector<64x2048xi32>
    %xor3A_1412 = vector.broadcast %neg3A_1401 : vector<1x2048xi32> to vector<64x2048xi32>
    %xor3A_1413 = arith.xori %select_n3A_1385, %xor3A_1412 : vector<64x2048xi32>
    %lt3A_1414 = arith.cmpi slt, %xor3A_1411, %xor3A_1413 : vector<64x2048xi32>
    %select_n3A_1415 = arith.select %lt3A_1414, %add3A_1409, %select_n3A_1385 : vector<64x2048xi1>, vector<64x2048xi32>
    %shift_right_arithmetic3A_1416 = arith.constant 7 : i32
    %shift_right_arithmetic3A_1417 = vector.broadcast %shift_right_arithmetic3A_1416 : i32 to vector<1x2048xi32>
    %shift_right_arithmetic3A_1418 = arith.shrsi %iota3A_10, %shift_right_arithmetic3A_1417 : vector<1x2048xi32>
    %and3A_1419 = arith.constant 1 : i32
    %and3A_1420 = vector.broadcast %and3A_1419 : i32 to vector<1x2048xi32>
    %and3A_1421 = arith.andi %shift_right_arithmetic3A_1418, %and3A_1420 : vector<1x2048xi32>
    %shift_right_arithmetic3A_1422 = arith.constant 10 : i32
    %shift_right_arithmetic3A_1423 = vector.broadcast %shift_right_arithmetic3A_1422 : i32 to vector<1x2048xi32>
    %shift_right_arithmetic3A_1424 = arith.shrsi %iota3A_10, %shift_right_arithmetic3A_1423 : vector<1x2048xi32>
    %and3A_1425 = arith.constant 1 : i32
    %and3A_1426 = vector.broadcast %and3A_1425 : i32 to vector<1x2048xi32>
    %and3A_1427 = arith.andi %shift_right_arithmetic3A_1424, %and3A_1426 : vector<1x2048xi32>
    %xor3A_1428 = arith.xori %and3A_1421, %and3A_1427 : vector<1x2048xi32>
    %neg3A_1429 = arith.constant 0 : i32
    %neg3A_1430 = vector.broadcast %neg3A_1429 : i32 to vector<1x2048xi32>
    %neg3A_1431 = arith.subi %neg3A_1430, %xor3A_1428 : vector<1x2048xi32>
    %roll3A_1432 = arith.constant 1920 : i32
    %roll3A_1433 = tpu.dynamic_rotate %select_n3A_1415 by %roll3A_1432 dim 1 : vector<64x2048xi32>, i32 -> vector<64x2048xi32>
    %roll3A_1434 = arith.constant 128 : i32
    %roll3A_1435 = tpu.dynamic_rotate %select_n3A_1415 by %roll3A_1434 dim 1 : vector<64x2048xi32>, i32 -> vector<64x2048xi32>
    %sub3A_1436 = arith.subi %roll3A_1435, %roll3A_1433 : vector<64x2048xi32>
    %mul3A_1437 = vector.broadcast %and3A_1421 : vector<1x2048xi32> to vector<64x2048xi32>
    %mul3A_1438 = arith.muli %sub3A_1436, %mul3A_1437 : vector<64x2048xi32>
    %add3A_1439 = arith.addi %roll3A_1433, %mul3A_1438 : vector<64x2048xi32>
    %xor3A_1440 = vector.broadcast %neg3A_1431 : vector<1x2048xi32> to vector<64x2048xi32>
    %xor3A_1441 = arith.xori %add3A_1439, %xor3A_1440 : vector<64x2048xi32>
    %xor3A_1442 = vector.broadcast %neg3A_1431 : vector<1x2048xi32> to vector<64x2048xi32>
    %xor3A_1443 = arith.xori %select_n3A_1415, %xor3A_1442 : vector<64x2048xi32>
    %lt3A_1444 = arith.cmpi slt, %xor3A_1441, %xor3A_1443 : vector<64x2048xi32>
    %select_n3A_1445 = arith.select %lt3A_1444, %add3A_1439, %select_n3A_1415 : vector<64x2048xi1>, vector<64x2048xi32>
    %shift_right_arithmetic3A_1446 = arith.constant 6 : i32
    %shift_right_arithmetic3A_1447 = vector.broadcast %shift_right_arithmetic3A_1446 : i32 to vector<1x2048xi32>
    %shift_right_arithmetic3A_1448 = arith.shrsi %iota3A_10, %shift_right_arithmetic3A_1447 : vector<1x2048xi32>
    %and3A_1449 = arith.constant 1 : i32
    %and3A_1450 = vector.broadcast %and3A_1449 : i32 to vector<1x2048xi32>
    %and3A_1451 = arith.andi %shift_right_arithmetic3A_1448, %and3A_1450 : vector<1x2048xi32>
    %shift_right_arithmetic3A_1452 = arith.constant 10 : i32
    %shift_right_arithmetic3A_1453 = vector.broadcast %shift_right_arithmetic3A_1452 : i32 to vector<1x2048xi32>
    %shift_right_arithmetic3A_1454 = arith.shrsi %iota3A_10, %shift_right_arithmetic3A_1453 : vector<1x2048xi32>
    %and3A_1455 = arith.constant 1 : i32
    %and3A_1456 = vector.broadcast %and3A_1455 : i32 to vector<1x2048xi32>
    %and3A_1457 = arith.andi %shift_right_arithmetic3A_1454, %and3A_1456 : vector<1x2048xi32>
    %xor3A_1458 = arith.xori %and3A_1451, %and3A_1457 : vector<1x2048xi32>
    %neg3A_1459 = arith.constant 0 : i32
    %neg3A_1460 = vector.broadcast %neg3A_1459 : i32 to vector<1x2048xi32>
    %neg3A_1461 = arith.subi %neg3A_1460, %xor3A_1458 : vector<1x2048xi32>
    %roll3A_1462 = arith.constant 1984 : i32
    %roll3A_1463 = tpu.dynamic_rotate %select_n3A_1445 by %roll3A_1462 dim 1 : vector<64x2048xi32>, i32 -> vector<64x2048xi32>
    %roll3A_1464 = arith.constant 64 : i32
    %roll3A_1465 = tpu.dynamic_rotate %select_n3A_1445 by %roll3A_1464 dim 1 : vector<64x2048xi32>, i32 -> vector<64x2048xi32>
    %sub3A_1466 = arith.subi %roll3A_1465, %roll3A_1463 : vector<64x2048xi32>
    %mul3A_1467 = vector.broadcast %and3A_1451 : vector<1x2048xi32> to vector<64x2048xi32>
    %mul3A_1468 = arith.muli %sub3A_1466, %mul3A_1467 : vector<64x2048xi32>
    %add3A_1469 = arith.addi %roll3A_1463, %mul3A_1468 : vector<64x2048xi32>
    %xor3A_1470 = vector.broadcast %neg3A_1461 : vector<1x2048xi32> to vector<64x2048xi32>
    %xor3A_1471 = arith.xori %add3A_1469, %xor3A_1470 : vector<64x2048xi32>
    %xor3A_1472 = vector.broadcast %neg3A_1461 : vector<1x2048xi32> to vector<64x2048xi32>
    %xor3A_1473 = arith.xori %select_n3A_1445, %xor3A_1472 : vector<64x2048xi32>
    %lt3A_1474 = arith.cmpi slt, %xor3A_1471, %xor3A_1473 : vector<64x2048xi32>
    %select_n3A_1475 = arith.select %lt3A_1474, %add3A_1469, %select_n3A_1445 : vector<64x2048xi1>, vector<64x2048xi32>
    %shift_right_arithmetic3A_1476 = arith.constant 5 : i32
    %shift_right_arithmetic3A_1477 = vector.broadcast %shift_right_arithmetic3A_1476 : i32 to vector<1x2048xi32>
    %shift_right_arithmetic3A_1478 = arith.shrsi %iota3A_10, %shift_right_arithmetic3A_1477 : vector<1x2048xi32>
    %and3A_1479 = arith.constant 1 : i32
    %and3A_1480 = vector.broadcast %and3A_1479 : i32 to vector<1x2048xi32>
    %and3A_1481 = arith.andi %shift_right_arithmetic3A_1478, %and3A_1480 : vector<1x2048xi32>
    %shift_right_arithmetic3A_1482 = arith.constant 10 : i32
    %shift_right_arithmetic3A_1483 = vector.broadcast %shift_right_arithmetic3A_1482 : i32 to vector<1x2048xi32>
    %shift_right_arithmetic3A_1484 = arith.shrsi %iota3A_10, %shift_right_arithmetic3A_1483 : vector<1x2048xi32>
    %and3A_1485 = arith.constant 1 : i32
    %and3A_1486 = vector.broadcast %and3A_1485 : i32 to vector<1x2048xi32>
    %and3A_1487 = arith.andi %shift_right_arithmetic3A_1484, %and3A_1486 : vector<1x2048xi32>
    %xor3A_1488 = arith.xori %and3A_1481, %and3A_1487 : vector<1x2048xi32>
    %neg3A_1489 = arith.constant 0 : i32
    %neg3A_1490 = vector.broadcast %neg3A_1489 : i32 to vector<1x2048xi32>
    %neg3A_1491 = arith.subi %neg3A_1490, %xor3A_1488 : vector<1x2048xi32>
    %roll3A_1492 = arith.constant 2016 : i32
    %roll3A_1493 = tpu.dynamic_rotate %select_n3A_1475 by %roll3A_1492 dim 1 : vector<64x2048xi32>, i32 -> vector<64x2048xi32>
    %roll3A_1494 = arith.constant 32 : i32
    %roll3A_1495 = tpu.dynamic_rotate %select_n3A_1475 by %roll3A_1494 dim 1 : vector<64x2048xi32>, i32 -> vector<64x2048xi32>
    %sub3A_1496 = arith.subi %roll3A_1495, %roll3A_1493 : vector<64x2048xi32>
    %mul3A_1497 = vector.broadcast %and3A_1481 : vector<1x2048xi32> to vector<64x2048xi32>
    %mul3A_1498 = arith.muli %sub3A_1496, %mul3A_1497 : vector<64x2048xi32>
    %add3A_1499 = arith.addi %roll3A_1493, %mul3A_1498 : vector<64x2048xi32>
    %xor3A_1500 = vector.broadcast %neg3A_1491 : vector<1x2048xi32> to vector<64x2048xi32>
    %xor3A_1501 = arith.xori %add3A_1499, %xor3A_1500 : vector<64x2048xi32>
    %xor3A_1502 = vector.broadcast %neg3A_1491 : vector<1x2048xi32> to vector<64x2048xi32>
    %xor3A_1503 = arith.xori %select_n3A_1475, %xor3A_1502 : vector<64x2048xi32>
    %lt3A_1504 = arith.cmpi slt, %xor3A_1501, %xor3A_1503 : vector<64x2048xi32>
    %select_n3A_1505 = arith.select %lt3A_1504, %add3A_1499, %select_n3A_1475 : vector<64x2048xi1>, vector<64x2048xi32>
    %shift_right_arithmetic3A_1506 = arith.constant 4 : i32
    %shift_right_arithmetic3A_1507 = vector.broadcast %shift_right_arithmetic3A_1506 : i32 to vector<1x2048xi32>
    %shift_right_arithmetic3A_1508 = arith.shrsi %iota3A_10, %shift_right_arithmetic3A_1507 : vector<1x2048xi32>
    %and3A_1509 = arith.constant 1 : i32
    %and3A_1510 = vector.broadcast %and3A_1509 : i32 to vector<1x2048xi32>
    %and3A_1511 = arith.andi %shift_right_arithmetic3A_1508, %and3A_1510 : vector<1x2048xi32>
    %shift_right_arithmetic3A_1512 = arith.constant 10 : i32
    %shift_right_arithmetic3A_1513 = vector.broadcast %shift_right_arithmetic3A_1512 : i32 to vector<1x2048xi32>
    %shift_right_arithmetic3A_1514 = arith.shrsi %iota3A_10, %shift_right_arithmetic3A_1513 : vector<1x2048xi32>
    %and3A_1515 = arith.constant 1 : i32
    %and3A_1516 = vector.broadcast %and3A_1515 : i32 to vector<1x2048xi32>
    %and3A_1517 = arith.andi %shift_right_arithmetic3A_1514, %and3A_1516 : vector<1x2048xi32>
    %xor3A_1518 = arith.xori %and3A_1511, %and3A_1517 : vector<1x2048xi32>
    %neg3A_1519 = arith.constant 0 : i32
    %neg3A_1520 = vector.broadcast %neg3A_1519 : i32 to vector<1x2048xi32>
    %neg3A_1521 = arith.subi %neg3A_1520, %xor3A_1518 : vector<1x2048xi32>
    %roll3A_1522 = arith.constant 2032 : i32
    %roll3A_1523 = tpu.dynamic_rotate %select_n3A_1505 by %roll3A_1522 dim 1 : vector<64x2048xi32>, i32 -> vector<64x2048xi32>
    %roll3A_1524 = arith.constant 16 : i32
    %roll3A_1525 = tpu.dynamic_rotate %select_n3A_1505 by %roll3A_1524 dim 1 : vector<64x2048xi32>, i32 -> vector<64x2048xi32>
    %sub3A_1526 = arith.subi %roll3A_1525, %roll3A_1523 : vector<64x2048xi32>
    %mul3A_1527 = vector.broadcast %and3A_1511 : vector<1x2048xi32> to vector<64x2048xi32>
    %mul3A_1528 = arith.muli %sub3A_1526, %mul3A_1527 : vector<64x2048xi32>
    %add3A_1529 = arith.addi %roll3A_1523, %mul3A_1528 : vector<64x2048xi32>
    %xor3A_1530 = vector.broadcast %neg3A_1521 : vector<1x2048xi32> to vector<64x2048xi32>
    %xor3A_1531 = arith.xori %add3A_1529, %xor3A_1530 : vector<64x2048xi32>
    %xor3A_1532 = vector.broadcast %neg3A_1521 : vector<1x2048xi32> to vector<64x2048xi32>
    %xor3A_1533 = arith.xori %select_n3A_1505, %xor3A_1532 : vector<64x2048xi32>
    %lt3A_1534 = arith.cmpi slt, %xor3A_1531, %xor3A_1533 : vector<64x2048xi32>
    %select_n3A_1535 = arith.select %lt3A_1534, %add3A_1529, %select_n3A_1505 : vector<64x2048xi1>, vector<64x2048xi32>
    %shift_right_arithmetic3A_1536 = arith.constant 3 : i32
    %shift_right_arithmetic3A_1537 = vector.broadcast %shift_right_arithmetic3A_1536 : i32 to vector<1x2048xi32>
    %shift_right_arithmetic3A_1538 = arith.shrsi %iota3A_10, %shift_right_arithmetic3A_1537 : vector<1x2048xi32>
    %and3A_1539 = arith.constant 1 : i32
    %and3A_1540 = vector.broadcast %and3A_1539 : i32 to vector<1x2048xi32>
    %and3A_1541 = arith.andi %shift_right_arithmetic3A_1538, %and3A_1540 : vector<1x2048xi32>
    %shift_right_arithmetic3A_1542 = arith.constant 10 : i32
    %shift_right_arithmetic3A_1543 = vector.broadcast %shift_right_arithmetic3A_1542 : i32 to vector<1x2048xi32>
    %shift_right_arithmetic3A_1544 = arith.shrsi %iota3A_10, %shift_right_arithmetic3A_1543 : vector<1x2048xi32>
    %and3A_1545 = arith.constant 1 : i32
    %and3A_1546 = vector.broadcast %and3A_1545 : i32 to vector<1x2048xi32>
    %and3A_1547 = arith.andi %shift_right_arithmetic3A_1544, %and3A_1546 : vector<1x2048xi32>
    %xor3A_1548 = arith.xori %and3A_1541, %and3A_1547 : vector<1x2048xi32>
    %neg3A_1549 = arith.constant 0 : i32
    %neg3A_1550 = vector.broadcast %neg3A_1549 : i32 to vector<1x2048xi32>
    %neg3A_1551 = arith.subi %neg3A_1550, %xor3A_1548 : vector<1x2048xi32>
    %roll3A_1552 = arith.constant 2040 : i32
    %roll3A_1553 = tpu.dynamic_rotate %select_n3A_1535 by %roll3A_1552 dim 1 : vector<64x2048xi32>, i32 -> vector<64x2048xi32>
    %roll3A_1554 = arith.constant 8 : i32
    %roll3A_1555 = tpu.dynamic_rotate %select_n3A_1535 by %roll3A_1554 dim 1 : vector<64x2048xi32>, i32 -> vector<64x2048xi32>
    %sub3A_1556 = arith.subi %roll3A_1555, %roll3A_1553 : vector<64x2048xi32>
    %mul3A_1557 = vector.broadcast %and3A_1541 : vector<1x2048xi32> to vector<64x2048xi32>
    %mul3A_1558 = arith.muli %sub3A_1556, %mul3A_1557 : vector<64x2048xi32>
    %add3A_1559 = arith.addi %roll3A_1553, %mul3A_1558 : vector<64x2048xi32>
    %xor3A_1560 = vector.broadcast %neg3A_1551 : vector<1x2048xi32> to vector<64x2048xi32>
    %xor3A_1561 = arith.xori %add3A_1559, %xor3A_1560 : vector<64x2048xi32>
    %xor3A_1562 = vector.broadcast %neg3A_1551 : vector<1x2048xi32> to vector<64x2048xi32>
    %xor3A_1563 = arith.xori %select_n3A_1535, %xor3A_1562 : vector<64x2048xi32>
    %lt3A_1564 = arith.cmpi slt, %xor3A_1561, %xor3A_1563 : vector<64x2048xi32>
    %select_n3A_1565 = arith.select %lt3A_1564, %add3A_1559, %select_n3A_1535 : vector<64x2048xi1>, vector<64x2048xi32>
    %shift_right_arithmetic3A_1566 = arith.constant 2 : i32
    %shift_right_arithmetic3A_1567 = vector.broadcast %shift_right_arithmetic3A_1566 : i32 to vector<1x2048xi32>
    %shift_right_arithmetic3A_1568 = arith.shrsi %iota3A_10, %shift_right_arithmetic3A_1567 : vector<1x2048xi32>
    %and3A_1569 = arith.constant 1 : i32
    %and3A_1570 = vector.broadcast %and3A_1569 : i32 to vector<1x2048xi32>
    %and3A_1571 = arith.andi %shift_right_arithmetic3A_1568, %and3A_1570 : vector<1x2048xi32>
    %shift_right_arithmetic3A_1572 = arith.constant 10 : i32
    %shift_right_arithmetic3A_1573 = vector.broadcast %shift_right_arithmetic3A_1572 : i32 to vector<1x2048xi32>
    %shift_right_arithmetic3A_1574 = arith.shrsi %iota3A_10, %shift_right_arithmetic3A_1573 : vector<1x2048xi32>
    %and3A_1575 = arith.constant 1 : i32
    %and3A_1576 = vector.broadcast %and3A_1575 : i32 to vector<1x2048xi32>
    %and3A_1577 = arith.andi %shift_right_arithmetic3A_1574, %and3A_1576 : vector<1x2048xi32>
    %xor3A_1578 = arith.xori %and3A_1571, %and3A_1577 : vector<1x2048xi32>
    %neg3A_1579 = arith.constant 0 : i32
    %neg3A_1580 = vector.broadcast %neg3A_1579 : i32 to vector<1x2048xi32>
    %neg3A_1581 = arith.subi %neg3A_1580, %xor3A_1578 : vector<1x2048xi32>
    %roll3A_1582 = arith.constant 2044 : i32
    %roll3A_1583 = tpu.dynamic_rotate %select_n3A_1565 by %roll3A_1582 dim 1 : vector<64x2048xi32>, i32 -> vector<64x2048xi32>
    %roll3A_1584 = arith.constant 4 : i32
    %roll3A_1585 = tpu.dynamic_rotate %select_n3A_1565 by %roll3A_1584 dim 1 : vector<64x2048xi32>, i32 -> vector<64x2048xi32>
    %sub3A_1586 = arith.subi %roll3A_1585, %roll3A_1583 : vector<64x2048xi32>
    %mul3A_1587 = vector.broadcast %and3A_1571 : vector<1x2048xi32> to vector<64x2048xi32>
    %mul3A_1588 = arith.muli %sub3A_1586, %mul3A_1587 : vector<64x2048xi32>
    %add3A_1589 = arith.addi %roll3A_1583, %mul3A_1588 : vector<64x2048xi32>
    %xor3A_1590 = vector.broadcast %neg3A_1581 : vector<1x2048xi32> to vector<64x2048xi32>
    %xor3A_1591 = arith.xori %add3A_1589, %xor3A_1590 : vector<64x2048xi32>
    %xor3A_1592 = vector.broadcast %neg3A_1581 : vector<1x2048xi32> to vector<64x2048xi32>
    %xor3A_1593 = arith.xori %select_n3A_1565, %xor3A_1592 : vector<64x2048xi32>
    %lt3A_1594 = arith.cmpi slt, %xor3A_1591, %xor3A_1593 : vector<64x2048xi32>
    %select_n3A_1595 = arith.select %lt3A_1594, %add3A_1589, %select_n3A_1565 : vector<64x2048xi1>, vector<64x2048xi32>
    %shift_right_arithmetic3A_1596 = arith.constant 1 : i32
    %shift_right_arithmetic3A_1597 = vector.broadcast %shift_right_arithmetic3A_1596 : i32 to vector<1x2048xi32>
    %shift_right_arithmetic3A_1598 = arith.shrsi %iota3A_10, %shift_right_arithmetic3A_1597 : vector<1x2048xi32>
    %and3A_1599 = arith.constant 1 : i32
    %and3A_1600 = vector.broadcast %and3A_1599 : i32 to vector<1x2048xi32>
    %and3A_1601 = arith.andi %shift_right_arithmetic3A_1598, %and3A_1600 : vector<1x2048xi32>
    %shift_right_arithmetic3A_1602 = arith.constant 10 : i32
    %shift_right_arithmetic3A_1603 = vector.broadcast %shift_right_arithmetic3A_1602 : i32 to vector<1x2048xi32>
    %shift_right_arithmetic3A_1604 = arith.shrsi %iota3A_10, %shift_right_arithmetic3A_1603 : vector<1x2048xi32>
    %and3A_1605 = arith.constant 1 : i32
    %and3A_1606 = vector.broadcast %and3A_1605 : i32 to vector<1x2048xi32>
    %and3A_1607 = arith.andi %shift_right_arithmetic3A_1604, %and3A_1606 : vector<1x2048xi32>
    %xor3A_1608 = arith.xori %and3A_1601, %and3A_1607 : vector<1x2048xi32>
    %neg3A_1609 = arith.constant 0 : i32
    %neg3A_1610 = vector.broadcast %neg3A_1609 : i32 to vector<1x2048xi32>
    %neg3A_1611 = arith.subi %neg3A_1610, %xor3A_1608 : vector<1x2048xi32>
    %roll3A_1612 = arith.constant 2046 : i32
    %roll3A_1613 = tpu.dynamic_rotate %select_n3A_1595 by %roll3A_1612 dim 1 : vector<64x2048xi32>, i32 -> vector<64x2048xi32>
    %roll3A_1614 = arith.constant 2 : i32
    %roll3A_1615 = tpu.dynamic_rotate %select_n3A_1595 by %roll3A_1614 dim 1 : vector<64x2048xi32>, i32 -> vector<64x2048xi32>
    %sub3A_1616 = arith.subi %roll3A_1615, %roll3A_1613 : vector<64x2048xi32>
    %mul3A_1617 = vector.broadcast %and3A_1601 : vector<1x2048xi32> to vector<64x2048xi32>
    %mul3A_1618 = arith.muli %sub3A_1616, %mul3A_1617 : vector<64x2048xi32>
    %add3A_1619 = arith.addi %roll3A_1613, %mul3A_1618 : vector<64x2048xi32>
    %xor3A_1620 = vector.broadcast %neg3A_1611 : vector<1x2048xi32> to vector<64x2048xi32>
    %xor3A_1621 = arith.xori %add3A_1619, %xor3A_1620 : vector<64x2048xi32>
    %xor3A_1622 = vector.broadcast %neg3A_1611 : vector<1x2048xi32> to vector<64x2048xi32>
    %xor3A_1623 = arith.xori %select_n3A_1595, %xor3A_1622 : vector<64x2048xi32>
    %lt3A_1624 = arith.cmpi slt, %xor3A_1621, %xor3A_1623 : vector<64x2048xi32>
    %select_n3A_1625 = arith.select %lt3A_1624, %add3A_1619, %select_n3A_1595 : vector<64x2048xi1>, vector<64x2048xi32>
    %shift_right_arithmetic3A_1626 = arith.constant 0 : i32
    %shift_right_arithmetic3A_1627 = vector.broadcast %shift_right_arithmetic3A_1626 : i32 to vector<1x2048xi32>
    %shift_right_arithmetic3A_1628 = arith.shrsi %iota3A_10, %shift_right_arithmetic3A_1627 : vector<1x2048xi32>
    %and3A_1629 = arith.constant 1 : i32
    %and3A_1630 = vector.broadcast %and3A_1629 : i32 to vector<1x2048xi32>
    %and3A_1631 = arith.andi %shift_right_arithmetic3A_1628, %and3A_1630 : vector<1x2048xi32>
    %shift_right_arithmetic3A_1632 = arith.constant 10 : i32
    %shift_right_arithmetic3A_1633 = vector.broadcast %shift_right_arithmetic3A_1632 : i32 to vector<1x2048xi32>
    %shift_right_arithmetic3A_1634 = arith.shrsi %iota3A_10, %shift_right_arithmetic3A_1633 : vector<1x2048xi32>
    %and3A_1635 = arith.constant 1 : i32
    %and3A_1636 = vector.broadcast %and3A_1635 : i32 to vector<1x2048xi32>
    %and3A_1637 = arith.andi %shift_right_arithmetic3A_1634, %and3A_1636 : vector<1x2048xi32>
    %xor3A_1638 = arith.xori %and3A_1631, %and3A_1637 : vector<1x2048xi32>
    %neg3A_1639 = arith.constant 0 : i32
    %neg3A_1640 = vector.broadcast %neg3A_1639 : i32 to vector<1x2048xi32>
    %neg3A_1641 = arith.subi %neg3A_1640, %xor3A_1638 : vector<1x2048xi32>
    %roll3A_1642 = arith.constant 2047 : i32
    %roll3A_1643 = tpu.dynamic_rotate %select_n3A_1625 by %roll3A_1642 dim 1 : vector<64x2048xi32>, i32 -> vector<64x2048xi32>
    %roll3A_1644 = arith.constant 1 : i32
    %roll3A_1645 = tpu.dynamic_rotate %select_n3A_1625 by %roll3A_1644 dim 1 : vector<64x2048xi32>, i32 -> vector<64x2048xi32>
    %sub3A_1646 = arith.subi %roll3A_1645, %roll3A_1643 : vector<64x2048xi32>
    %mul3A_1647 = vector.broadcast %and3A_1631 : vector<1x2048xi32> to vector<64x2048xi32>
    %mul3A_1648 = arith.muli %sub3A_1646, %mul3A_1647 : vector<64x2048xi32>
    %add3A_1649 = arith.addi %roll3A_1643, %mul3A_1648 : vector<64x2048xi32>
    %xor3A_1650 = vector.broadcast %neg3A_1641 : vector<1x2048xi32> to vector<64x2048xi32>
    %xor3A_1651 = arith.xori %add3A_1649, %xor3A_1650 : vector<64x2048xi32>
    %xor3A_1652 = vector.broadcast %neg3A_1641 : vector<1x2048xi32> to vector<64x2048xi32>
    %xor3A_1653 = arith.xori %select_n3A_1625, %xor3A_1652 : vector<64x2048xi32>
    %lt3A_1654 = arith.cmpi slt, %xor3A_1651, %xor3A_1653 : vector<64x2048xi32>
    %select_n3A_1655 = arith.select %lt3A_1654, %add3A_1649, %select_n3A_1625 : vector<64x2048xi1>, vector<64x2048xi32>
    %shift_right_arithmetic3A_1656 = arith.constant 10 : i32
    %shift_right_arithmetic3A_1657 = vector.broadcast %shift_right_arithmetic3A_1656 : i32 to vector<1x2048xi32>
    %shift_right_arithmetic3A_1658 = arith.shrsi %iota3A_10, %shift_right_arithmetic3A_1657 : vector<1x2048xi32>
    %and3A_1659 = arith.constant 1 : i32
    %and3A_1660 = vector.broadcast %and3A_1659 : i32 to vector<1x2048xi32>
    %and3A_1661 = arith.andi %shift_right_arithmetic3A_1658, %and3A_1660 : vector<1x2048xi32>
    %shift_right_arithmetic3A_1662 = arith.constant 11 : i32
    %shift_right_arithmetic3A_1663 = vector.broadcast %shift_right_arithmetic3A_1662 : i32 to vector<1x2048xi32>
    %shift_right_arithmetic3A_1664 = arith.shrsi %iota3A_10, %shift_right_arithmetic3A_1663 : vector<1x2048xi32>
    %and3A_1665 = arith.constant 1 : i32
    %and3A_1666 = vector.broadcast %and3A_1665 : i32 to vector<1x2048xi32>
    %and3A_1667 = arith.andi %shift_right_arithmetic3A_1664, %and3A_1666 : vector<1x2048xi32>
    %xor3A_1668 = arith.xori %and3A_1661, %and3A_1667 : vector<1x2048xi32>
    %neg3A_1669 = arith.constant 0 : i32
    %neg3A_1670 = vector.broadcast %neg3A_1669 : i32 to vector<1x2048xi32>
    %neg3A_1671 = arith.subi %neg3A_1670, %xor3A_1668 : vector<1x2048xi32>
    %roll3A_1672 = arith.constant 1024 : i32
    %roll3A_1673 = tpu.dynamic_rotate %select_n3A_1655 by %roll3A_1672 dim 1 : vector<64x2048xi32>, i32 -> vector<64x2048xi32>
    %roll3A_1674 = arith.constant 1024 : i32
    %roll3A_1675 = tpu.dynamic_rotate %select_n3A_1655 by %roll3A_1674 dim 1 : vector<64x2048xi32>, i32 -> vector<64x2048xi32>
    %sub3A_1676 = arith.subi %roll3A_1675, %roll3A_1673 : vector<64x2048xi32>
    %mul3A_1677 = vector.broadcast %and3A_1661 : vector<1x2048xi32> to vector<64x2048xi32>
    %mul3A_1678 = arith.muli %sub3A_1676, %mul3A_1677 : vector<64x2048xi32>
    %add3A_1679 = arith.addi %roll3A_1673, %mul3A_1678 : vector<64x2048xi32>
    %xor3A_1680 = vector.broadcast %neg3A_1671 : vector<1x2048xi32> to vector<64x2048xi32>
    %xor3A_1681 = arith.xori %add3A_1679, %xor3A_1680 : vector<64x2048xi32>
    %xor3A_1682 = vector.broadcast %neg3A_1671 : vector<1x2048xi32> to vector<64x2048xi32>
    %xor3A_1683 = arith.xori %select_n3A_1655, %xor3A_1682 : vector<64x2048xi32>
    %lt3A_1684 = arith.cmpi slt, %xor3A_1681, %xor3A_1683 : vector<64x2048xi32>
    %select_n3A_1685 = arith.select %lt3A_1684, %add3A_1679, %select_n3A_1655 : vector<64x2048xi1>, vector<64x2048xi32>
    %shift_right_arithmetic3A_1686 = arith.constant 9 : i32
    %shift_right_arithmetic3A_1687 = vector.broadcast %shift_right_arithmetic3A_1686 : i32 to vector<1x2048xi32>
    %shift_right_arithmetic3A_1688 = arith.shrsi %iota3A_10, %shift_right_arithmetic3A_1687 : vector<1x2048xi32>
    %and3A_1689 = arith.constant 1 : i32
    %and3A_1690 = vector.broadcast %and3A_1689 : i32 to vector<1x2048xi32>
    %and3A_1691 = arith.andi %shift_right_arithmetic3A_1688, %and3A_1690 : vector<1x2048xi32>
    %shift_right_arithmetic3A_1692 = arith.constant 11 : i32
    %shift_right_arithmetic3A_1693 = vector.broadcast %shift_right_arithmetic3A_1692 : i32 to vector<1x2048xi32>
    %shift_right_arithmetic3A_1694 = arith.shrsi %iota3A_10, %shift_right_arithmetic3A_1693 : vector<1x2048xi32>
    %and3A_1695 = arith.constant 1 : i32
    %and3A_1696 = vector.broadcast %and3A_1695 : i32 to vector<1x2048xi32>
    %and3A_1697 = arith.andi %shift_right_arithmetic3A_1694, %and3A_1696 : vector<1x2048xi32>
    %xor3A_1698 = arith.xori %and3A_1691, %and3A_1697 : vector<1x2048xi32>
    %neg3A_1699 = arith.constant 0 : i32
    %neg3A_1700 = vector.broadcast %neg3A_1699 : i32 to vector<1x2048xi32>
    %neg3A_1701 = arith.subi %neg3A_1700, %xor3A_1698 : vector<1x2048xi32>
    %roll3A_1702 = arith.constant 1536 : i32
    %roll3A_1703 = tpu.dynamic_rotate %select_n3A_1685 by %roll3A_1702 dim 1 : vector<64x2048xi32>, i32 -> vector<64x2048xi32>
    %roll3A_1704 = arith.constant 512 : i32
    %roll3A_1705 = tpu.dynamic_rotate %select_n3A_1685 by %roll3A_1704 dim 1 : vector<64x2048xi32>, i32 -> vector<64x2048xi32>
    %sub3A_1706 = arith.subi %roll3A_1705, %roll3A_1703 : vector<64x2048xi32>
    %mul3A_1707 = vector.broadcast %and3A_1691 : vector<1x2048xi32> to vector<64x2048xi32>
    %mul3A_1708 = arith.muli %sub3A_1706, %mul3A_1707 : vector<64x2048xi32>
    %add3A_1709 = arith.addi %roll3A_1703, %mul3A_1708 : vector<64x2048xi32>
    %xor3A_1710 = vector.broadcast %neg3A_1701 : vector<1x2048xi32> to vector<64x2048xi32>
    %xor3A_1711 = arith.xori %add3A_1709, %xor3A_1710 : vector<64x2048xi32>
    %xor3A_1712 = vector.broadcast %neg3A_1701 : vector<1x2048xi32> to vector<64x2048xi32>
    %xor3A_1713 = arith.xori %select_n3A_1685, %xor3A_1712 : vector<64x2048xi32>
    %lt3A_1714 = arith.cmpi slt, %xor3A_1711, %xor3A_1713 : vector<64x2048xi32>
    %select_n3A_1715 = arith.select %lt3A_1714, %add3A_1709, %select_n3A_1685 : vector<64x2048xi1>, vector<64x2048xi32>
    %shift_right_arithmetic3A_1716 = arith.constant 8 : i32
    %shift_right_arithmetic3A_1717 = vector.broadcast %shift_right_arithmetic3A_1716 : i32 to vector<1x2048xi32>
    %shift_right_arithmetic3A_1718 = arith.shrsi %iota3A_10, %shift_right_arithmetic3A_1717 : vector<1x2048xi32>
    %and3A_1719 = arith.constant 1 : i32
    %and3A_1720 = vector.broadcast %and3A_1719 : i32 to vector<1x2048xi32>
    %and3A_1721 = arith.andi %shift_right_arithmetic3A_1718, %and3A_1720 : vector<1x2048xi32>
    %shift_right_arithmetic3A_1722 = arith.constant 11 : i32
    %shift_right_arithmetic3A_1723 = vector.broadcast %shift_right_arithmetic3A_1722 : i32 to vector<1x2048xi32>
    %shift_right_arithmetic3A_1724 = arith.shrsi %iota3A_10, %shift_right_arithmetic3A_1723 : vector<1x2048xi32>
    %and3A_1725 = arith.constant 1 : i32
    %and3A_1726 = vector.broadcast %and3A_1725 : i32 to vector<1x2048xi32>
    %and3A_1727 = arith.andi %shift_right_arithmetic3A_1724, %and3A_1726 : vector<1x2048xi32>
    %xor3A_1728 = arith.xori %and3A_1721, %and3A_1727 : vector<1x2048xi32>
    %neg3A_1729 = arith.constant 0 : i32
    %neg3A_1730 = vector.broadcast %neg3A_1729 : i32 to vector<1x2048xi32>
    %neg3A_1731 = arith.subi %neg3A_1730, %xor3A_1728 : vector<1x2048xi32>
    %roll3A_1732 = arith.constant 1792 : i32
    %roll3A_1733 = tpu.dynamic_rotate %select_n3A_1715 by %roll3A_1732 dim 1 : vector<64x2048xi32>, i32 -> vector<64x2048xi32>
    %roll3A_1734 = arith.constant 256 : i32
    %roll3A_1735 = tpu.dynamic_rotate %select_n3A_1715 by %roll3A_1734 dim 1 : vector<64x2048xi32>, i32 -> vector<64x2048xi32>
    %sub3A_1736 = arith.subi %roll3A_1735, %roll3A_1733 : vector<64x2048xi32>
    %mul3A_1737 = vector.broadcast %and3A_1721 : vector<1x2048xi32> to vector<64x2048xi32>
    %mul3A_1738 = arith.muli %sub3A_1736, %mul3A_1737 : vector<64x2048xi32>
    %add3A_1739 = arith.addi %roll3A_1733, %mul3A_1738 : vector<64x2048xi32>
    %xor3A_1740 = vector.broadcast %neg3A_1731 : vector<1x2048xi32> to vector<64x2048xi32>
    %xor3A_1741 = arith.xori %add3A_1739, %xor3A_1740 : vector<64x2048xi32>
    %xor3A_1742 = vector.broadcast %neg3A_1731 : vector<1x2048xi32> to vector<64x2048xi32>
    %xor3A_1743 = arith.xori %select_n3A_1715, %xor3A_1742 : vector<64x2048xi32>
    %lt3A_1744 = arith.cmpi slt, %xor3A_1741, %xor3A_1743 : vector<64x2048xi32>
    %select_n3A_1745 = arith.select %lt3A_1744, %add3A_1739, %select_n3A_1715 : vector<64x2048xi1>, vector<64x2048xi32>
    %shift_right_arithmetic3A_1746 = arith.constant 7 : i32
    %shift_right_arithmetic3A_1747 = vector.broadcast %shift_right_arithmetic3A_1746 : i32 to vector<1x2048xi32>
    %shift_right_arithmetic3A_1748 = arith.shrsi %iota3A_10, %shift_right_arithmetic3A_1747 : vector<1x2048xi32>
    %and3A_1749 = arith.constant 1 : i32
    %and3A_1750 = vector.broadcast %and3A_1749 : i32 to vector<1x2048xi32>
    %and3A_1751 = arith.andi %shift_right_arithmetic3A_1748, %and3A_1750 : vector<1x2048xi32>
    %shift_right_arithmetic3A_1752 = arith.constant 11 : i32
    %shift_right_arithmetic3A_1753 = vector.broadcast %shift_right_arithmetic3A_1752 : i32 to vector<1x2048xi32>
    %shift_right_arithmetic3A_1754 = arith.shrsi %iota3A_10, %shift_right_arithmetic3A_1753 : vector<1x2048xi32>
    %and3A_1755 = arith.constant 1 : i32
    %and3A_1756 = vector.broadcast %and3A_1755 : i32 to vector<1x2048xi32>
    %and3A_1757 = arith.andi %shift_right_arithmetic3A_1754, %and3A_1756 : vector<1x2048xi32>
    %xor3A_1758 = arith.xori %and3A_1751, %and3A_1757 : vector<1x2048xi32>
    %neg3A_1759 = arith.constant 0 : i32
    %neg3A_1760 = vector.broadcast %neg3A_1759 : i32 to vector<1x2048xi32>
    %neg3A_1761 = arith.subi %neg3A_1760, %xor3A_1758 : vector<1x2048xi32>
    %roll3A_1762 = arith.constant 1920 : i32
    %roll3A_1763 = tpu.dynamic_rotate %select_n3A_1745 by %roll3A_1762 dim 1 : vector<64x2048xi32>, i32 -> vector<64x2048xi32>
    %roll3A_1764 = arith.constant 128 : i32
    %roll3A_1765 = tpu.dynamic_rotate %select_n3A_1745 by %roll3A_1764 dim 1 : vector<64x2048xi32>, i32 -> vector<64x2048xi32>
    %sub3A_1766 = arith.subi %roll3A_1765, %roll3A_1763 : vector<64x2048xi32>
    %mul3A_1767 = vector.broadcast %and3A_1751 : vector<1x2048xi32> to vector<64x2048xi32>
    %mul3A_1768 = arith.muli %sub3A_1766, %mul3A_1767 : vector<64x2048xi32>
    %add3A_1769 = arith.addi %roll3A_1763, %mul3A_1768 : vector<64x2048xi32>
    %xor3A_1770 = vector.broadcast %neg3A_1761 : vector<1x2048xi32> to vector<64x2048xi32>
    %xor3A_1771 = arith.xori %add3A_1769, %xor3A_1770 : vector<64x2048xi32>
    %xor3A_1772 = vector.broadcast %neg3A_1761 : vector<1x2048xi32> to vector<64x2048xi32>
    %xor3A_1773 = arith.xori %select_n3A_1745, %xor3A_1772 : vector<64x2048xi32>
    %lt3A_1774 = arith.cmpi slt, %xor3A_1771, %xor3A_1773 : vector<64x2048xi32>
    %select_n3A_1775 = arith.select %lt3A_1774, %add3A_1769, %select_n3A_1745 : vector<64x2048xi1>, vector<64x2048xi32>
    %shift_right_arithmetic3A_1776 = arith.constant 6 : i32
    %shift_right_arithmetic3A_1777 = vector.broadcast %shift_right_arithmetic3A_1776 : i32 to vector<1x2048xi32>
    %shift_right_arithmetic3A_1778 = arith.shrsi %iota3A_10, %shift_right_arithmetic3A_1777 : vector<1x2048xi32>
    %and3A_1779 = arith.constant 1 : i32
    %and3A_1780 = vector.broadcast %and3A_1779 : i32 to vector<1x2048xi32>
    %and3A_1781 = arith.andi %shift_right_arithmetic3A_1778, %and3A_1780 : vector<1x2048xi32>
    %shift_right_arithmetic3A_1782 = arith.constant 11 : i32
    %shift_right_arithmetic3A_1783 = vector.broadcast %shift_right_arithmetic3A_1782 : i32 to vector<1x2048xi32>
    %shift_right_arithmetic3A_1784 = arith.shrsi %iota3A_10, %shift_right_arithmetic3A_1783 : vector<1x2048xi32>
    %and3A_1785 = arith.constant 1 : i32
    %and3A_1786 = vector.broadcast %and3A_1785 : i32 to vector<1x2048xi32>
    %and3A_1787 = arith.andi %shift_right_arithmetic3A_1784, %and3A_1786 : vector<1x2048xi32>
    %xor3A_1788 = arith.xori %and3A_1781, %and3A_1787 : vector<1x2048xi32>
    %neg3A_1789 = arith.constant 0 : i32
    %neg3A_1790 = vector.broadcast %neg3A_1789 : i32 to vector<1x2048xi32>
    %neg3A_1791 = arith.subi %neg3A_1790, %xor3A_1788 : vector<1x2048xi32>
    %roll3A_1792 = arith.constant 1984 : i32
    %roll3A_1793 = tpu.dynamic_rotate %select_n3A_1775 by %roll3A_1792 dim 1 : vector<64x2048xi32>, i32 -> vector<64x2048xi32>
    %roll3A_1794 = arith.constant 64 : i32
    %roll3A_1795 = tpu.dynamic_rotate %select_n3A_1775 by %roll3A_1794 dim 1 : vector<64x2048xi32>, i32 -> vector<64x2048xi32>
    %sub3A_1796 = arith.subi %roll3A_1795, %roll3A_1793 : vector<64x2048xi32>
    %mul3A_1797 = vector.broadcast %and3A_1781 : vector<1x2048xi32> to vector<64x2048xi32>
    %mul3A_1798 = arith.muli %sub3A_1796, %mul3A_1797 : vector<64x2048xi32>
    %add3A_1799 = arith.addi %roll3A_1793, %mul3A_1798 : vector<64x2048xi32>
    %xor3A_1800 = vector.broadcast %neg3A_1791 : vector<1x2048xi32> to vector<64x2048xi32>
    %xor3A_1801 = arith.xori %add3A_1799, %xor3A_1800 : vector<64x2048xi32>
    %xor3A_1802 = vector.broadcast %neg3A_1791 : vector<1x2048xi32> to vector<64x2048xi32>
    %xor3A_1803 = arith.xori %select_n3A_1775, %xor3A_1802 : vector<64x2048xi32>
    %lt3A_1804 = arith.cmpi slt, %xor3A_1801, %xor3A_1803 : vector<64x2048xi32>
    %select_n3A_1805 = arith.select %lt3A_1804, %add3A_1799, %select_n3A_1775 : vector<64x2048xi1>, vector<64x2048xi32>
    %shift_right_arithmetic3A_1806 = arith.constant 5 : i32
    %shift_right_arithmetic3A_1807 = vector.broadcast %shift_right_arithmetic3A_1806 : i32 to vector<1x2048xi32>
    %shift_right_arithmetic3A_1808 = arith.shrsi %iota3A_10, %shift_right_arithmetic3A_1807 : vector<1x2048xi32>
    %and3A_1809 = arith.constant 1 : i32
    %and3A_1810 = vector.broadcast %and3A_1809 : i32 to vector<1x2048xi32>
    %and3A_1811 = arith.andi %shift_right_arithmetic3A_1808, %and3A_1810 : vector<1x2048xi32>
    %shift_right_arithmetic3A_1812 = arith.constant 11 : i32
    %shift_right_arithmetic3A_1813 = vector.broadcast %shift_right_arithmetic3A_1812 : i32 to vector<1x2048xi32>
    %shift_right_arithmetic3A_1814 = arith.shrsi %iota3A_10, %shift_right_arithmetic3A_1813 : vector<1x2048xi32>
    %and3A_1815 = arith.constant 1 : i32
    %and3A_1816 = vector.broadcast %and3A_1815 : i32 to vector<1x2048xi32>
    %and3A_1817 = arith.andi %shift_right_arithmetic3A_1814, %and3A_1816 : vector<1x2048xi32>
    %xor3A_1818 = arith.xori %and3A_1811, %and3A_1817 : vector<1x2048xi32>
    %neg3A_1819 = arith.constant 0 : i32
    %neg3A_1820 = vector.broadcast %neg3A_1819 : i32 to vector<1x2048xi32>
    %neg3A_1821 = arith.subi %neg3A_1820, %xor3A_1818 : vector<1x2048xi32>
    %roll3A_1822 = arith.constant 2016 : i32
    %roll3A_1823 = tpu.dynamic_rotate %select_n3A_1805 by %roll3A_1822 dim 1 : vector<64x2048xi32>, i32 -> vector<64x2048xi32>
    %roll3A_1824 = arith.constant 32 : i32
    %roll3A_1825 = tpu.dynamic_rotate %select_n3A_1805 by %roll3A_1824 dim 1 : vector<64x2048xi32>, i32 -> vector<64x2048xi32>
    %sub3A_1826 = arith.subi %roll3A_1825, %roll3A_1823 : vector<64x2048xi32>
    %mul3A_1827 = vector.broadcast %and3A_1811 : vector<1x2048xi32> to vector<64x2048xi32>
    %mul3A_1828 = arith.muli %sub3A_1826, %mul3A_1827 : vector<64x2048xi32>
    %add3A_1829 = arith.addi %roll3A_1823, %mul3A_1828 : vector<64x2048xi32>
    %xor3A_1830 = vector.broadcast %neg3A_1821 : vector<1x2048xi32> to vector<64x2048xi32>
    %xor3A_1831 = arith.xori %add3A_1829, %xor3A_1830 : vector<64x2048xi32>
    %xor3A_1832 = vector.broadcast %neg3A_1821 : vector<1x2048xi32> to vector<64x2048xi32>
    %xor3A_1833 = arith.xori %select_n3A_1805, %xor3A_1832 : vector<64x2048xi32>
    %lt3A_1834 = arith.cmpi slt, %xor3A_1831, %xor3A_1833 : vector<64x2048xi32>
    %select_n3A_1835 = arith.select %lt3A_1834, %add3A_1829, %select_n3A_1805 : vector<64x2048xi1>, vector<64x2048xi32>
    %shift_right_arithmetic3A_1836 = arith.constant 4 : i32
    %shift_right_arithmetic3A_1837 = vector.broadcast %shift_right_arithmetic3A_1836 : i32 to vector<1x2048xi32>
    %shift_right_arithmetic3A_1838 = arith.shrsi %iota3A_10, %shift_right_arithmetic3A_1837 : vector<1x2048xi32>
    %and3A_1839 = arith.constant 1 : i32
    %and3A_1840 = vector.broadcast %and3A_1839 : i32 to vector<1x2048xi32>
    %and3A_1841 = arith.andi %shift_right_arithmetic3A_1838, %and3A_1840 : vector<1x2048xi32>
    %shift_right_arithmetic3A_1842 = arith.constant 11 : i32
    %shift_right_arithmetic3A_1843 = vector.broadcast %shift_right_arithmetic3A_1842 : i32 to vector<1x2048xi32>
    %shift_right_arithmetic3A_1844 = arith.shrsi %iota3A_10, %shift_right_arithmetic3A_1843 : vector<1x2048xi32>
    %and3A_1845 = arith.constant 1 : i32
    %and3A_1846 = vector.broadcast %and3A_1845 : i32 to vector<1x2048xi32>
    %and3A_1847 = arith.andi %shift_right_arithmetic3A_1844, %and3A_1846 : vector<1x2048xi32>
    %xor3A_1848 = arith.xori %and3A_1841, %and3A_1847 : vector<1x2048xi32>
    %neg3A_1849 = arith.constant 0 : i32
    %neg3A_1850 = vector.broadcast %neg3A_1849 : i32 to vector<1x2048xi32>
    %neg3A_1851 = arith.subi %neg3A_1850, %xor3A_1848 : vector<1x2048xi32>
    %roll3A_1852 = arith.constant 2032 : i32
    %roll3A_1853 = tpu.dynamic_rotate %select_n3A_1835 by %roll3A_1852 dim 1 : vector<64x2048xi32>, i32 -> vector<64x2048xi32>
    %roll3A_1854 = arith.constant 16 : i32
    %roll3A_1855 = tpu.dynamic_rotate %select_n3A_1835 by %roll3A_1854 dim 1 : vector<64x2048xi32>, i32 -> vector<64x2048xi32>
    %sub3A_1856 = arith.subi %roll3A_1855, %roll3A_1853 : vector<64x2048xi32>
    %mul3A_1857 = vector.broadcast %and3A_1841 : vector<1x2048xi32> to vector<64x2048xi32>
    %mul3A_1858 = arith.muli %sub3A_1856, %mul3A_1857 : vector<64x2048xi32>
    %add3A_1859 = arith.addi %roll3A_1853, %mul3A_1858 : vector<64x2048xi32>
    %xor3A_1860 = vector.broadcast %neg3A_1851 : vector<1x2048xi32> to vector<64x2048xi32>
    %xor3A_1861 = arith.xori %add3A_1859, %xor3A_1860 : vector<64x2048xi32>
    %xor3A_1862 = vector.broadcast %neg3A_1851 : vector<1x2048xi32> to vector<64x2048xi32>
    %xor3A_1863 = arith.xori %select_n3A_1835, %xor3A_1862 : vector<64x2048xi32>
    %lt3A_1864 = arith.cmpi slt, %xor3A_1861, %xor3A_1863 : vector<64x2048xi32>
    %select_n3A_1865 = arith.select %lt3A_1864, %add3A_1859, %select_n3A_1835 : vector<64x2048xi1>, vector<64x2048xi32>
    %shift_right_arithmetic3A_1866 = arith.constant 3 : i32
    %shift_right_arithmetic3A_1867 = vector.broadcast %shift_right_arithmetic3A_1866 : i32 to vector<1x2048xi32>
    %shift_right_arithmetic3A_1868 = arith.shrsi %iota3A_10, %shift_right_arithmetic3A_1867 : vector<1x2048xi32>
    %and3A_1869 = arith.constant 1 : i32
    %and3A_1870 = vector.broadcast %and3A_1869 : i32 to vector<1x2048xi32>
    %and3A_1871 = arith.andi %shift_right_arithmetic3A_1868, %and3A_1870 : vector<1x2048xi32>
    %shift_right_arithmetic3A_1872 = arith.constant 11 : i32
    %shift_right_arithmetic3A_1873 = vector.broadcast %shift_right_arithmetic3A_1872 : i32 to vector<1x2048xi32>
    %shift_right_arithmetic3A_1874 = arith.shrsi %iota3A_10, %shift_right_arithmetic3A_1873 : vector<1x2048xi32>
    %and3A_1875 = arith.constant 1 : i32
    %and3A_1876 = vector.broadcast %and3A_1875 : i32 to vector<1x2048xi32>
    %and3A_1877 = arith.andi %shift_right_arithmetic3A_1874, %and3A_1876 : vector<1x2048xi32>
    %xor3A_1878 = arith.xori %and3A_1871, %and3A_1877 : vector<1x2048xi32>
    %neg3A_1879 = arith.constant 0 : i32
    %neg3A_1880 = vector.broadcast %neg3A_1879 : i32 to vector<1x2048xi32>
    %neg3A_1881 = arith.subi %neg3A_1880, %xor3A_1878 : vector<1x2048xi32>
    %roll3A_1882 = arith.constant 2040 : i32
    %roll3A_1883 = tpu.dynamic_rotate %select_n3A_1865 by %roll3A_1882 dim 1 : vector<64x2048xi32>, i32 -> vector<64x2048xi32>
    %roll3A_1884 = arith.constant 8 : i32
    %roll3A_1885 = tpu.dynamic_rotate %select_n3A_1865 by %roll3A_1884 dim 1 : vector<64x2048xi32>, i32 -> vector<64x2048xi32>
    %sub3A_1886 = arith.subi %roll3A_1885, %roll3A_1883 : vector<64x2048xi32>
    %mul3A_1887 = vector.broadcast %and3A_1871 : vector<1x2048xi32> to vector<64x2048xi32>
    %mul3A_1888 = arith.muli %sub3A_1886, %mul3A_1887 : vector<64x2048xi32>
    %add3A_1889 = arith.addi %roll3A_1883, %mul3A_1888 : vector<64x2048xi32>
    %xor3A_1890 = vector.broadcast %neg3A_1881 : vector<1x2048xi32> to vector<64x2048xi32>
    %xor3A_1891 = arith.xori %add3A_1889, %xor3A_1890 : vector<64x2048xi32>
    %xor3A_1892 = vector.broadcast %neg3A_1881 : vector<1x2048xi32> to vector<64x2048xi32>
    %xor3A_1893 = arith.xori %select_n3A_1865, %xor3A_1892 : vector<64x2048xi32>
    %lt3A_1894 = arith.cmpi slt, %xor3A_1891, %xor3A_1893 : vector<64x2048xi32>
    %select_n3A_1895 = arith.select %lt3A_1894, %add3A_1889, %select_n3A_1865 : vector<64x2048xi1>, vector<64x2048xi32>
    %shift_right_arithmetic3A_1896 = arith.constant 2 : i32
    %shift_right_arithmetic3A_1897 = vector.broadcast %shift_right_arithmetic3A_1896 : i32 to vector<1x2048xi32>
    %shift_right_arithmetic3A_1898 = arith.shrsi %iota3A_10, %shift_right_arithmetic3A_1897 : vector<1x2048xi32>
    %and3A_1899 = arith.constant 1 : i32
    %and3A_1900 = vector.broadcast %and3A_1899 : i32 to vector<1x2048xi32>
    %and3A_1901 = arith.andi %shift_right_arithmetic3A_1898, %and3A_1900 : vector<1x2048xi32>
    %shift_right_arithmetic3A_1902 = arith.constant 11 : i32
    %shift_right_arithmetic3A_1903 = vector.broadcast %shift_right_arithmetic3A_1902 : i32 to vector<1x2048xi32>
    %shift_right_arithmetic3A_1904 = arith.shrsi %iota3A_10, %shift_right_arithmetic3A_1903 : vector<1x2048xi32>
    %and3A_1905 = arith.constant 1 : i32
    %and3A_1906 = vector.broadcast %and3A_1905 : i32 to vector<1x2048xi32>
    %and3A_1907 = arith.andi %shift_right_arithmetic3A_1904, %and3A_1906 : vector<1x2048xi32>
    %xor3A_1908 = arith.xori %and3A_1901, %and3A_1907 : vector<1x2048xi32>
    %neg3A_1909 = arith.constant 0 : i32
    %neg3A_1910 = vector.broadcast %neg3A_1909 : i32 to vector<1x2048xi32>
    %neg3A_1911 = arith.subi %neg3A_1910, %xor3A_1908 : vector<1x2048xi32>
    %roll3A_1912 = arith.constant 2044 : i32
    %roll3A_1913 = tpu.dynamic_rotate %select_n3A_1895 by %roll3A_1912 dim 1 : vector<64x2048xi32>, i32 -> vector<64x2048xi32>
    %roll3A_1914 = arith.constant 4 : i32
    %roll3A_1915 = tpu.dynamic_rotate %select_n3A_1895 by %roll3A_1914 dim 1 : vector<64x2048xi32>, i32 -> vector<64x2048xi32>
    %sub3A_1916 = arith.subi %roll3A_1915, %roll3A_1913 : vector<64x2048xi32>
    %mul3A_1917 = vector.broadcast %and3A_1901 : vector<1x2048xi32> to vector<64x2048xi32>
    %mul3A_1918 = arith.muli %sub3A_1916, %mul3A_1917 : vector<64x2048xi32>
    %add3A_1919 = arith.addi %roll3A_1913, %mul3A_1918 : vector<64x2048xi32>
    %xor3A_1920 = vector.broadcast %neg3A_1911 : vector<1x2048xi32> to vector<64x2048xi32>
    %xor3A_1921 = arith.xori %add3A_1919, %xor3A_1920 : vector<64x2048xi32>
    %xor3A_1922 = vector.broadcast %neg3A_1911 : vector<1x2048xi32> to vector<64x2048xi32>
    %xor3A_1923 = arith.xori %select_n3A_1895, %xor3A_1922 : vector<64x2048xi32>
    %lt3A_1924 = arith.cmpi slt, %xor3A_1921, %xor3A_1923 : vector<64x2048xi32>
    %select_n3A_1925 = arith.select %lt3A_1924, %add3A_1919, %select_n3A_1895 : vector<64x2048xi1>, vector<64x2048xi32>
    %shift_right_arithmetic3A_1926 = arith.constant 1 : i32
    %shift_right_arithmetic3A_1927 = vector.broadcast %shift_right_arithmetic3A_1926 : i32 to vector<1x2048xi32>
    %shift_right_arithmetic3A_1928 = arith.shrsi %iota3A_10, %shift_right_arithmetic3A_1927 : vector<1x2048xi32>
    %and3A_1929 = arith.constant 1 : i32
    %and3A_1930 = vector.broadcast %and3A_1929 : i32 to vector<1x2048xi32>
    %and3A_1931 = arith.andi %shift_right_arithmetic3A_1928, %and3A_1930 : vector<1x2048xi32>
    %shift_right_arithmetic3A_1932 = arith.constant 11 : i32
    %shift_right_arithmetic3A_1933 = vector.broadcast %shift_right_arithmetic3A_1932 : i32 to vector<1x2048xi32>
    %shift_right_arithmetic3A_1934 = arith.shrsi %iota3A_10, %shift_right_arithmetic3A_1933 : vector<1x2048xi32>
    %and3A_1935 = arith.constant 1 : i32
    %and3A_1936 = vector.broadcast %and3A_1935 : i32 to vector<1x2048xi32>
    %and3A_1937 = arith.andi %shift_right_arithmetic3A_1934, %and3A_1936 : vector<1x2048xi32>
    %xor3A_1938 = arith.xori %and3A_1931, %and3A_1937 : vector<1x2048xi32>
    %neg3A_1939 = arith.constant 0 : i32
    %neg3A_1940 = vector.broadcast %neg3A_1939 : i32 to vector<1x2048xi32>
    %neg3A_1941 = arith.subi %neg3A_1940, %xor3A_1938 : vector<1x2048xi32>
    %roll3A_1942 = arith.constant 2046 : i32
    %roll3A_1943 = tpu.dynamic_rotate %select_n3A_1925 by %roll3A_1942 dim 1 : vector<64x2048xi32>, i32 -> vector<64x2048xi32>
    %roll3A_1944 = arith.constant 2 : i32
    %roll3A_1945 = tpu.dynamic_rotate %select_n3A_1925 by %roll3A_1944 dim 1 : vector<64x2048xi32>, i32 -> vector<64x2048xi32>
    %sub3A_1946 = arith.subi %roll3A_1945, %roll3A_1943 : vector<64x2048xi32>
    %mul3A_1947 = vector.broadcast %and3A_1931 : vector<1x2048xi32> to vector<64x2048xi32>
    %mul3A_1948 = arith.muli %sub3A_1946, %mul3A_1947 : vector<64x2048xi32>
    %add3A_1949 = arith.addi %roll3A_1943, %mul3A_1948 : vector<64x2048xi32>
    %xor3A_1950 = vector.broadcast %neg3A_1941 : vector<1x2048xi32> to vector<64x2048xi32>
    %xor3A_1951 = arith.xori %add3A_1949, %xor3A_1950 : vector<64x2048xi32>
    %xor3A_1952 = vector.broadcast %neg3A_1941 : vector<1x2048xi32> to vector<64x2048xi32>
    %xor3A_1953 = arith.xori %select_n3A_1925, %xor3A_1952 : vector<64x2048xi32>
    %lt3A_1954 = arith.cmpi slt, %xor3A_1951, %xor3A_1953 : vector<64x2048xi32>
    %select_n3A_1955 = arith.select %lt3A_1954, %add3A_1949, %select_n3A_1925 : vector<64x2048xi1>, vector<64x2048xi32>
    %shift_right_arithmetic3A_1956 = arith.constant 0 : i32
    %shift_right_arithmetic3A_1957 = vector.broadcast %shift_right_arithmetic3A_1956 : i32 to vector<1x2048xi32>
    %shift_right_arithmetic3A_1958 = arith.shrsi %iota3A_10, %shift_right_arithmetic3A_1957 : vector<1x2048xi32>
    %and3A_1959 = arith.constant 1 : i32
    %and3A_1960 = vector.broadcast %and3A_1959 : i32 to vector<1x2048xi32>
    %and3A_1961 = arith.andi %shift_right_arithmetic3A_1958, %and3A_1960 : vector<1x2048xi32>
    %shift_right_arithmetic3A_1962 = arith.constant 11 : i32
    %shift_right_arithmetic3A_1963 = vector.broadcast %shift_right_arithmetic3A_1962 : i32 to vector<1x2048xi32>
    %shift_right_arithmetic3A_1964 = arith.shrsi %iota3A_10, %shift_right_arithmetic3A_1963 : vector<1x2048xi32>
    %and3A_1965 = arith.constant 1 : i32
    %and3A_1966 = vector.broadcast %and3A_1965 : i32 to vector<1x2048xi32>
    %and3A_1967 = arith.andi %shift_right_arithmetic3A_1964, %and3A_1966 : vector<1x2048xi32>
    %xor3A_1968 = arith.xori %and3A_1961, %and3A_1967 : vector<1x2048xi32>
    %neg3A_1969 = arith.constant 0 : i32
    %neg3A_1970 = vector.broadcast %neg3A_1969 : i32 to vector<1x2048xi32>
    %neg3A_1971 = arith.subi %neg3A_1970, %xor3A_1968 : vector<1x2048xi32>
    %roll3A_1972 = arith.constant 2047 : i32
    %roll3A_1973 = tpu.dynamic_rotate %select_n3A_1955 by %roll3A_1972 dim 1 : vector<64x2048xi32>, i32 -> vector<64x2048xi32>
    %roll3A_1974 = arith.constant 1 : i32
    %roll3A_1975 = tpu.dynamic_rotate %select_n3A_1955 by %roll3A_1974 dim 1 : vector<64x2048xi32>, i32 -> vector<64x2048xi32>
    %sub3A_1976 = arith.subi %roll3A_1975, %roll3A_1973 : vector<64x2048xi32>
    %mul3A_1977 = vector.broadcast %and3A_1961 : vector<1x2048xi32> to vector<64x2048xi32>
    %mul3A_1978 = arith.muli %sub3A_1976, %mul3A_1977 : vector<64x2048xi32>
    %add3A_1979 = arith.addi %roll3A_1973, %mul3A_1978 : vector<64x2048xi32>
    %xor3A_1980 = vector.broadcast %neg3A_1971 : vector<1x2048xi32> to vector<64x2048xi32>
    %xor3A_1981 = arith.xori %add3A_1979, %xor3A_1980 : vector<64x2048xi32>
    %xor3A_1982 = vector.broadcast %neg3A_1971 : vector<1x2048xi32> to vector<64x2048xi32>
    %xor3A_1983 = arith.xori %select_n3A_1955, %xor3A_1982 : vector<64x2048xi32>
    %lt3A_1984 = arith.cmpi slt, %xor3A_1981, %xor3A_1983 : vector<64x2048xi32>
    %select_n3A_1985 = arith.select %lt3A_1984, %add3A_1979, %select_n3A_1955 : vector<64x2048xi1>, vector<64x2048xi32>
    %swap3A = arith.constant 0 : index
    %swap3A_1986 = arith.constant 0 : index
    %swap3A_1987 = vector.load %arg3[%swap3A, %swap3A_1986] : memref<64x2048xi32, #tpu.memory_space<vmem>>, vector<64x2048xi32>
    tpu.vector_store %arg3[%swap3A, %swap3A_1986], %select_n3A_1985 {strides = array<i32>} : memref<64x2048xi32, #tpu.memory_space<vmem>>, vector<64x2048xi32>,
    %swap3A_1988 = arith.constant 0 : index
    %swap3A_1989 = arith.constant 0 : index
    %swap3A_1990 = vector.load %arg4[%swap3A_1988, %swap3A_1989] : memref<64x2176xf32, #tpu.memory_space<vmem>>, vector<64x2048xf32>
    tpu.vector_store %arg4[%swap3A_1988, %swap3A_1989], %get3A_1 {strides = array<i32>} : memref<64x2176xf32, #tpu.memory_space<vmem>>, vector<64x2048xf32>,
    %get3A_1991 = arith.constant 0 : index
    %get3A_1992 = arith.constant 0 : index
    %get3A_1993 = vector.load %arg2[%get3A_1991, %get3A_1992] : memref<64x16xf32, #tpu.memory_space<vmem>>, vector<64x16xf32>
    %swap3A_1994 = arith.constant 0 : index
    %swap3A_1995 = arith.constant 2048 : index
    %swap3A_1996 = vector.load %arg4[%swap3A_1994, %swap3A_1995] : memref<64x2176xf32, #tpu.memory_space<vmem>>, vector<64x16xf32>
    tpu.vector_store %arg4[%swap3A_1994, %swap3A_1995], %get3A_1993 {strides = array<i32>} : memref<64x2176xf32, #tpu.memory_space<vmem>>, vector<64x16xf32>,
    %broadcast_in_dim3A = arith.constant 0.000000e+00 : f32
    %broadcast_in_dim3A_1997 = vector.broadcast %broadcast_in_dim3A : f32 to vector<64x112xf32>
    %swap3A_1998 = arith.constant 0 : index
    %swap3A_1999 = arith.constant 2064 : index
    %swap3A_2000 = vector.load %arg4[%swap3A_1998, %swap3A_1999] : memref<64x2176xf32, #tpu.memory_space<vmem>>, vector<64x112xf32>
    tpu.vector_store %arg4[%swap3A_1998, %swap3A_1999], %broadcast_in_dim3A_1997 {strides = array<i32>} : memref<64x2176xf32, #tpu.memory_space<vmem>>, vector<64x112xf32>,
    return
  }
  func.func @transform_0(%arg0: i32) -> (i32, i32) {
    %c0_i32 = arith.constant 0 : i32
    %c0_i32_0 = arith.constant 0 : i32
    return %arg0, %c0_i32 : i32, i32
  }
  func.func @transform_1(%arg0: i32) -> (i32, i32) {
    %c0_i32 = arith.constant 0 : i32
    %c0_i32_0 = arith.constant 0 : i32
    return %arg0, %c0_i32 : i32, i32
  }
  func.func @transform_2(%arg0: i32) -> (i32, i32) {
    %c0_i32 = arith.constant 0 : i32
    %c0_i32_0 = arith.constant 0 : i32
    return %arg0, %c0_i32 : i32, i32
  }
  func.func @transform_3(%arg0: i32) -> (i32, i32) {
    %c0_i32 = arith.constant 0 : i32
    %c0_i32_0 = arith.constant 0 : i32
    return %arg0, %c0_i32 : i32, i32
  }
}

module attributes {stable_mosaic.version = 14 : i64} {
  func.func @_tops_body(%arg0: memref<512x1000xf32, #tpu.memory_space<vmem>>, %arg1: memref<512x1000xf32, #tpu.memory_space<vmem>>, %arg2: memref<1x512xi32, #tpu.memory_space<vmem>>, %arg3: memref<1x512xi32, #tpu.memory_space<vmem>>, %arg4: memref<512x1xf32, #tpu.memory_space<vmem>>) attributes {dimension_semantics = [], scalar_prefetch = 0 : i64, scratch_operands = 1 : i64, tpu.core_type = #tpu.core_type<tc>} {
    %get3A = arith.constant 0 : index
    %get3A_0 = arith.constant 0 : index
    %get3A_1 = vector.load %arg0[%get3A, %get3A_0] : memref<512x1000xf32, #tpu.memory_space<vmem>>, vector<512x1000xf32>
    %reduce_max3A = arith.constant dense<0xFF800000> : vector<512xf32>
    %reduce_max3A_2 = vector.multi_reduction <maximumf>, %get3A_1, %reduce_max3A [1] : vector<512x1000xf32> to vector<512xf32>
    %broadcast_in_dim3A = vector.shape_cast %reduce_max3A_2 : vector<512xf32> to vector<512x1xf32>
    %sub3A = vector.broadcast %broadcast_in_dim3A : vector<512x1xf32> to vector<512x1000xf32>
    %sub3A_3 = arith.subf %get3A_1, %sub3A : vector<512x1000xf32>
    %exp3A = math.exp %sub3A_3 : vector<512x1000xf32>
    %reduce_sum3A = arith.constant dense<0.000000e+00> : vector<512xf32>
    %reduce_sum3A_4 = vector.multi_reduction <add>, %exp3A, %reduce_sum3A [1] : vector<512x1000xf32> to vector<512xf32>
    %broadcast_in_dim3A_5 = vector.shape_cast %reduce_sum3A_4 : vector<512xf32> to vector<512x1xf32>
    %slice3A = vector.extract_strided_slice %get3A_1 {offsets = [0, 0], sizes = [512, 1], strides = [1, 1]} : vector<512x1000xf32> to vector<512x1xf32>
    %sub3A_6 = arith.subf %slice3A, %broadcast_in_dim3A : vector<512x1xf32>
    %exp3A_7 = math.exp %sub3A_6 : vector<512x1xf32>
    %div3A = arith.divf %exp3A_7, %broadcast_in_dim3A_5 : vector<512x1xf32>
    %reshape3A = vector.shape_cast %div3A : vector<512x1xf32> to vector<1x512xf32>
    %iota3A = tpu.iota {dimensions = array<i32: 1>} : vector<32x512xi32>
    %iota3A_8 = tpu.iota {dimensions = array<i32: 0>} : vector<32x512xi32>
    %swap3A = arith.constant 0 : index
    %swap3A_9 = arith.constant 0 : index
    %swap3A_10 = vector.load %arg4[%swap3A, %swap3A_9] : memref<512x1xf32, #tpu.memory_space<vmem>>, vector<512x1xf32>
    tpu.vector_store %arg4[%swap3A, %swap3A_9], %div3A {strides = array<i32>} : memref<512x1xf32, #tpu.memory_space<vmem>>, vector<512x1xf32>,
    %broadcast_in_dim3A_11 = arith.constant 0 : i32
    %broadcast_in_dim3A_12 = vector.broadcast %broadcast_in_dim3A_11 : i32 to vector<1x512xi32>
    %scan3A = arith.constant 0 : i32
    %scan3A_13 = arith.constant 16 : i32
    %scan3A_14 = arith.addi %scan3A, %scan3A_13 : i32
    %scan3A_15 = arith.constant 1 : i32
    %scan3A_16 = scf.for %scan3A_54 = %scan3A to %scan3A_14 step %scan3A_15 iter_args(%scan3A_55 = %broadcast_in_dim3A_12) -> (vector<1x512xi32>)  : i32 {
      %mul3A = arith.constant 32 : i32
      %mul3A_56 = arith.muli %scan3A_54, %mul3A : i32
      %get3A_57 = arith.index_cast %mul3A_56 : i32 to index
      %get3A_58 = arith.constant 0 : index
      %get3A_59 = vector.load %arg4[%get3A_57, %get3A_58] : memref<512x1xf32, #tpu.memory_space<vmem>>, vector<32x1xf32>
      %mul3A_60 = arith.constant 32 : i32
      %mul3A_61 = arith.muli %scan3A_54, %mul3A_60 : i32
      %add3A = vector.broadcast %mul3A_61 : i32 to vector<32x512xi32>
      %add3A_62 = arith.addi %iota3A_8, %add3A : vector<32x512xi32>
      %gt3A = vector.broadcast %reshape3A : vector<1x512xf32> to vector<32x512xf32>
      %gt3A_63 = vector.broadcast %get3A_59 : vector<32x1xf32> to vector<32x512xf32>
      %gt3A_64 = arith.cmpf ogt, %gt3A, %gt3A_63 : vector<32x512xf32>
      %eq3A = vector.broadcast %reshape3A : vector<1x512xf32> to vector<32x512xf32>
      %eq3A_65 = vector.broadcast %get3A_59 : vector<32x1xf32> to vector<32x512xf32>
      %eq3A_66 = arith.cmpf oeq, %eq3A, %eq3A_65 : vector<32x512xf32>
      %lt3A = arith.cmpi slt, %iota3A, %add3A_62 : vector<32x512xi32>
      %and3A = arith.andi %eq3A_66, %lt3A : vector<32x512xi1>
      %or3A = arith.ori %gt3A_64, %and3A : vector<32x512xi1>
      %convert_element_type3A = arith.extui %or3A : vector<32x512xi1> to vector<32x512xi32>
      %reduce_sum3A_67 = arith.constant dense<0> : vector<32xi32>
      %reduce_sum3A_68 = vector.multi_reduction <add>, %convert_element_type3A, %reduce_sum3A_67 [1] : vector<32x512xi32> to vector<32xi32>
      %broadcast_in_dim3A_69 = vector.shape_cast %reduce_sum3A_68 : vector<32xi32> to vector<32x1xi32>
      %eq3A_70 = vector.broadcast %broadcast_in_dim3A_69 : vector<32x1xi32> to vector<32x512xi32>
      %eq3A_71 = arith.cmpi eq, %eq3A_70, %iota3A : vector<32x512xi32>
      %jit3A = arith.constant 0 : i32
      %broadcast_in_dim3A_72 = vector.broadcast %jit3A : i32 to vector<32x512xi32>
      %select_n3A = arith.select %eq3A_71, %add3A_62, %broadcast_in_dim3A_72 : vector<32x512xi1>, vector<32x512xi32>
      %reduce_sum3A_73 = arith.constant dense<0> : vector<512xi32>
      %reduce_sum3A_74 = vector.multi_reduction <add>, %select_n3A, %reduce_sum3A_73 [0] : vector<32x512xi32> to vector<512xi32>
      %broadcast_in_dim3A_75 = vector.shape_cast %reduce_sum3A_74 : vector<512xi32> to vector<1x512xi32>
      %add3A_76 = arith.addi %scan3A_55, %broadcast_in_dim3A_75 : vector<1x512xi32>
      scf.yield %add3A_76 : vector<1x512xi32>
    }
    %scan3A_17 = arith.constant 16 : i32
    %swap3A_18 = arith.constant 0 : index
    %swap3A_19 = arith.constant 0 : index
    %swap3A_20 = vector.load %arg2[%swap3A_18, %swap3A_19] : memref<1x512xi32, #tpu.memory_space<vmem>>, vector<1x512xi32>
    tpu.vector_store %arg2[%swap3A_18, %swap3A_19], %scan3A_16 {strides = array<i32>} : memref<1x512xi32, #tpu.memory_space<vmem>>, vector<1x512xi32>,
    %get3A_21 = arith.constant 0 : index
    %get3A_22 = arith.constant 0 : index
    %get3A_23 = vector.load %arg1[%get3A_21, %get3A_22] : memref<512x1000xf32, #tpu.memory_space<vmem>>, vector<512x1000xf32>
    %reduce_max3A_24 = arith.constant dense<0xFF800000> : vector<512xf32>
    %reduce_max3A_25 = vector.multi_reduction <maximumf>, %get3A_23, %reduce_max3A_24 [1] : vector<512x1000xf32> to vector<512xf32>
    %broadcast_in_dim3A_26 = vector.shape_cast %reduce_max3A_25 : vector<512xf32> to vector<512x1xf32>
    %sub3A_27 = vector.broadcast %broadcast_in_dim3A_26 : vector<512x1xf32> to vector<512x1000xf32>
    %sub3A_28 = arith.subf %get3A_23, %sub3A_27 : vector<512x1000xf32>
    %exp3A_29 = math.exp %sub3A_28 : vector<512x1000xf32>
    %reduce_sum3A_30 = arith.constant dense<0.000000e+00> : vector<512xf32>
    %reduce_sum3A_31 = vector.multi_reduction <add>, %exp3A_29, %reduce_sum3A_30 [1] : vector<512x1000xf32> to vector<512xf32>
    %broadcast_in_dim3A_32 = vector.shape_cast %reduce_sum3A_31 : vector<512xf32> to vector<512x1xf32>
    %slice3A_33 = vector.extract_strided_slice %get3A_23 {offsets = [0, 0], sizes = [512, 1], strides = [1, 1]} : vector<512x1000xf32> to vector<512x1xf32>
    %sub3A_34 = arith.subf %slice3A_33, %broadcast_in_dim3A_26 : vector<512x1xf32>
    %exp3A_35 = math.exp %sub3A_34 : vector<512x1xf32>
    %div3A_36 = arith.divf %exp3A_35, %broadcast_in_dim3A_32 : vector<512x1xf32>
    %reshape3A_37 = vector.shape_cast %div3A_36 : vector<512x1xf32> to vector<1x512xf32>
    %iota3A_38 = tpu.iota {dimensions = array<i32: 1>} : vector<32x512xi32>
    %iota3A_39 = tpu.iota {dimensions = array<i32: 0>} : vector<32x512xi32>
    %swap3A_40 = arith.constant 0 : index
    %swap3A_41 = arith.constant 0 : index
    %swap3A_42 = vector.load %arg4[%swap3A_40, %swap3A_41] : memref<512x1xf32, #tpu.memory_space<vmem>>, vector<512x1xf32>
    tpu.vector_store %arg4[%swap3A_40, %swap3A_41], %div3A_36 {strides = array<i32>} : memref<512x1xf32, #tpu.memory_space<vmem>>, vector<512x1xf32>,
    %broadcast_in_dim3A_43 = arith.constant 0 : i32
    %broadcast_in_dim3A_44 = vector.broadcast %broadcast_in_dim3A_43 : i32 to vector<1x512xi32>
    %scan3A_45 = arith.constant 0 : i32
    %scan3A_46 = arith.constant 16 : i32
    %scan3A_47 = arith.addi %scan3A_45, %scan3A_46 : i32
    %scan3A_48 = arith.constant 1 : i32
    %scan3A_49 = scf.for %scan3A_54 = %scan3A_45 to %scan3A_47 step %scan3A_48 iter_args(%scan3A_55 = %broadcast_in_dim3A_44) -> (vector<1x512xi32>)  : i32 {
      %mul3A = arith.constant 32 : i32
      %mul3A_56 = arith.muli %scan3A_54, %mul3A : i32
      %get3A_57 = arith.index_cast %mul3A_56 : i32 to index
      %get3A_58 = arith.constant 0 : index
      %get3A_59 = vector.load %arg4[%get3A_57, %get3A_58] : memref<512x1xf32, #tpu.memory_space<vmem>>, vector<32x1xf32>
      %mul3A_60 = arith.constant 32 : i32
      %mul3A_61 = arith.muli %scan3A_54, %mul3A_60 : i32
      %add3A = vector.broadcast %mul3A_61 : i32 to vector<32x512xi32>
      %add3A_62 = arith.addi %iota3A_39, %add3A : vector<32x512xi32>
      %gt3A = vector.broadcast %reshape3A_37 : vector<1x512xf32> to vector<32x512xf32>
      %gt3A_63 = vector.broadcast %get3A_59 : vector<32x1xf32> to vector<32x512xf32>
      %gt3A_64 = arith.cmpf ogt, %gt3A, %gt3A_63 : vector<32x512xf32>
      %eq3A = vector.broadcast %reshape3A_37 : vector<1x512xf32> to vector<32x512xf32>
      %eq3A_65 = vector.broadcast %get3A_59 : vector<32x1xf32> to vector<32x512xf32>
      %eq3A_66 = arith.cmpf oeq, %eq3A, %eq3A_65 : vector<32x512xf32>
      %lt3A = arith.cmpi slt, %iota3A_38, %add3A_62 : vector<32x512xi32>
      %and3A = arith.andi %eq3A_66, %lt3A : vector<32x512xi1>
      %or3A = arith.ori %gt3A_64, %and3A : vector<32x512xi1>
      %convert_element_type3A = arith.extui %or3A : vector<32x512xi1> to vector<32x512xi32>
      %reduce_sum3A_67 = arith.constant dense<0> : vector<32xi32>
      %reduce_sum3A_68 = vector.multi_reduction <add>, %convert_element_type3A, %reduce_sum3A_67 [1] : vector<32x512xi32> to vector<32xi32>
      %broadcast_in_dim3A_69 = vector.shape_cast %reduce_sum3A_68 : vector<32xi32> to vector<32x1xi32>
      %eq3A_70 = vector.broadcast %broadcast_in_dim3A_69 : vector<32x1xi32> to vector<32x512xi32>
      %eq3A_71 = arith.cmpi eq, %eq3A_70, %iota3A_38 : vector<32x512xi32>
      %jit3A = arith.constant 0 : i32
      %broadcast_in_dim3A_72 = vector.broadcast %jit3A : i32 to vector<32x512xi32>
      %select_n3A = arith.select %eq3A_71, %add3A_62, %broadcast_in_dim3A_72 : vector<32x512xi1>, vector<32x512xi32>
      %reduce_sum3A_73 = arith.constant dense<0> : vector<512xi32>
      %reduce_sum3A_74 = vector.multi_reduction <add>, %select_n3A, %reduce_sum3A_73 [0] : vector<32x512xi32> to vector<512xi32>
      %broadcast_in_dim3A_75 = vector.shape_cast %reduce_sum3A_74 : vector<512xi32> to vector<1x512xi32>
      %add3A_76 = arith.addi %scan3A_55, %broadcast_in_dim3A_75 : vector<1x512xi32>
      scf.yield %add3A_76 : vector<1x512xi32>
    }
    %scan3A_50 = arith.constant 16 : i32
    %swap3A_51 = arith.constant 0 : index
    %swap3A_52 = arith.constant 0 : index
    %swap3A_53 = vector.load %arg3[%swap3A_51, %swap3A_52] : memref<1x512xi32, #tpu.memory_space<vmem>>, vector<1x512xi32>
    tpu.vector_store %arg3[%swap3A_51, %swap3A_52], %scan3A_49 {strides = array<i32>} : memref<1x512xi32, #tpu.memory_space<vmem>>, vector<1x512xi32>,
    return
  }
}

module attributes {stable_mosaic.version = 14 : i64} {
  func.func @_gemm_body(%arg0: memref<512x2048xf32, #tpu.memory_space<vmem>>, %arg1: memref<512x2176xf32, #tpu.memory_space<vmem>>, %arg2: memref<488x2048xf32, #tpu.memory_space<vmem>>, %arg3: memref<1x488xf32, #tpu.memory_space<vmem>>, %arg4: memref<512x1000xf32, #tpu.memory_space<vmem>>) attributes {dimension_semantics = [], scalar_prefetch = 0 : i64, scratch_operands = 0 : i64, tpu.core_type = #tpu.core_type<tc>} {
    %get3A = arith.constant 0 : index
    %get3A_0 = arith.constant 0 : index
    %get3A_1 = vector.load %arg0[%get3A, %get3A_0] : memref<512x2048xf32, #tpu.memory_space<vmem>>, vector<512x2048xf32>
    %get3A_2 = arith.constant 0 : index
    %get3A_3 = arith.constant 0 : index
    %get3A_4 = vector.load %arg1[%get3A_2, %get3A_3] : memref<512x2176xf32, #tpu.memory_space<vmem>>, vector<512x2048xf32>
    %get3A_5 = arith.constant 0 : index
    %get3A_6 = arith.constant 2048 : index
    %get3A_7 = vector.load %arg1[%get3A_5, %get3A_6] : memref<512x2176xf32, #tpu.memory_space<vmem>>, vector<512x1xf32>
    %reshape3A = vector.shape_cast %get3A_7 : vector<512x1xf32> to vector<1x512xf32>
    %dot_general3A = arith.constant dense<0.000000e+00> : vector<512x512xf32>
    %dot_general3A_8 = tpu.matmul %get3A_1, %get3A_4, %dot_general3A {dimension_numbers = #tpu.dot_dimension_numbers<[1], [1], [0], [0], [0, 0, 1, 0], [], []>, precision = #tpu.contract_precision<fp32>, transpose_lhs_hint = false} : vector<512x2048xf32>, vector<512x2048xf32>, vector<512x512xf32> -> vector<512x512xf32>
    %get3A_9 = arith.constant 0 : index
    %get3A_10 = arith.constant 0 : index
    %get3A_11 = vector.load %arg2[%get3A_9, %get3A_10] : memref<488x2048xf32, #tpu.memory_space<vmem>>, vector<488x2048xf32>
    %dot_general3A_12 = arith.constant dense<0.000000e+00> : vector<512x488xf32>
    %dot_general3A_13 = tpu.matmul %get3A_1, %get3A_11, %dot_general3A_12 {dimension_numbers = #tpu.dot_dimension_numbers<[1], [1], [0], [0], [0, 0, 1, 0], [], []>, precision = #tpu.contract_precision<fp32>, transpose_lhs_hint = false} : vector<512x2048xf32>, vector<488x2048xf32>, vector<512x488xf32> -> vector<512x488xf32>
    %add3A = vector.broadcast %reshape3A : vector<1x512xf32> to vector<512x512xf32>
    %add3A_14 = arith.addf %dot_general3A_8, %add3A : vector<512x512xf32>
    %swap3A = arith.constant 0 : index
    %swap3A_15 = arith.constant 0 : index
    %swap3A_16 = vector.load %arg4[%swap3A, %swap3A_15] : memref<512x1000xf32, #tpu.memory_space<vmem>>, vector<512x512xf32>
    tpu.vector_store %arg4[%swap3A, %swap3A_15], %add3A_14 {strides = array<i32>} : memref<512x1000xf32, #tpu.memory_space<vmem>>, vector<512x512xf32>,
    %get3A_17 = arith.constant 0 : index
    %get3A_18 = arith.constant 0 : index
    %get3A_19 = vector.load %arg3[%get3A_17, %get3A_18] : memref<1x488xf32, #tpu.memory_space<vmem>>, vector<1x488xf32>
    %add3A_20 = vector.broadcast %get3A_19 : vector<1x488xf32> to vector<512x488xf32>
    %add3A_21 = arith.addf %dot_general3A_13, %add3A_20 : vector<512x488xf32>
    %swap3A_22 = arith.constant 0 : index
    %swap3A_23 = arith.constant 512 : index
    %swap3A_24 = vector.load %arg4[%swap3A_22, %swap3A_23] : memref<512x1000xf32, #tpu.memory_space<vmem>>, vector<512x488xf32>
    tpu.vector_store %arg4[%swap3A_22, %swap3A_23], %add3A_21 {strides = array<i32>} : memref<512x1000xf32, #tpu.memory_space<vmem>>, vector<512x488xf32>,
    return
  }
}

</mosaic_0001>

<sc_bundles>
// kernel: kernel.6.cloned.1.call-start
scs
__scs_entry_jumppad:
0x0: {  	(pc) =	sbr.rel $0x88, $3  }
0x1: {  	(tag) =	ssettag $0x0;
	lr =	simm.s32 $0x1  }
0x2: {  	[smem:$0x3F9C] =	sst lr;
	_ =	strace $0xD0000000  }
0x3: {  	_ = 	snop  }
0x4: {  	_ = 	snop  }
0x5: {  	_ = 	snop  }
0x6: {  	_ = 	snop  }
0x7: {  	_ = 	snop  }
__scs_overlays_trampoline_lowered:
0x8: {  	[smem:$0x3FAB] =	sst s0  }
0x9: {  	[smem:$0x3FAC] =	sst s1  }
0xa: {  	[smem:$0x3FAD] =	sst s2  }
0xb: {  	[smem:$0x3FAE] =	sst s3  }
0xc: {  	[smem:$0x3FAF] =	sst s4  }
0xd: {  	[smem:$0x3FB0] =	sst s5  }
0xe: {  	[smem:$0x3FB1] =	sst s6  }
0xf: {  	[smem:$0x3FB2] =	sst s7  }
0x10: {  	[smem:$0x3FB3] =	sst s8  }
0x11: {  	[smem:$0x3FB4] =	sst s9;
	s0 =	simm.s32 @!p0 $0x0  }
0x12: {  	s1 =	sld [smem:$0x3F9A];
	s0 =	simm.s32 @p0 $0x1  }
0x13: {  	[smem:$0x3FB5] =	sst s0;
	s0 =	simm.s32 @!p1 $0x0  }
0x14: {  	s2 =	sld [smem:$0x3F99];
	s0 =	simm.s32 @p1 $0x1  }
0x15: {  	[smem:$0x3FB6] =	sst s0;
	s0 =	simm.s32 @!p2 $0x0  }
0x16: {  	s3 =	sld [smem:$0x3FDB];
	s0 =	simm.s32 @p2 $0x1  }
0x17: {  	s4 =	simm.s32 $0x1BF5;
	[smem:$0x3FB8] =	sst s0  }
0x18: {  	s0 =	sld [smem:$0x3F9B];
	_ =	swait.ge [sflag:s4], $0x0  }
0x19: {  	s7 =	sld [smem:$0x3F9C]  }
0x1a: {  	s8 =	sadd.s32 $0xFFFFE003, lr  }
0x1b: {  	s9 =	sadd.s32 $0xFFFFFEF7, lr;
	s5 =	simm.s32 $0xFFFFFFFF;
	p2 =	slt.u32 s8, $0xFFFFF086  }
0x1c: {  	p1 =	slt.u32 s9, $0xF7A;
	s5 =	simm.s32 @!p2 $0x0  }
0x1d: {  	s5 =	simm.s32 @p1 $0x1;
	p0 =	seq.s32 s7, s2  }
0x1e: {  	s7 =	smul.u32 @!p0 $0xF7A, s2;
	p2 =	seq.s32 @!p0 s5, $0x0  }
0x1f: {  	s9 =	smul.u32 $0xF7A, s1;
	s8 =	simm.s32 @!p0 $0x1BF5;
	p2 =	por !p2, p0  }
0x20: {  	[sflag:s8] =	ssyncset.s32 @!p0 $0xFFFFF086;
	s6 =	sadd.s32 @!p0 s3, s7;
	s7 =	simm.s32 @!p0 $0x108  }
0x21: {  	s3 =	sadd.s32 s3, s9;
	s6 =	sadd.s32 @!p0 $0x88, s6;
	s7 =	simm.s32 @p2 $0x1082  }
0x22: {  	[simem:s7], [sflag:s8] =	dma.local @!p0 [hbm:s6], $0xF7A  }
0x23: {  	s9 =	sor.u32 $0xD0000000, s2;
	s6 =	simm.s32 $0x108;
	_ =	swait.ge @!p0 [sflag:s8], $0x0  }
0x24: {  	s3 =	sadd.s32 $0x88, s3;
	s6 =	simm.s32 @!p1 $0x1082;
	[sflag:s4] =	ssyncset.s32 $0xFFFFF086  }
0x25: {  	[simem:s6], [sflag:s4] =	dma.local [hbm:s3], $0xF7A  }
0x26: {  	[smem:$0x3F9C] =	sst s1;
	(tag) =	ssettag s2;
	_ =	strace s9  }
0x27: {  	s1 =	sld [smem:$0x3FAC]  }
0x28: {  	s2 =	sld [smem:$0x3FAD]  }
0x29: {  	s4 =	sld [smem:$0x3FAF]  }
0x2a: {  	p0 =	seq.s32 s5, $0x0;
	s5 =	sld [smem:$0x3FB0]  }
0x2b: {  	s6 =	sld [smem:$0x3FB1]  }
0x2c: {  	s7 =	sld [smem:$0x3FB2]  }
0x2d: {  	s3 =	simm.s32 $0x108;
	s8 =	sld [smem:$0x3FB3]  }
0x2e: {  	s3 =	simm.s32 @!p0 $0x1082;
	s9 =	sld [smem:$0x3FB4]  }
0x2f: {  	lr =	sadd.s32 s0, s3;
	s0 =	sld [smem:$0x3FAB]  }
0x30: {  	s3 =	sld [smem:$0x3FAE]  }
0x31: {  	[smem:$0x3FB7] =	sst s10  }
0x32: {  	s10 =	sld [smem:$0x3FB5];
	_ =	sdelay $0x3  }
0x33: {  	p0 =	seq.s32 s10, $0x1;
	s10 =	sld [smem:$0x3FB7];
	_ =	sdelay $0x3  }
0x34: {  	[smem:$0x3FB7] =	sst s10  }
0x35: {  	s10 =	sld [smem:$0x3FB6];
	_ =	sdelay $0x3  }
0x36: {  	p1 =	seq.s32 s10, $0x1;
	s10 =	sld [smem:$0x3FB7];
	_ =	sdelay $0x3  }
0x37: {  	[smem:$0x3FB7] =	sst s10  }
0x38: {  	s10 =	sld [smem:$0x3FB8]  }
0x39: {  	_ = 	snop;
	(pc) =	sbr.ind lr, $3  }
0x3a: {  	_ = 	snop  }
0x3b: {  	_ = 	snop  }
0x3c: {  	p2 =	seq.s32 s10, $0x1;
	s10 =	sld [smem:$0x3FB7]  }
0x3d: {  	_ =	shalt  }
0x3e: {  	_ =	shalt  }
0x3f: {  	_ =	shalt  }
0x40: {  	_ =	shalt  }
0x41: {  	_ =	shalt  }
0x42: {  	_ =	shalt  }
0x43: {  	_ =	shalt  }
0x44: {  	_ =	shalt  }
0x45: {  	_ =	shalt  }
0x46: {  	_ =	shalt  }
0x47: {  	_ =	shalt  }
0x48: {  	_ =	shalt  }
0x49: {  	_ =	shalt  }
0x4a: {  	_ =	shalt  }
0x4b: {  	_ =	shalt  }
0x4c: {  	_ =	shalt  }
0x4d: {  	_ =	shalt  }
0x4e: {  	_ =	shalt  }
0x4f: {  	_ =	shalt  }
0x50: {  	_ =	shalt  }
0x51: {  	_ =	shalt  }
0x52: {  	_ =	shalt  }
0x53: {  	_ =	shalt  }
0x54: {  	_ =	shalt  }
0x55: {  	_ =	shalt  }
0x56: {  	_ =	shalt  }
0x57: {  	_ =	shalt  }
0x58: {  	_ =	shalt  }
0x59: {  	_ =	shalt  }
0x5a: {  	_ =	shalt  }
0x5b: {  	_ =	shalt  }
0x5c: {  	_ =	shalt  }
0x5d: {  	_ =	shalt  }
0x5e: {  	_ =	shalt  }
0x5f: {  	_ =	shalt  }
0x60: {  	_ =	shalt  }
0x61: {  	_ =	shalt  }
0x62: {  	_ =	shalt  }
0x63: {  	_ =	shalt  }
0x64: {  	_ =	shalt  }
0x65: {  	_ =	shalt  }
0x66: {  	_ =	shalt  }
0x67: {  	_ =	shalt  }
0x68: {  	_ =	shalt  }
0x69: {  	_ =	shalt  }
0x6a: {  	_ =	shalt  }
0x6b: {  	_ =	shalt  }
0x6c: {  	_ =	shalt  }
0x6d: {  	_ =	shalt  }
0x6e: {  	_ =	shalt  }
0x6f: {  	_ =	shalt  }
0x70: {  	_ =	shalt  }
0x71: {  	_ =	shalt  }
0x72: {  	_ =	shalt  }
0x73: {  	_ =	shalt  }
0x74: {  	_ =	shalt  }
0x75: {  	_ =	shalt  }
0x76: {  	_ =	shalt  }
0x77: {  	_ =	shalt  }
0x78: {  	_ =	shalt  }
0x79: {  	_ =	shalt  }
0x7a: {  	_ =	shalt  }
0x7b: {  	_ =	shalt  }
0x7c: {  	_ =	shalt  }
0x7d: {  	_ =	shalt  }
0x7e: {  	_ =	shalt  }
0x7f: {  	_ =	shalt  }
0x80: {  	_ =	shalt  }
0x81: {  	_ =	shalt  }
0x82: {  	_ =	shalt  }
0x83: {  	_ =	shalt  }
0x84: {  	_ =	shalt  }
0x85: {  	_ =	shalt  }
0x86: {  	_ =	shalt  }
0x87: {  	_ =	shalt  }
.Lfunc_end0:
.L_simem_size_0:
called_computation_lowered:
.L_overlay_start_0:
0x88: {  	s2 =	sld [smem:$0x3FD9]  }
0x89: {  	s3 =	sld [smem:$0x3FFE];
	_ =	sdelay $0x1  }
0x8a: {  	s1 =	srdreg.scid  }
0x8b: {  	s0 =	sand.u32 $0x1, s1  }
0x8c: {  	s14 =	sshll.u32 s0, $0xA;
	s2 =	sadd.s32 s3, s2  }
0x8d: {  	s2 =	sadd.s32 s2, s14  }
0x8e: {  	[smem:$0x3FC3] =	sst s2  }
0x8f: {  	_ = 	snop  }
0x90: {  	s2 =	sld [smem:$0x3FD0];
	_ =	sdelay $0x2  }
0x91: {  	s15 =	simm.s32 $0xA;
	s4 =	simm.s32 $0x10  }
0x92: {  	[smem:s4], [sflag:s15] =	dma.local [hbm:s2], $0x1  }
0x93: {  	_ =	swait.eq [sflag:s15], $0x1  }
0x94: {  	[sflag:s15] =	ssyncset.done $0x0  }
0x95: {  	[sflag:s15] =	ssyncadd.s32 $0xFFFFFFFF  }
0x96: {  	s16 =	sld [smem:$0x10];
	(tm) =	ssettm $0x1  }
0x97: {  	s17 =	sld [smem:$0x3FFB];
	_ =	sdelay $0x3  }
0x98: {  	_ =	strace s17  }
0x99: {  	s3 =	sld [smem:$0x3FFC];
	_ =	sdelay $0x3  }
0x9a: {  	_ =	strace s3  }
0x9b: {  	s3 =	sld [smem:$0x3FFD];
	_ =	sdelay $0x3  }
0x9c: {  	_ =	strace s3  }
0x9d: {  	_ =	strace $0x8FFFFFFF  }
0x9e: {  	s18 =	sld [smem:$0x3FDB];
	_ =	sdelay $0x1  }
0x9f: {  	s19 =	simm.s32 $_scs_section_size  }
0xa0: {  	s5 =	simm.s32 $_size__tile_overlayer_lowered;
	s6 =	simm.s32 $_tile_overlayer_lowered  }
0xa1: {  	s22 =	simm.s32 $0x1BFF;
	s21 =	sshll.u32 s6, $0x1;
	s3 =	sadd.s32 s19, s18  }
0xa2: {  	s7 =	simm.s32 $0x0;
	s20 =	sshll.u32 s5, $0x1;
	s5 =	sadd.s32 s21, s3  }
0xa3: {  	[timem:s7], [sflag:s22] =	dma.local [hbm:s5], s20  }
0xa4: {  	_ =	swait.ge [sflag:s22], s20  }
0xa5: {  	s4 =	ssub.s32 $0x0, s20;
	[sflag:s22] =	ssyncset.done $0x0  }
0xa6: {  	[sflag:s22] =	ssyncadd.s32 s4;
	_ =	sdelay $0x1  }
0xa7: {  	s23 =	simm.s32 $0x1B8B  }
0xa8: {  	_ =	swait.ge [sflag:s23], $0x1  }
0xa9: {  	[sflag:s23] =	ssyncset.done $0x0  }
0xaa: {  	s25 =	simm.s32 $0x1B8E;
	s24 =	sld [smem:$0x3FFE];
	[sflag:s23] =	ssyncadd.s32 $0xFFFFFFFF  }
0xab: {  	s26 =	simm.s32 $execute0_lowered;
	[smem:$0x3FD2] =	sst s25  }
0xac: {  	s5 =	sshll.u32 s26, $0x1;
	_ =	strace $0x80000046;
	[dreg:$0x1] =	wrdreg $0xFFFFFFFF  }
0xad: {  	s28 =	simm.s32 $_size_execute0_lowered;
	s3 =	sadd.s32 s3, s5;
	[dreg:$0x0] =	wrdreg $0x0  }
0xae: {  	s5 =	sshll.u32 s28, $0x1;
	[dreg:$0x2] =	wrdreg s3  }
0xaf: {  	[dreg:$0x3] =	wrdreg s5  }
0xb0: {  	[dreg:$0x4] =	wrdreg $0xC0  }
0xb1: {  	_ =	task [dreg:s7], $0x5FFFF  }
0xb2: {  	[dreg:$0x1] =	wrdreg $0xFFFFFFFF  }
0xb3: {  	[dreg:$0x0] =	wrdreg $0x60  }
0xb4: {  	[dreg:$0x2] =	wrdreg s24  }
0xb5: {  	[dreg:$0x3] =	wrdreg s16  }
0xb6: {  	[dreg:$0x4] =	wrdreg $0x9  }
0xb7: {  	_ =	task.clear_ibuf [dreg:s7], $0x5FFFF;
	_ =	strace $0x90000046  }
0xb8: {  	s29 =	simm.s32 $0x9;
	_ =	strace $0x80000048  }
0xb9: {  	_ =	swait.ge [sflag:s29], $0x1  }
0xba: {  	[sflag:s29] =	ssyncadd.s32 $0xFFFFFFFF  }
0xbb: {  	_ =	strace $0x90000048  }
0xbc: {  	_ =	sfence  }
0xbd: {  	s30 =	sld [smem:$0x0];
	_ =	sdelay $0x2  }
0xbe: {  	s31 =	sshll.u32 s1, $0xD;
	s1 =	sshrl.u32 s1, $0x2  }
0xbf: {  	s3 =	sand.u32 $0x4000, s31;
	s1 =	sadd.s32 s1, s30  }
0xc0: {  	s0 =	sor.u32 s3, s0;
	s1 =	sshll.u32 s1, $0x11  }
0xc1: {  	s0 =	sor.u32 s1, s0  }
0xc2: {  	s0 =	sadd.s32 $0x8F2B, s0  }
0xc3: {  	[sflag:s0] =	ssyncadd.remote.s32 $0x1  }
0xc4: {  	_ =	sfence.sel $0xFFFF  }
0xc5: {  	[dreg:$0x0] =	wrdreg $0xFFFFFFFF;
	(pc) =	sbr.abs _section_cstart, $3  }
0xc6: {  	[dreg:$0x1] =	wrdreg $0xFFFFFFFF  }
0xc7: {  	_ =	task.clear_ibuf [dreg:s7], $0x2FFFF;
	_ =	strace $0x9FFFFFFF  }
0xc8: {  	(tm) =	ssettm $0x7FFFFFFF  }
0xc9: {  	_ =	shalt  }
tec
execute0_lowered:
.L_overlay_start_1:
0x0: {  	(tag) =	ssettag $0x1  }
0x1: {  	s0 =	rddreg [dreg:$0x0]  }
0x2: {  	s3 =	rddreg [dreg:$0x1]  }
0x3: {  	s1 =	simm.s32 $0x0;
	s6 =	srdreg.scid;
	s8 =	stileid.u32  }
0x4: {  	s28 =	simm.s32 $0x1A80;
	s30 =	simm.s32 $0x4680;
	[smem:$0x7FF] =	sst s1  }
0x5: {  	s2 =	sadd.s32 $0xC00, s0;
	s4 =	sadd.s32 $0x22C00, s0;
	s5 =	sadd.s32 $0x42C00, s0  }
0x6: {  	s7 =	sadd.s32 $0x42E00, s0;
	s6 =	sand.u32 $0x1, s6;
	s8 =	sshll.u32 s8, $0x2  }
0x7: {  	s9 =	sadd.s32 $0x43000, s0;
	s12 =	sadd.s32 $0xE00, s0;
	s13 =	sadd.s32 $0xF00, s0  }
0x8: {  	s14 =	sadd.s32 $0x1000, s0;
	s15 =	sadd.s32 $0x1100, s0;
	s16 =	sadd.s32 $0x1200, s0  }
0x9: {  	s17 =	sadd.s32 $0x1300, s0;
	_ =	strace $0x80000047;
	[dreg:$0x3] =	wrdreg s7  }
0xa: {  	s18 =	sadd.s32 $0x1400, s0;
	s10 =	sadd.s32 $0x43300, s0;
	[dreg:$0x4] =	wrdreg s9  }
0xb: {  	s11 =	sadd.s32 $0x43400, s0;
	s20 =	sadd.s32 $0x43500, s0;
	[dreg:$0xb] =	wrdreg s10  }
0xc: {  	s25 =	ssub.s32 $0x2, s6;
	s6 =	sshll.u32 s6, $0x1;
	[dreg:$0xc] =	wrdreg s11  }
0xd: {  	s9 =	sadd.s32 $0x43200, s0;
	[dreg:$0xd] =	wrdreg s20;
	s6 =	sor.u32 s6, s8  }
0xe: {  	s26 =	sshrl.u32 s25, $0x1;
	[dreg:$0xa] =	wrdreg s9;
	s8 =	sadd.s32 s3, s6  }
0xf: {  	s29 =	sor.u32 $0x1, s6;
	s6 =	sadd.s32 s5, s6;
	[dreg:$0x5] =	wrdreg s8  }
0x10: {  	s7 =	ssub.s32 s25, s26;
	s26 =	sadd.s32 $0x43600, s0;
	[dreg:$0x6] =	wrdreg s6  }
0x11: {  	s19 =	sadd.s32 $0x22E00, s0;
	s25 =	sadd.s32 $0x23300, s0;
	[dreg:$0xe] =	wrdreg s26  }
0x12: {  	s21 =	sadd.s32 $0x22F00, s0;
	s3 =	sadd.s32 s3, s29;
	[dreg:$0x14] =	wrdreg s25  }
0x13: {  	s22 =	sadd.s32 $0x23000, s0;
	s31 =	sadd.s32 s5, s29;
	[dreg:$0x7] =	wrdreg s3  }
0x14: {  	s23 =	sadd.s32 $0x23100, s0;
	s5 =	sadd.s32 $0xD00, s0;
	[dreg:$0x8] =	wrdreg s31  }
0x15: {  	s24 =	sadd.s32 $0x23200, s0;
	s6 =	sadd.s32 $0x22D00, s0;
	[dreg:$0x12] =	wrdreg s5  }
0x16: {  	s10 =	simm.s32 $0x1280;
	s8 =	sadd.s32 $0x43100, s0;
	[dreg:$0x13] =	wrdreg s6  }
0x17: {  	s20 =	simm.s32 $0x8A80;
	s29 =	sadd.s32 $0x43700, s0;
	[dreg:$0x9] =	wrdreg s8  }
0x18: {  	s11 =	simm.s32 $0xFA80;
	s0 =	sadd.s32 $0x43800, s0;
	[dreg:$0xf] =	wrdreg s29  }
0x19: {  	v0 =	vlaneseq.u32;
	s9 =	simm.s32 $0x280;
	s26 =	simm.s32 $0x0;
	[dreg:$0x10] =	wrdreg s0  }
0x1a: {  	vm0 =	vmmov $0xff;
	v2 =	vshrl.u32 v0, $0x3;
	s31 =	smax.u32 s7, $0x1;
	s8 =	simm.s32 $0x3;
	s5 =	simm.s32 $0xA80  }
0x1b: {  	vm1 =	vmmov $0xffff;
	v1 =	vand.u32 $0x7, v0;
	v2 =	vmul.u32 $0x8, v2;
	s7 =	simm.s32 $0x3280;
	s6 =	simm.s32 $0x1;
	[dreg:$0x11] =	wrdreg s31  }
.LBB2_1:
0x1c: {  	s0 =	rddreg [dreg:$0x3];
	s3 =	simm.s32 $0x200  }
0x1d: {  	[tilespmem:s3], [sflag:$0x3] =	stream.linear.gather [hbm4b:s0+s1], $0x80, $0x38;
	[tilespmem:$0x10A80] =	vst v63  }
0x1e: {  	_ =	swait.ge [sflag:s8], $0x80  }
0x1f: {  	[sflag:s8] =	ssyncset.done $0x0  }
0x20: {  	s3 =	rddreg [dreg:$0x5];
	[sflag:s8] =	ssyncadd.s32 $0xFFFFFF80  }
0x21: {  	v3 =	vld [tilespmem:$0x200];
	[tilespmem:s1], [sflag:$0x3] =	stream.linear.gather [hbm4b:s3+s1], $0x8, $0x38  }
0x22: {  	_ =	swait.ge [sflag:s8], $0x8  }
0x23: {  	[sflag:s8] =	ssyncset.done $0x0  }
0x24: {  	s3 =	simm.s32 $0x80;
	s0 =	rddreg [dreg:$0x6];
	[sflag:s8] =	ssyncadd.s32 $0xFFFFFFF8  }
0x25: {  	[tilespmem:s3], [sflag:$0x3] =	stream.linear.gather [hbm4b:s0+s1], $0x8, $0x38;
	[tilespmem:$0x10A80] =	vst v63  }
0x26: {  	_ =	swait.ge [sflag:s8], $0x8  }
0x27: {  	[sflag:s8] =	ssyncset.done $0x0  }
0x28: {  	s3 =	simm.s32 $0x100;
	s0 =	rddreg [dreg:$0x7];
	[sflag:s8] =	ssyncadd.s32 $0xFFFFFFF8  }
0x29: {  	[tilespmem:s3], [sflag:$0x3] =	stream.linear.gather [hbm4b:s0+s1], $0x8, $0x38;
	[tilespmem:$0x10A80] =	vst v63  }
0x2a: {  	_ =	swait.ge [sflag:s8], $0x8  }
0x2b: {  	[sflag:s8] =	ssyncset.done $0x0  }
0x2c: {  	s3 =	simm.s32 $0x180;
	s0 =	rddreg [dreg:$0x8];
	[sflag:s8] =	ssyncadd.s32 $0xFFFFFFF8  }
0x2d: {  	[tilespmem:s3], [sflag:$0x3] =	stream.linear.gather [hbm4b:s0+s1], $0x8, $0x38;
	[tilespmem:$0x10A80] =	vst v63  }
0x2e: {  	_ =	swait.ge [sflag:s8], $0x8  }
0x2f: {  	[sflag:s8] =	ssyncset.done $0x0  }
0x30: {  	[sflag:s8] =	ssyncadd.s32 $0xFFFFFFF8  }
0x31: {  	v4 =	vld.msk [tilespmem:$0x0], $0xff;
	_ =	sdelay $0x4  }
0x32: {  	v5 =	vshrl.u32 v4, $0x3  }
0x33: {  	v5 =	vmul.u32 $0x88, v5  }
0x34: {  	v4 =	vand.u32 $0x7, v4  }
0x35: {  	v4 =	vor.u32 v4, v5  }
0x36: {  	v4 =	vperm.xlane v4, v1;
	_ =	sdelay $0x1  }
0x37: {  	v4 =	vadd.s32 v2, v4;
	_ =	sdelay $0x4  }
0x38: {  	[tilespmem:s9], [sflag:$0x1] =	stream.indirect_vreg.gather [hbm4b:s2+s1], $0x80, v4, vm1, $0xb8;
	[tilespmem:$0x10A80] =	vst v63  }
0x39: {  	s3 =	rddreg [dreg:$0x12]  }
0x3a: {  	[tilespmem:s5], [sflag:$0x1] =	stream.indirect_vreg.gather [hbm4b:s3+s1], $0x80, v4, vm1, $0xb8;
	[tilespmem:$0x10A80] =	vst v63  }
0x3b: {  	_ = 	snop  }
0x3c: {  	[tilespmem:s10], [sflag:$0x1] =	stream.indirect_vreg.gather [hbm4b:s12+s1], $0x80, v4, vm1, $0xb8;
	[tilespmem:$0x10A80] =	vst v63  }
0x3d: {  	_ = 	snop  }
0x3e: {  	[tilespmem:s28], [sflag:$0x1] =	stream.indirect_vreg.gather [hbm4b:s13+s1], $0x80, v4, vm1, $0xb8;
	[tilespmem:$0x10A80] =	vst v63  }
0x3f: {  	s29 =	simm.s32 $0x2280  }
0x40: {  	[tilespmem:s29], [sflag:$0x1] =	stream.indirect_vreg.gather [hbm4b:s14+s1], $0x80, v4, vm1, $0xb8;
	[tilespmem:$0x10A80] =	vst v63  }
0x41: {  	s29 =	simm.s32 $0x2A80  }
0x42: {  	[tilespmem:s29], [sflag:$0x1] =	stream.indirect_vreg.gather [hbm4b:s15+s1], $0x80, v4, vm1, $0xb8;
	[tilespmem:$0x10A80] =	vst v63  }
0x43: {  	_ = 	snop  }
0x44: {  	[tilespmem:s7], [sflag:$0x1] =	stream.indirect_vreg.gather [hbm4b:s16+s1], $0x80, v4, vm1, $0xb8;
	[tilespmem:$0x10A80] =	vst v63  }
0x45: {  	s31 =	simm.s32 $0x3A80  }
0x46: {  	[tilespmem:s31], [sflag:$0x1] =	stream.indirect_vreg.gather [hbm4b:s17+s1], $0x80, v4, vm1, $0xb8;
	[tilespmem:$0x10A80] =	vst v63  }
0x47: {  	s5 =	simm.s32 $0x4280  }
0x48: {  	[tilespmem:s5], [sflag:$0x1] =	stream.indirect_vreg.gather [hbm4b:s18+s1], $0x80, v4, vm0, $0xb8;
	[tilespmem:$0x10A80] =	vst v63  }
0x49: {  	v4 =	vld.msk [tilespmem:$0x80], $0xff;
	_ =	sdelay $0x4  }
0x4a: {  	v5 =	vshrl.u32 v4, $0x3  }
0x4b: {  	v5 =	vmul.u32 $0x88, v5  }
0x4c: {  	v4 =	vand.u32 $0x7, v4  }
0x4d: {  	v4 =	vor.u32 v4, v5  }
0x4e: {  	v4 =	vperm.xlane v4, v1;
	_ =	sdelay $0x1  }
0x4f: {  	v4 =	vadd.s32 v2, v4;
	_ =	sdelay $0x4  }
0x50: {  	[tilespmem:s30], [sflag:$0x1] =	stream.indirect_vreg.gather [hbm4b:s2+s1], $0x80, v4, vm1, $0xb8;
	[tilespmem:$0x10A80] =	vst v63  }
0x51: {  	s7 =	simm.s32 $0x4E80  }
0x52: {  	[tilespmem:s7], [sflag:$0x1] =	stream.indirect_vreg.gather [hbm4b:s3+s1], $0x80, v4, vm1, $0xb8;
	[tilespmem:$0x10A80] =	vst v63  }
0x53: {  	s10 =	simm.s32 $0x5680  }
0x54: {  	[tilespmem:s10], [sflag:$0x1] =	stream.indirect_vreg.gather [hbm4b:s12+s1], $0x80, v4, vm1, $0xb8;
	[tilespmem:$0x10A80] =	vst v63  }
0x55: {  	s29 =	simm.s32 $0x5E80  }
0x56: {  	[tilespmem:s29], [sflag:$0x1] =	stream.indirect_vreg.gather [hbm4b:s13+s1], $0x80, v4, vm1, $0xb8;
	[tilespmem:$0x10A80] =	vst v63  }
0x57: {  	s31 =	simm.s32 $0x6680  }
0x58: {  	[tilespmem:s31], [sflag:$0x1] =	stream.indirect_vreg.gather [hbm4b:s14+s1], $0x80, v4, vm1, $0xb8;
	[tilespmem:$0x10A80] =	vst v63  }
0x59: {  	s3 =	simm.s32 $0x6E80  }
0x5a: {  	[tilespmem:s3], [sflag:$0x1] =	stream.indirect_vreg.gather [hbm4b:s15+s1], $0x80, v4, vm1, $0xb8;
	[tilespmem:$0x10A80] =	vst v63  }
0x5b: {  	s5 =	simm.s32 $0x7680  }
0x5c: {  	[tilespmem:s5], [sflag:$0x1] =	stream.indirect_vreg.gather [hbm4b:s16+s1], $0x80, v4, vm1, $0xb8;
	[tilespmem:$0x10A80] =	vst v63  }
0x5d: {  	s7 =	simm.s32 $0x7E80  }
0x5e: {  	[tilespmem:s7], [sflag:$0x1] =	stream.indirect_vreg.gather [hbm4b:s17+s1], $0x80, v4, vm1, $0xb8;
	[tilespmem:$0x10A80] =	vst v63  }
0x5f: {  	s10 =	simm.s32 $0x8680  }
0x60: {  	[tilespmem:s10], [sflag:$0x1] =	stream.indirect_vreg.gather [hbm4b:s18+s1], $0x80, v4, vm0, $0xb8;
	[tilespmem:$0x10A80] =	vst v63  }
0x61: {  	v4 =	vld.msk [tilespmem:$0x0], $0xff;
	_ =	sdelay $0x4  }
0x62: {  	v5 =	vshll.u32 v4, $0x4  }
0x63: {  	v4 =	vand.u32 $0x7, v4;
	v5 =	vand.u32 $0xFFFFFF80, v5  }
0x64: {  	v4 =	vor.u32 v4, v5  }
0x65: {  	v4 =	vperm.xlane v4, v1;
	_ =	sdelay $0x1  }
0x66: {  	v4 =	vadd.s32 v2, v4;
	_ =	sdelay $0x4  }
0x67: {  	[tilespmem:s20], [sflag:$0x1] =	stream.indirect_vreg.gather [hbm4b:s4+s1], $0x80, v4, vm1, $0xb8;
	[tilespmem:$0x10A80] =	vst v63  }
0x68: {  	s3 =	rddreg [dreg:$0x13];
	s20 =	simm.s32 $0x9280  }
0x69: {  	[tilespmem:s20], [sflag:$0x1] =	stream.indirect_vreg.gather [hbm4b:s3+s1], $0x80, v4, vm1, $0xb8;
	[tilespmem:$0x10A80] =	vst v63  }
0x6a: {  	s29 =	simm.s32 $0x9A80  }
0x6b: {  	[tilespmem:s29], [sflag:$0x1] =	stream.indirect_vreg.gather [hbm4b:s19+s1], $0x80, v4, vm1, $0xb8;
	[tilespmem:$0x10A80] =	vst v63  }
0x6c: {  	s31 =	simm.s32 $0xA280  }
0x6d: {  	[tilespmem:s31], [sflag:$0x1] =	stream.indirect_vreg.gather [hbm4b:s21+s1], $0x80, v4, vm1, $0xb8;
	[tilespmem:$0x10A80] =	vst v63  }
0x6e: {  	s5 =	simm.s32 $0xAA80  }
0x6f: {  	[tilespmem:s5], [sflag:$0x1] =	stream.indirect_vreg.gather [hbm4b:s22+s1], $0x80, v4, vm1, $0xb8;
	[tilespmem:$0x10A80] =	vst v63  }
0x70: {  	s7 =	simm.s32 $0xB280  }
0x71: {  	[tilespmem:s7], [sflag:$0x1] =	stream.indirect_vreg.gather [hbm4b:s23+s1], $0x80, v4, vm1, $0xb8;
	[tilespmem:$0x10A80] =	vst v63  }
0x72: {  	s10 =	simm.s32 $0xBA80  }
0x73: {  	[tilespmem:s10], [sflag:$0x1] =	stream.indirect_vreg.gather [hbm4b:s24+s1], $0x80, v4, vm1, $0xb8;
	[tilespmem:$0x10A80] =	vst v63  }
0x74: {  	s20 =	simm.s32 $0xC280  }
0x75: {  	[tilespmem:s20], [sflag:$0x1] =	stream.indirect_vreg.gather [hbm4b:s25+s1], $0x80, v4, vm1, $0xb8;
	[tilespmem:$0x10A80] =	vst v63  }
0x76: {  	v4 =	vld.msk [tilespmem:$0x80], $0xff;
	_ =	sdelay $0x4  }
0x77: {  	v5 =	vshll.u32 v4, $0x4  }
0x78: {  	v4 =	vand.u32 $0x7, v4;
	v5 =	vand.u32 $0xFFFFFF80, v5  }
0x79: {  	v4 =	vor.u32 v4, v5  }
0x7a: {  	v4 =	vperm.xlane v4, v1;
	_ =	sdelay $0x1  }
0x7b: {  	v4 =	vadd.s32 v2, v4;
	_ =	sdelay $0x3  }
0x7c: {  	s29 =	simm.s32 $0xCA80  }
0x7d: {  	[tilespmem:s29], [sflag:$0x1] =	stream.indirect_vreg.gather [hbm4b:s4+s1], $0x80, v4, vm1, $0xb8;
	[tilespmem:$0x10A80] =	vst v63  }
0x7e: {  	s31 =	simm.s32 $0xD280  }
0x7f: {  	[tilespmem:s31], [sflag:$0x1] =	stream.indirect_vreg.gather [hbm4b:s3+s1], $0x80, v4, vm1, $0xb8;
	[tilespmem:$0x10A80] =	vst v63  }
0x80: {  	s3 =	simm.s32 $0xDA80  }
0x81: {  	[tilespmem:s3], [sflag:$0x1] =	stream.indirect_vreg.gather [hbm4b:s19+s1], $0x80, v4, vm1, $0xb8;
	[tilespmem:$0x10A80] =	vst v63  }
0x82: {  	s5 =	simm.s32 $0xE280  }
0x83: {  	[tilespmem:s5], [sflag:$0x1] =	stream.indirect_vreg.gather [hbm4b:s21+s1], $0x80, v4, vm1, $0xb8;
	[tilespmem:$0x10A80] =	vst v63  }
0x84: {  	s7 =	simm.s32 $0xEA80  }
0x85: {  	[tilespmem:s7], [sflag:$0x1] =	stream.indirect_vreg.gather [hbm4b:s22+s1], $0x80, v4, vm1, $0xb8;
	[tilespmem:$0x10A80] =	vst v63  }
0x86: {  	s10 =	simm.s32 $0xF280  }
0x87: {  	[tilespmem:s10], [sflag:$0x1] =	stream.indirect_vreg.gather [hbm4b:s23+s1], $0x80, v4, vm1, $0xb8;
	[tilespmem:$0x10A80] =	vst v63  }
0x88: {  	_ = 	snop  }
0x89: {  	[tilespmem:s11], [sflag:$0x1] =	stream.indirect_vreg.gather [hbm4b:s24+s1], $0x80, v4, vm1, $0xb8;
	[tilespmem:$0x10A80] =	vst v63  }
0x8a: {  	s20 =	simm.s32 $0x10280  }
0x8b: {  	[tilespmem:s20], [sflag:$0x1] =	stream.indirect_vreg.gather [hbm4b:s25+s1], $0x80, v4, vm1, $0xb8;
	[tilespmem:$0x10A80] =	vst v63  }
0x8c: {  	_ =	swait.ge [sflag:s6], $0x4400  }
0x8d: {  	[sflag:s6] =	ssyncset.done $0x0  }
0x8e: {  	[sflag:s6] =	ssyncadd.s32 $0xFFFFBC00  }
0x8f: {  	_ =	swait.ge [sflag:s6], $0x4400  }
0x90: {  	[sflag:s6] =	ssyncset.done $0x0  }
0x91: {  	[sflag:s6] =	ssyncadd.s32 $0xFFFFBC00  }
0x92: {  	_ =	swait.ge [sflag:s6], $0x4000  }
0x93: {  	[sflag:s6] =	ssyncset.done $0x0  }
0x94: {  	[sflag:s6] =	ssyncadd.s32 $0xFFFFC000  }
0x95: {  	_ =	swait.ge [sflag:s6], $0x4000  }
0x96: {  	[sflag:s6] =	ssyncset.done $0x0  }
0x97: {  	[sflag:s6] =	ssyncadd.s32 $0xFFFFC000  }
0x98: {  	v4 =	vld [tilespmem:$0x8680];
	_ =	sdelay $0x3  }
0x99: {  	s29 =	sand.u32 $0x70, s1;
	s31 =	sand.u32 $0x3C00, s1  }
0x9a: {  	s0 =	sor.u32 s29, s31;
	[tilespmem:$0x4280] =	vst v4  }
0x9b: {  	v4 =	vld [tilespmem:s0+$0xCA80];
	_ =	sdelay $0x4  }
0x9c: {  	v6 =	vld [tilespmem:s0+$0x8A80];
	v5 =	vshll.u32 v4, $0x3  }
0x9d: {  	v4 =	vand.u32 $0x7F, v4;
	v5 =	vand.u32 $0x3C00, v5  }
0x9e: {  	v4 =	vor.u32 v4, v5;
	_ =	sdelay $0x2  }
0x9f: {  	v7 =	vor.u32 s1, v0;
	v5 =	vshll.u32 v6, $0x3  }
0xa0: {  	vm2 =	vlt.s32 v7, v3;
	v6 =	vand.u32 $0x7F, v6;
	v5 =	vand.u32 $0x3C00, v5  }
0xa1: {  	v5 =	vor.u32 v6, v5;
	v4 =	vld.idx.msk [tilespmem:v4+s30+$0x0], $0xffff;
	_ =	sdelay $0x2  }
0xa2: {  	s3 =	simm.s32 $0x80;
	s0 =	simm.s32 $0x10  }
0xa3: {  	s5 =	sand.u32 $0x3C00, s3;
	s10 =	simm.s32 $0x20;
	s28 =	sand.u32 $0x70, s0  }
.LBB2_2:
0xa4: {  	p0 =	sne.s32 s10, $0x7F0;
	s5 =	sor.u32 s28, s5;
	[tilespmem:v5+s9+$0x0] =	vst.idx.msk vm2, v4  }
0xa5: {  	v4 =	vld [tilespmem:s5+$0xCA80];
	_ =	sdelay $0x4  }
0xa6: {  	v5 =	vshll.u32 v4, $0x3  }
0xa7: {  	v4 =	vand.u32 $0x7F, v4;
	v6 =	vld [tilespmem:s5+$0x8A80];
	v5 =	vand.u32 $0x3C00, v5  }
0xa8: {  	v4 =	vor.u32 v4, v5;
	_ =	sdelay $0x3  }
0xa9: {  	v5 =	vor.u32 s0, v0;
	s0 =	smov.u32 s10;
	v7 =	vshll.u32 v6, $0x3  }
0xaa: {  	vm2 =	vlt.s32 v5, v3;
	v5 =	vand.u32 $0x7F, v6;
	v4 =	vld.idx.msk [tilespmem:v4+s30+$0x0], $0xffff;
	v6 =	vand.u32 $0x3C00, v7  }
.Ltmp0:
0xab: {  	v5 =	vor.u32 v5, v6;
	(pc) =	sbr.rel @p0 .LBB2_2-.Ltmp0, $3  }
0xac: {  	_ =	sdelay $0x1  }
0xad: {  	s3 =	sadd.s32 $0x80, s3  }
0xae: {  	s5 =	sand.u32 $0x3C00, s3;
	s10 =	sadd.s32 $0x10, s10;
	s28 =	sand.u32 $0x70, s0  }
0xaf: {  	_ =	sdelay $0x4  }
0xb0: {  	s3 =	sor.u32 s28, s5;
	[tilespmem:v5+s9+$0x0] =	vst.idx.msk vm2, v4  }
0xb1: {  	v4 =	vld [tilespmem:s3+$0xCA80];
	_ =	sdelay $0x4  }
0xb2: {  	v6 =	vld [tilespmem:s3+$0x8A80];
	v5 =	vshll.u32 v4, $0x3  }
0xb3: {  	v4 =	vand.u32 $0x7F, v4;
	v5 =	vand.u32 $0x3C00, v5  }
0xb4: {  	v4 =	vor.u32 v4, v5;
	_ =	sdelay $0x2  }
0xb5: {  	v7 =	vshll.u32 v6, $0x3;
	v5 =	vor.u32 s0, v0  }
0xb6: {  	vm2 =	vlt.s32 v5, v3;
	v5 =	vand.u32 $0x7F, v6;
	v6 =	vand.u32 $0x3C00, v7  }
0xb7: {  	v5 =	vor.u32 v5, v6;
	v4 =	vld.idx.msk [tilespmem:v4+s30+$0x0], $0xffff;
	_ =	sdelay $0x4  }
0xb8: {  	[tilespmem:v5+s9+$0x0] =	vst.idx.msk vm2, v4  }
0xb9: {  	v4 =	vld [tilespmem:$0x8700];
	_ =	sdelay $0x2  }
0xba: {  	s25 =	simm.s32 $0x0  }
0xbb: {  	s29 =	sand.u32 $0x70, s25;
	s31 =	sand.u32 $0x3C00, s25  }
0xbc: {  	s0 =	sor.u32 s31, s29;
	[tilespmem:$0x4300] =	vst v4  }
0xbd: {  	v4 =	vld [tilespmem:s0+$0xCB00];
	_ =	sdelay $0x4  }
0xbe: {  	v6 =	vld [tilespmem:s0+$0x8B00];
	v5 =	vshll.u32 v4, $0x3  }
0xbf: {  	v4 =	vand.u32 $0x7F, v4;
	v5 =	vand.u32 $0x3C00, v5  }
0xc0: {  	v4 =	vor.u32 v5, v4  }
0xc1: {  	v4 =	vor.u32 $0x80, v4;
	_ =	sdelay $0x1  }
0xc2: {  	v5 =	vshll.u32 v6, $0x3  }
0xc3: {  	v7 =	vor.u32 s25, v0;
	v6 =	vand.u32 $0x7F, v6;
	v5 =	vand.u32 $0x3C00, v5  }
0xc4: {  	vm2 =	vlt.s32 v7, v3;
	v5 =	vor.u32 v5, v6  }
0xc5: {  	v5 =	vor.u32 $0x80, v5;
	v4 =	vld.idx.msk [tilespmem:v4+s30+$0x0], $0xffff;
	_ =	sdelay $0x2  }
0xc6: {  	s3 =	simm.s32 $0x80;
	s0 =	simm.s32 $0x10  }
0xc7: {  	s10 =	simm.s32 $0x20;
	s5 =	sand.u32 $0x3C00, s3;
	s28 =	sand.u32 $0x70, s0  }
.LBB2_4:
0xc8: {  	p0 =	sne.s32 s10, $0x7F0;
	s5 =	sor.u32 s5, s28;
	[tilespmem:v5+s9+$0x0] =	vst.idx.msk vm2, v4  }
0xc9: {  	v4 =	vld [tilespmem:s5+$0xCB00];
	_ =	sdelay $0x4  }
0xca: {  	v5 =	vshll.u32 v4, $0x3  }
0xcb: {  	v4 =	vand.u32 $0x7F, v4;
	v6 =	vld [tilespmem:s5+$0x8B00];
	v5 =	vand.u32 $0x3C00, v5  }
0xcc: {  	v4 =	vor.u32 v5, v4  }
0xcd: {  	v4 =	vor.u32 $0x80, v4;
	_ =	sdelay $0x2  }
0xce: {  	v5 =	vshll.u32 v6, $0x3  }
0xcf: {  	v7 =	vor.u32 s0, v0;
	s0 =	smov.u32 s10;
	v6 =	vand.u32 $0x7F, v6;
	v5 =	vand.u32 $0x3C00, v5  }
0xd0: {  	vm2 =	vlt.s32 v7, v3;
	v4 =	vld.idx.msk [tilespmem:v4+s30+$0x0], $0xffff;
	v5 =	vor.u32 v5, v6  }
.Ltmp1:
0xd1: {  	v5 =	vor.u32 $0x80, v5;
	(pc) =	sbr.rel @p0 .LBB2_4-.Ltmp1, $3  }
0xd2: {  	_ =	sdelay $0x1  }
0xd3: {  	s3 =	sadd.s32 $0x80, s3  }
0xd4: {  	s10 =	sadd.s32 $0x10, s10;
	s28 =	sand.u32 $0x70, s0;
	s5 =	sand.u32 $0x3C00, s3  }
0xd5: {  	_ =	sdelay $0x4  }
0xd6: {  	s3 =	sor.u32 s5, s28;
	[tilespmem:v5+s9+$0x0] =	vst.idx.msk vm2, v4  }
0xd7: {  	v4 =	vld [tilespmem:s3+$0xCB00];
	_ =	sdelay $0x4  }
0xd8: {  	v6 =	vld [tilespmem:s3+$0x8B00];
	v5 =	vshll.u32 v4, $0x3  }
0xd9: {  	v4 =	vand.u32 $0x7F, v4;
	v5 =	vand.u32 $0x3C00, v5  }
0xda: {  	v4 =	vor.u32 v5, v4  }
0xdb: {  	v4 =	vor.u32 $0x80, v4;
	_ =	sdelay $0x1  }
0xdc: {  	v5 =	vshll.u32 v6, $0x3  }
0xdd: {  	v7 =	vor.u32 s0, v0;
	v6 =	vand.u32 $0x7F, v6;
	v5 =	vand.u32 $0x3C00, v5  }
0xde: {  	vm2 =	vlt.s32 v7, v3;
	v5 =	vor.u32 v5, v6  }
0xdf: {  	v5 =	vor.u32 $0x80, v5;
	v4 =	vld.idx.msk [tilespmem:v4+s30+$0x0], $0xffff;
	_ =	sdelay $0x4  }
0xe0: {  	[tilespmem:v5+s9+$0x0] =	vst.idx.msk vm2, v4  }
0xe1: {  	v4 =	vld [tilespmem:$0x8780];
	_ =	sdelay $0x2  }
0xe2: {  	s25 =	simm.s32 $0x0  }
0xe3: {  	s29 =	sand.u32 $0x70, s25;
	s31 =	sand.u32 $0x3C00, s25  }
0xe4: {  	s0 =	sor.u32 s31, s29;
	[tilespmem:$0x4380] =	vst v4  }
0xe5: {  	v4 =	vld [tilespmem:s0+$0xCB80];
	_ =	sdelay $0x4  }
0xe6: {  	v6 =	vld [tilespmem:s0+$0x8B80];
	v5 =	vshll.u32 v4, $0x3  }
0xe7: {  	v4 =	vand.u32 $0x7F, v4;
	v5 =	vand.u32 $0x3C00, v5  }
0xe8: {  	v4 =	vor.u32 v5, v4  }
0xe9: {  	v4 =	vor.u32 $0x100, v4;
	_ =	sdelay $0x1  }
0xea: {  	v5 =	vshll.u32 v6, $0x3  }
0xeb: {  	v7 =	vor.u32 s25, v0;
	v6 =	vand.u32 $0x7F, v6;
	v5 =	vand.u32 $0x3C00, v5  }
0xec: {  	vm2 =	vlt.s32 v7, v3;
	v5 =	vor.u32 v5, v6  }
0xed: {  	v5 =	vor.u32 $0x100, v5;
	v4 =	vld.idx.msk [tilespmem:v4+s30+$0x0], $0xffff;
	_ =	sdelay $0x2  }
0xee: {  	s3 =	simm.s32 $0x80;
	s0 =	simm.s32 $0x10  }
0xef: {  	s10 =	simm.s32 $0x20;
	s5 =	sand.u32 $0x3C00, s3;
	s28 =	sand.u32 $0x70, s0  }
.LBB2_6:
0xf0: {  	p0 =	sne.s32 s10, $0x7F0;
	s5 =	sor.u32 s5, s28;
	[tilespmem:v5+s9+$0x0] =	vst.idx.msk vm2, v4  }
0xf1: {  	v4 =	vld [tilespmem:s5+$0xCB80];
	_ =	sdelay $0x4  }
0xf2: {  	v5 =	vshll.u32 v4, $0x3  }
0xf3: {  	v4 =	vand.u32 $0x7F, v4;
	v6 =	vld [tilespmem:s5+$0x8B80];
	v5 =	vand.u32 $0x3C00, v5  }
0xf4: {  	v4 =	vor.u32 v5, v4  }
0xf5: {  	v4 =	vor.u32 $0x100, v4;
	_ =	sdelay $0x2  }
0xf6: {  	v5 =	vshll.u32 v6, $0x3  }
0xf7: {  	v7 =	vor.u32 s0, v0;
	s0 =	smov.u32 s10;
	v6 =	vand.u32 $0x7F, v6;
	v5 =	vand.u32 $0x3C00, v5  }
0xf8: {  	vm2 =	vlt.s32 v7, v3;
	v4 =	vld.idx.msk [tilespmem:v4+s30+$0x0], $0xffff;
	v5 =	vor.u32 v5, v6  }
.Ltmp2:
0xf9: {  	v5 =	vor.u32 $0x100, v5;
	(pc) =	sbr.rel @p0 .LBB2_6-.Ltmp2, $3  }
0xfa: {  	_ =	sdelay $0x1  }
0xfb: {  	s3 =	sadd.s32 $0x80, s3  }
0xfc: {  	s10 =	sadd.s32 $0x10, s10;
	s28 =	sand.u32 $0x70, s0;
	s5 =	sand.u32 $0x3C00, s3  }
0xfd: {  	_ =	sdelay $0x4  }
0xfe: {  	s3 =	sor.u32 s5, s28;
	[tilespmem:v5+s9+$0x0] =	vst.idx.msk vm2, v4  }
0xff: {  	v4 =	vld [tilespmem:s3+$0xCB80];
	_ =	sdelay $0x4  }
0x100: {  	v6 =	vld [tilespmem:s3+$0x8B80];
	v5 =	vshll.u32 v4, $0x3  }
0x101: {  	v4 =	vand.u32 $0x7F, v4;
	v5 =	vand.u32 $0x3C00, v5  }
0x102: {  	v4 =	vor.u32 v5, v4  }
0x103: {  	v4 =	vor.u32 $0x100, v4;
	_ =	sdelay $0x1  }
0x104: {  	v5 =	vshll.u32 v6, $0x3  }
0x105: {  	v7 =	vor.u32 s0, v0;
	v6 =	vand.u32 $0x7F, v6;
	v5 =	vand.u32 $0x3C00, v5  }
0x106: {  	vm2 =	vlt.s32 v7, v3;
	v5 =	vor.u32 v5, v6  }
0x107: {  	v5 =	vor.u32 $0x100, v5;
	v4 =	vld.idx.msk [tilespmem:v4+s30+$0x0], $0xffff;
	_ =	sdelay $0x4  }
0x108: {  	[tilespmem:v5+s9+$0x0] =	vst.idx.msk vm2, v4  }
0x109: {  	v4 =	vld [tilespmem:$0x8800];
	_ =	sdelay $0x2  }
0x10a: {  	s25 =	smov.u32 s24;
	s24 =	simm.s32 $0x0  }
0x10b: {  	s29 =	sand.u32 $0x70, s24;
	s31 =	sand.u32 $0x3C00, s24  }
0x10c: {  	s0 =	sor.u32 s31, s29;
	[tilespmem:$0x4400] =	vst v4  }
0x10d: {  	v4 =	vld [tilespmem:s0+$0xCC00];
	_ =	sdelay $0x4  }
0x10e: {  	v6 =	vld [tilespmem:s0+$0x8C00];
	v5 =	vshll.u32 v4, $0x3  }
0x10f: {  	v4 =	vand.u32 $0x7F, v4;
	v5 =	vand.u32 $0x3C00, v5  }
0x110: {  	v4 =	vor.u32 v5, v4  }
0x111: {  	v4 =	vor.u32 $0x180, v4;
	_ =	sdelay $0x1  }
0x112: {  	v5 =	vshll.u32 v6, $0x3  }
0x113: {  	v7 =	vor.u32 s24, v0;
	v6 =	vand.u32 $0x7F, v6;
	v5 =	vand.u32 $0x3C00, v5  }
0x114: {  	vm2 =	vlt.s32 v7, v3;
	v5 =	vor.u32 v5, v6  }
0x115: {  	v5 =	vor.u32 $0x180, v5;
	v4 =	vld.idx.msk [tilespmem:v4+s30+$0x0], $0xffff;
	_ =	sdelay $0x2  }
0x116: {  	s3 =	simm.s32 $0x80;
	s0 =	simm.s32 $0x10  }
0x117: {  	s10 =	simm.s32 $0x20;
	s5 =	sand.u32 $0x3C00, s3;
	s28 =	sand.u32 $0x70, s0  }
.LBB2_8:
0x118: {  	p0 =	sne.s32 s10, $0x7F0;
	s5 =	sor.u32 s5, s28;
	[tilespmem:v5+s9+$0x0] =	vst.idx.msk vm2, v4  }
0x119: {  	v4 =	vld [tilespmem:s5+$0xCC00];
	_ =	sdelay $0x4  }
0x11a: {  	v5 =	vshll.u32 v4, $0x3  }
0x11b: {  	v4 =	vand.u32 $0x7F, v4;
	v6 =	vld [tilespmem:s5+$0x8C00];
	v5 =	vand.u32 $0x3C00, v5  }
0x11c: {  	v4 =	vor.u32 v5, v4  }
0x11d: {  	v4 =	vor.u32 $0x180, v4;
	_ =	sdelay $0x2  }
0x11e: {  	v5 =	vshll.u32 v6, $0x3  }
0x11f: {  	v7 =	vor.u32 s0, v0;
	s0 =	smov.u32 s10;
	v6 =	vand.u32 $0x7F, v6;
	v5 =	vand.u32 $0x3C00, v5  }
0x120: {  	vm2 =	vlt.s32 v7, v3;
	v4 =	vld.idx.msk [tilespmem:v4+s30+$0x0], $0xffff;
	v5 =	vor.u32 v5, v6  }
.Ltmp3:
0x121: {  	v5 =	vor.u32 $0x180, v5;
	(pc) =	sbr.rel @p0 .LBB2_8-.Ltmp3, $3  }
0x122: {  	_ =	sdelay $0x1  }
0x123: {  	s3 =	sadd.s32 $0x80, s3  }
0x124: {  	s10 =	sadd.s32 $0x10, s10;
	s28 =	sand.u32 $0x70, s0;
	s5 =	sand.u32 $0x3C00, s3  }
0x125: {  	_ =	sdelay $0x4  }
0x126: {  	s3 =	sor.u32 s5, s28;
	[tilespmem:v5+s9+$0x0] =	vst.idx.msk vm2, v4  }
0x127: {  	v4 =	vld [tilespmem:s3+$0xCC00];
	_ =	sdelay $0x4  }
0x128: {  	v6 =	vld [tilespmem:s3+$0x8C00];
	v5 =	vshll.u32 v4, $0x3  }
0x129: {  	v4 =	vand.u32 $0x7F, v4;
	v5 =	vand.u32 $0x3C00, v5  }
0x12a: {  	v4 =	vor.u32 v5, v4  }
0x12b: {  	v4 =	vor.u32 $0x180, v4;
	_ =	sdelay $0x1  }
0x12c: {  	v5 =	vshll.u32 v6, $0x3  }
0x12d: {  	v7 =	vor.u32 s0, v0;
	v6 =	vand.u32 $0x7F, v6;
	v5 =	vand.u32 $0x3C00, v5  }
0x12e: {  	vm2 =	vlt.s32 v7, v3;
	v5 =	vor.u32 v5, v6  }
0x12f: {  	v5 =	vor.u32 $0x180, v5;
	v4 =	vld.idx.msk [tilespmem:v4+s30+$0x0], $0xffff;
	_ =	sdelay $0x4  }
0x130: {  	[tilespmem:v5+s9+$0x0] =	vst.idx.msk vm2, v4  }
0x131: {  	v4 =	vld [tilespmem:$0x8880];
	_ =	sdelay $0x2  }
0x132: {  	s24 =	smov.u32 s23;
	s23 =	simm.s32 $0x0  }
0x133: {  	s29 =	sand.u32 $0x70, s23;
	s31 =	sand.u32 $0x3C00, s23  }
0x134: {  	s0 =	sor.u32 s31, s29;
	[tilespmem:$0x4480] =	vst v4  }
0x135: {  	v4 =	vld [tilespmem:s0+$0xCC80];
	_ =	sdelay $0x4  }
0x136: {  	v6 =	vld [tilespmem:s0+$0x8C80];
	v5 =	vshll.u32 v4, $0x3  }
0x137: {  	v4 =	vand.u32 $0x7F, v4;
	v5 =	vand.u32 $0x3C00, v5  }
0x138: {  	v4 =	vor.u32 v5, v4  }
0x139: {  	v4 =	vor.u32 $0x200, v4;
	_ =	sdelay $0x1  }
0x13a: {  	v5 =	vshll.u32 v6, $0x3  }
0x13b: {  	v7 =	vor.u32 s23, v0;
	v6 =	vand.u32 $0x7F, v6;
	v5 =	vand.u32 $0x3C00, v5  }
0x13c: {  	vm2 =	vlt.s32 v7, v3;
	v5 =	vor.u32 v5, v6  }
0x13d: {  	v5 =	vor.u32 $0x200, v5;
	v4 =	vld.idx.msk [tilespmem:v4+s30+$0x0], $0xffff;
	_ =	sdelay $0x2  }
0x13e: {  	s3 =	simm.s32 $0x80;
	s0 =	simm.s32 $0x10  }
0x13f: {  	s10 =	simm.s32 $0x20;
	s5 =	sand.u32 $0x3C00, s3;
	s28 =	sand.u32 $0x70, s0  }
.LBB2_10:
0x140: {  	p0 =	sne.s32 s10, $0x7F0;
	s5 =	sor.u32 s5, s28;
	[tilespmem:v5+s9+$0x0] =	vst.idx.msk vm2, v4  }
0x141: {  	v4 =	vld [tilespmem:s5+$0xCC80];
	_ =	sdelay $0x4  }
0x142: {  	v5 =	vshll.u32 v4, $0x3  }
0x143: {  	v4 =	vand.u32 $0x7F, v4;
	v6 =	vld [tilespmem:s5+$0x8C80];
	v5 =	vand.u32 $0x3C00, v5  }
0x144: {  	v4 =	vor.u32 v5, v4  }
0x145: {  	v4 =	vor.u32 $0x200, v4;
	_ =	sdelay $0x2  }
0x146: {  	v5 =	vshll.u32 v6, $0x3  }
0x147: {  	v7 =	vor.u32 s0, v0;
	s0 =	smov.u32 s10;
	v6 =	vand.u32 $0x7F, v6;
	v5 =	vand.u32 $0x3C00, v5  }
0x148: {  	vm2 =	vlt.s32 v7, v3;
	v4 =	vld.idx.msk [tilespmem:v4+s30+$0x0], $0xffff;
	v5 =	vor.u32 v5, v6  }
.Ltmp4:
0x149: {  	v5 =	vor.u32 $0x200, v5;
	(pc) =	sbr.rel @p0 .LBB2_10-.Ltmp4, $3  }
0x14a: {  	_ =	sdelay $0x1  }
0x14b: {  	s3 =	sadd.s32 $0x80, s3  }
0x14c: {  	s10 =	sadd.s32 $0x10, s10;
	s28 =	sand.u32 $0x70, s0;
	s5 =	sand.u32 $0x3C00, s3  }
0x14d: {  	_ =	sdelay $0x4  }
0x14e: {  	s3 =	sor.u32 s5, s28;
	[tilespmem:v5+s9+$0x0] =	vst.idx.msk vm2, v4  }
0x14f: {  	v4 =	vld [tilespmem:s3+$0xCC80];
	_ =	sdelay $0x4  }
0x150: {  	v6 =	vld [tilespmem:s3+$0x8C80];
	v5 =	vshll.u32 v4, $0x3  }
0x151: {  	v4 =	vand.u32 $0x7F, v4;
	v5 =	vand.u32 $0x3C00, v5  }
0x152: {  	v4 =	vor.u32 v5, v4  }
0x153: {  	v4 =	vor.u32 $0x200, v4;
	_ =	sdelay $0x1  }
0x154: {  	v5 =	vshll.u32 v6, $0x3  }
0x155: {  	v7 =	vor.u32 s0, v0;
	v6 =	vand.u32 $0x7F, v6;
	v5 =	vand.u32 $0x3C00, v5  }
0x156: {  	vm2 =	vlt.s32 v7, v3;
	v5 =	vor.u32 v5, v6  }
0x157: {  	v5 =	vor.u32 $0x200, v5;
	v4 =	vld.idx.msk [tilespmem:v4+s30+$0x0], $0xffff;
	_ =	sdelay $0x4  }
0x158: {  	[tilespmem:v5+s9+$0x0] =	vst.idx.msk vm2, v4  }
0x159: {  	v4 =	vld [tilespmem:$0x8900];
	_ =	sdelay $0x2  }
0x15a: {  	s23 =	smov.u32 s22;
	s22 =	simm.s32 $0x0  }
0x15b: {  	s29 =	sand.u32 $0x70, s22;
	s31 =	sand.u32 $0x3C00, s22  }
0x15c: {  	s0 =	sor.u32 s31, s29;
	[tilespmem:$0x4500] =	vst v4  }
0x15d: {  	v4 =	vld [tilespmem:s0+$0xCD00];
	_ =	sdelay $0x4  }
0x15e: {  	v6 =	vld [tilespmem:s0+$0x8D00];
	v5 =	vshll.u32 v4, $0x3  }
0x15f: {  	v4 =	vand.u32 $0x7F, v4;
	v5 =	vand.u32 $0x3C00, v5  }
0x160: {  	v4 =	vor.u32 v5, v4  }
0x161: {  	v4 =	vor.u32 $0x280, v4;
	_ =	sdelay $0x1  }
0x162: {  	v5 =	vshll.u32 v6, $0x3  }
0x163: {  	v7 =	vor.u32 s22, v0;
	v6 =	vand.u32 $0x7F, v6;
	v5 =	vand.u32 $0x3C00, v5  }
0x164: {  	vm2 =	vlt.s32 v7, v3;
	v5 =	vor.u32 v5, v6  }
0x165: {  	v5 =	vor.u32 $0x280, v5;
	v4 =	vld.idx.msk [tilespmem:v4+s30+$0x0], $0xffff;
	_ =	sdelay $0x2  }
0x166: {  	s3 =	simm.s32 $0x80;
	s0 =	simm.s32 $0x10  }
0x167: {  	s10 =	simm.s32 $0x20;
	s5 =	sand.u32 $0x3C00, s3;
	s28 =	sand.u32 $0x70, s0  }
.LBB2_12:
0x168: {  	p0 =	sne.s32 s10, $0x7F0;
	s5 =	sor.u32 s5, s28;
	[tilespmem:v5+s9+$0x0] =	vst.idx.msk vm2, v4  }
0x169: {  	v4 =	vld [tilespmem:s5+$0xCD00];
	_ =	sdelay $0x4  }
0x16a: {  	v5 =	vshll.u32 v4, $0x3  }
0x16b: {  	v4 =	vand.u32 $0x7F, v4;
	v6 =	vld [tilespmem:s5+$0x8D00];
	v5 =	vand.u32 $0x3C00, v5  }
0x16c: {  	v4 =	vor.u32 v5, v4  }
0x16d: {  	v4 =	vor.u32 $0x280, v4;
	_ =	sdelay $0x2  }
0x16e: {  	v5 =	vshll.u32 v6, $0x3  }
0x16f: {  	v7 =	vor.u32 s0, v0;
	s0 =	smov.u32 s10;
	v6 =	vand.u32 $0x7F, v6;
	v5 =	vand.u32 $0x3C00, v5  }
0x170: {  	vm2 =	vlt.s32 v7, v3;
	v4 =	vld.idx.msk [tilespmem:v4+s30+$0x0], $0xffff;
	v5 =	vor.u32 v5, v6  }
.Ltmp5:
0x171: {  	v5 =	vor.u32 $0x280, v5;
	(pc) =	sbr.rel @p0 .LBB2_12-.Ltmp5, $3  }
0x172: {  	_ =	sdelay $0x1  }
0x173: {  	s3 =	sadd.s32 $0x80, s3  }
0x174: {  	s10 =	sadd.s32 $0x10, s10;
	s28 =	sand.u32 $0x70, s0;
	s5 =	sand.u32 $0x3C00, s3  }
0x175: {  	_ =	sdelay $0x4  }
0x176: {  	s3 =	sor.u32 s5, s28;
	[tilespmem:v5+s9+$0x0] =	vst.idx.msk vm2, v4  }
0x177: {  	v4 =	vld [tilespmem:s3+$0xCD00];
	_ =	sdelay $0x4  }
0x178: {  	v6 =	vld [tilespmem:s3+$0x8D00];
	v5 =	vshll.u32 v4, $0x3  }
0x179: {  	v4 =	vand.u32 $0x7F, v4;
	v5 =	vand.u32 $0x3C00, v5  }
0x17a: {  	v4 =	vor.u32 v5, v4  }
0x17b: {  	v4 =	vor.u32 $0x280, v4;
	_ =	sdelay $0x1  }
0x17c: {  	v5 =	vshll.u32 v6, $0x3  }
0x17d: {  	v7 =	vor.u32 s0, v0;
	v6 =	vand.u32 $0x7F, v6;
	v5 =	vand.u32 $0x3C00, v5  }
0x17e: {  	vm2 =	vlt.s32 v7, v3;
	v5 =	vor.u32 v5, v6  }
0x17f: {  	v5 =	vor.u32 $0x280, v5;
	v4 =	vld.idx.msk [tilespmem:v4+s30+$0x0], $0xffff;
	_ =	sdelay $0x4  }
0x180: {  	[tilespmem:v5+s9+$0x0] =	vst.idx.msk vm2, v4  }
0x181: {  	v4 =	vld [tilespmem:$0x8980];
	_ =	sdelay $0x2  }
0x182: {  	s22 =	smov.u32 s21;
	s21 =	simm.s32 $0x0  }
0x183: {  	s29 =	sand.u32 $0x70, s21;
	s31 =	sand.u32 $0x3C00, s21  }
0x184: {  	s0 =	sor.u32 s31, s29;
	[tilespmem:$0x4580] =	vst v4  }
0x185: {  	v4 =	vld [tilespmem:s0+$0xCD80];
	_ =	sdelay $0x4  }
0x186: {  	v6 =	vld [tilespmem:s0+$0x8D80];
	v5 =	vshll.u32 v4, $0x3  }
0x187: {  	v4 =	vand.u32 $0x7F, v4;
	v5 =	vand.u32 $0x3C00, v5  }
0x188: {  	v4 =	vor.u32 v5, v4  }
0x189: {  	v4 =	vor.u32 $0x300, v4;
	_ =	sdelay $0x1  }
0x18a: {  	v5 =	vshll.u32 v6, $0x3  }
0x18b: {  	v7 =	vor.u32 s21, v0;
	v6 =	vand.u32 $0x7F, v6;
	v5 =	vand.u32 $0x3C00, v5  }
0x18c: {  	vm2 =	vlt.s32 v7, v3;
	v5 =	vor.u32 v5, v6  }
0x18d: {  	v5 =	vor.u32 $0x300, v5;
	v4 =	vld.idx.msk [tilespmem:v4+s30+$0x0], $0xffff;
	_ =	sdelay $0x2  }
0x18e: {  	s11 =	smov.u32 s4;
	s3 =	simm.s32 $0x80;
	s0 =	simm.s32 $0x10  }
0x18f: {  	s10 =	simm.s32 $0x20;
	s5 =	sand.u32 $0x3C00, s3;
	s28 =	sand.u32 $0x70, s0  }
.LBB2_14:
0x190: {  	p0 =	sne.s32 s10, $0x7F0;
	s5 =	sor.u32 s5, s28;
	[tilespmem:v5+s9+$0x0] =	vst.idx.msk vm2, v4  }
0x191: {  	v4 =	vld [tilespmem:s5+$0xCD80];
	_ =	sdelay $0x4  }
0x192: {  	v5 =	vshll.u32 v4, $0x3  }
0x193: {  	v4 =	vand.u32 $0x7F, v4;
	v6 =	vld [tilespmem:s5+$0x8D80];
	v5 =	vand.u32 $0x3C00, v5  }
0x194: {  	v4 =	vor.u32 v5, v4  }
0x195: {  	v4 =	vor.u32 $0x300, v4;
	_ =	sdelay $0x2  }
0x196: {  	v5 =	vshll.u32 v6, $0x3  }
0x197: {  	v7 =	vor.u32 s0, v0;
	s0 =	smov.u32 s10;
	v6 =	vand.u32 $0x7F, v6;
	v5 =	vand.u32 $0x3C00, v5  }
0x198: {  	vm2 =	vlt.s32 v7, v3;
	v4 =	vld.idx.msk [tilespmem:v4+s30+$0x0], $0xffff;
	v5 =	vor.u32 v5, v6  }
.Ltmp6:
0x199: {  	v5 =	vor.u32 $0x300, v5;
	(pc) =	sbr.rel @p0 .LBB2_14-.Ltmp6, $3  }
0x19a: {  	_ =	sdelay $0x1  }
0x19b: {  	s3 =	sadd.s32 $0x80, s3  }
0x19c: {  	s10 =	sadd.s32 $0x10, s10;
	s28 =	sand.u32 $0x70, s0;
	s5 =	sand.u32 $0x3C00, s3  }
0x19d: {  	_ =	sdelay $0x4  }
0x19e: {  	s3 =	sor.u32 s5, s28;
	[tilespmem:v5+s9+$0x0] =	vst.idx.msk vm2, v4  }
0x19f: {  	v4 =	vld [tilespmem:s3+$0xCD80];
	_ =	sdelay $0x4  }
0x1a0: {  	v6 =	vld [tilespmem:s3+$0x8D80];
	v5 =	vshll.u32 v4, $0x3  }
0x1a1: {  	v4 =	vand.u32 $0x7F, v4;
	v5 =	vand.u32 $0x3C00, v5  }
0x1a2: {  	v4 =	vor.u32 v5, v4  }
0x1a3: {  	v4 =	vor.u32 $0x300, v4;
	_ =	sdelay $0x1  }
0x1a4: {  	v5 =	vshll.u32 v6, $0x3  }
0x1a5: {  	v7 =	vor.u32 s0, v0;
	v6 =	vand.u32 $0x7F, v6;
	v5 =	vand.u32 $0x3C00, v5  }
0x1a6: {  	vm2 =	vlt.s32 v7, v3;
	v5 =	vor.u32 v5, v6  }
0x1a7: {  	v5 =	vor.u32 $0x300, v5;
	v4 =	vld.idx.msk [tilespmem:v4+s30+$0x0], $0xffff;
	_ =	sdelay $0x4  }
0x1a8: {  	[tilespmem:v5+s9+$0x0] =	vst.idx.msk vm2, v4  }
0x1a9: {  	v4 =	vld [tilespmem:$0x8A00]  }
0x1aa: {  	s0 =	simm.s32 $0x0  }
0x1ab: {  	s31 =	sand.u32 $0x7, s0  }
0x1ac: {  	s3 =	sshll.u32 s31, $0x4  }
0x1ad: {  	s3 =	sadd.s32 $0x0, s3  }
0x1ae: {  	s3 =	sor.u32 $0x380, s3;
	[tilespmem:$0x4600] =	vst v4  }
0x1af: {  	v4 =	vld [tilespmem:s3+$0xCA80];
	_ =	sdelay $0x4  }
0x1b0: {  	v6 =	vld [tilespmem:s3+$0x8A80];
	v5 =	vshll.u32 v4, $0x3  }
0x1b1: {  	v4 =	vand.u32 $0x7F, v4;
	v5 =	vand.u32 $0x3C00, v5  }
0x1b2: {  	v4 =	vor.u32 v5, v4  }
0x1b3: {  	v4 =	vor.u32 $0x380, v4;
	_ =	sdelay $0x1  }
0x1b4: {  	v5 =	vshll.u32 v6, $0x3  }
0x1b5: {  	v7 =	vor.u32 s0, v0;
	v6 =	vand.u32 $0x7F, v6;
	v5 =	vand.u32 $0x3C00, v5  }
0x1b6: {  	vm2 =	vlt.s32 v7, v3;
	v5 =	vor.u32 v5, v6  }
0x1b7: {  	v5 =	vor.u32 $0x380, v5;
	v4 =	vld.idx.msk [tilespmem:v4+s30+$0x0], $0xffff  }
0x1b8: {  	s21 =	smov.u32 s19;
	s4 =	smov.u32 s2;
	s3 =	simm.s32 $0x1  }
0x1b9: {  	s28 =	simm.s32 $0x10;
	s10 =	simm.s32 $0x20;
	s5 =	sand.u32 $0x7, s3  }
.LBB2_16:
0x1ba: {  	p0 =	sne.s32 s10, $0x7F0;
	s5 =	sshll.u32 s5, $0x4;
	s0 =	sadd.s32 $0x80, s0  }
0x1bb: {  	s5 =	sadd.s32 s5, s0  }
0x1bc: {  	s5 =	sor.u32 $0x380, s5;
	[tilespmem:v5+s9+$0x0] =	vst.idx.msk vm2, v4  }
0x1bd: {  	v4 =	vld [tilespmem:s5+$0xCA80];
	_ =	sdelay $0x4  }
0x1be: {  	v5 =	vshll.u32 v4, $0x3  }
0x1bf: {  	v4 =	vand.u32 $0x7F, v4;
	v6 =	vld [tilespmem:s5+$0x8A80];
	v5 =	vand.u32 $0x3C00, v5  }
0x1c0: {  	v4 =	vor.u32 v5, v4  }
0x1c1: {  	v4 =	vor.u32 $0x380, v4;
	_ =	sdelay $0x2  }
0x1c2: {  	v5 =	vshll.u32 v6, $0x3  }
.Ltmp7:
0x1c3: {  	v7 =	vor.u32 s28, v0;
	s28 =	smov.u32 s10;
	v6 =	vand.u32 $0x7F, v6;
	v5 =	vand.u32 $0x3C00, v5;
	(pc) =	sbr.rel @p0 .LBB2_16-.Ltmp7, $4  }
0x1c4: {  	vm2 =	vlt.s32 v7, v3;
	v4 =	vld.idx.msk [tilespmem:v4+s30+$0x0], $0xffff;
	v5 =	vor.u32 v5, v6  }
0x1c5: {  	v5 =	vor.u32 $0x380, v5  }
0x1c6: {  	s3 =	sadd.s32 $0x1, s3  }
0x1c7: {  	s10 =	sadd.s32 $0x10, s10;
	s5 =	sand.u32 $0x7, s3  }
0x1c8: {  	_ =	sdelay $0x2  }
0x1c9: {  	s3 =	sshll.u32 s5, $0x4;
	s0 =	sadd.s32 $0x80, s0  }
0x1ca: {  	s0 =	sadd.s32 s3, s0  }
0x1cb: {  	[tilespmem:v5+s9+$0x0] =	vst.idx.msk vm2, v4;
	s0 =	sor.u32 $0x380, s0  }
0x1cc: {  	v4 =	vld [tilespmem:s0+$0xCA80];
	_ =	sdelay $0x4  }
0x1cd: {  	v6 =	vld [tilespmem:s0+$0x8A80];
	v5 =	vshll.u32 v4, $0x3  }
0x1ce: {  	v4 =	vand.u32 $0x7F, v4;
	v5 =	vand.u32 $0x3C00, v5  }
0x1cf: {  	v4 =	vor.u32 v5, v4  }
0x1d0: {  	v4 =	vor.u32 $0x380, v4;
	_ =	sdelay $0x1  }
0x1d1: {  	v5 =	vshll.u32 v6, $0x3  }
0x1d2: {  	v7 =	vor.u32 s28, v0;
	v6 =	vand.u32 $0x7F, v6;
	v5 =	vand.u32 $0x3C00, v5  }
0x1d3: {  	vm2 =	vlt.s32 v7, v3;
	v5 =	vor.u32 v5, v6  }
0x1d4: {  	v5 =	vor.u32 $0x380, v5;
	v4 =	vld.idx.msk [tilespmem:v4+s30+$0x0], $0xffff;
	_ =	sdelay $0x4  }
0x1d5: {  	[tilespmem:v5+s9+$0x0] =	vst.idx.msk vm2, v4  }
0x1d6: {  	v4 =	vld.msk [tilespmem:$0x0], $0xff;
	_ =	sdelay $0x4  }
0x1d7: {  	v5 =	vshrl.u32 v4, $0x3  }
0x1d8: {  	v5 =	vmul.u32 $0x88, v5  }
0x1d9: {  	v4 =	vand.u32 $0x7, v4  }
0x1da: {  	v4 =	vor.u32 v4, v5  }
0x1db: {  	v4 =	vperm.xlane v4, v1;
	_ =	sdelay $0x1  }
0x1dc: {  	v4 =	vadd.s32 v2, v4;
	_ =	sdelay $0x3  }
0x1dd: {  	s10 =	rddreg [dreg:$0x4];
	s0 =	simm.s32 $0x0  }
0x1de: {  	[hbm4b:s10+s0] =	stream.indirect_vreg.scatter [tilespmem:s9], [sflag:$0x2], $0x80, v4, vm1, $0xb8;
	[tilespmem:$0x10A80] =	vst v63  }
0x1df: {  	s19 =	rddreg [dreg:$0x9];
	s5 =	simm.s32 $0xA80  }
0x1e0: {  	[hbm4b:s19+s0] =	stream.indirect_vreg.scatter [tilespmem:s5], [sflag:$0x2], $0x80, v4, vm1, $0xb8;
	[tilespmem:$0x10A80] =	vst v63  }
0x1e1: {  	s20 =	rddreg [dreg:$0xa];
	s10 =	simm.s32 $0x1280  }
0x1e2: {  	[hbm4b:s20+s0] =	stream.indirect_vreg.scatter [tilespmem:s10], [sflag:$0x2], $0x80, v4, vm1, $0xb8;
	[tilespmem:$0x10A80] =	vst v63  }
0x1e3: {  	s2 =	rddreg [dreg:$0xb];
	s28 =	simm.s32 $0x1A80  }
0x1e4: {  	[hbm4b:s2+s0] =	stream.indirect_vreg.scatter [tilespmem:s28], [sflag:$0x2], $0x80, v4, vm1, $0xb8;
	[tilespmem:$0x10A80] =	vst v63  }
0x1e5: {  	s7 =	rddreg [dreg:$0xc];
	s29 =	simm.s32 $0x2280  }
0x1e6: {  	[hbm4b:s7+s0] =	stream.indirect_vreg.scatter [tilespmem:s29], [sflag:$0x2], $0x80, v4, vm1, $0xb8;
	[tilespmem:$0x10A80] =	vst v63  }
0x1e7: {  	s19 =	rddreg [dreg:$0xd];
	s7 =	simm.s32 $0x2A80  }
0x1e8: {  	[hbm4b:s19+s0] =	stream.indirect_vreg.scatter [tilespmem:s7], [sflag:$0x2], $0x80, v4, vm1, $0xb8;
	[tilespmem:$0x10A80] =	vst v63  }
0x1e9: {  	s20 =	rddreg [dreg:$0xe];
	s7 =	simm.s32 $0x3280  }
0x1ea: {  	[hbm4b:s20+s0] =	stream.indirect_vreg.scatter [tilespmem:s7], [sflag:$0x2], $0x80, v4, vm1, $0xb8;
	[tilespmem:$0x10A80] =	vst v63  }
0x1eb: {  	s31 =	simm.s32 $0x3A80;
	s2 =	rddreg [dreg:$0xf]  }
0x1ec: {  	[hbm4b:s2+s0] =	stream.indirect_vreg.scatter [tilespmem:s31], [sflag:$0x2], $0x80, v4, vm1, $0xb8;
	[tilespmem:$0x10A80] =	vst v63  }
0x1ed: {  	s19 =	rddreg [dreg:$0x10];
	s2 =	simm.s32 $0x4280  }
0x1ee: {  	[hbm4b:s19+s0] =	stream.indirect_vreg.scatter [tilespmem:s2], [sflag:$0x2], $0x80, v4, vm0, $0xb8;
	[tilespmem:$0x10A80] =	vst v63  }
0x1ef: {  	v4 =	vld.msk [tilespmem:$0x180], $0xff;
	_ =	sdelay $0x4  }
0x1f0: {  	v5 =	vshrl.u32 v4, $0x3  }
0x1f1: {  	v5 =	vmul.u32 $0x88, v5  }
0x1f2: {  	v4 =	vand.u32 $0x7, v4  }
0x1f3: {  	v4 =	vor.u32 v4, v5  }
0x1f4: {  	v4 =	vperm.xlane v4, v1;
	_ =	sdelay $0x1  }
0x1f5: {  	v4 =	vadd.s32 v2, v4;
	_ =	sdelay $0x4  }
0x1f6: {  	[tilespmem:s30], [sflag:$0x1] =	stream.indirect_vreg.gather [hbm4b:s4+s0], $0x80, v4, vm1, $0xb8;
	[tilespmem:$0x10A80] =	vst v63  }
0x1f7: {  	s3 =	rddreg [dreg:$0x12];
	s20 =	simm.s32 $0x4E80  }
0x1f8: {  	[tilespmem:s20], [sflag:$0x1] =	stream.indirect_vreg.gather [hbm4b:s3+s0], $0x80, v4, vm1, $0xb8;
	[tilespmem:$0x10A80] =	vst v63  }
0x1f9: {  	s19 =	simm.s32 $0x5680  }
0x1fa: {  	[tilespmem:s19], [sflag:$0x1] =	stream.indirect_vreg.gather [hbm4b:s12+s0], $0x80, v4, vm1, $0xb8;
	[tilespmem:$0x10A80] =	vst v63  }
0x1fb: {  	s20 =	simm.s32 $0x5E80  }
0x1fc: {  	[tilespmem:s20], [sflag:$0x1] =	stream.indirect_vreg.gather [hbm4b:s13+s0], $0x80, v4, vm1, $0xb8;
	[tilespmem:$0x10A80] =	vst v63  }
0x1fd: {  	s19 =	simm.s32 $0x6680  }
0x1fe: {  	[tilespmem:s19], [sflag:$0x1] =	stream.indirect_vreg.gather [hbm4b:s14+s0], $0x80, v4, vm1, $0xb8;
	[tilespmem:$0x10A80] =	vst v63  }
0x1ff: {  	s20 =	simm.s32 $0x6E80  }
0x200: {  	[tilespmem:s20], [sflag:$0x1] =	stream.indirect_vreg.gather [hbm4b:s15+s0], $0x80, v4, vm1, $0xb8;
	[tilespmem:$0x10A80] =	vst v63  }
0x201: {  	s19 =	simm.s32 $0x7680  }
0x202: {  	[tilespmem:s19], [sflag:$0x1] =	stream.indirect_vreg.gather [hbm4b:s16+s0], $0x80, v4, vm1, $0xb8;
	[tilespmem:$0x10A80] =	vst v63  }
0x203: {  	s20 =	simm.s32 $0x7E80  }
0x204: {  	[tilespmem:s20], [sflag:$0x1] =	stream.indirect_vreg.gather [hbm4b:s17+s0], $0x80, v4, vm1, $0xb8;
	[tilespmem:$0x10A80] =	vst v63  }
0x205: {  	s19 =	simm.s32 $0x8680  }
0x206: {  	[tilespmem:s19], [sflag:$0x1] =	stream.indirect_vreg.gather [hbm4b:s18+s0], $0x80, v4, vm0, $0xb8;
	[tilespmem:$0x10A80] =	vst v63  }
0x207: {  	v4 =	vld.msk [tilespmem:$0x100], $0xff;
	_ =	sdelay $0x4  }
0x208: {  	v5 =	vshll.u32 v4, $0x4  }
0x209: {  	v4 =	vand.u32 $0x7, v4;
	v5 =	vand.u32 $0xFFFFFF80, v5  }
0x20a: {  	v4 =	vor.u32 v4, v5  }
0x20b: {  	v4 =	vperm.xlane v4, v1;
	_ =	sdelay $0x1  }
0x20c: {  	s2 =	smov.u32 s4;
	s4 =	smov.u32 s11;
	s19 =	smov.u32 s18;
	v4 =	vadd.s32 v2, v4  }
0x20d: {  	s18 =	smov.u32 s17;
	s17 =	smov.u32 s16;
	s16 =	smov.u32 s15  }
0x20e: {  	s15 =	smov.u32 s14;
	s14 =	smov.u32 s13;
	s13 =	smov.u32 s12  }
0x20f: {  	s11 =	simm.s32 $0x9280;
	s20 =	simm.s32 $0x8A80;
	s12 =	smov.u32 s13  }
0x210: {  	s13 =	smov.u32 s14;
	s14 =	smov.u32 s15;
	s15 =	smov.u32 s16  }
0x211: {  	[tilespmem:s20], [sflag:$0x1] =	stream.indirect_vreg.gather [hbm4b:s4+s0], $0x80, v4, vm1, $0xb8;
	[tilespmem:$0x10A80] =	vst v63  }
0x212: {  	s16 =	smov.u32 s17;
	s17 =	smov.u32 s18;
	s20 =	rddreg [dreg:$0x13]  }
0x213: {  	[tilespmem:s11], [sflag:$0x1] =	stream.indirect_vreg.gather [hbm4b:s20+s0], $0x80, v4, vm1, $0xb8;
	[tilespmem:$0x10A80] =	vst v63  }
0x214: {  	s18 =	smov.u32 s19;
	s19 =	smov.u32 s21;
	s11 =	simm.s32 $0x9A80  }
0x215: {  	[tilespmem:s11], [sflag:$0x1] =	stream.indirect_vreg.gather [hbm4b:s19+s0], $0x80, v4, vm1, $0xb8;
	[tilespmem:$0x10A80] =	vst v63  }
0x216: {  	s21 =	smov.u32 s22;
	s11 =	simm.s32 $0xA280  }
0x217: {  	[tilespmem:s11], [sflag:$0x1] =	stream.indirect_vreg.gather [hbm4b:s21+s0], $0x80, v4, vm1, $0xb8;
	[tilespmem:$0x10A80] =	vst v63  }
0x218: {  	s22 =	smov.u32 s23;
	s11 =	simm.s32 $0xAA80  }
0x219: {  	[tilespmem:s11], [sflag:$0x1] =	stream.indirect_vreg.gather [hbm4b:s22+s0], $0x80, v4, vm1, $0xb8;
	[tilespmem:$0x10A80] =	vst v63  }
0x21a: {  	s23 =	smov.u32 s24;
	s11 =	simm.s32 $0xB280  }
0x21b: {  	[tilespmem:s11], [sflag:$0x1] =	stream.indirect_vreg.gather [hbm4b:s23+s0], $0x80, v4, vm1, $0xb8;
	[tilespmem:$0x10A80] =	vst v63  }
0x21c: {  	s24 =	smov.u32 s25;
	s11 =	simm.s32 $0xBA80  }
0x21d: {  	[tilespmem:s11], [sflag:$0x1] =	stream.indirect_vreg.gather [hbm4b:s24+s0], $0x80, v4, vm1, $0xb8;
	[tilespmem:$0x10A80] =	vst v63  }
0x21e: {  	s25 =	rddreg [dreg:$0x14];
	s11 =	simm.s32 $0xC280  }
0x21f: {  	[tilespmem:s11], [sflag:$0x1] =	stream.indirect_vreg.gather [hbm4b:s25+s0], $0x80, v4, vm1, $0xb8;
	[tilespmem:$0x10A80] =	vst v63  }
0x220: {  	v4 =	vld.msk [tilespmem:$0x180], $0xff;
	_ =	sdelay $0x4  }
0x221: {  	v5 =	vshll.u32 v4, $0x4  }
0x222: {  	v4 =	vand.u32 $0x7, v4;
	v5 =	vand.u32 $0xFFFFFF80, v5  }
0x223: {  	v4 =	vor.u32 v4, v5  }
0x224: {  	v4 =	vperm.xlane v4, v1;
	_ =	sdelay $0x1  }
0x225: {  	v4 =	vadd.s32 v2, v4;
	_ =	sdelay $0x3  }
0x226: {  	s11 =	simm.s32 $0xCA80  }
0x227: {  	[tilespmem:s11], [sflag:$0x1] =	stream.indirect_vreg.gather [hbm4b:s4+s0], $0x80, v4, vm1, $0xb8;
	[tilespmem:$0x10A80] =	vst v63  }
0x228: {  	s11 =	simm.s32 $0xD280  }
0x229: {  	[tilespmem:s11], [sflag:$0x1] =	stream.indirect_vreg.gather [hbm4b:s20+s0], $0x80, v4, vm1, $0xb8;
	[tilespmem:$0x10A80] =	vst v63  }
0x22a: {  	s20 =	simm.s32 $0xDA80  }
0x22b: {  	[tilespmem:s20], [sflag:$0x1] =	stream.indirect_vreg.gather [hbm4b:s19+s0], $0x80, v4, vm1, $0xb8;
	[tilespmem:$0x10A80] =	vst v63  }
0x22c: {  	s11 =	simm.s32 $0xE280  }
0x22d: {  	[tilespmem:s11], [sflag:$0x1] =	stream.indirect_vreg.gather [hbm4b:s21+s0], $0x80, v4, vm1, $0xb8;
	[tilespmem:$0x10A80] =	vst v63  }
0x22e: {  	s20 =	simm.s32 $0xEA80  }
0x22f: {  	[tilespmem:s20], [sflag:$0x1] =	stream.indirect_vreg.gather [hbm4b:s22+s0], $0x80, v4, vm1, $0xb8;
	[tilespmem:$0x10A80] =	vst v63  }
0x230: {  	s20 =	simm.s32 $0xF280  }
0x231: {  	[tilespmem:s20], [sflag:$0x1] =	stream.indirect_vreg.gather [hbm4b:s23+s0], $0x80, v4, vm1, $0xb8;
	[tilespmem:$0x10A80] =	vst v63  }
0x232: {  	s11 =	simm.s32 $0xFA80  }
0x233: {  	[tilespmem:s11], [sflag:$0x1] =	stream.indirect_vreg.gather [hbm4b:s24+s0], $0x80, v4, vm1, $0xb8;
	[tilespmem:$0x10A80] =	vst v63  }
0x234: {  	s20 =	simm.s32 $0x10280  }
0x235: {  	[tilespmem:s20], [sflag:$0x1] =	stream.indirect_vreg.gather [hbm4b:s25+s0], $0x80, v4, vm1, $0xb8;
	[tilespmem:$0x10A80] =	vst v63  }
0x236: {  	s20 =	simm.s32 $0x2  }
0x237: {  	_ =	swait.ge [sflag:s20], $0x4400  }
0x238: {  	[sflag:s20] =	ssyncset.done $0x0  }
0x239: {  	[sflag:s20] =	ssyncadd.s32 $0xFFFFBC00  }
0x23a: {  	v4 =	vld.msk [tilespmem:$0x100], $0xff;
	_ =	sdelay $0x4  }
0x23b: {  	v5 =	vshrl.u32 v4, $0x3  }
0x23c: {  	v5 =	vmul.u32 $0x88, v5  }
0x23d: {  	v4 =	vand.u32 $0x7, v4  }
0x23e: {  	v4 =	vor.u32 v4, v5  }
0x23f: {  	v4 =	vperm.xlane v4, v1;
	_ =	sdelay $0x1  }
0x240: {  	v4 =	vadd.s32 v2, v4;
	_ =	sdelay $0x4  }
0x241: {  	[tilespmem:s9], [sflag:$0x1] =	stream.indirect_vreg.gather [hbm4b:s2+s0], $0x80, v4, vm1, $0xb8;
	[tilespmem:$0x10A80] =	vst v63  }
0x242: {  	_ = 	snop  }
0x243: {  	[tilespmem:s5], [sflag:$0x1] =	stream.indirect_vreg.gather [hbm4b:s3+s0], $0x80, v4, vm1, $0xb8;
	[tilespmem:$0x10A80] =	vst v63  }
0x244: {  	_ = 	snop  }
0x245: {  	[tilespmem:s10], [sflag:$0x1] =	stream.indirect_vreg.gather [hbm4b:s12+s0], $0x80, v4, vm1, $0xb8;
	[tilespmem:$0x10A80] =	vst v63  }
0x246: {  	_ = 	snop  }
0x247: {  	[tilespmem:s28], [sflag:$0x1] =	stream.indirect_vreg.gather [hbm4b:s13+s0], $0x80, v4, vm1, $0xb8;
	[tilespmem:$0x10A80] =	vst v63  }
0x248: {  	_ = 	snop  }
0x249: {  	[tilespmem:s29], [sflag:$0x1] =	stream.indirect_vreg.gather [hbm4b:s14+s0], $0x80, v4, vm1, $0xb8;
	[tilespmem:$0x10A80] =	vst v63  }
0x24a: {  	s29 =	simm.s32 $0x2A80  }
0x24b: {  	[tilespmem:s29], [sflag:$0x1] =	stream.indirect_vreg.gather [hbm4b:s15+s0], $0x80, v4, vm1, $0xb8;
	[tilespmem:$0x10A80] =	vst v63  }
0x24c: {  	_ = 	snop  }
0x24d: {  	[tilespmem:s7], [sflag:$0x1] =	stream.indirect_vreg.gather [hbm4b:s16+s0], $0x80, v4, vm1, $0xb8;
	[tilespmem:$0x10A80] =	vst v63  }
0x24e: {  	_ = 	snop  }
0x24f: {  	[tilespmem:s31], [sflag:$0x1] =	stream.indirect_vreg.gather [hbm4b:s17+s0], $0x80, v4, vm1, $0xb8;
	[tilespmem:$0x10A80] =	vst v63  }
0x250: {  	s31 =	simm.s32 $0x4280  }
0x251: {  	[tilespmem:s31], [sflag:$0x1] =	stream.indirect_vreg.gather [hbm4b:s18+s0], $0x80, v4, vm0, $0xb8;
	[tilespmem:$0x10A80] =	vst v63  }
0x252: {  	_ =	swait.ge [sflag:s6], $0x4400  }
0x253: {  	[sflag:s6] =	ssyncset.done $0x0  }
0x254: {  	[sflag:s6] =	ssyncadd.s32 $0xFFFFBC00  }
0x255: {  	_ =	swait.ge [sflag:s6], $0x4000  }
0x256: {  	[sflag:s6] =	ssyncset.done $0x0  }
0x257: {  	[sflag:s6] =	ssyncadd.s32 $0xFFFFC000  }
0x258: {  	_ =	swait.ge [sflag:s6], $0x4000  }
0x259: {  	[sflag:s6] =	ssyncset.done $0x0  }
0x25a: {  	[sflag:s6] =	ssyncadd.s32 $0xFFFFC000  }
0x25b: {  	_ =	swait.ge [sflag:s6], $0x4400  }
0x25c: {  	[sflag:s6] =	ssyncset.done $0x0  }
0x25d: {  	[sflag:s6] =	ssyncadd.s32 $0xFFFFBC00  }
0x25e: {  	v4 =	vld [tilespmem:$0x8680];
	_ =	sdelay $0x3  }
0x25f: {  	s5 =	sand.u32 $0x70, s0;
	s10 =	sand.u32 $0x3C00, s0  }
0x260: {  	s3 =	sor.u32 s5, s10;
	[tilespmem:$0x4280] =	vst v4  }
0x261: {  	v4 =	vld [tilespmem:s3+$0xCA80];
	_ =	sdelay $0x4  }
0x262: {  	v6 =	vld [tilespmem:s3+$0x8A80];
	v5 =	vshll.u32 v4, $0x3  }
0x263: {  	v4 =	vand.u32 $0x7F, v4;
	v5 =	vand.u32 $0x3C00, v5  }
0x264: {  	v4 =	vor.u32 v4, v5;
	_ =	sdelay $0x2  }
0x265: {  	v7 =	vor.u32 s0, v0;
	v5 =	vshll.u32 v6, $0x3  }
0x266: {  	vm2 =	vlt.s32 v7, v3;
	v6 =	vand.u32 $0x7F, v6;
	v5 =	vand.u32 $0x3C00, v5  }
0x267: {  	v5 =	vor.u32 v6, v5;
	v4 =	vld.idx.msk [tilespmem:v4+s30+$0x0], $0xffff;
	_ =	sdelay $0x2  }
0x268: {  	s28 =	simm.s32 $0x10;
	s0 =	simm.s32 $0x80  }
0x269: {  	s10 =	sand.u32 $0x70, s28;
	s5 =	sand.u32 $0x3C00, s0;
	s3 =	simm.s32 $0x20  }
.LBB2_18:
0x26a: {  	p0 =	sne.s32 s3, $0x7F0;
	s5 =	sor.u32 s10, s5;
	[tilespmem:v5+s9+$0x0] =	vst.idx.msk vm2, v4  }
0x26b: {  	v4 =	vld [tilespmem:s5+$0xCA80];
	_ =	sdelay $0x4  }
0x26c: {  	v5 =	vshll.u32 v4, $0x3  }
0x26d: {  	v4 =	vand.u32 $0x7F, v4;
	v6 =	vld [tilespmem:s5+$0x8A80];
	v5 =	vand.u32 $0x3C00, v5  }
0x26e: {  	v4 =	vor.u32 v4, v5;
	_ =	sdelay $0x3  }
0x26f: {  	v5 =	vor.u32 s28, v0;
	s28 =	smov.u32 s3;
	v7 =	vshll.u32 v6, $0x3  }
0x270: {  	vm2 =	vlt.s32 v5, v3;
	v5 =	vand.u32 $0x7F, v6;
	v4 =	vld.idx.msk [tilespmem:v4+s30+$0x0], $0xffff;
	v6 =	vand.u32 $0x3C00, v7  }
.Ltmp8:
0x271: {  	v5 =	vor.u32 v5, v6;
	(pc) =	sbr.rel @p0 .LBB2_18-.Ltmp8, $3  }
0x272: {  	_ =	sdelay $0x1  }
0x273: {  	s0 =	sadd.s32 $0x80, s0  }
0x274: {  	s5 =	sand.u32 $0x3C00, s0;
	s3 =	sadd.s32 $0x10, s3;
	s10 =	sand.u32 $0x70, s28  }
0x275: {  	_ =	sdelay $0x4  }
0x276: {  	s0 =	sor.u32 s10, s5;
	[tilespmem:v5+s9+$0x0] =	vst.idx.msk vm2, v4  }
0x277: {  	v4 =	vld [tilespmem:s0+$0xCA80];
	_ =	sdelay $0x4  }
0x278: {  	v6 =	vld [tilespmem:s0+$0x8A80];
	v5 =	vshll.u32 v4, $0x3  }
0x279: {  	v4 =	vand.u32 $0x7F, v4;
	v5 =	vand.u32 $0x3C00, v5  }
0x27a: {  	v4 =	vor.u32 v4, v5;
	_ =	sdelay $0x2  }
0x27b: {  	v7 =	vshll.u32 v6, $0x3;
	v5 =	vor.u32 s28, v0  }
0x27c: {  	vm2 =	vlt.s32 v5, v3;
	v5 =	vand.u32 $0x7F, v6;
	v6 =	vand.u32 $0x3C00, v7  }
0x27d: {  	v5 =	vor.u32 v5, v6;
	v4 =	vld.idx.msk [tilespmem:v4+s30+$0x0], $0xffff;
	_ =	sdelay $0x4  }
0x27e: {  	[tilespmem:v5+s9+$0x0] =	vst.idx.msk vm2, v4  }
0x27f: {  	v4 =	vld [tilespmem:$0x8700];
	_ =	sdelay $0x2  }
0x280: {  	s3 =	simm.s32 $0x0  }
0x281: {  	s5 =	sand.u32 $0x70, s3;
	s10 =	sand.u32 $0x3C00, s3  }
0x282: {  	s0 =	sor.u32 s10, s5;
	[tilespmem:$0x4300] =	vst v4  }
0x283: {  	v4 =	vld [tilespmem:s0+$0xCB00];
	_ =	sdelay $0x4  }
0x284: {  	v6 =	vld [tilespmem:s0+$0x8B00];
	v5 =	vshll.u32 v4, $0x3  }
0x285: {  	v4 =	vand.u32 $0x7F, v4;
	v5 =	vand.u32 $0x3C00, v5  }
0x286: {  	v4 =	vor.u32 v5, v4  }
0x287: {  	v4 =	vor.u32 $0x80, v4;
	_ =	sdelay $0x1  }
0x288: {  	v5 =	vshll.u32 v6, $0x3  }
0x289: {  	v7 =	vor.u32 s3, v0;
	v6 =	vand.u32 $0x7F, v6;
	v5 =	vand.u32 $0x3C00, v5  }
0x28a: {  	vm2 =	vlt.s32 v7, v3;
	v5 =	vor.u32 v5, v6  }
0x28b: {  	v5 =	vor.u32 $0x80, v5;
	v4 =	vld.idx.msk [tilespmem:v4+s30+$0x0], $0xffff;
	_ =	sdelay $0x2  }
0x28c: {  	s3 =	simm.s32 $0x80;
	s0 =	simm.s32 $0x10  }
0x28d: {  	s10 =	simm.s32 $0x20;
	s5 =	sand.u32 $0x3C00, s3;
	s28 =	sand.u32 $0x70, s0  }
.LBB2_20:
0x28e: {  	p0 =	sne.s32 s10, $0x7F0;
	s5 =	sor.u32 s5, s28;
	[tilespmem:v5+s9+$0x0] =	vst.idx.msk vm2, v4  }
0x28f: {  	v4 =	vld [tilespmem:s5+$0xCB00];
	_ =	sdelay $0x4  }
0x290: {  	v5 =	vshll.u32 v4, $0x3  }
0x291: {  	v4 =	vand.u32 $0x7F, v4;
	v6 =	vld [tilespmem:s5+$0x8B00];
	v5 =	vand.u32 $0x3C00, v5  }
0x292: {  	v4 =	vor.u32 v5, v4  }
0x293: {  	v4 =	vor.u32 $0x80, v4;
	_ =	sdelay $0x2  }
0x294: {  	v5 =	vshll.u32 v6, $0x3  }
0x295: {  	v7 =	vor.u32 s0, v0;
	s0 =	smov.u32 s10;
	v6 =	vand.u32 $0x7F, v6;
	v5 =	vand.u32 $0x3C00, v5  }
0x296: {  	vm2 =	vlt.s32 v7, v3;
	v4 =	vld.idx.msk [tilespmem:v4+s30+$0x0], $0xffff;
	v5 =	vor.u32 v5, v6  }
.Ltmp9:
0x297: {  	v5 =	vor.u32 $0x80, v5;
	(pc) =	sbr.rel @p0 .LBB2_20-.Ltmp9, $3  }
0x298: {  	_ =	sdelay $0x1  }
0x299: {  	s3 =	sadd.s32 $0x80, s3  }
0x29a: {  	s10 =	sadd.s32 $0x10, s10;
	s28 =	sand.u32 $0x70, s0;
	s5 =	sand.u32 $0x3C00, s3  }
0x29b: {  	_ =	sdelay $0x4  }
0x29c: {  	s3 =	sor.u32 s5, s28;
	[tilespmem:v5+s9+$0x0] =	vst.idx.msk vm2, v4  }
0x29d: {  	v4 =	vld [tilespmem:s3+$0xCB00];
	_ =	sdelay $0x4  }
0x29e: {  	v6 =	vld [tilespmem:s3+$0x8B00];
	v5 =	vshll.u32 v4, $0x3  }
0x29f: {  	v4 =	vand.u32 $0x7F, v4;
	v5 =	vand.u32 $0x3C00, v5  }
0x2a0: {  	v4 =	vor.u32 v5, v4  }
0x2a1: {  	v4 =	vor.u32 $0x80, v4;
	_ =	sdelay $0x1  }
0x2a2: {  	v5 =	vshll.u32 v6, $0x3  }
0x2a3: {  	v7 =	vor.u32 s0, v0;
	v6 =	vand.u32 $0x7F, v6;
	v5 =	vand.u32 $0x3C00, v5  }
0x2a4: {  	vm2 =	vlt.s32 v7, v3;
	v5 =	vor.u32 v5, v6  }
0x2a5: {  	v5 =	vor.u32 $0x80, v5;
	v4 =	vld.idx.msk [tilespmem:v4+s30+$0x0], $0xffff;
	_ =	sdelay $0x4  }
0x2a6: {  	[tilespmem:v5+s9+$0x0] =	vst.idx.msk vm2, v4  }
0x2a7: {  	v4 =	vld [tilespmem:$0x8780];
	_ =	sdelay $0x2  }
0x2a8: {  	s3 =	simm.s32 $0x0  }
0x2a9: {  	s5 =	sand.u32 $0x70, s3;
	s10 =	sand.u32 $0x3C00, s3  }
0x2aa: {  	s0 =	sor.u32 s10, s5;
	[tilespmem:$0x4380] =	vst v4  }
0x2ab: {  	v4 =	vld [tilespmem:s0+$0xCB80];
	_ =	sdelay $0x4  }
0x2ac: {  	v6 =	vld [tilespmem:s0+$0x8B80];
	v5 =	vshll.u32 v4, $0x3  }
0x2ad: {  	v4 =	vand.u32 $0x7F, v4;
	v5 =	vand.u32 $0x3C00, v5  }
0x2ae: {  	v4 =	vor.u32 v5, v4  }
0x2af: {  	v4 =	vor.u32 $0x100, v4;
	_ =	sdelay $0x1  }
0x2b0: {  	v5 =	vshll.u32 v6, $0x3  }
0x2b1: {  	v7 =	vor.u32 s3, v0;
	v6 =	vand.u32 $0x7F, v6;
	v5 =	vand.u32 $0x3C00, v5  }
0x2b2: {  	vm2 =	vlt.s32 v7, v3;
	v5 =	vor.u32 v5, v6  }
0x2b3: {  	v5 =	vor.u32 $0x100, v5;
	v4 =	vld.idx.msk [tilespmem:v4+s30+$0x0], $0xffff;
	_ =	sdelay $0x2  }
0x2b4: {  	s3 =	simm.s32 $0x80;
	s0 =	simm.s32 $0x10  }
0x2b5: {  	s5 =	sand.u32 $0x3C00, s3;
	s10 =	simm.s32 $0x20;
	s28 =	sand.u32 $0x70, s0  }
.LBB2_22:
0x2b6: {  	p0 =	sne.s32 s10, $0x7F0;
	s5 =	sor.u32 s5, s28;
	[tilespmem:v5+s9+$0x0] =	vst.idx.msk vm2, v4  }
0x2b7: {  	v4 =	vld [tilespmem:s5+$0xCB80];
	_ =	sdelay $0x4  }
0x2b8: {  	v5 =	vshll.u32 v4, $0x3  }
0x2b9: {  	v4 =	vand.u32 $0x7F, v4;
	v6 =	vld [tilespmem:s5+$0x8B80];
	v5 =	vand.u32 $0x3C00, v5  }
0x2ba: {  	v4 =	vor.u32 v5, v4  }
0x2bb: {  	v4 =	vor.u32 $0x100, v4;
	_ =	sdelay $0x2  }
0x2bc: {  	v5 =	vshll.u32 v6, $0x3  }
0x2bd: {  	v7 =	vor.u32 s0, v0;
	s0 =	smov.u32 s10;
	v6 =	vand.u32 $0x7F, v6;
	v5 =	vand.u32 $0x3C00, v5  }
0x2be: {  	vm2 =	vlt.s32 v7, v3;
	v4 =	vld.idx.msk [tilespmem:v4+s30+$0x0], $0xffff;
	v5 =	vor.u32 v5, v6  }
.Ltmp10:
0x2bf: {  	v5 =	vor.u32 $0x100, v5;
	(pc) =	sbr.rel @p0 .LBB2_22-.Ltmp10, $3  }
0x2c0: {  	_ =	sdelay $0x1  }
0x2c1: {  	s3 =	sadd.s32 $0x80, s3  }
0x2c2: {  	s10 =	sadd.s32 $0x10, s10;
	s28 =	sand.u32 $0x70, s0;
	s5 =	sand.u32 $0x3C00, s3  }
0x2c3: {  	_ =	sdelay $0x4  }
0x2c4: {  	s3 =	sor.u32 s5, s28;
	[tilespmem:v5+s9+$0x0] =	vst.idx.msk vm2, v4  }
0x2c5: {  	v4 =	vld [tilespmem:s3+$0xCB80];
	_ =	sdelay $0x4  }
0x2c6: {  	v6 =	vld [tilespmem:s3+$0x8B80];
	v5 =	vshll.u32 v4, $0x3  }
0x2c7: {  	v4 =	vand.u32 $0x7F, v4;
	v5 =	vand.u32 $0x3C00, v5  }
0x2c8: {  	v4 =	vor.u32 v5, v4  }
0x2c9: {  	v4 =	vor.u32 $0x100, v4;
	_ =	sdelay $0x1  }
0x2ca: {  	v5 =	vshll.u32 v6, $0x3  }
0x2cb: {  	v7 =	vor.u32 s0, v0;
	v6 =	vand.u32 $0x7F, v6;
	v5 =	vand.u32 $0x3C00, v5  }
0x2cc: {  	vm2 =	vlt.s32 v7, v3;
	v5 =	vor.u32 v5, v6  }
0x2cd: {  	v5 =	vor.u32 $0x100, v5;
	v4 =	vld.idx.msk [tilespmem:v4+s30+$0x0], $0xffff;
	_ =	sdelay $0x4  }
0x2ce: {  	[tilespmem:v5+s9+$0x0] =	vst.idx.msk vm2, v4  }
0x2cf: {  	v4 =	vld [tilespmem:$0x8800];
	_ =	sdelay $0x2  }
0x2d0: {  	s3 =	simm.s32 $0x0  }
0x2d1: {  	s5 =	sand.u32 $0x70, s3;
	s10 =	sand.u32 $0x3C00, s3  }
0x2d2: {  	s0 =	sor.u32 s10, s5;
	[tilespmem:$0x4400] =	vst v4  }
0x2d3: {  	v4 =	vld [tilespmem:s0+$0xCC00];
	_ =	sdelay $0x4  }
0x2d4: {  	v6 =	vld [tilespmem:s0+$0x8C00];
	v5 =	vshll.u32 v4, $0x3  }
0x2d5: {  	v4 =	vand.u32 $0x7F, v4;
	v5 =	vand.u32 $0x3C00, v5  }
0x2d6: {  	v4 =	vor.u32 v5, v4  }
0x2d7: {  	v4 =	vor.u32 $0x180, v4;
	_ =	sdelay $0x1  }
0x2d8: {  	v5 =	vshll.u32 v6, $0x3  }
0x2d9: {  	v7 =	vor.u32 s3, v0;
	v6 =	vand.u32 $0x7F, v6;
	v5 =	vand.u32 $0x3C00, v5  }
0x2da: {  	vm2 =	vlt.s32 v7, v3;
	v5 =	vor.u32 v5, v6  }
0x2db: {  	v5 =	vor.u32 $0x180, v5;
	v4 =	vld.idx.msk [tilespmem:v4+s30+$0x0], $0xffff;
	_ =	sdelay $0x2  }
0x2dc: {  	s3 =	simm.s32 $0x80;
	s0 =	simm.s32 $0x10  }
0x2dd: {  	s5 =	sand.u32 $0x3C00, s3;
	s10 =	simm.s32 $0x20;
	s28 =	sand.u32 $0x70, s0  }
.LBB2_24:
0x2de: {  	p0 =	sne.s32 s10, $0x7F0;
	s5 =	sor.u32 s5, s28;
	[tilespmem:v5+s9+$0x0] =	vst.idx.msk vm2, v4  }
0x2df: {  	v4 =	vld [tilespmem:s5+$0xCC00];
	_ =	sdelay $0x4  }
0x2e0: {  	v5 =	vshll.u32 v4, $0x3  }
0x2e1: {  	v4 =	vand.u32 $0x7F, v4;
	v6 =	vld [tilespmem:s5+$0x8C00];
	v5 =	vand.u32 $0x3C00, v5  }
0x2e2: {  	v4 =	vor.u32 v5, v4  }
0x2e3: {  	v4 =	vor.u32 $0x180, v4;
	_ =	sdelay $0x2  }
0x2e4: {  	v5 =	vshll.u32 v6, $0x3  }
0x2e5: {  	v7 =	vor.u32 s0, v0;
	s0 =	smov.u32 s10;
	v6 =	vand.u32 $0x7F, v6;
	v5 =	vand.u32 $0x3C00, v5  }
0x2e6: {  	vm2 =	vlt.s32 v7, v3;
	v4 =	vld.idx.msk [tilespmem:v4+s30+$0x0], $0xffff;
	v5 =	vor.u32 v5, v6  }
.Ltmp11:
0x2e7: {  	v5 =	vor.u32 $0x180, v5;
	(pc) =	sbr.rel @p0 .LBB2_24-.Ltmp11, $3  }
0x2e8: {  	_ =	sdelay $0x1  }
0x2e9: {  	s3 =	sadd.s32 $0x80, s3  }
0x2ea: {  	s10 =	sadd.s32 $0x10, s10;
	s28 =	sand.u32 $0x70, s0;
	s5 =	sand.u32 $0x3C00, s3  }
0x2eb: {  	_ =	sdelay $0x4  }
0x2ec: {  	s3 =	sor.u32 s5, s28;
	[tilespmem:v5+s9+$0x0] =	vst.idx.msk vm2, v4  }
0x2ed: {  	v4 =	vld [tilespmem:s3+$0xCC00];
	_ =	sdelay $0x4  }
0x2ee: {  	v6 =	vld [tilespmem:s3+$0x8C00];
	v5 =	vshll.u32 v4, $0x3  }
0x2ef: {  	v4 =	vand.u32 $0x7F, v4;
	v5 =	vand.u32 $0x3C00, v5  }
0x2f0: {  	v4 =	vor.u32 v5, v4  }
0x2f1: {  	v4 =	vor.u32 $0x180, v4;
	_ =	sdelay $0x1  }
0x2f2: {  	v5 =	vshll.u32 v6, $0x3  }
0x2f3: {  	v7 =	vor.u32 s0, v0;
	v6 =	vand.u32 $0x7F, v6;
	v5 =	vand.u32 $0x3C00, v5  }
0x2f4: {  	vm2 =	vlt.s32 v7, v3;
	v5 =	vor.u32 v5, v6  }
0x2f5: {  	v5 =	vor.u32 $0x180, v5;
	v4 =	vld.idx.msk [tilespmem:v4+s30+$0x0], $0xffff;
	_ =	sdelay $0x4  }
0x2f6: {  	[tilespmem:v5+s9+$0x0] =	vst.idx.msk vm2, v4  }
0x2f7: {  	v4 =	vld [tilespmem:$0x8880];
	_ =	sdelay $0x2  }
0x2f8: {  	s3 =	simm.s32 $0x0  }
0x2f9: {  	s5 =	sand.u32 $0x70, s3;
	s10 =	sand.u32 $0x3C00, s3  }
0x2fa: {  	s0 =	sor.u32 s10, s5;
	[tilespmem:$0x4480] =	vst v4  }
0x2fb: {  	v4 =	vld [tilespmem:s0+$0xCC80];
	_ =	sdelay $0x4  }
0x2fc: {  	v6 =	vld [tilespmem:s0+$0x8C80];
	v5 =	vshll.u32 v4, $0x3  }
0x2fd: {  	v4 =	vand.u32 $0x7F, v4;
	v5 =	vand.u32 $0x3C00, v5  }
0x2fe: {  	v4 =	vor.u32 v5, v4  }
0x2ff: {  	v4 =	vor.u32 $0x200, v4;
	_ =	sdelay $0x1  }
0x300: {  	v5 =	vshll.u32 v6, $0x3  }
0x301: {  	v7 =	vor.u32 s3, v0;
	v6 =	vand.u32 $0x7F, v6;
	v5 =	vand.u32 $0x3C00, v5  }
0x302: {  	vm2 =	vlt.s32 v7, v3;
	v5 =	vor.u32 v5, v6  }
0x303: {  	v5 =	vor.u32 $0x200, v5;
	v4 =	vld.idx.msk [tilespmem:v4+s30+$0x0], $0xffff;
	_ =	sdelay $0x2  }
0x304: {  	s3 =	simm.s32 $0x80;
	s0 =	simm.s32 $0x10  }
0x305: {  	s5 =	sand.u32 $0x3C00, s3;
	s10 =	simm.s32 $0x20;
	s28 =	sand.u32 $0x70, s0  }
.LBB2_26:
0x306: {  	p0 =	sne.s32 s10, $0x7F0;
	s5 =	sor.u32 s5, s28;
	[tilespmem:v5+s9+$0x0] =	vst.idx.msk vm2, v4  }
0x307: {  	v4 =	vld [tilespmem:s5+$0xCC80];
	_ =	sdelay $0x4  }
0x308: {  	v5 =	vshll.u32 v4, $0x3  }
0x309: {  	v4 =	vand.u32 $0x7F, v4;
	v6 =	vld [tilespmem:s5+$0x8C80];
	v5 =	vand.u32 $0x3C00, v5  }
0x30a: {  	v4 =	vor.u32 v5, v4  }
0x30b: {  	v4 =	vor.u32 $0x200, v4;
	_ =	sdelay $0x2  }
0x30c: {  	v5 =	vshll.u32 v6, $0x3  }
0x30d: {  	v7 =	vor.u32 s0, v0;
	s0 =	smov.u32 s10;
	v6 =	vand.u32 $0x7F, v6;
	v5 =	vand.u32 $0x3C00, v5  }
0x30e: {  	vm2 =	vlt.s32 v7, v3;
	v4 =	vld.idx.msk [tilespmem:v4+s30+$0x0], $0xffff;
	v5 =	vor.u32 v5, v6  }
.Ltmp12:
0x30f: {  	v5 =	vor.u32 $0x200, v5;
	(pc) =	sbr.rel @p0 .LBB2_26-.Ltmp12, $3  }
0x310: {  	_ =	sdelay $0x1  }
0x311: {  	s3 =	sadd.s32 $0x80, s3  }
0x312: {  	s10 =	sadd.s32 $0x10, s10;
	s28 =	sand.u32 $0x70, s0;
	s5 =	sand.u32 $0x3C00, s3  }
0x313: {  	_ =	sdelay $0x4  }
0x314: {  	s3 =	sor.u32 s5, s28;
	[tilespmem:v5+s9+$0x0] =	vst.idx.msk vm2, v4  }
0x315: {  	v4 =	vld [tilespmem:s3+$0xCC80];
	_ =	sdelay $0x4  }
0x316: {  	v6 =	vld [tilespmem:s3+$0x8C80];
	v5 =	vshll.u32 v4, $0x3  }
0x317: {  	v4 =	vand.u32 $0x7F, v4;
	v5 =	vand.u32 $0x3C00, v5  }
0x318: {  	v4 =	vor.u32 v5, v4  }
0x319: {  	v4 =	vor.u32 $0x200, v4;
	_ =	sdelay $0x1  }
0x31a: {  	v5 =	vshll.u32 v6, $0x3  }
0x31b: {  	v7 =	vor.u32 s0, v0;
	v6 =	vand.u32 $0x7F, v6;
	v5 =	vand.u32 $0x3C00, v5  }
0x31c: {  	vm2 =	vlt.s32 v7, v3;
	v5 =	vor.u32 v5, v6  }
0x31d: {  	v5 =	vor.u32 $0x200, v5;
	v4 =	vld.idx.msk [tilespmem:v4+s30+$0x0], $0xffff;
	_ =	sdelay $0x4  }
0x31e: {  	[tilespmem:v5+s9+$0x0] =	vst.idx.msk vm2, v4  }
0x31f: {  	v4 =	vld [tilespmem:$0x8900];
	_ =	sdelay $0x2  }
0x320: {  	s3 =	simm.s32 $0x0  }
0x321: {  	s5 =	sand.u32 $0x70, s3;
	s10 =	sand.u32 $0x3C00, s3  }
0x322: {  	s0 =	sor.u32 s10, s5;
	[tilespmem:$0x4500] =	vst v4  }
0x323: {  	v4 =	vld [tilespmem:s0+$0xCD00];
	_ =	sdelay $0x4  }
0x324: {  	v6 =	vld [tilespmem:s0+$0x8D00];
	v5 =	vshll.u32 v4, $0x3  }
0x325: {  	v4 =	vand.u32 $0x7F, v4;
	v5 =	vand.u32 $0x3C00, v5  }
0x326: {  	v4 =	vor.u32 v5, v4  }
0x327: {  	v4 =	vor.u32 $0x280, v4;
	_ =	sdelay $0x1  }
0x328: {  	v5 =	vshll.u32 v6, $0x3  }
0x329: {  	v7 =	vor.u32 s3, v0;
	v6 =	vand.u32 $0x7F, v6;
	v5 =	vand.u32 $0x3C00, v5  }
0x32a: {  	vm2 =	vlt.s32 v7, v3;
	v5 =	vor.u32 v5, v6  }
0x32b: {  	v5 =	vor.u32 $0x280, v5;
	v4 =	vld.idx.msk [tilespmem:v4+s30+$0x0], $0xffff;
	_ =	sdelay $0x2  }
0x32c: {  	s3 =	simm.s32 $0x80;
	s0 =	simm.s32 $0x10  }
0x32d: {  	s5 =	sand.u32 $0x3C00, s3;
	s10 =	simm.s32 $0x20;
	s28 =	sand.u32 $0x70, s0  }
.LBB2_28:
0x32e: {  	p0 =	sne.s32 s10, $0x7F0;
	s5 =	sor.u32 s5, s28;
	[tilespmem:v5+s9+$0x0] =	vst.idx.msk vm2, v4  }
0x32f: {  	v4 =	vld [tilespmem:s5+$0xCD00];
	_ =	sdelay $0x4  }
0x330: {  	v5 =	vshll.u32 v4, $0x3  }
0x331: {  	v4 =	vand.u32 $0x7F, v4;
	v6 =	vld [tilespmem:s5+$0x8D00];
	v5 =	vand.u32 $0x3C00, v5  }
0x332: {  	v4 =	vor.u32 v5, v4  }
0x333: {  	v4 =	vor.u32 $0x280, v4;
	_ =	sdelay $0x2  }
0x334: {  	v5 =	vshll.u32 v6, $0x3  }
0x335: {  	v7 =	vor.u32 s0, v0;
	s0 =	smov.u32 s10;
	v6 =	vand.u32 $0x7F, v6;
	v5 =	vand.u32 $0x3C00, v5  }
0x336: {  	vm2 =	vlt.s32 v7, v3;
	v4 =	vld.idx.msk [tilespmem:v4+s30+$0x0], $0xffff;
	v5 =	vor.u32 v5, v6  }
.Ltmp13:
0x337: {  	v5 =	vor.u32 $0x280, v5;
	(pc) =	sbr.rel @p0 .LBB2_28-.Ltmp13, $3  }
0x338: {  	_ =	sdelay $0x1  }
0x339: {  	s3 =	sadd.s32 $0x80, s3  }
0x33a: {  	s10 =	sadd.s32 $0x10, s10;
	s28 =	sand.u32 $0x70, s0;
	s5 =	sand.u32 $0x3C00, s3  }
0x33b: {  	_ =	sdelay $0x4  }
0x33c: {  	s3 =	sor.u32 s5, s28;
	[tilespmem:v5+s9+$0x0] =	vst.idx.msk vm2, v4  }
0x33d: {  	v4 =	vld [tilespmem:s3+$0xCD00];
	_ =	sdelay $0x4  }
0x33e: {  	v6 =	vld [tilespmem:s3+$0x8D00];
	v5 =	vshll.u32 v4, $0x3  }
0x33f: {  	v4 =	vand.u32 $0x7F, v4;
	v5 =	vand.u32 $0x3C00, v5  }
0x340: {  	v4 =	vor.u32 v5, v4  }
0x341: {  	v4 =	vor.u32 $0x280, v4;
	_ =	sdelay $0x1  }
0x342: {  	v5 =	vshll.u32 v6, $0x3  }
0x343: {  	v7 =	vor.u32 s0, v0;
	v6 =	vand.u32 $0x7F, v6;
	v5 =	vand.u32 $0x3C00, v5  }
0x344: {  	vm2 =	vlt.s32 v7, v3;
	v5 =	vor.u32 v5, v6  }
0x345: {  	v5 =	vor.u32 $0x280, v5;
	v4 =	vld.idx.msk [tilespmem:v4+s30+$0x0], $0xffff;
	_ =	sdelay $0x4  }
0x346: {  	[tilespmem:v5+s9+$0x0] =	vst.idx.msk vm2, v4  }
0x347: {  	v4 =	vld [tilespmem:$0x8980];
	_ =	sdelay $0x2  }
0x348: {  	s3 =	simm.s32 $0x0  }
0x349: {  	s5 =	sand.u32 $0x70, s3;
	s10 =	sand.u32 $0x3C00, s3  }
0x34a: {  	s0 =	sor.u32 s10, s5;
	[tilespmem:$0x4580] =	vst v4  }
0x34b: {  	v4 =	vld [tilespmem:s0+$0xCD80];
	_ =	sdelay $0x4  }
0x34c: {  	v6 =	vld [tilespmem:s0+$0x8D80];
	v5 =	vshll.u32 v4, $0x3  }
0x34d: {  	v4 =	vand.u32 $0x7F, v4;
	v5 =	vand.u32 $0x3C00, v5  }
0x34e: {  	v4 =	vor.u32 v5, v4  }
0x34f: {  	v4 =	vor.u32 $0x300, v4;
	_ =	sdelay $0x1  }
0x350: {  	v5 =	vshll.u32 v6, $0x3  }
0x351: {  	v7 =	vor.u32 s3, v0;
	v6 =	vand.u32 $0x7F, v6;
	v5 =	vand.u32 $0x3C00, v5  }
0x352: {  	vm2 =	vlt.s32 v7, v3;
	v5 =	vor.u32 v5, v6  }
0x353: {  	v5 =	vor.u32 $0x300, v5;
	v4 =	vld.idx.msk [tilespmem:v4+s30+$0x0], $0xffff;
	_ =	sdelay $0x2  }
0x354: {  	s3 =	simm.s32 $0x80;
	s0 =	simm.s32 $0x10  }
0x355: {  	s5 =	sand.u32 $0x3C00, s3;
	s10 =	simm.s32 $0x20;
	s28 =	sand.u32 $0x70, s0  }
.LBB2_30:
0x356: {  	p0 =	sne.s32 s10, $0x7F0;
	s5 =	sor.u32 s5, s28;
	[tilespmem:v5+s9+$0x0] =	vst.idx.msk vm2, v4  }
0x357: {  	v4 =	vld [tilespmem:s5+$0xCD80];
	_ =	sdelay $0x4  }
0x358: {  	v5 =	vshll.u32 v4, $0x3  }
0x359: {  	v4 =	vand.u32 $0x7F, v4;
	v6 =	vld [tilespmem:s5+$0x8D80];
	v5 =	vand.u32 $0x3C00, v5  }
0x35a: {  	v4 =	vor.u32 v5, v4  }
0x35b: {  	v4 =	vor.u32 $0x300, v4;
	_ =	sdelay $0x2  }
0x35c: {  	v5 =	vshll.u32 v6, $0x3  }
0x35d: {  	v7 =	vor.u32 s0, v0;
	s0 =	smov.u32 s10;
	v6 =	vand.u32 $0x7F, v6;
	v5 =	vand.u32 $0x3C00, v5  }
0x35e: {  	vm2 =	vlt.s32 v7, v3;
	v4 =	vld.idx.msk [tilespmem:v4+s30+$0x0], $0xffff;
	v5 =	vor.u32 v5, v6  }
.Ltmp14:
0x35f: {  	v5 =	vor.u32 $0x300, v5;
	(pc) =	sbr.rel @p0 .LBB2_30-.Ltmp14, $3  }
0x360: {  	_ =	sdelay $0x1  }
0x361: {  	s3 =	sadd.s32 $0x80, s3  }
0x362: {  	s10 =	sadd.s32 $0x10, s10;
	s28 =	sand.u32 $0x70, s0;
	s5 =	sand.u32 $0x3C00, s3  }
0x363: {  	_ =	sdelay $0x4  }
0x364: {  	s3 =	sor.u32 s5, s28;
	[tilespmem:v5+s9+$0x0] =	vst.idx.msk vm2, v4  }
0x365: {  	v4 =	vld [tilespmem:s3+$0xCD80];
	_ =	sdelay $0x4  }
0x366: {  	v6 =	vld [tilespmem:s3+$0x8D80];
	v5 =	vshll.u32 v4, $0x3  }
0x367: {  	v4 =	vand.u32 $0x7F, v4;
	v5 =	vand.u32 $0x3C00, v5  }
0x368: {  	v4 =	vor.u32 v5, v4  }
0x369: {  	v4 =	vor.u32 $0x300, v4;
	_ =	sdelay $0x1  }
0x36a: {  	v5 =	vshll.u32 v6, $0x3  }
0x36b: {  	v7 =	vor.u32 s0, v0;
	v6 =	vand.u32 $0x7F, v6;
	v5 =	vand.u32 $0x3C00, v5  }
0x36c: {  	vm2 =	vlt.s32 v7, v3;
	v5 =	vor.u32 v5, v6  }
0x36d: {  	v5 =	vor.u32 $0x300, v5;
	v4 =	vld.idx.msk [tilespmem:v4+s30+$0x0], $0xffff;
	_ =	sdelay $0x4  }
0x36e: {  	[tilespmem:v5+s9+$0x0] =	vst.idx.msk vm2, v4  }
0x36f: {  	v4 =	vld [tilespmem:$0x8A00]  }
0x370: {  	s0 =	simm.s32 $0x0  }
0x371: {  	s10 =	sand.u32 $0x7, s0  }
0x372: {  	s3 =	sshll.u32 s10, $0x4  }
0x373: {  	s3 =	sadd.s32 $0x0, s3  }
0x374: {  	s3 =	sor.u32 $0x380, s3;
	[tilespmem:$0x4600] =	vst v4  }
0x375: {  	v4 =	vld [tilespmem:s3+$0xCA80];
	_ =	sdelay $0x4  }
0x376: {  	v6 =	vld [tilespmem:s3+$0x8A80];
	v5 =	vshll.u32 v4, $0x3  }
0x377: {  	v4 =	vand.u32 $0x7F, v4;
	v5 =	vand.u32 $0x3C00, v5  }
0x378: {  	v4 =	vor.u32 v5, v4  }
0x379: {  	v4 =	vor.u32 $0x380, v4;
	_ =	sdelay $0x1  }
0x37a: {  	v5 =	vshll.u32 v6, $0x3  }
0x37b: {  	v7 =	vor.u32 s0, v0;
	v6 =	vand.u32 $0x7F, v6;
	v5 =	vand.u32 $0x3C00, v5  }
0x37c: {  	vm2 =	vlt.s32 v7, v3;
	v5 =	vor.u32 v5, v6  }
0x37d: {  	v5 =	vor.u32 $0x380, v5;
	v4 =	vld.idx.msk [tilespmem:v4+s30+$0x0], $0xffff  }
0x37e: {  	s3 =	simm.s32 $0x1  }
0x37f: {  	s28 =	simm.s32 $0x10;
	s10 =	simm.s32 $0x20;
	s5 =	sand.u32 $0x7, s3  }
.LBB2_32:
0x380: {  	p0 =	sne.s32 s10, $0x7F0;
	s5 =	sshll.u32 s5, $0x4;
	s0 =	sadd.s32 $0x80, s0  }
0x381: {  	s5 =	sadd.s32 s5, s0  }
0x382: {  	s5 =	sor.u32 $0x380, s5;
	[tilespmem:v5+s9+$0x0] =	vst.idx.msk vm2, v4  }
0x383: {  	v4 =	vld [tilespmem:s5+$0xCA80];
	_ =	sdelay $0x4  }
0x384: {  	v5 =	vshll.u32 v4, $0x3  }
0x385: {  	v4 =	vand.u32 $0x7F, v4;
	v6 =	vld [tilespmem:s5+$0x8A80];
	v5 =	vand.u32 $0x3C00, v5  }
0x386: {  	v4 =	vor.u32 v5, v4  }
0x387: {  	v4 =	vor.u32 $0x380, v4;
	_ =	sdelay $0x2  }
0x388: {  	v5 =	vshll.u32 v6, $0x3  }
.Ltmp15:
0x389: {  	v7 =	vor.u32 s28, v0;
	s28 =	smov.u32 s10;
	v6 =	vand.u32 $0x7F, v6;
	v5 =	vand.u32 $0x3C00, v5;
	(pc) =	sbr.rel @p0 .LBB2_32-.Ltmp15, $4  }
0x38a: {  	vm2 =	vlt.s32 v7, v3;
	v4 =	vld.idx.msk [tilespmem:v4+s30+$0x0], $0xffff;
	v5 =	vor.u32 v5, v6  }
0x38b: {  	v5 =	vor.u32 $0x380, v5  }
0x38c: {  	s3 =	sadd.s32 $0x1, s3  }
0x38d: {  	s10 =	sadd.s32 $0x10, s10;
	s5 =	sand.u32 $0x7, s3  }
0x38e: {  	_ =	sdelay $0x2  }
0x38f: {  	s3 =	sshll.u32 s5, $0x4;
	s0 =	sadd.s32 $0x80, s0  }
0x390: {  	s0 =	sadd.s32 s3, s0  }
0x391: {  	[tilespmem:v5+s9+$0x0] =	vst.idx.msk vm2, v4;
	s0 =	sor.u32 $0x380, s0  }
0x392: {  	v4 =	vld [tilespmem:s0+$0xCA80];
	_ =	sdelay $0x4  }
0x393: {  	v6 =	vld [tilespmem:s0+$0x8A80];
	v61 =	vshll.u32 v4, $0x3  }
0x394: {  	v4 =	vand.u32 $0x7F, v4;
	v5 =	vand.u32 $0x3C00, v61  }
0x395: {  	v4 =	vor.u32 v5, v4  }
0x396: {  	v4 =	vor.u32 $0x380, v4;
	_ =	sdelay $0x1  }
0x397: {  	v62 =	vshll.u32 v6, $0x3  }
0x398: {  	v7 =	vor.u32 s28, v0;
	v6 =	vand.u32 $0x7F, v6;
	v5 =	vand.u32 $0x3C00, v62  }
0x399: {  	vm2 =	vlt.s32 v7, v3;
	v3 =	vor.u32 v5, v6  }
0x39a: {  	v3 =	vor.u32 $0x380, v3;
	v4 =	vld.idx.msk [tilespmem:v4+s30+$0x0], $0xffff;
	_ =	sdelay $0x4  }
0x39b: {  	[tilespmem:v3+s9+$0x0] =	vst.idx.msk vm2, v4  }
0x39c: {  	v3 =	vld.msk [tilespmem:$0x100], $0xff;
	_ =	sdelay $0x4  }
0x39d: {  	v63 =	vshrl.u32 v3, $0x3  }
0x39e: {  	v4 =	vmul.u32 $0x88, v63  }
0x39f: {  	v3 =	vand.u32 $0x7, v3  }
0x3a0: {  	v3 =	vor.u32 v3, v4  }
0x3a1: {  	v3 =	vperm.xlane v3, v1;
	_ =	sdelay $0x1  }
0x3a2: {  	v3 =	vadd.s32 v2, v3;
	_ =	sdelay $0x3  }
0x3a3: {  	s5 =	rddreg [dreg:$0x4]  }
0x3a4: {  	[hbm4b:s5+s1] =	stream.indirect_vreg.scatter [tilespmem:s9], [sflag:$0x2], $0x80, v3, vm1, $0xb8;
	[tilespmem:$0x10A80] =	vst v63  }
0x3a5: {  	s10 =	rddreg [dreg:$0x9];
	s5 =	simm.s32 $0xA80  }
0x3a6: {  	[hbm4b:s10+s1] =	stream.indirect_vreg.scatter [tilespmem:s5], [sflag:$0x2], $0x80, v3, vm1, $0xb8;
	[tilespmem:$0x10A80] =	vst v63  }
0x3a7: {  	s3 =	rddreg [dreg:$0xa];
	s10 =	simm.s32 $0x1280  }
0x3a8: {  	[hbm4b:s3+s1] =	stream.indirect_vreg.scatter [tilespmem:s10], [sflag:$0x2], $0x80, v3, vm1, $0xb8;
	[tilespmem:$0x10A80] =	vst v63  }
0x3a9: {  	s28 =	simm.s32 $0x1A80;
	s3 =	rddreg [dreg:$0xb]  }
0x3aa: {  	[hbm4b:s3+s1] =	stream.indirect_vreg.scatter [tilespmem:s28], [sflag:$0x2], $0x80, v3, vm1, $0xb8;
	[tilespmem:$0x10A80] =	vst v63  }
0x3ab: {  	s0 =	rddreg [dreg:$0xc];
	s3 =	simm.s32 $0x2280  }
0x3ac: {  	[hbm4b:s0+s1] =	stream.indirect_vreg.scatter [tilespmem:s3], [sflag:$0x2], $0x80, v3, vm1, $0xb8;
	[tilespmem:$0x10A80] =	vst v63  }
0x3ad: {  	s3 =	rddreg [dreg:$0xd]  }
0x3ae: {  	[hbm4b:s3+s1] =	stream.indirect_vreg.scatter [tilespmem:s29], [sflag:$0x2], $0x80, v3, vm1, $0xb8;
	[tilespmem:$0x10A80] =	vst v63  }
0x3af: {  	s29 =	rddreg [dreg:$0xe]  }
0x3b0: {  	[hbm4b:s29+s1] =	stream.indirect_vreg.scatter [tilespmem:s7], [sflag:$0x2], $0x80, v3, vm1, $0xb8;
	[tilespmem:$0x10A80] =	vst v63  }
0x3b1: {  	s3 =	rddreg [dreg:$0xf];
	s29 =	simm.s32 $0x3A80  }
0x3b2: {  	[hbm4b:s3+s1] =	stream.indirect_vreg.scatter [tilespmem:s29], [sflag:$0x2], $0x80, v3, vm1, $0xb8;
	[tilespmem:$0x10A80] =	vst v63  }
0x3b3: {  	s29 =	rddreg [dreg:$0x10]  }
0x3b4: {  	[hbm4b:s29+s1] =	stream.indirect_vreg.scatter [tilespmem:s31], [sflag:$0x2], $0x80, v3, vm0, $0xb8;
	[tilespmem:$0x10A80] =	vst v63  }
0x3b5: {  	_ =	swait.ge [sflag:s20], $0x4400  }
0x3b6: {  	s26 =	sadd.s32 $0x1, s26;
	s31 =	rddreg [dreg:$0x11]  }
0x3b7: {  	p0 =	sne.s32 s26, s31  }
.Ltmp16:
0x3b8: {  	_ = 	snop;
	(pc) =	sbr.rel @p0 .LBB2_1-.Ltmp16, $3  }
0x3b9: {  	_ =	sdelay $0x1  }
0x3ba: {  	[sflag:s20] =	ssyncset.done $0x0  }
0x3bb: {  	[sflag:s20] =	ssyncadd.s32 $0xFFFFBC00;
	s20 =	simm.s32 $0x8A80  }
0x3bc: {  	_ =	sfence.sel $0x180000  }
0x3bd: {  	[bflag:$0x0] =	sbarrier.arrive $0xFFFF  }
0x3be: {  	_ =	strace $0x90000047  }
0x3bf: {  	s0 =	stileid.u32;
	[bflag:$0x2] =	sbarrier.arrive $0xFFFF  }
0x3c0: {  	p0 =	sne.s32 s0, $0x0;
	s0 =	rddreg [dreg:$0x2]  }
0x3c1: {  	s0 =	sadd.s32 @!p0 $0x100000, s0  }
0x3c2: {  	[sflag:s0] =	ssyncadd.tile.s32 @!p0 $0x1;
	_ =	shalt  }
.Lfunc_end2:
_tile_overlayer_lowered:
.L_overlay_start_2:
0x3c3: {  	(tag) =	ssettag $0x2  }
0x3c4: {  	s0 =	rddreg [dreg:$0x0];
	s2 =	stileid.u32  }
0x3c5: {  	s1 =	rddreg [dreg:$0x1];
	p0 =	sne.s32 s2, $0x0  }
0x3c6: {  	s3 =	rddreg [dreg:$0x2];
	[bflag:$0x3] =	sbarrier.arrive $0xFFFF;
	s2 =	simm.s32 @!p0 $0x1C03  }
0x3c7: {  	[timem:s3], [sflag:s2] =	dma.local @!p0 [hbm:s0], s1  }
0x3c8: {  	s0 =	simm.s32 @!p0 $0x3  }
0x3c9: {  	_ =	swait.ge @!p0 [sflag:s0], s1  }
0x3ca: {  	s1 =	ssub.s32 @!p0 $0x0, s1;
	[sflag:s0] =	ssyncset.done @!p0 $0x0  }
0x3cb: {  	[sflag:s0] =	ssyncadd.s32 @!p0 s1  }
0x3cc: {  	[bflag:$0x3] =	sbarrier.arrive $0xFFFF  }
0x3cd: {  	_ =	shalt  }

</sc_bundles>
